<compile_context>
chip_gen: v7x
topology: tpu7x:2x2x1
jax: 0.10.2.dev20260603
libtpu: 0.0.44.dev20260713+nightly
codegen_flags: <defaults>
</compile_context>

<pallas_src>
import jax
import jax.numpy as jnp
from jax import lax
from jax.experimental import pallas as pl
from jax.experimental.pallas import tpu as pltpu
from jax.experimental.pallas import tpu_sc as plsc

BATCH = 16384
D = 8
NUM_CORES = 2
NUM_SUBCORES = 16
NW = NUM_CORES * NUM_SUBCORES
BPW = BATCH // NW
L = 16
NCHUNK = BPW // L


def _sc_gather_body(users_hbm, tracks_hbm, utab_hbm, ttab_hbm,
                    x_out, uidx_v, tidx_v, uaddr_v, taddr_v,
                    urows_v, trows_v, sem):
    c = lax.axis_index("c")
    s = lax.axis_index("s")
    wid = s * NUM_CORES + c
    base = wid * BPW

    cu0 = pltpu.async_copy(users_hbm.at[pl.ds(base, BPW)], uidx_v, sem)
    ct0 = pltpu.async_copy(tracks_hbm.at[pl.ds(base, BPW)], tidx_v, sem)
    cu0.wait()
    ct0.wait()

    def build_addrs(idx_v, addr_v):
        for ch in range(NCHUNK):
            v = idx_v[pl.ds(ch * L, L)]
            a0 = (lax.shift_right_logical(v, 7) * 1024) + (v & 127)
            for k in range(D):
                addr_v[pl.ds(k * BPW + ch * L, L)] = a0 + k * 128

    build_addrs(uidx_v, uaddr_v)
    cu = pltpu.async_copy(utab_hbm.at[uaddr_v], urows_v, sem)
    build_addrs(tidx_v, taddr_v)
    ct = pltpu.async_copy(ttab_hbm.at[taddr_v], trows_v, sem)
    cu.wait()
    ct.wait()
    for k in range(D):
        pltpu.sync_copy(urows_v.at[pl.ds(k * BPW, BPW)],
                        x_out.at[k, pl.ds(base, BPW)])
        pltpu.sync_copy(trows_v.at[pl.ds(k * BPW, BPW)],
                        x_out.at[D + k, pl.ds(base, BPW)])


_sc_gather = pl.kernel(
    _sc_gather_body,
    out_type=jax.ShapeDtypeStruct((2 * D, BATCH), jnp.float32),
    mesh=plsc.VectorSubcoreMesh(core_axis_name="c", subcore_axis_name="s"),
    scratch_types=[
        pltpu.VMEM((BPW,), jnp.int32),
        pltpu.VMEM((BPW,), jnp.int32),
        pltpu.VMEM((D * BPW,), jnp.int32),
        pltpu.VMEM((D * BPW,), jnp.int32),
        pltpu.VMEM((D * BPW,), jnp.float32),
        pltpu.VMEM((D * BPW,), jnp.float32),
        pltpu.SemaphoreType.DMA,
    ],
    compiler_params=pltpu.CompilerParams(use_tc_tiling_on_sc=False),
)


def _mlp_body(x_ref, w1t_ref, b1_ref, w2t_ref, b2_ref,
              w3t_ref, b3_ref, o_ref):
    h = jnp.dot(w1t_ref[...], x_ref[...], preferred_element_type=jnp.float32)
    h = jnp.maximum(h + b1_ref[...], 0.0)
    h = jnp.maximum(
        jnp.dot(w2t_ref[...], h, preferred_element_type=jnp.float32)
        + b2_ref[...], 0.0)
    o = jnp.dot(w3t_ref[...], h, preferred_element_type=jnp.float32) + b3_ref[...]
    o_ref[...] = jax.nn.sigmoid(o)


def _mlp(xT, W1T, b1c, W2T, b2c, W3T, b3c, block=16384):
    grid = BATCH // block
    full = lambda shape: pl.BlockSpec(shape, lambda i: (0, 0))
    return pl.pallas_call(
        _mlp_body,
        grid=(grid,),
        in_specs=[
            pl.BlockSpec((2 * D, block), lambda i: (0, i)),
            full((64, 2 * D)),
            full((64, 1)),
            full((32, 64)),
            full((32, 1)),
            full((1, 32)),
            full((1, 1)),
        ],
        out_specs=pl.BlockSpec((1, block), lambda i: (0, i)),
        out_shape=jax.ShapeDtypeStruct((1, BATCH), jnp.float32),
    )(xT, W1T, b1c, W2T, b2c, W3T, b3c)


def _byte_alias(table):
    padded = jnp.pad(table, ((0, 64), (0, 0)))
    return padded.reshape(7813, 128, D).transpose(0, 2, 1).reshape(-1)


def kernel(users, tracks, user_table, track_table, W1, b1, W2, b2, W3, b3):
    xT = _sc_gather(users, tracks,
                    _byte_alias(user_table), _byte_alias(track_table))
    oT = _mlp(xT, W1.T, b1.reshape(64, 1), W2.T, b2.reshape(32, 1),
              W3.T, b3.reshape(1, 1))
    return oT.reshape(BATCH, 1)

# --- scband reference (transcript-rebuilt; emitter-appended) ---
"""Pipeline reference for scband-spotify-net-7980049236191 (READ-ONLY COPY).

The authoritative reference and input builder live on the scoring server;
editing this copy changes nothing except your own understanding.
"""

import jax, jax.numpy as jnp
import numpy as np

NUM_USERS = 1000000
NUM_TRACKS = 1000000
FEATURE_SIZE = 8
BATCH = 16384


def setup_inputs(seed: int = 0) -> dict:
    key = jax.random.key(seed)
    ks = jax.random.split(key, 12)
    users = jax.random.randint(ks[0], (BATCH,), 0, NUM_USERS, dtype=jnp.int64 if jax.config.jax_enable_x64 else jnp.int32).astype(jnp.int32)
    tracks = jax.random.randint(ks[1], (BATCH,), 0, NUM_TRACKS, dtype=jnp.int32)
    user_table = jax.random.normal(ks[2], (NUM_USERS, FEATURE_SIZE), dtype=jnp.float32)
    track_table = jax.random.normal(ks[3], (NUM_TRACKS, FEATURE_SIZE), dtype=jnp.float32)
    # Linear params stored as [in, out]; y = x @ W + b (equivalent to torch x @ W.T + b)
    W1 = jax.random.normal(ks[4], (16, 64), dtype=jnp.float32) * (1.0 / np.sqrt(16))
    b1 = jnp.zeros((64,), dtype=jnp.float32)
    W2 = jax.random.normal(ks[5], (64, 32), dtype=jnp.float32) * (1.0 / np.sqrt(64))
    b2 = jnp.zeros((32,), dtype=jnp.float32)
    W3 = jax.random.normal(ks[6], (32, 1), dtype=jnp.float32) * (1.0 / np.sqrt(32))
    b3 = jnp.zeros((1,), dtype=jnp.float32)
    return {"users": users, "tracks": tracks, "user_table": user_table, "track_table": track_table,
            "W1": W1, "b1": b1, "W2": W2, "b2": b2, "W3": W3, "b3": b3}


def reference(users, tracks, user_table, track_table, W1, b1, W2, b2, W3, b3):
    user_embed = jnp.take(user_table, users, axis=0)
    track_embed = jnp.take(track_table, tracks, axis=0)
    x = jnp.concatenate([user_embed, track_embed], axis=-1)
    x = x @ W1 + b1
    x = jax.nn.relu(x)
    x = x @ W2 + b2
    x = jax.nn.relu(x)
    out = x @ W3 + b3
    prediction = jax.nn.sigmoid(out)
    return prediction

if __name__ == "__main__":
    import jax
    _d = setup_inputs()
    print(jax.jit(kernel)(*tuple(_d.values())))

</pallas_src>

<mosaic_0001>
#map = affine_map<(d0, d1) -> (0)>
#map1 = affine_map<(d0, d1) -> (0, 0)>
module attributes {stable_mosaic.version = 14 : i64} {
  func.func @_sc_gather_body(%arg0: i32, %arg1: i32, %arg2: memref<16384xi32, #tpu.memory_space<hbm>>, %arg3: memref<16384xi32, #tpu.memory_space<hbm>>, %arg4: memref<8000512xf32, #tpu.memory_space<hbm>>, %arg5: memref<8000512xf32, #tpu.memory_space<hbm>>, %arg6: memref<16x16384xf32, #tpu.memory_space<hbm>>, %arg7: memref<512xi32, #tpu.memory_space<vmem>>, %arg8: memref<512xi32, #tpu.memory_space<vmem>>, %arg9: memref<4096xi32, #tpu.memory_space<vmem>>, %arg10: memref<4096xi32, #tpu.memory_space<vmem>>, %arg11: memref<4096xf32, #tpu.memory_space<vmem>>, %arg12: memref<4096xf32, #tpu.memory_space<vmem>>, %arg13: memref<!tpu.dma_semaphore, #tpu.memory_space<semaphore_mem>>) attributes {dimension_semantics = [#tpu.dimension_semantics<core_parallel>, #tpu.dimension_semantics<subcore_parallel>], iteration_bounds = array<i64: 2, 16>, scalar_prefetch = 0 : i64, scratch_operands = 7 : i64, tpu.core_type = #tpu.core_type<sc_vector_subcore>, window_params = [{transform_indices = #map}, {transform_indices = #map}, {transform_indices = #map}, {transform_indices = #map}, {transform_indices = #map1}]} {
    %mul3A = arith.constant 2 : i32
    %mul3A_0 = arith.muli %arg1, %mul3A : i32
    %add3A = arith.addi %mul3A_0, %arg0 : i32
    %mul3A_1 = arith.constant 512 : i32
    %mul3A_2 = arith.muli %add3A, %mul3A_1 : i32
    %dma_start3A = tpu.memref_slice %arg2[%mul3A_2] : memref<16384xi32, #tpu.memory_space<hbm>> -> memref<512xi32, #tpu.memory_space<hbm>>
    %dma_start3A_3 = tpu.memref_slice %arg2[%mul3A_2] : memref<16384xi32, #tpu.memory_space<hbm>> -> memref<512xi32, #tpu.memory_space<hbm>>
    tpu.enqueue_dma source(%dma_start3A_3 : memref<512xi32, #tpu.memory_space<hbm>>) target(%arg7 : memref<512xi32, #tpu.memory_space<vmem>>) target_semaphore(%arg13 : memref<!tpu.dma_semaphore, #tpu.memory_space<semaphore_mem>>)
    %dma_start3A_4 = tpu.memref_slice %arg3[%mul3A_2] : memref<16384xi32, #tpu.memory_space<hbm>> -> memref<512xi32, #tpu.memory_space<hbm>>
    %dma_start3A_5 = tpu.memref_slice %arg3[%mul3A_2] : memref<16384xi32, #tpu.memory_space<hbm>> -> memref<512xi32, #tpu.memory_space<hbm>>
    tpu.enqueue_dma source(%dma_start3A_5 : memref<512xi32, #tpu.memory_space<hbm>>) target(%arg8 : memref<512xi32, #tpu.memory_space<vmem>>) target_semaphore(%arg13 : memref<!tpu.dma_semaphore, #tpu.memory_space<semaphore_mem>>)
    %dma_wait3A = tpu.memref_slice %arg2[%mul3A_2] : memref<16384xi32, #tpu.memory_space<hbm>> -> memref<512xi32, #tpu.memory_space<hbm>>
    %dma_wait3A_6 = tpu.memref_slice %arg2[%mul3A_2] : memref<16384xi32, #tpu.memory_space<hbm>> -> memref<512xi32, #tpu.memory_space<hbm>>
    tpu.wait_dma2 semaphore(%arg13 : memref<!tpu.dma_semaphore, #tpu.memory_space<semaphore_mem>>) src(%dma_wait3A_6 : memref<512xi32, #tpu.memory_space<hbm>>) dst(%arg7 : memref<512xi32, #tpu.memory_space<vmem>>)
    %dma_wait3A_7 = tpu.memref_slice %arg3[%mul3A_2] : memref<16384xi32, #tpu.memory_space<hbm>> -> memref<512xi32, #tpu.memory_space<hbm>>
    %dma_wait3A_8 = tpu.memref_slice %arg3[%mul3A_2] : memref<16384xi32, #tpu.memory_space<hbm>> -> memref<512xi32, #tpu.memory_space<hbm>>
    tpu.wait_dma2 semaphore(%arg13 : memref<!tpu.dma_semaphore, #tpu.memory_space<semaphore_mem>>) src(%dma_wait3A_8 : memref<512xi32, #tpu.memory_space<hbm>>) dst(%arg8 : memref<512xi32, #tpu.memory_space<vmem>>)
    %get3A = arith.constant 0 : index
    %get3A_9 = tpu.vector_load %arg7[%get3A] {strides = array<i32>} : memref<512xi32, #tpu.memory_space<vmem>>, vector<16xi32>,
    %get3A_10 = vector.shape_cast %get3A_9 : vector<16xi32> to vector<16xi32>
    %shift_right_logical3A = arith.constant 7 : i32
    %shift_right_logical3A_11 = vector.broadcast %shift_right_logical3A : i32 to vector<16xi32>
    %shift_right_logical3A_12 = arith.shrui %get3A_10, %shift_right_logical3A_11 : vector<16xi32>
    %mul3A_13 = arith.constant 1024 : i32
    %mul3A_14 = vector.broadcast %mul3A_13 : i32 to vector<16xi32>
    %mul3A_15 = arith.muli %shift_right_logical3A_12, %mul3A_14 : vector<16xi32>
    %and3A = arith.constant 127 : i32
    %and3A_16 = vector.broadcast %and3A : i32 to vector<16xi32>
    %and3A_17 = arith.andi %get3A_10, %and3A_16 : vector<16xi32>
    %add3A_18 = arith.addi %mul3A_15, %and3A_17 : vector<16xi32>
    %add3A_19 = arith.constant 0 : i32
    %add3A_20 = vector.broadcast %add3A_19 : i32 to vector<16xi32>
    %add3A_21 = arith.addi %add3A_18, %add3A_20 : vector<16xi32>
    %swap3A = arith.constant 0 : index
    %swap3A_22 = tpu.vector_load %arg9[%swap3A] {strides = array<i32>} : memref<4096xi32, #tpu.memory_space<vmem>>, vector<16xi32>,
    %swap3A_23 = vector.shape_cast %swap3A_22 : vector<16xi32> to vector<16xi32>
    %swap3A_24 = vector.shape_cast %add3A_21 : vector<16xi32> to vector<16xi32>
    tpu.vector_store %arg9[%swap3A], %swap3A_24 {strides = array<i32>} : memref<4096xi32, #tpu.memory_space<vmem>>, vector<16xi32>,
    %add3A_25 = arith.constant 128 : i32
    %add3A_26 = vector.broadcast %add3A_25 : i32 to vector<16xi32>
    %add3A_27 = arith.addi %add3A_18, %add3A_26 : vector<16xi32>
    %swap3A_28 = arith.constant 512 : index
    %swap3A_29 = tpu.vector_load %arg9[%swap3A_28] {strides = array<i32>} : memref<4096xi32, #tpu.memory_space<vmem>>, vector<16xi32>,
    %swap3A_30 = vector.shape_cast %swap3A_29 : vector<16xi32> to vector<16xi32>
    %swap3A_31 = vector.shape_cast %add3A_27 : vector<16xi32> to vector<16xi32>
    tpu.vector_store %arg9[%swap3A_28], %swap3A_31 {strides = array<i32>} : memref<4096xi32, #tpu.memory_space<vmem>>, vector<16xi32>,
    %add3A_32 = arith.constant 256 : i32
    %add3A_33 = vector.broadcast %add3A_32 : i32 to vector<16xi32>
    %add3A_34 = arith.addi %add3A_18, %add3A_33 : vector<16xi32>
    %swap3A_35 = arith.constant 1024 : index
    %swap3A_36 = tpu.vector_load %arg9[%swap3A_35] {strides = array<i32>} : memref<4096xi32, #tpu.memory_space<vmem>>, vector<16xi32>,
    %swap3A_37 = vector.shape_cast %swap3A_36 : vector<16xi32> to vector<16xi32>
    %swap3A_38 = vector.shape_cast %add3A_34 : vector<16xi32> to vector<16xi32>
    tpu.vector_store %arg9[%swap3A_35], %swap3A_38 {strides = array<i32>} : memref<4096xi32, #tpu.memory_space<vmem>>, vector<16xi32>,
    %add3A_39 = arith.constant 384 : i32
    %add3A_40 = vector.broadcast %add3A_39 : i32 to vector<16xi32>
    %add3A_41 = arith.addi %add3A_18, %add3A_40 : vector<16xi32>
    %swap3A_42 = arith.constant 1536 : index
    %swap3A_43 = tpu.vector_load %arg9[%swap3A_42] {strides = array<i32>} : memref<4096xi32, #tpu.memory_space<vmem>>, vector<16xi32>,
    %swap3A_44 = vector.shape_cast %swap3A_43 : vector<16xi32> to vector<16xi32>
    %swap3A_45 = vector.shape_cast %add3A_41 : vector<16xi32> to vector<16xi32>
    tpu.vector_store %arg9[%swap3A_42], %swap3A_45 {strides = array<i32>} : memref<4096xi32, #tpu.memory_space<vmem>>, vector<16xi32>,
    %add3A_46 = arith.constant 512 : i32
    %add3A_47 = vector.broadcast %add3A_46 : i32 to vector<16xi32>
    %add3A_48 = arith.addi %add3A_18, %add3A_47 : vector<16xi32>
    %swap3A_49 = arith.constant 2048 : index
    %swap3A_50 = tpu.vector_load %arg9[%swap3A_49] {strides = array<i32>} : memref<4096xi32, #tpu.memory_space<vmem>>, vector<16xi32>,
    %swap3A_51 = vector.shape_cast %swap3A_50 : vector<16xi32> to vector<16xi32>
    %swap3A_52 = vector.shape_cast %add3A_48 : vector<16xi32> to vector<16xi32>
    tpu.vector_store %arg9[%swap3A_49], %swap3A_52 {strides = array<i32>} : memref<4096xi32, #tpu.memory_space<vmem>>, vector<16xi32>,
    %add3A_53 = arith.constant 640 : i32
    %add3A_54 = vector.broadcast %add3A_53 : i32 to vector<16xi32>
    %add3A_55 = arith.addi %add3A_18, %add3A_54 : vector<16xi32>
    %swap3A_56 = arith.constant 2560 : index
    %swap3A_57 = tpu.vector_load %arg9[%swap3A_56] {strides = array<i32>} : memref<4096xi32, #tpu.memory_space<vmem>>, vector<16xi32>,
    %swap3A_58 = vector.shape_cast %swap3A_57 : vector<16xi32> to vector<16xi32>
    %swap3A_59 = vector.shape_cast %add3A_55 : vector<16xi32> to vector<16xi32>
    tpu.vector_store %arg9[%swap3A_56], %swap3A_59 {strides = array<i32>} : memref<4096xi32, #tpu.memory_space<vmem>>, vector<16xi32>,
    %add3A_60 = arith.constant 768 : i32
    %add3A_61 = vector.broadcast %add3A_60 : i32 to vector<16xi32>
    %add3A_62 = arith.addi %add3A_18, %add3A_61 : vector<16xi32>
    %swap3A_63 = arith.constant 3072 : index
    %swap3A_64 = tpu.vector_load %arg9[%swap3A_63] {strides = array<i32>} : memref<4096xi32, #tpu.memory_space<vmem>>, vector<16xi32>,
    %swap3A_65 = vector.shape_cast %swap3A_64 : vector<16xi32> to vector<16xi32>
    %swap3A_66 = vector.shape_cast %add3A_62 : vector<16xi32> to vector<16xi32>
    tpu.vector_store %arg9[%swap3A_63], %swap3A_66 {strides = array<i32>} : memref<4096xi32, #tpu.memory_space<vmem>>, vector<16xi32>,
    %add3A_67 = arith.constant 896 : i32
    %add3A_68 = vector.broadcast %add3A_67 : i32 to vector<16xi32>
    %add3A_69 = arith.addi %add3A_18, %add3A_68 : vector<16xi32>
    %swap3A_70 = arith.constant 3584 : index
    %swap3A_71 = tpu.vector_load %arg9[%swap3A_70] {strides = array<i32>} : memref<4096xi32, #tpu.memory_space<vmem>>, vector<16xi32>,
    %swap3A_72 = vector.shape_cast %swap3A_71 : vector<16xi32> to vector<16xi32>
    %swap3A_73 = vector.shape_cast %add3A_69 : vector<16xi32> to vector<16xi32>
    tpu.vector_store %arg9[%swap3A_70], %swap3A_73 {strides = array<i32>} : memref<4096xi32, #tpu.memory_space<vmem>>, vector<16xi32>,
    %get3A_74 = arith.constant 16 : index
    %get3A_75 = tpu.vector_load %arg7[%get3A_74] {strides = array<i32>} : memref<512xi32, #tpu.memory_space<vmem>>, vector<16xi32>,
    %get3A_76 = vector.shape_cast %get3A_75 : vector<16xi32> to vector<16xi32>
    %shift_right_logical3A_77 = arith.constant 7 : i32
    %shift_right_logical3A_78 = vector.broadcast %shift_right_logical3A_77 : i32 to vector<16xi32>
    %shift_right_logical3A_79 = arith.shrui %get3A_76, %shift_right_logical3A_78 : vector<16xi32>
    %mul3A_80 = arith.constant 1024 : i32
    %mul3A_81 = vector.broadcast %mul3A_80 : i32 to vector<16xi32>
    %mul3A_82 = arith.muli %shift_right_logical3A_79, %mul3A_81 : vector<16xi32>
    %and3A_83 = arith.constant 127 : i32
    %and3A_84 = vector.broadcast %and3A_83 : i32 to vector<16xi32>
    %and3A_85 = arith.andi %get3A_76, %and3A_84 : vector<16xi32>
    %add3A_86 = arith.addi %mul3A_82, %and3A_85 : vector<16xi32>
    %add3A_87 = arith.constant 0 : i32
    %add3A_88 = vector.broadcast %add3A_87 : i32 to vector<16xi32>
    %add3A_89 = arith.addi %add3A_86, %add3A_88 : vector<16xi32>
    %swap3A_90 = arith.constant 16 : index
    %swap3A_91 = tpu.vector_load %arg9[%swap3A_90] {strides = array<i32>} : memref<4096xi32, #tpu.memory_space<vmem>>, vector<16xi32>,
    %swap3A_92 = vector.shape_cast %swap3A_91 : vector<16xi32> to vector<16xi32>
    %swap3A_93 = vector.shape_cast %add3A_89 : vector<16xi32> to vector<16xi32>
    tpu.vector_store %arg9[%swap3A_90], %swap3A_93 {strides = array<i32>} : memref<4096xi32, #tpu.memory_space<vmem>>, vector<16xi32>,
    %add3A_94 = arith.constant 128 : i32
    %add3A_95 = vector.broadcast %add3A_94 : i32 to vector<16xi32>
    %add3A_96 = arith.addi %add3A_86, %add3A_95 : vector<16xi32>
    %swap3A_97 = arith.constant 528 : index
    %swap3A_98 = tpu.vector_load %arg9[%swap3A_97] {strides = array<i32>} : memref<4096xi32, #tpu.memory_space<vmem>>, vector<16xi32>,
    %swap3A_99 = vector.shape_cast %swap3A_98 : vector<16xi32> to vector<16xi32>
    %swap3A_100 = vector.shape_cast %add3A_96 : vector<16xi32> to vector<16xi32>
    tpu.vector_store %arg9[%swap3A_97], %swap3A_100 {strides = array<i32>} : memref<4096xi32, #tpu.memory_space<vmem>>, vector<16xi32>,
    %add3A_101 = arith.constant 256 : i32
    %add3A_102 = vector.broadcast %add3A_101 : i32 to vector<16xi32>
    %add3A_103 = arith.addi %add3A_86, %add3A_102 : vector<16xi32>
    %swap3A_104 = arith.constant 1040 : index
    %swap3A_105 = tpu.vector_load %arg9[%swap3A_104] {strides = array<i32>} : memref<4096xi32, #tpu.memory_space<vmem>>, vector<16xi32>,
    %swap3A_106 = vector.shape_cast %swap3A_105 : vector<16xi32> to vector<16xi32>
    %swap3A_107 = vector.shape_cast %add3A_103 : vector<16xi32> to vector<16xi32>
    tpu.vector_store %arg9[%swap3A_104], %swap3A_107 {strides = array<i32>} : memref<4096xi32, #tpu.memory_space<vmem>>, vector<16xi32>,
    %add3A_108 = arith.constant 384 : i32
    %add3A_109 = vector.broadcast %add3A_108 : i32 to vector<16xi32>
    %add3A_110 = arith.addi %add3A_86, %add3A_109 : vector<16xi32>
    %swap3A_111 = arith.constant 1552 : index
    %swap3A_112 = tpu.vector_load %arg9[%swap3A_111] {strides = array<i32>} : memref<4096xi32, #tpu.memory_space<vmem>>, vector<16xi32>,
    %swap3A_113 = vector.shape_cast %swap3A_112 : vector<16xi32> to vector<16xi32>
    %swap3A_114 = vector.shape_cast %add3A_110 : vector<16xi32> to vector<16xi32>
    tpu.vector_store %arg9[%swap3A_111], %swap3A_114 {strides = array<i32>} : memref<4096xi32, #tpu.memory_space<vmem>>, vector<16xi32>,
    %add3A_115 = arith.constant 512 : i32
    %add3A_116 = vector.broadcast %add3A_115 : i32 to vector<16xi32>
    %add3A_117 = arith.addi %add3A_86, %add3A_116 : vector<16xi32>
    %swap3A_118 = arith.constant 2064 : index
    %swap3A_119 = tpu.vector_load %arg9[%swap3A_118] {strides = array<i32>} : memref<4096xi32, #tpu.memory_space<vmem>>, vector<16xi32>,
    %swap3A_120 = vector.shape_cast %swap3A_119 : vector<16xi32> to vector<16xi32>
    %swap3A_121 = vector.shape_cast %add3A_117 : vector<16xi32> to vector<16xi32>
    tpu.vector_store %arg9[%swap3A_118], %swap3A_121 {strides = array<i32>} : memref<4096xi32, #tpu.memory_space<vmem>>, vector<16xi32>,
    %add3A_122 = arith.constant 640 : i32
    %add3A_123 = vector.broadcast %add3A_122 : i32 to vector<16xi32>
    %add3A_124 = arith.addi %add3A_86, %add3A_123 : vector<16xi32>
    %swap3A_125 = arith.constant 2576 : index
    %swap3A_126 = tpu.vector_load %arg9[%swap3A_125] {strides = array<i32>} : memref<4096xi32, #tpu.memory_space<vmem>>, vector<16xi32>,
    %swap3A_127 = vector.shape_cast %swap3A_126 : vector<16xi32> to vector<16xi32>
    %swap3A_128 = vector.shape_cast %add3A_124 : vector<16xi32> to vector<16xi32>
    tpu.vector_store %arg9[%swap3A_125], %swap3A_128 {strides = array<i32>} : memref<4096xi32, #tpu.memory_space<vmem>>, vector<16xi32>,
    %add3A_129 = arith.constant 768 : i32
    %add3A_130 = vector.broadcast %add3A_129 : i32 to vector<16xi32>
    %add3A_131 = arith.addi %add3A_86, %add3A_130 : vector<16xi32>
    %swap3A_132 = arith.constant 3088 : index
    %swap3A_133 = tpu.vector_load %arg9[%swap3A_132] {strides = array<i32>} : memref<4096xi32, #tpu.memory_space<vmem>>, vector<16xi32>,
    %swap3A_134 = vector.shape_cast %swap3A_133 : vector<16xi32> to vector<16xi32>
    %swap3A_135 = vector.shape_cast %add3A_131 : vector<16xi32> to vector<16xi32>
    tpu.vector_store %arg9[%swap3A_132], %swap3A_135 {strides = array<i32>} : memref<4096xi32, #tpu.memory_space<vmem>>, vector<16xi32>,
    %add3A_136 = arith.constant 896 : i32
    %add3A_137 = vector.broadcast %add3A_136 : i32 to vector<16xi32>
    %add3A_138 = arith.addi %add3A_86, %add3A_137 : vector<16xi32>
    %swap3A_139 = arith.constant 3600 : index
    %swap3A_140 = tpu.vector_load %arg9[%swap3A_139] {strides = array<i32>} : memref<4096xi32, #tpu.memory_space<vmem>>, vector<16xi32>,
    %swap3A_141 = vector.shape_cast %swap3A_140 : vector<16xi32> to vector<16xi32>
    %swap3A_142 = vector.shape_cast %add3A_138 : vector<16xi32> to vector<16xi32>
    tpu.vector_store %arg9[%swap3A_139], %swap3A_142 {strides = array<i32>} : memref<4096xi32, #tpu.memory_space<vmem>>, vector<16xi32>,
    %get3A_143 = arith.constant 32 : index
    %get3A_144 = tpu.vector_load %arg7[%get3A_143] {strides = array<i32>} : memref<512xi32, #tpu.memory_space<vmem>>, vector<16xi32>,
    %get3A_145 = vector.shape_cast %get3A_144 : vector<16xi32> to vector<16xi32>
    %shift_right_logical3A_146 = arith.constant 7 : i32
    %shift_right_logical3A_147 = vector.broadcast %shift_right_logical3A_146 : i32 to vector<16xi32>
    %shift_right_logical3A_148 = arith.shrui %get3A_145, %shift_right_logical3A_147 : vector<16xi32>
    %mul3A_149 = arith.constant 1024 : i32
    %mul3A_150 = vector.broadcast %mul3A_149 : i32 to vector<16xi32>
    %mul3A_151 = arith.muli %shift_right_logical3A_148, %mul3A_150 : vector<16xi32>
    %and3A_152 = arith.constant 127 : i32
    %and3A_153 = vector.broadcast %and3A_152 : i32 to vector<16xi32>
    %and3A_154 = arith.andi %get3A_145, %and3A_153 : vector<16xi32>
    %add3A_155 = arith.addi %mul3A_151, %and3A_154 : vector<16xi32>
    %add3A_156 = arith.constant 0 : i32
    %add3A_157 = vector.broadcast %add3A_156 : i32 to vector<16xi32>
    %add3A_158 = arith.addi %add3A_155, %add3A_157 : vector<16xi32>
    %swap3A_159 = arith.constant 32 : index
    %swap3A_160 = tpu.vector_load %arg9[%swap3A_159] {strides = array<i32>} : memref<4096xi32, #tpu.memory_space<vmem>>, vector<16xi32>,
    %swap3A_161 = vector.shape_cast %swap3A_160 : vector<16xi32> to vector<16xi32>
    %swap3A_162 = vector.shape_cast %add3A_158 : vector<16xi32> to vector<16xi32>
    tpu.vector_store %arg9[%swap3A_159], %swap3A_162 {strides = array<i32>} : memref<4096xi32, #tpu.memory_space<vmem>>, vector<16xi32>,
    %add3A_163 = arith.constant 128 : i32
    %add3A_164 = vector.broadcast %add3A_163 : i32 to vector<16xi32>
    %add3A_165 = arith.addi %add3A_155, %add3A_164 : vector<16xi32>
    %swap3A_166 = arith.constant 544 : index
    %swap3A_167 = tpu.vector_load %arg9[%swap3A_166] {strides = array<i32>} : memref<4096xi32, #tpu.memory_space<vmem>>, vector<16xi32>,
    %swap3A_168 = vector.shape_cast %swap3A_167 : vector<16xi32> to vector<16xi32>
    %swap3A_169 = vector.shape_cast %add3A_165 : vector<16xi32> to vector<16xi32>
    tpu.vector_store %arg9[%swap3A_166], %swap3A_169 {strides = array<i32>} : memref<4096xi32, #tpu.memory_space<vmem>>, vector<16xi32>,
    %add3A_170 = arith.constant 256 : i32
    %add3A_171 = vector.broadcast %add3A_170 : i32 to vector<16xi32>
    %add3A_172 = arith.addi %add3A_155, %add3A_171 : vector<16xi32>
    %swap3A_173 = arith.constant 1056 : index
    %swap3A_174 = tpu.vector_load %arg9[%swap3A_173] {strides = array<i32>} : memref<4096xi32, #tpu.memory_space<vmem>>, vector<16xi32>,
    %swap3A_175 = vector.shape_cast %swap3A_174 : vector<16xi32> to vector<16xi32>
    %swap3A_176 = vector.shape_cast %add3A_172 : vector<16xi32> to vector<16xi32>
    tpu.vector_store %arg9[%swap3A_173], %swap3A_176 {strides = array<i32>} : memref<4096xi32, #tpu.memory_space<vmem>>, vector<16xi32>,
    %add3A_177 = arith.constant 384 : i32
    %add3A_178 = vector.broadcast %add3A_177 : i32 to vector<16xi32>
    %add3A_179 = arith.addi %add3A_155, %add3A_178 : vector<16xi32>
    %swap3A_180 = arith.constant 1568 : index
    %swap3A_181 = tpu.vector_load %arg9[%swap3A_180] {strides = array<i32>} : memref<4096xi32, #tpu.memory_space<vmem>>, vector<16xi32>,
    %swap3A_182 = vector.shape_cast %swap3A_181 : vector<16xi32> to vector<16xi32>
    %swap3A_183 = vector.shape_cast %add3A_179 : vector<16xi32> to vector<16xi32>
    tpu.vector_store %arg9[%swap3A_180], %swap3A_183 {strides = array<i32>} : memref<4096xi32, #tpu.memory_space<vmem>>, vector<16xi32>,
    %add3A_184 = arith.constant 512 : i32
    %add3A_185 = vector.broadcast %add3A_184 : i32 to vector<16xi32>
    %add3A_186 = arith.addi %add3A_155, %add3A_185 : vector<16xi32>
    %swap3A_187 = arith.constant 2080 : index
    %swap3A_188 = tpu.vector_load %arg9[%swap3A_187] {strides = array<i32>} : memref<4096xi32, #tpu.memory_space<vmem>>, vector<16xi32>,
    %swap3A_189 = vector.shape_cast %swap3A_188 : vector<16xi32> to vector<16xi32>
    %swap3A_190 = vector.shape_cast %add3A_186 : vector<16xi32> to vector<16xi32>
    tpu.vector_store %arg9[%swap3A_187], %swap3A_190 {strides = array<i32>} : memref<4096xi32, #tpu.memory_space<vmem>>, vector<16xi32>,
    %add3A_191 = arith.constant 640 : i32
    %add3A_192 = vector.broadcast %add3A_191 : i32 to vector<16xi32>
    %add3A_193 = arith.addi %add3A_155, %add3A_192 : vector<16xi32>
    %swap3A_194 = arith.constant 2592 : index
    %swap3A_195 = tpu.vector_load %arg9[%swap3A_194] {strides = array<i32>} : memref<4096xi32, #tpu.memory_space<vmem>>, vector<16xi32>,
    %swap3A_196 = vector.shape_cast %swap3A_195 : vector<16xi32> to vector<16xi32>
    %swap3A_197 = vector.shape_cast %add3A_193 : vector<16xi32> to vector<16xi32>
    tpu.vector_store %arg9[%swap3A_194], %swap3A_197 {strides = array<i32>} : memref<4096xi32, #tpu.memory_space<vmem>>, vector<16xi32>,
    %add3A_198 = arith.constant 768 : i32
    %add3A_199 = vector.broadcast %add3A_198 : i32 to vector<16xi32>
    %add3A_200 = arith.addi %add3A_155, %add3A_199 : vector<16xi32>
    %swap3A_201 = arith.constant 3104 : index
    %swap3A_202 = tpu.vector_load %arg9[%swap3A_201] {strides = array<i32>} : memref<4096xi32, #tpu.memory_space<vmem>>, vector<16xi32>,
    %swap3A_203 = vector.shape_cast %swap3A_202 : vector<16xi32> to vector<16xi32>
    %swap3A_204 = vector.shape_cast %add3A_200 : vector<16xi32> to vector<16xi32>
    tpu.vector_store %arg9[%swap3A_201], %swap3A_204 {strides = array<i32>} : memref<4096xi32, #tpu.memory_space<vmem>>, vector<16xi32>,
    %add3A_205 = arith.constant 896 : i32
    %add3A_206 = vector.broadcast %add3A_205 : i32 to vector<16xi32>
    %add3A_207 = arith.addi %add3A_155, %add3A_206 : vector<16xi32>
    %swap3A_208 = arith.constant 3616 : index
    %swap3A_209 = tpu.vector_load %arg9[%swap3A_208] {strides = array<i32>} : memref<4096xi32, #tpu.memory_space<vmem>>, vector<16xi32>,
    %swap3A_210 = vector.shape_cast %swap3A_209 : vector<16xi32> to vector<16xi32>
    %swap3A_211 = vector.shape_cast %add3A_207 : vector<16xi32> to vector<16xi32>
    tpu.vector_store %arg9[%swap3A_208], %swap3A_211 {strides = array<i32>} : memref<4096xi32, #tpu.memory_space<vmem>>, vector<16xi32>,
    %get3A_212 = arith.constant 48 : index
    %get3A_213 = tpu.vector_load %arg7[%get3A_212] {strides = array<i32>} : memref<512xi32, #tpu.memory_space<vmem>>, vector<16xi32>,
    %get3A_214 = vector.shape_cast %get3A_213 : vector<16xi32> to vector<16xi32>
    %shift_right_logical3A_215 = arith.constant 7 : i32
    %shift_right_logical3A_216 = vector.broadcast %shift_right_logical3A_215 : i32 to vector<16xi32>
    %shift_right_logical3A_217 = arith.shrui %get3A_214, %shift_right_logical3A_216 : vector<16xi32>
    %mul3A_218 = arith.constant 1024 : i32
    %mul3A_219 = vector.broadcast %mul3A_218 : i32 to vector<16xi32>
    %mul3A_220 = arith.muli %shift_right_logical3A_217, %mul3A_219 : vector<16xi32>
    %and3A_221 = arith.constant 127 : i32
    %and3A_222 = vector.broadcast %and3A_221 : i32 to vector<16xi32>
    %and3A_223 = arith.andi %get3A_214, %and3A_222 : vector<16xi32>
    %add3A_224 = arith.addi %mul3A_220, %and3A_223 : vector<16xi32>
    %add3A_225 = arith.constant 0 : i32
    %add3A_226 = vector.broadcast %add3A_225 : i32 to vector<16xi32>
    %add3A_227 = arith.addi %add3A_224, %add3A_226 : vector<16xi32>
    %swap3A_228 = arith.constant 48 : index
    %swap3A_229 = tpu.vector_load %arg9[%swap3A_228] {strides = array<i32>} : memref<4096xi32, #tpu.memory_space<vmem>>, vector<16xi32>,
    %swap3A_230 = vector.shape_cast %swap3A_229 : vector<16xi32> to vector<16xi32>
    %swap3A_231 = vector.shape_cast %add3A_227 : vector<16xi32> to vector<16xi32>
    tpu.vector_store %arg9[%swap3A_228], %swap3A_231 {strides = array<i32>} : memref<4096xi32, #tpu.memory_space<vmem>>, vector<16xi32>,
    %add3A_232 = arith.constant 128 : i32
    %add3A_233 = vector.broadcast %add3A_232 : i32 to vector<16xi32>
    %add3A_234 = arith.addi %add3A_224, %add3A_233 : vector<16xi32>
    %swap3A_235 = arith.constant 560 : index
    %swap3A_236 = tpu.vector_load %arg9[%swap3A_235] {strides = array<i32>} : memref<4096xi32, #tpu.memory_space<vmem>>, vector<16xi32>,
    %swap3A_237 = vector.shape_cast %swap3A_236 : vector<16xi32> to vector<16xi32>
    %swap3A_238 = vector.shape_cast %add3A_234 : vector<16xi32> to vector<16xi32>
    tpu.vector_store %arg9[%swap3A_235], %swap3A_238 {strides = array<i32>} : memref<4096xi32, #tpu.memory_space<vmem>>, vector<16xi32>,
    %add3A_239 = arith.constant 256 : i32
    %add3A_240 = vector.broadcast %add3A_239 : i32 to vector<16xi32>
    %add3A_241 = arith.addi %add3A_224, %add3A_240 : vector<16xi32>
    %swap3A_242 = arith.constant 1072 : index
    %swap3A_243 = tpu.vector_load %arg9[%swap3A_242] {strides = array<i32>} : memref<4096xi32, #tpu.memory_space<vmem>>, vector<16xi32>,
    %swap3A_244 = vector.shape_cast %swap3A_243 : vector<16xi32> to vector<16xi32>
    %swap3A_245 = vector.shape_cast %add3A_241 : vector<16xi32> to vector<16xi32>
    tpu.vector_store %arg9[%swap3A_242], %swap3A_245 {strides = array<i32>} : memref<4096xi32, #tpu.memory_space<vmem>>, vector<16xi32>,
    %add3A_246 = arith.constant 384 : i32
    %add3A_247 = vector.broadcast %add3A_246 : i32 to vector<16xi32>
    %add3A_248 = arith.addi %add3A_224, %add3A_247 : vector<16xi32>
    %swap3A_249 = arith.constant 1584 : index
    %swap3A_250 = tpu.vector_load %arg9[%swap3A_249] {strides = array<i32>} : memref<4096xi32, #tpu.memory_space<vmem>>, vector<16xi32>,
    %swap3A_251 = vector.shape_cast %swap3A_250 : vector<16xi32> to vector<16xi32>
    %swap3A_252 = vector.shape_cast %add3A_248 : vector<16xi32> to vector<16xi32>
    tpu.vector_store %arg9[%swap3A_249], %swap3A_252 {strides = array<i32>} : memref<4096xi32, #tpu.memory_space<vmem>>, vector<16xi32>,
    %add3A_253 = arith.constant 512 : i32
    %add3A_254 = vector.broadcast %add3A_253 : i32 to vector<16xi32>
    %add3A_255 = arith.addi %add3A_224, %add3A_254 : vector<16xi32>
    %swap3A_256 = arith.constant 2096 : index
    %swap3A_257 = tpu.vector_load %arg9[%swap3A_256] {strides = array<i32>} : memref<4096xi32, #tpu.memory_space<vmem>>, vector<16xi32>,
    %swap3A_258 = vector.shape_cast %swap3A_257 : vector<16xi32> to vector<16xi32>
    %swap3A_259 = vector.shape_cast %add3A_255 : vector<16xi32> to vector<16xi32>
    tpu.vector_store %arg9[%swap3A_256], %swap3A_259 {strides = array<i32>} : memref<4096xi32, #tpu.memory_space<vmem>>, vector<16xi32>,
    %add3A_260 = arith.constant 640 : i32
    %add3A_261 = vector.broadcast %add3A_260 : i32 to vector<16xi32>
    %add3A_262 = arith.addi %add3A_224, %add3A_261 : vector<16xi32>
    %swap3A_263 = arith.constant 2608 : index
    %swap3A_264 = tpu.vector_load %arg9[%swap3A_263] {strides = array<i32>} : memref<4096xi32, #tpu.memory_space<vmem>>, vector<16xi32>,
    %swap3A_265 = vector.shape_cast %swap3A_264 : vector<16xi32> to vector<16xi32>
    %swap3A_266 = vector.shape_cast %add3A_262 : vector<16xi32> to vector<16xi32>
    tpu.vector_store %arg9[%swap3A_263], %swap3A_266 {strides = array<i32>} : memref<4096xi32, #tpu.memory_space<vmem>>, vector<16xi32>,
    %add3A_267 = arith.constant 768 : i32
    %add3A_268 = vector.broadcast %add3A_267 : i32 to vector<16xi32>
    %add3A_269 = arith.addi %add3A_224, %add3A_268 : vector<16xi32>
    %swap3A_270 = arith.constant 3120 : index
    %swap3A_271 = tpu.vector_load %arg9[%swap3A_270] {strides = array<i32>} : memref<4096xi32, #tpu.memory_space<vmem>>, vector<16xi32>,
    %swap3A_272 = vector.shape_cast %swap3A_271 : vector<16xi32> to vector<16xi32>
    %swap3A_273 = vector.shape_cast %add3A_269 : vector<16xi32> to vector<16xi32>
    tpu.vector_store %arg9[%swap3A_270], %swap3A_273 {strides = array<i32>} : memref<4096xi32, #tpu.memory_space<vmem>>, vector<16xi32>,
    %add3A_274 = arith.constant 896 : i32
    %add3A_275 = vector.broadcast %add3A_274 : i32 to vector<16xi32>
    %add3A_276 = arith.addi %add3A_224, %add3A_275 : vector<16xi32>
    %swap3A_277 = arith.constant 3632 : index
    %swap3A_278 = tpu.vector_load %arg9[%swap3A_277] {strides = array<i32>} : memref<4096xi32, #tpu.memory_space<vmem>>, vector<16xi32>,
    %swap3A_279 = vector.shape_cast %swap3A_278 : vector<16xi32> to vector<16xi32>
    %swap3A_280 = vector.shape_cast %add3A_276 : vector<16xi32> to vector<16xi32>
    tpu.vector_store %arg9[%swap3A_277], %swap3A_280 {strides = array<i32>} : memref<4096xi32, #tpu.memory_space<vmem>>, vector<16xi32>,
    %get3A_281 = arith.constant 64 : index
    %get3A_282 = tpu.vector_load %arg7[%get3A_281] {strides = array<i32>} : memref<512xi32, #tpu.memory_space<vmem>>, vector<16xi32>,
    %get3A_283 = vector.shape_cast %get3A_282 : vector<16xi32> to vector<16xi32>
    %shift_right_logical3A_284 = arith.constant 7 : i32
    %shift_right_logical3A_285 = vector.broadcast %shift_right_logical3A_284 : i32 to vector<16xi32>
    %shift_right_logical3A_286 = arith.shrui %get3A_283, %shift_right_logical3A_285 : vector<16xi32>
    %mul3A_287 = arith.constant 1024 : i32
    %mul3A_288 = vector.broadcast %mul3A_287 : i32 to vector<16xi32>
    %mul3A_289 = arith.muli %shift_right_logical3A_286, %mul3A_288 : vector<16xi32>
    %and3A_290 = arith.constant 127 : i32
    %and3A_291 = vector.broadcast %and3A_290 : i32 to vector<16xi32>
    %and3A_292 = arith.andi %get3A_283, %and3A_291 : vector<16xi32>
    %add3A_293 = arith.addi %mul3A_289, %and3A_292 : vector<16xi32>
    %add3A_294 = arith.constant 0 : i32
    %add3A_295 = vector.broadcast %add3A_294 : i32 to vector<16xi32>
    %add3A_296 = arith.addi %add3A_293, %add3A_295 : vector<16xi32>
    %swap3A_297 = arith.constant 64 : index
    %swap3A_298 = tpu.vector_load %arg9[%swap3A_297] {strides = array<i32>} : memref<4096xi32, #tpu.memory_space<vmem>>, vector<16xi32>,
    %swap3A_299 = vector.shape_cast %swap3A_298 : vector<16xi32> to vector<16xi32>
    %swap3A_300 = vector.shape_cast %add3A_296 : vector<16xi32> to vector<16xi32>
    tpu.vector_store %arg9[%swap3A_297], %swap3A_300 {strides = array<i32>} : memref<4096xi32, #tpu.memory_space<vmem>>, vector<16xi32>,
    %add3A_301 = arith.constant 128 : i32
    %add3A_302 = vector.broadcast %add3A_301 : i32 to vector<16xi32>
    %add3A_303 = arith.addi %add3A_293, %add3A_302 : vector<16xi32>
    %swap3A_304 = arith.constant 576 : index
    %swap3A_305 = tpu.vector_load %arg9[%swap3A_304] {strides = array<i32>} : memref<4096xi32, #tpu.memory_space<vmem>>, vector<16xi32>,
    %swap3A_306 = vector.shape_cast %swap3A_305 : vector<16xi32> to vector<16xi32>
    %swap3A_307 = vector.shape_cast %add3A_303 : vector<16xi32> to vector<16xi32>
    tpu.vector_store %arg9[%swap3A_304], %swap3A_307 {strides = array<i32>} : memref<4096xi32, #tpu.memory_space<vmem>>, vector<16xi32>,
    %add3A_308 = arith.constant 256 : i32
    %add3A_309 = vector.broadcast %add3A_308 : i32 to vector<16xi32>
    %add3A_310 = arith.addi %add3A_293, %add3A_309 : vector<16xi32>
    %swap3A_311 = arith.constant 1088 : index
    %swap3A_312 = tpu.vector_load %arg9[%swap3A_311] {strides = array<i32>} : memref<4096xi32, #tpu.memory_space<vmem>>, vector<16xi32>,
    %swap3A_313 = vector.shape_cast %swap3A_312 : vector<16xi32> to vector<16xi32>
    %swap3A_314 = vector.shape_cast %add3A_310 : vector<16xi32> to vector<16xi32>
    tpu.vector_store %arg9[%swap3A_311], %swap3A_314 {strides = array<i32>} : memref<4096xi32, #tpu.memory_space<vmem>>, vector<16xi32>,
    %add3A_315 = arith.constant 384 : i32
    %add3A_316 = vector.broadcast %add3A_315 : i32 to vector<16xi32>
    %add3A_317 = arith.addi %add3A_293, %add3A_316 : vector<16xi32>
    %swap3A_318 = arith.constant 1600 : index
    %swap3A_319 = tpu.vector_load %arg9[%swap3A_318] {strides = array<i32>} : memref<4096xi32, #tpu.memory_space<vmem>>, vector<16xi32>,
    %swap3A_320 = vector.shape_cast %swap3A_319 : vector<16xi32> to vector<16xi32>
    %swap3A_321 = vector.shape_cast %add3A_317 : vector<16xi32> to vector<16xi32>
    tpu.vector_store %arg9[%swap3A_318], %swap3A_321 {strides = array<i32>} : memref<4096xi32, #tpu.memory_space<vmem>>, vector<16xi32>,
    %add3A_322 = arith.constant 512 : i32
    %add3A_323 = vector.broadcast %add3A_322 : i32 to vector<16xi32>
    %add3A_324 = arith.addi %add3A_293, %add3A_323 : vector<16xi32>
    %swap3A_325 = arith.constant 2112 : index
    %swap3A_326 = tpu.vector_load %arg9[%swap3A_325] {strides = array<i32>} : memref<4096xi32, #tpu.memory_space<vmem>>, vector<16xi32>,
    %swap3A_327 = vector.shape_cast %swap3A_326 : vector<16xi32> to vector<16xi32>
    %swap3A_328 = vector.shape_cast %add3A_324 : vector<16xi32> to vector<16xi32>
    tpu.vector_store %arg9[%swap3A_325], %swap3A_328 {strides = array<i32>} : memref<4096xi32, #tpu.memory_space<vmem>>, vector<16xi32>,
    %add3A_329 = arith.constant 640 : i32
    %add3A_330 = vector.broadcast %add3A_329 : i32 to vector<16xi32>
    %add3A_331 = arith.addi %add3A_293, %add3A_330 : vector<16xi32>
    %swap3A_332 = arith.constant 2624 : index
    %swap3A_333 = tpu.vector_load %arg9[%swap3A_332] {strides = array<i32>} : memref<4096xi32, #tpu.memory_space<vmem>>, vector<16xi32>,
    %swap3A_334 = vector.shape_cast %swap3A_333 : vector<16xi32> to vector<16xi32>
    %swap3A_335 = vector.shape_cast %add3A_331 : vector<16xi32> to vector<16xi32>
    tpu.vector_store %arg9[%swap3A_332], %swap3A_335 {strides = array<i32>} : memref<4096xi32, #tpu.memory_space<vmem>>, vector<16xi32>,
    %add3A_336 = arith.constant 768 : i32
    %add3A_337 = vector.broadcast %add3A_336 : i32 to vector<16xi32>
    %add3A_338 = arith.addi %add3A_293, %add3A_337 : vector<16xi32>
    %swap3A_339 = arith.constant 3136 : index
    %swap3A_340 = tpu.vector_load %arg9[%swap3A_339] {strides = array<i32>} : memref<4096xi32, #tpu.memory_space<vmem>>, vector<16xi32>,
    %swap3A_341 = vector.shape_cast %swap3A_340 : vector<16xi32> to vector<16xi32>
    %swap3A_342 = vector.shape_cast %add3A_338 : vector<16xi32> to vector<16xi32>
    tpu.vector_store %arg9[%swap3A_339], %swap3A_342 {strides = array<i32>} : memref<4096xi32, #tpu.memory_space<vmem>>, vector<16xi32>,
    %add3A_343 = arith.constant 896 : i32
    %add3A_344 = vector.broadcast %add3A_343 : i32 to vector<16xi32>
    %add3A_345 = arith.addi %add3A_293, %add3A_344 : vector<16xi32>
    %swap3A_346 = arith.constant 3648 : index
    %swap3A_347 = tpu.vector_load %arg9[%swap3A_346] {strides = array<i32>} : memref<4096xi32, #tpu.memory_space<vmem>>, vector<16xi32>,
    %swap3A_348 = vector.shape_cast %swap3A_347 : vector<16xi32> to vector<16xi32>
    %swap3A_349 = vector.shape_cast %add3A_345 : vector<16xi32> to vector<16xi32>
    tpu.vector_store %arg9[%swap3A_346], %swap3A_349 {strides = array<i32>} : memref<4096xi32, #tpu.memory_space<vmem>>, vector<16xi32>,
    %get3A_350 = arith.constant 80 : index
    %get3A_351 = tpu.vector_load %arg7[%get3A_350] {strides = array<i32>} : memref<512xi32, #tpu.memory_space<vmem>>, vector<16xi32>,
    %get3A_352 = vector.shape_cast %get3A_351 : vector<16xi32> to vector<16xi32>
    %shift_right_logical3A_353 = arith.constant 7 : i32
    %shift_right_logical3A_354 = vector.broadcast %shift_right_logical3A_353 : i32 to vector<16xi32>
    %shift_right_logical3A_355 = arith.shrui %get3A_352, %shift_right_logical3A_354 : vector<16xi32>
    %mul3A_356 = arith.constant 1024 : i32
    %mul3A_357 = vector.broadcast %mul3A_356 : i32 to vector<16xi32>
    %mul3A_358 = arith.muli %shift_right_logical3A_355, %mul3A_357 : vector<16xi32>
    %and3A_359 = arith.constant 127 : i32
    %and3A_360 = vector.broadcast %and3A_359 : i32 to vector<16xi32>
    %and3A_361 = arith.andi %get3A_352, %and3A_360 : vector<16xi32>
    %add3A_362 = arith.addi %mul3A_358, %and3A_361 : vector<16xi32>
    %add3A_363 = arith.constant 0 : i32
    %add3A_364 = vector.broadcast %add3A_363 : i32 to vector<16xi32>
    %add3A_365 = arith.addi %add3A_362, %add3A_364 : vector<16xi32>
    %swap3A_366 = arith.constant 80 : index
    %swap3A_367 = tpu.vector_load %arg9[%swap3A_366] {strides = array<i32>} : memref<4096xi32, #tpu.memory_space<vmem>>, vector<16xi32>,
    %swap3A_368 = vector.shape_cast %swap3A_367 : vector<16xi32> to vector<16xi32>
    %swap3A_369 = vector.shape_cast %add3A_365 : vector<16xi32> to vector<16xi32>
    tpu.vector_store %arg9[%swap3A_366], %swap3A_369 {strides = array<i32>} : memref<4096xi32, #tpu.memory_space<vmem>>, vector<16xi32>,
    %add3A_370 = arith.constant 128 : i32
    %add3A_371 = vector.broadcast %add3A_370 : i32 to vector<16xi32>
    %add3A_372 = arith.addi %add3A_362, %add3A_371 : vector<16xi32>
    %swap3A_373 = arith.constant 592 : index
    %swap3A_374 = tpu.vector_load %arg9[%swap3A_373] {strides = array<i32>} : memref<4096xi32, #tpu.memory_space<vmem>>, vector<16xi32>,
    %swap3A_375 = vector.shape_cast %swap3A_374 : vector<16xi32> to vector<16xi32>
    %swap3A_376 = vector.shape_cast %add3A_372 : vector<16xi32> to vector<16xi32>
    tpu.vector_store %arg9[%swap3A_373], %swap3A_376 {strides = array<i32>} : memref<4096xi32, #tpu.memory_space<vmem>>, vector<16xi32>,
    %add3A_377 = arith.constant 256 : i32
    %add3A_378 = vector.broadcast %add3A_377 : i32 to vector<16xi32>
    %add3A_379 = arith.addi %add3A_362, %add3A_378 : vector<16xi32>
    %swap3A_380 = arith.constant 1104 : index
    %swap3A_381 = tpu.vector_load %arg9[%swap3A_380] {strides = array<i32>} : memref<4096xi32, #tpu.memory_space<vmem>>, vector<16xi32>,
    %swap3A_382 = vector.shape_cast %swap3A_381 : vector<16xi32> to vector<16xi32>
    %swap3A_383 = vector.shape_cast %add3A_379 : vector<16xi32> to vector<16xi32>
    tpu.vector_store %arg9[%swap3A_380], %swap3A_383 {strides = array<i32>} : memref<4096xi32, #tpu.memory_space<vmem>>, vector<16xi32>,
    %add3A_384 = arith.constant 384 : i32
    %add3A_385 = vector.broadcast %add3A_384 : i32 to vector<16xi32>
    %add3A_386 = arith.addi %add3A_362, %add3A_385 : vector<16xi32>
    %swap3A_387 = arith.constant 1616 : index
    %swap3A_388 = tpu.vector_load %arg9[%swap3A_387] {strides = array<i32>} : memref<4096xi32, #tpu.memory_space<vmem>>, vector<16xi32>,
    %swap3A_389 = vector.shape_cast %swap3A_388 : vector<16xi32> to vector<16xi32>
    %swap3A_390 = vector.shape_cast %add3A_386 : vector<16xi32> to vector<16xi32>
    tpu.vector_store %arg9[%swap3A_387], %swap3A_390 {strides = array<i32>} : memref<4096xi32, #tpu.memory_space<vmem>>, vector<16xi32>,
    %add3A_391 = arith.constant 512 : i32
    %add3A_392 = vector.broadcast %add3A_391 : i32 to vector<16xi32>
    %add3A_393 = arith.addi %add3A_362, %add3A_392 : vector<16xi32>
    %swap3A_394 = arith.constant 2128 : index
    %swap3A_395 = tpu.vector_load %arg9[%swap3A_394] {strides = array<i32>} : memref<4096xi32, #tpu.memory_space<vmem>>, vector<16xi32>,
    %swap3A_396 = vector.shape_cast %swap3A_395 : vector<16xi32> to vector<16xi32>
    %swap3A_397 = vector.shape_cast %add3A_393 : vector<16xi32> to vector<16xi32>
    tpu.vector_store %arg9[%swap3A_394], %swap3A_397 {strides = array<i32>} : memref<4096xi32, #tpu.memory_space<vmem>>, vector<16xi32>,
    %add3A_398 = arith.constant 640 : i32
    %add3A_399 = vector.broadcast %add3A_398 : i32 to vector<16xi32>
    %add3A_400 = arith.addi %add3A_362, %add3A_399 : vector<16xi32>
    %swap3A_401 = arith.constant 2640 : index
    %swap3A_402 = tpu.vector_load %arg9[%swap3A_401] {strides = array<i32>} : memref<4096xi32, #tpu.memory_space<vmem>>, vector<16xi32>,
    %swap3A_403 = vector.shape_cast %swap3A_402 : vector<16xi32> to vector<16xi32>
    %swap3A_404 = vector.shape_cast %add3A_400 : vector<16xi32> to vector<16xi32>
    tpu.vector_store %arg9[%swap3A_401], %swap3A_404 {strides = array<i32>} : memref<4096xi32, #tpu.memory_space<vmem>>, vector<16xi32>,
    %add3A_405 = arith.constant 768 : i32
    %add3A_406 = vector.broadcast %add3A_405 : i32 to vector<16xi32>
    %add3A_407 = arith.addi %add3A_362, %add3A_406 : vector<16xi32>
    %swap3A_408 = arith.constant 3152 : index
    %swap3A_409 = tpu.vector_load %arg9[%swap3A_408] {strides = array<i32>} : memref<4096xi32, #tpu.memory_space<vmem>>, vector<16xi32>,
    %swap3A_410 = vector.shape_cast %swap3A_409 : vector<16xi32> to vector<16xi32>
    %swap3A_411 = vector.shape_cast %add3A_407 : vector<16xi32> to vector<16xi32>
    tpu.vector_store %arg9[%swap3A_408], %swap3A_411 {strides = array<i32>} : memref<4096xi32, #tpu.memory_space<vmem>>, vector<16xi32>,
    %add3A_412 = arith.constant 896 : i32
    %add3A_413 = vector.broadcast %add3A_412 : i32 to vector<16xi32>
    %add3A_414 = arith.addi %add3A_362, %add3A_413 : vector<16xi32>
    %swap3A_415 = arith.constant 3664 : index
    %swap3A_416 = tpu.vector_load %arg9[%swap3A_415] {strides = array<i32>} : memref<4096xi32, #tpu.memory_space<vmem>>, vector<16xi32>,
    %swap3A_417 = vector.shape_cast %swap3A_416 : vector<16xi32> to vector<16xi32>
    %swap3A_418 = vector.shape_cast %add3A_414 : vector<16xi32> to vector<16xi32>
    tpu.vector_store %arg9[%swap3A_415], %swap3A_418 {strides = array<i32>} : memref<4096xi32, #tpu.memory_space<vmem>>, vector<16xi32>,
    %get3A_419 = arith.constant 96 : index
    %get3A_420 = tpu.vector_load %arg7[%get3A_419] {strides = array<i32>} : memref<512xi32, #tpu.memory_space<vmem>>, vector<16xi32>,
    %get3A_421 = vector.shape_cast %get3A_420 : vector<16xi32> to vector<16xi32>
    %shift_right_logical3A_422 = arith.constant 7 : i32
    %shift_right_logical3A_423 = vector.broadcast %shift_right_logical3A_422 : i32 to vector<16xi32>
    %shift_right_logical3A_424 = arith.shrui %get3A_421, %shift_right_logical3A_423 : vector<16xi32>
    %mul3A_425 = arith.constant 1024 : i32
    %mul3A_426 = vector.broadcast %mul3A_425 : i32 to vector<16xi32>
    %mul3A_427 = arith.muli %shift_right_logical3A_424, %mul3A_426 : vector<16xi32>
    %and3A_428 = arith.constant 127 : i32
    %and3A_429 = vector.broadcast %and3A_428 : i32 to vector<16xi32>
    %and3A_430 = arith.andi %get3A_421, %and3A_429 : vector<16xi32>
    %add3A_431 = arith.addi %mul3A_427, %and3A_430 : vector<16xi32>
    %add3A_432 = arith.constant 0 : i32
    %add3A_433 = vector.broadcast %add3A_432 : i32 to vector<16xi32>
    %add3A_434 = arith.addi %add3A_431, %add3A_433 : vector<16xi32>
    %swap3A_435 = arith.constant 96 : index
    %swap3A_436 = tpu.vector_load %arg9[%swap3A_435] {strides = array<i32>} : memref<4096xi32, #tpu.memory_space<vmem>>, vector<16xi32>,
    %swap3A_437 = vector.shape_cast %swap3A_436 : vector<16xi32> to vector<16xi32>
    %swap3A_438 = vector.shape_cast %add3A_434 : vector<16xi32> to vector<16xi32>
    tpu.vector_store %arg9[%swap3A_435], %swap3A_438 {strides = array<i32>} : memref<4096xi32, #tpu.memory_space<vmem>>, vector<16xi32>,
    %add3A_439 = arith.constant 128 : i32
    %add3A_440 = vector.broadcast %add3A_439 : i32 to vector<16xi32>
    %add3A_441 = arith.addi %add3A_431, %add3A_440 : vector<16xi32>
    %swap3A_442 = arith.constant 608 : index
    %swap3A_443 = tpu.vector_load %arg9[%swap3A_442] {strides = array<i32>} : memref<4096xi32, #tpu.memory_space<vmem>>, vector<16xi32>,
    %swap3A_444 = vector.shape_cast %swap3A_443 : vector<16xi32> to vector<16xi32>
    %swap3A_445 = vector.shape_cast %add3A_441 : vector<16xi32> to vector<16xi32>
    tpu.vector_store %arg9[%swap3A_442], %swap3A_445 {strides = array<i32>} : memref<4096xi32, #tpu.memory_space<vmem>>, vector<16xi32>,
    %add3A_446 = arith.constant 256 : i32
    %add3A_447 = vector.broadcast %add3A_446 : i32 to vector<16xi32>
    %add3A_448 = arith.addi %add3A_431, %add3A_447 : vector<16xi32>
    %swap3A_449 = arith.constant 1120 : index
    %swap3A_450 = tpu.vector_load %arg9[%swap3A_449] {strides = array<i32>} : memref<4096xi32, #tpu.memory_space<vmem>>, vector<16xi32>,
    %swap3A_451 = vector.shape_cast %swap3A_450 : vector<16xi32> to vector<16xi32>
    %swap3A_452 = vector.shape_cast %add3A_448 : vector<16xi32> to vector<16xi32>
    tpu.vector_store %arg9[%swap3A_449], %swap3A_452 {strides = array<i32>} : memref<4096xi32, #tpu.memory_space<vmem>>, vector<16xi32>,
    %add3A_453 = arith.constant 384 : i32
    %add3A_454 = vector.broadcast %add3A_453 : i32 to vector<16xi32>
    %add3A_455 = arith.addi %add3A_431, %add3A_454 : vector<16xi32>
    %swap3A_456 = arith.constant 1632 : index
    %swap3A_457 = tpu.vector_load %arg9[%swap3A_456] {strides = array<i32>} : memref<4096xi32, #tpu.memory_space<vmem>>, vector<16xi32>,
    %swap3A_458 = vector.shape_cast %swap3A_457 : vector<16xi32> to vector<16xi32>
    %swap3A_459 = vector.shape_cast %add3A_455 : vector<16xi32> to vector<16xi32>
    tpu.vector_store %arg9[%swap3A_456], %swap3A_459 {strides = array<i32>} : memref<4096xi32, #tpu.memory_space<vmem>>, vector<16xi32>,
    %add3A_460 = arith.constant 512 : i32
    %add3A_461 = vector.broadcast %add3A_460 : i32 to vector<16xi32>
    %add3A_462 = arith.addi %add3A_431, %add3A_461 : vector<16xi32>
    %swap3A_463 = arith.constant 2144 : index
    %swap3A_464 = tpu.vector_load %arg9[%swap3A_463] {strides = array<i32>} : memref<4096xi32, #tpu.memory_space<vmem>>, vector<16xi32>,
    %swap3A_465 = vector.shape_cast %swap3A_464 : vector<16xi32> to vector<16xi32>
    %swap3A_466 = vector.shape_cast %add3A_462 : vector<16xi32> to vector<16xi32>
    tpu.vector_store %arg9[%swap3A_463], %swap3A_466 {strides = array<i32>} : memref<4096xi32, #tpu.memory_space<vmem>>, vector<16xi32>,
    %add3A_467 = arith.constant 640 : i32
    %add3A_468 = vector.broadcast %add3A_467 : i32 to vector<16xi32>
    %add3A_469 = arith.addi %add3A_431, %add3A_468 : vector<16xi32>
    %swap3A_470 = arith.constant 2656 : index
    %swap3A_471 = tpu.vector_load %arg9[%swap3A_470] {strides = array<i32>} : memref<4096xi32, #tpu.memory_space<vmem>>, vector<16xi32>,
    %swap3A_472 = vector.shape_cast %swap3A_471 : vector<16xi32> to vector<16xi32>
    %swap3A_473 = vector.shape_cast %add3A_469 : vector<16xi32> to vector<16xi32>
    tpu.vector_store %arg9[%swap3A_470], %swap3A_473 {strides = array<i32>} : memref<4096xi32, #tpu.memory_space<vmem>>, vector<16xi32>,
    %add3A_474 = arith.constant 768 : i32
    %add3A_475 = vector.broadcast %add3A_474 : i32 to vector<16xi32>
    %add3A_476 = arith.addi %add3A_431, %add3A_475 : vector<16xi32>
    %swap3A_477 = arith.constant 3168 : index
    %swap3A_478 = tpu.vector_load %arg9[%swap3A_477] {strides = array<i32>} : memref<4096xi32, #tpu.memory_space<vmem>>, vector<16xi32>,
    %swap3A_479 = vector.shape_cast %swap3A_478 : vector<16xi32> to vector<16xi32>
    %swap3A_480 = vector.shape_cast %add3A_476 : vector<16xi32> to vector<16xi32>
    tpu.vector_store %arg9[%swap3A_477], %swap3A_480 {strides = array<i32>} : memref<4096xi32, #tpu.memory_space<vmem>>, vector<16xi32>,
    %add3A_481 = arith.constant 896 : i32
    %add3A_482 = vector.broadcast %add3A_481 : i32 to vector<16xi32>
    %add3A_483 = arith.addi %add3A_431, %add3A_482 : vector<16xi32>
    %swap3A_484 = arith.constant 3680 : index
    %swap3A_485 = tpu.vector_load %arg9[%swap3A_484] {strides = array<i32>} : memref<4096xi32, #tpu.memory_space<vmem>>, vector<16xi32>,
    %swap3A_486 = vector.shape_cast %swap3A_485 : vector<16xi32> to vector<16xi32>
    %swap3A_487 = vector.shape_cast %add3A_483 : vector<16xi32> to vector<16xi32>
    tpu.vector_store %arg9[%swap3A_484], %swap3A_487 {strides = array<i32>} : memref<4096xi32, #tpu.memory_space<vmem>>, vector<16xi32>,
    %get3A_488 = arith.constant 112 : index
    %get3A_489 = tpu.vector_load %arg7[%get3A_488] {strides = array<i32>} : memref<512xi32, #tpu.memory_space<vmem>>, vector<16xi32>,
    %get3A_490 = vector.shape_cast %get3A_489 : vector<16xi32> to vector<16xi32>
    %shift_right_logical3A_491 = arith.constant 7 : i32
    %shift_right_logical3A_492 = vector.broadcast %shift_right_logical3A_491 : i32 to vector<16xi32>
    %shift_right_logical3A_493 = arith.shrui %get3A_490, %shift_right_logical3A_492 : vector<16xi32>
    %mul3A_494 = arith.constant 1024 : i32
    %mul3A_495 = vector.broadcast %mul3A_494 : i32 to vector<16xi32>
    %mul3A_496 = arith.muli %shift_right_logical3A_493, %mul3A_495 : vector<16xi32>
    %and3A_497 = arith.constant 127 : i32
    %and3A_498 = vector.broadcast %and3A_497 : i32 to vector<16xi32>
    %and3A_499 = arith.andi %get3A_490, %and3A_498 : vector<16xi32>
    %add3A_500 = arith.addi %mul3A_496, %and3A_499 : vector<16xi32>
    %add3A_501 = arith.constant 0 : i32
    %add3A_502 = vector.broadcast %add3A_501 : i32 to vector<16xi32>
    %add3A_503 = arith.addi %add3A_500, %add3A_502 : vector<16xi32>
    %swap3A_504 = arith.constant 112 : index
    %swap3A_505 = tpu.vector_load %arg9[%swap3A_504] {strides = array<i32>} : memref<4096xi32, #tpu.memory_space<vmem>>, vector<16xi32>,
    %swap3A_506 = vector.shape_cast %swap3A_505 : vector<16xi32> to vector<16xi32>
    %swap3A_507 = vector.shape_cast %add3A_503 : vector<16xi32> to vector<16xi32>
    tpu.vector_store %arg9[%swap3A_504], %swap3A_507 {strides = array<i32>} : memref<4096xi32, #tpu.memory_space<vmem>>, vector<16xi32>,
    %add3A_508 = arith.constant 128 : i32
    %add3A_509 = vector.broadcast %add3A_508 : i32 to vector<16xi32>
    %add3A_510 = arith.addi %add3A_500, %add3A_509 : vector<16xi32>
    %swap3A_511 = arith.constant 624 : index
    %swap3A_512 = tpu.vector_load %arg9[%swap3A_511] {strides = array<i32>} : memref<4096xi32, #tpu.memory_space<vmem>>, vector<16xi32>,
    %swap3A_513 = vector.shape_cast %swap3A_512 : vector<16xi32> to vector<16xi32>
    %swap3A_514 = vector.shape_cast %add3A_510 : vector<16xi32> to vector<16xi32>
    tpu.vector_store %arg9[%swap3A_511], %swap3A_514 {strides = array<i32>} : memref<4096xi32, #tpu.memory_space<vmem>>, vector<16xi32>,
    %add3A_515 = arith.constant 256 : i32
    %add3A_516 = vector.broadcast %add3A_515 : i32 to vector<16xi32>
    %add3A_517 = arith.addi %add3A_500, %add3A_516 : vector<16xi32>
    %swap3A_518 = arith.constant 1136 : index
    %swap3A_519 = tpu.vector_load %arg9[%swap3A_518] {strides = array<i32>} : memref<4096xi32, #tpu.memory_space<vmem>>, vector<16xi32>,
    %swap3A_520 = vector.shape_cast %swap3A_519 : vector<16xi32> to vector<16xi32>
    %swap3A_521 = vector.shape_cast %add3A_517 : vector<16xi32> to vector<16xi32>
    tpu.vector_store %arg9[%swap3A_518], %swap3A_521 {strides = array<i32>} : memref<4096xi32, #tpu.memory_space<vmem>>, vector<16xi32>,
    %add3A_522 = arith.constant 384 : i32
    %add3A_523 = vector.broadcast %add3A_522 : i32 to vector<16xi32>
    %add3A_524 = arith.addi %add3A_500, %add3A_523 : vector<16xi32>
    %swap3A_525 = arith.constant 1648 : index
    %swap3A_526 = tpu.vector_load %arg9[%swap3A_525] {strides = array<i32>} : memref<4096xi32, #tpu.memory_space<vmem>>, vector<16xi32>,
    %swap3A_527 = vector.shape_cast %swap3A_526 : vector<16xi32> to vector<16xi32>
    %swap3A_528 = vector.shape_cast %add3A_524 : vector<16xi32> to vector<16xi32>
    tpu.vector_store %arg9[%swap3A_525], %swap3A_528 {strides = array<i32>} : memref<4096xi32, #tpu.memory_space<vmem>>, vector<16xi32>,
    %add3A_529 = arith.constant 512 : i32
    %add3A_530 = vector.broadcast %add3A_529 : i32 to vector<16xi32>
    %add3A_531 = arith.addi %add3A_500, %add3A_530 : vector<16xi32>
    %swap3A_532 = arith.constant 2160 : index
    %swap3A_533 = tpu.vector_load %arg9[%swap3A_532] {strides = array<i32>} : memref<4096xi32, #tpu.memory_space<vmem>>, vector<16xi32>,
    %swap3A_534 = vector.shape_cast %swap3A_533 : vector<16xi32> to vector<16xi32>
    %swap3A_535 = vector.shape_cast %add3A_531 : vector<16xi32> to vector<16xi32>
    tpu.vector_store %arg9[%swap3A_532], %swap3A_535 {strides = array<i32>} : memref<4096xi32, #tpu.memory_space<vmem>>, vector<16xi32>,
    %add3A_536 = arith.constant 640 : i32
    %add3A_537 = vector.broadcast %add3A_536 : i32 to vector<16xi32>
    %add3A_538 = arith.addi %add3A_500, %add3A_537 : vector<16xi32>
    %swap3A_539 = arith.constant 2672 : index
    %swap3A_540 = tpu.vector_load %arg9[%swap3A_539] {strides = array<i32>} : memref<4096xi32, #tpu.memory_space<vmem>>, vector<16xi32>,
    %swap3A_541 = vector.shape_cast %swap3A_540 : vector<16xi32> to vector<16xi32>
    %swap3A_542 = vector.shape_cast %add3A_538 : vector<16xi32> to vector<16xi32>
    tpu.vector_store %arg9[%swap3A_539], %swap3A_542 {strides = array<i32>} : memref<4096xi32, #tpu.memory_space<vmem>>, vector<16xi32>,
    %add3A_543 = arith.constant 768 : i32
    %add3A_544 = vector.broadcast %add3A_543 : i32 to vector<16xi32>
    %add3A_545 = arith.addi %add3A_500, %add3A_544 : vector<16xi32>
    %swap3A_546 = arith.constant 3184 : index
    %swap3A_547 = tpu.vector_load %arg9[%swap3A_546] {strides = array<i32>} : memref<4096xi32, #tpu.memory_space<vmem>>, vector<16xi32>,
    %swap3A_548 = vector.shape_cast %swap3A_547 : vector<16xi32> to vector<16xi32>
    %swap3A_549 = vector.shape_cast %add3A_545 : vector<16xi32> to vector<16xi32>
    tpu.vector_store %arg9[%swap3A_546], %swap3A_549 {strides = array<i32>} : memref<4096xi32, #tpu.memory_space<vmem>>, vector<16xi32>,
    %add3A_550 = arith.constant 896 : i32
    %add3A_551 = vector.broadcast %add3A_550 : i32 to vector<16xi32>
    %add3A_552 = arith.addi %add3A_500, %add3A_551 : vector<16xi32>
    %swap3A_553 = arith.constant 3696 : index
    %swap3A_554 = tpu.vector_load %arg9[%swap3A_553] {strides = array<i32>} : memref<4096xi32, #tpu.memory_space<vmem>>, vector<16xi32>,
    %swap3A_555 = vector.shape_cast %swap3A_554 : vector<16xi32> to vector<16xi32>
    %swap3A_556 = vector.shape_cast %add3A_552 : vector<16xi32> to vector<16xi32>
    tpu.vector_store %arg9[%swap3A_553], %swap3A_556 {strides = array<i32>} : memref<4096xi32, #tpu.memory_space<vmem>>, vector<16xi32>,
    %get3A_557 = arith.constant 128 : index
    %get3A_558 = tpu.vector_load %arg7[%get3A_557] {strides = array<i32>} : memref<512xi32, #tpu.memory_space<vmem>>, vector<16xi32>,
    %get3A_559 = vector.shape_cast %get3A_558 : vector<16xi32> to vector<16xi32>
    %shift_right_logical3A_560 = arith.constant 7 : i32
    %shift_right_logical3A_561 = vector.broadcast %shift_right_logical3A_560 : i32 to vector<16xi32>
    %shift_right_logical3A_562 = arith.shrui %get3A_559, %shift_right_logical3A_561 : vector<16xi32>
    %mul3A_563 = arith.constant 1024 : i32
    %mul3A_564 = vector.broadcast %mul3A_563 : i32 to vector<16xi32>
    %mul3A_565 = arith.muli %shift_right_logical3A_562, %mul3A_564 : vector<16xi32>
    %and3A_566 = arith.constant 127 : i32
    %and3A_567 = vector.broadcast %and3A_566 : i32 to vector<16xi32>
    %and3A_568 = arith.andi %get3A_559, %and3A_567 : vector<16xi32>
    %add3A_569 = arith.addi %mul3A_565, %and3A_568 : vector<16xi32>
    %add3A_570 = arith.constant 0 : i32
    %add3A_571 = vector.broadcast %add3A_570 : i32 to vector<16xi32>
    %add3A_572 = arith.addi %add3A_569, %add3A_571 : vector<16xi32>
    %swap3A_573 = arith.constant 128 : index
    %swap3A_574 = tpu.vector_load %arg9[%swap3A_573] {strides = array<i32>} : memref<4096xi32, #tpu.memory_space<vmem>>, vector<16xi32>,
    %swap3A_575 = vector.shape_cast %swap3A_574 : vector<16xi32> to vector<16xi32>
    %swap3A_576 = vector.shape_cast %add3A_572 : vector<16xi32> to vector<16xi32>
    tpu.vector_store %arg9[%swap3A_573], %swap3A_576 {strides = array<i32>} : memref<4096xi32, #tpu.memory_space<vmem>>, vector<16xi32>,
    %add3A_577 = arith.constant 128 : i32
    %add3A_578 = vector.broadcast %add3A_577 : i32 to vector<16xi32>
    %add3A_579 = arith.addi %add3A_569, %add3A_578 : vector<16xi32>
    %swap3A_580 = arith.constant 640 : index
    %swap3A_581 = tpu.vector_load %arg9[%swap3A_580] {strides = array<i32>} : memref<4096xi32, #tpu.memory_space<vmem>>, vector<16xi32>,
    %swap3A_582 = vector.shape_cast %swap3A_581 : vector<16xi32> to vector<16xi32>
    %swap3A_583 = vector.shape_cast %add3A_579 : vector<16xi32> to vector<16xi32>
    tpu.vector_store %arg9[%swap3A_580], %swap3A_583 {strides = array<i32>} : memref<4096xi32, #tpu.memory_space<vmem>>, vector<16xi32>,
    %add3A_584 = arith.constant 256 : i32
    %add3A_585 = vector.broadcast %add3A_584 : i32 to vector<16xi32>
    %add3A_586 = arith.addi %add3A_569, %add3A_585 : vector<16xi32>
    %swap3A_587 = arith.constant 1152 : index
    %swap3A_588 = tpu.vector_load %arg9[%swap3A_587] {strides = array<i32>} : memref<4096xi32, #tpu.memory_space<vmem>>, vector<16xi32>,
    %swap3A_589 = vector.shape_cast %swap3A_588 : vector<16xi32> to vector<16xi32>
    %swap3A_590 = vector.shape_cast %add3A_586 : vector<16xi32> to vector<16xi32>
    tpu.vector_store %arg9[%swap3A_587], %swap3A_590 {strides = array<i32>} : memref<4096xi32, #tpu.memory_space<vmem>>, vector<16xi32>,
    %add3A_591 = arith.constant 384 : i32
    %add3A_592 = vector.broadcast %add3A_591 : i32 to vector<16xi32>
    %add3A_593 = arith.addi %add3A_569, %add3A_592 : vector<16xi32>
    %swap3A_594 = arith.constant 1664 : index
    %swap3A_595 = tpu.vector_load %arg9[%swap3A_594] {strides = array<i32>} : memref<4096xi32, #tpu.memory_space<vmem>>, vector<16xi32>,
    %swap3A_596 = vector.shape_cast %swap3A_595 : vector<16xi32> to vector<16xi32>
    %swap3A_597 = vector.shape_cast %add3A_593 : vector<16xi32> to vector<16xi32>
    tpu.vector_store %arg9[%swap3A_594], %swap3A_597 {strides = array<i32>} : memref<4096xi32, #tpu.memory_space<vmem>>, vector<16xi32>,
    %add3A_598 = arith.constant 512 : i32
    %add3A_599 = vector.broadcast %add3A_598 : i32 to vector<16xi32>
    %add3A_600 = arith.addi %add3A_569, %add3A_599 : vector<16xi32>
    %swap3A_601 = arith.constant 2176 : index
    %swap3A_602 = tpu.vector_load %arg9[%swap3A_601] {strides = array<i32>} : memref<4096xi32, #tpu.memory_space<vmem>>, vector<16xi32>,
    %swap3A_603 = vector.shape_cast %swap3A_602 : vector<16xi32> to vector<16xi32>
    %swap3A_604 = vector.shape_cast %add3A_600 : vector<16xi32> to vector<16xi32>
    tpu.vector_store %arg9[%swap3A_601], %swap3A_604 {strides = array<i32>} : memref<4096xi32, #tpu.memory_space<vmem>>, vector<16xi32>,
    %add3A_605 = arith.constant 640 : i32
    %add3A_606 = vector.broadcast %add3A_605 : i32 to vector<16xi32>
    %add3A_607 = arith.addi %add3A_569, %add3A_606 : vector<16xi32>
    %swap3A_608 = arith.constant 2688 : index
    %swap3A_609 = tpu.vector_load %arg9[%swap3A_608] {strides = array<i32>} : memref<4096xi32, #tpu.memory_space<vmem>>, vector<16xi32>,
    %swap3A_610 = vector.shape_cast %swap3A_609 : vector<16xi32> to vector<16xi32>
    %swap3A_611 = vector.shape_cast %add3A_607 : vector<16xi32> to vector<16xi32>
    tpu.vector_store %arg9[%swap3A_608], %swap3A_611 {strides = array<i32>} : memref<4096xi32, #tpu.memory_space<vmem>>, vector<16xi32>,
    %add3A_612 = arith.constant 768 : i32
    %add3A_613 = vector.broadcast %add3A_612 : i32 to vector<16xi32>
    %add3A_614 = arith.addi %add3A_569, %add3A_613 : vector<16xi32>
    %swap3A_615 = arith.constant 3200 : index
    %swap3A_616 = tpu.vector_load %arg9[%swap3A_615] {strides = array<i32>} : memref<4096xi32, #tpu.memory_space<vmem>>, vector<16xi32>,
    %swap3A_617 = vector.shape_cast %swap3A_616 : vector<16xi32> to vector<16xi32>
    %swap3A_618 = vector.shape_cast %add3A_614 : vector<16xi32> to vector<16xi32>
    tpu.vector_store %arg9[%swap3A_615], %swap3A_618 {strides = array<i32>} : memref<4096xi32, #tpu.memory_space<vmem>>, vector<16xi32>,
    %add3A_619 = arith.constant 896 : i32
    %add3A_620 = vector.broadcast %add3A_619 : i32 to vector<16xi32>
    %add3A_621 = arith.addi %add3A_569, %add3A_620 : vector<16xi32>
    %swap3A_622 = arith.constant 3712 : index
    %swap3A_623 = tpu.vector_load %arg9[%swap3A_622] {strides = array<i32>} : memref<4096xi32, #tpu.memory_space<vmem>>, vector<16xi32>,
    %swap3A_624 = vector.shape_cast %swap3A_623 : vector<16xi32> to vector<16xi32>
    %swap3A_625 = vector.shape_cast %add3A_621 : vector<16xi32> to vector<16xi32>
    tpu.vector_store %arg9[%swap3A_622], %swap3A_625 {strides = array<i32>} : memref<4096xi32, #tpu.memory_space<vmem>>, vector<16xi32>,
    %get3A_626 = arith.constant 144 : index
    %get3A_627 = tpu.vector_load %arg7[%get3A_626] {strides = array<i32>} : memref<512xi32, #tpu.memory_space<vmem>>, vector<16xi32>,
    %get3A_628 = vector.shape_cast %get3A_627 : vector<16xi32> to vector<16xi32>
    %shift_right_logical3A_629 = arith.constant 7 : i32
    %shift_right_logical3A_630 = vector.broadcast %shift_right_logical3A_629 : i32 to vector<16xi32>
    %shift_right_logical3A_631 = arith.shrui %get3A_628, %shift_right_logical3A_630 : vector<16xi32>
    %mul3A_632 = arith.constant 1024 : i32
    %mul3A_633 = vector.broadcast %mul3A_632 : i32 to vector<16xi32>
    %mul3A_634 = arith.muli %shift_right_logical3A_631, %mul3A_633 : vector<16xi32>
    %and3A_635 = arith.constant 127 : i32
    %and3A_636 = vector.broadcast %and3A_635 : i32 to vector<16xi32>
    %and3A_637 = arith.andi %get3A_628, %and3A_636 : vector<16xi32>
    %add3A_638 = arith.addi %mul3A_634, %and3A_637 : vector<16xi32>
    %add3A_639 = arith.constant 0 : i32
    %add3A_640 = vector.broadcast %add3A_639 : i32 to vector<16xi32>
    %add3A_641 = arith.addi %add3A_638, %add3A_640 : vector<16xi32>
    %swap3A_642 = arith.constant 144 : index
    %swap3A_643 = tpu.vector_load %arg9[%swap3A_642] {strides = array<i32>} : memref<4096xi32, #tpu.memory_space<vmem>>, vector<16xi32>,
    %swap3A_644 = vector.shape_cast %swap3A_643 : vector<16xi32> to vector<16xi32>
    %swap3A_645 = vector.shape_cast %add3A_641 : vector<16xi32> to vector<16xi32>
    tpu.vector_store %arg9[%swap3A_642], %swap3A_645 {strides = array<i32>} : memref<4096xi32, #tpu.memory_space<vmem>>, vector<16xi32>,
    %add3A_646 = arith.constant 128 : i32
    %add3A_647 = vector.broadcast %add3A_646 : i32 to vector<16xi32>
    %add3A_648 = arith.addi %add3A_638, %add3A_647 : vector<16xi32>
    %swap3A_649 = arith.constant 656 : index
    %swap3A_650 = tpu.vector_load %arg9[%swap3A_649] {strides = array<i32>} : memref<4096xi32, #tpu.memory_space<vmem>>, vector<16xi32>,
    %swap3A_651 = vector.shape_cast %swap3A_650 : vector<16xi32> to vector<16xi32>
    %swap3A_652 = vector.shape_cast %add3A_648 : vector<16xi32> to vector<16xi32>
    tpu.vector_store %arg9[%swap3A_649], %swap3A_652 {strides = array<i32>} : memref<4096xi32, #tpu.memory_space<vmem>>, vector<16xi32>,
    %add3A_653 = arith.constant 256 : i32
    %add3A_654 = vector.broadcast %add3A_653 : i32 to vector<16xi32>
    %add3A_655 = arith.addi %add3A_638, %add3A_654 : vector<16xi32>
    %swap3A_656 = arith.constant 1168 : index
    %swap3A_657 = tpu.vector_load %arg9[%swap3A_656] {strides = array<i32>} : memref<4096xi32, #tpu.memory_space<vmem>>, vector<16xi32>,
    %swap3A_658 = vector.shape_cast %swap3A_657 : vector<16xi32> to vector<16xi32>
    %swap3A_659 = vector.shape_cast %add3A_655 : vector<16xi32> to vector<16xi32>
    tpu.vector_store %arg9[%swap3A_656], %swap3A_659 {strides = array<i32>} : memref<4096xi32, #tpu.memory_space<vmem>>, vector<16xi32>,
    %add3A_660 = arith.constant 384 : i32
    %add3A_661 = vector.broadcast %add3A_660 : i32 to vector<16xi32>
    %add3A_662 = arith.addi %add3A_638, %add3A_661 : vector<16xi32>
    %swap3A_663 = arith.constant 1680 : index
    %swap3A_664 = tpu.vector_load %arg9[%swap3A_663] {strides = array<i32>} : memref<4096xi32, #tpu.memory_space<vmem>>, vector<16xi32>,
    %swap3A_665 = vector.shape_cast %swap3A_664 : vector<16xi32> to vector<16xi32>
    %swap3A_666 = vector.shape_cast %add3A_662 : vector<16xi32> to vector<16xi32>
    tpu.vector_store %arg9[%swap3A_663], %swap3A_666 {strides = array<i32>} : memref<4096xi32, #tpu.memory_space<vmem>>, vector<16xi32>,
    %add3A_667 = arith.constant 512 : i32
    %add3A_668 = vector.broadcast %add3A_667 : i32 to vector<16xi32>
    %add3A_669 = arith.addi %add3A_638, %add3A_668 : vector<16xi32>
    %swap3A_670 = arith.constant 2192 : index
    %swap3A_671 = tpu.vector_load %arg9[%swap3A_670] {strides = array<i32>} : memref<4096xi32, #tpu.memory_space<vmem>>, vector<16xi32>,
    %swap3A_672 = vector.shape_cast %swap3A_671 : vector<16xi32> to vector<16xi32>
    %swap3A_673 = vector.shape_cast %add3A_669 : vector<16xi32> to vector<16xi32>
    tpu.vector_store %arg9[%swap3A_670], %swap3A_673 {strides = array<i32>} : memref<4096xi32, #tpu.memory_space<vmem>>, vector<16xi32>,
    %add3A_674 = arith.constant 640 : i32
    %add3A_675 = vector.broadcast %add3A_674 : i32 to vector<16xi32>
    %add3A_676 = arith.addi %add3A_638, %add3A_675 : vector<16xi32>
    %swap3A_677 = arith.constant 2704 : index
    %swap3A_678 = tpu.vector_load %arg9[%swap3A_677] {strides = array<i32>} : memref<4096xi32, #tpu.memory_space<vmem>>, vector<16xi32>,
    %swap3A_679 = vector.shape_cast %swap3A_678 : vector<16xi32> to vector<16xi32>
    %swap3A_680 = vector.shape_cast %add3A_676 : vector<16xi32> to vector<16xi32>
    tpu.vector_store %arg9[%swap3A_677], %swap3A_680 {strides = array<i32>} : memref<4096xi32, #tpu.memory_space<vmem>>, vector<16xi32>,
    %add3A_681 = arith.constant 768 : i32
    %add3A_682 = vector.broadcast %add3A_681 : i32 to vector<16xi32>
    %add3A_683 = arith.addi %add3A_638, %add3A_682 : vector<16xi32>
    %swap3A_684 = arith.constant 3216 : index
    %swap3A_685 = tpu.vector_load %arg9[%swap3A_684] {strides = array<i32>} : memref<4096xi32, #tpu.memory_space<vmem>>, vector<16xi32>,
    %swap3A_686 = vector.shape_cast %swap3A_685 : vector<16xi32> to vector<16xi32>
    %swap3A_687 = vector.shape_cast %add3A_683 : vector<16xi32> to vector<16xi32>
    tpu.vector_store %arg9[%swap3A_684], %swap3A_687 {strides = array<i32>} : memref<4096xi32, #tpu.memory_space<vmem>>, vector<16xi32>,
    %add3A_688 = arith.constant 896 : i32
    %add3A_689 = vector.broadcast %add3A_688 : i32 to vector<16xi32>
    %add3A_690 = arith.addi %add3A_638, %add3A_689 : vector<16xi32>
    %swap3A_691 = arith.constant 3728 : index
    %swap3A_692 = tpu.vector_load %arg9[%swap3A_691] {strides = array<i32>} : memref<4096xi32, #tpu.memory_space<vmem>>, vector<16xi32>,
    %swap3A_693 = vector.shape_cast %swap3A_692 : vector<16xi32> to vector<16xi32>
    %swap3A_694 = vector.shape_cast %add3A_690 : vector<16xi32> to vector<16xi32>
    tpu.vector_store %arg9[%swap3A_691], %swap3A_694 {strides = array<i32>} : memref<4096xi32, #tpu.memory_space<vmem>>, vector<16xi32>,
    %get3A_695 = arith.constant 160 : index
    %get3A_696 = tpu.vector_load %arg7[%get3A_695] {strides = array<i32>} : memref<512xi32, #tpu.memory_space<vmem>>, vector<16xi32>,
    %get3A_697 = vector.shape_cast %get3A_696 : vector<16xi32> to vector<16xi32>
    %shift_right_logical3A_698 = arith.constant 7 : i32
    %shift_right_logical3A_699 = vector.broadcast %shift_right_logical3A_698 : i32 to vector<16xi32>
    %shift_right_logical3A_700 = arith.shrui %get3A_697, %shift_right_logical3A_699 : vector<16xi32>
    %mul3A_701 = arith.constant 1024 : i32
    %mul3A_702 = vector.broadcast %mul3A_701 : i32 to vector<16xi32>
    %mul3A_703 = arith.muli %shift_right_logical3A_700, %mul3A_702 : vector<16xi32>
    %and3A_704 = arith.constant 127 : i32
    %and3A_705 = vector.broadcast %and3A_704 : i32 to vector<16xi32>
    %and3A_706 = arith.andi %get3A_697, %and3A_705 : vector<16xi32>
    %add3A_707 = arith.addi %mul3A_703, %and3A_706 : vector<16xi32>
    %add3A_708 = arith.constant 0 : i32
    %add3A_709 = vector.broadcast %add3A_708 : i32 to vector<16xi32>
    %add3A_710 = arith.addi %add3A_707, %add3A_709 : vector<16xi32>
    %swap3A_711 = arith.constant 160 : index
    %swap3A_712 = tpu.vector_load %arg9[%swap3A_711] {strides = array<i32>} : memref<4096xi32, #tpu.memory_space<vmem>>, vector<16xi32>,
    %swap3A_713 = vector.shape_cast %swap3A_712 : vector<16xi32> to vector<16xi32>
    %swap3A_714 = vector.shape_cast %add3A_710 : vector<16xi32> to vector<16xi32>
    tpu.vector_store %arg9[%swap3A_711], %swap3A_714 {strides = array<i32>} : memref<4096xi32, #tpu.memory_space<vmem>>, vector<16xi32>,
    %add3A_715 = arith.constant 128 : i32
    %add3A_716 = vector.broadcast %add3A_715 : i32 to vector<16xi32>
    %add3A_717 = arith.addi %add3A_707, %add3A_716 : vector<16xi32>
    %swap3A_718 = arith.constant 672 : index
    %swap3A_719 = tpu.vector_load %arg9[%swap3A_718] {strides = array<i32>} : memref<4096xi32, #tpu.memory_space<vmem>>, vector<16xi32>,
    %swap3A_720 = vector.shape_cast %swap3A_719 : vector<16xi32> to vector<16xi32>
    %swap3A_721 = vector.shape_cast %add3A_717 : vector<16xi32> to vector<16xi32>
    tpu.vector_store %arg9[%swap3A_718], %swap3A_721 {strides = array<i32>} : memref<4096xi32, #tpu.memory_space<vmem>>, vector<16xi32>,
    %add3A_722 = arith.constant 256 : i32
    %add3A_723 = vector.broadcast %add3A_722 : i32 to vector<16xi32>
    %add3A_724 = arith.addi %add3A_707, %add3A_723 : vector<16xi32>
    %swap3A_725 = arith.constant 1184 : index
    %swap3A_726 = tpu.vector_load %arg9[%swap3A_725] {strides = array<i32>} : memref<4096xi32, #tpu.memory_space<vmem>>, vector<16xi32>,
    %swap3A_727 = vector.shape_cast %swap3A_726 : vector<16xi32> to vector<16xi32>
    %swap3A_728 = vector.shape_cast %add3A_724 : vector<16xi32> to vector<16xi32>
    tpu.vector_store %arg9[%swap3A_725], %swap3A_728 {strides = array<i32>} : memref<4096xi32, #tpu.memory_space<vmem>>, vector<16xi32>,
    %add3A_729 = arith.constant 384 : i32
    %add3A_730 = vector.broadcast %add3A_729 : i32 to vector<16xi32>
    %add3A_731 = arith.addi %add3A_707, %add3A_730 : vector<16xi32>
    %swap3A_732 = arith.constant 1696 : index
    %swap3A_733 = tpu.vector_load %arg9[%swap3A_732] {strides = array<i32>} : memref<4096xi32, #tpu.memory_space<vmem>>, vector<16xi32>,
    %swap3A_734 = vector.shape_cast %swap3A_733 : vector<16xi32> to vector<16xi32>
    %swap3A_735 = vector.shape_cast %add3A_731 : vector<16xi32> to vector<16xi32>
    tpu.vector_store %arg9[%swap3A_732], %swap3A_735 {strides = array<i32>} : memref<4096xi32, #tpu.memory_space<vmem>>, vector<16xi32>,
    %add3A_736 = arith.constant 512 : i32
    %add3A_737 = vector.broadcast %add3A_736 : i32 to vector<16xi32>
    %add3A_738 = arith.addi %add3A_707, %add3A_737 : vector<16xi32>
    %swap3A_739 = arith.constant 2208 : index
    %swap3A_740 = tpu.vector_load %arg9[%swap3A_739] {strides = array<i32>} : memref<4096xi32, #tpu.memory_space<vmem>>, vector<16xi32>,
    %swap3A_741 = vector.shape_cast %swap3A_740 : vector<16xi32> to vector<16xi32>
    %swap3A_742 = vector.shape_cast %add3A_738 : vector<16xi32> to vector<16xi32>
    tpu.vector_store %arg9[%swap3A_739], %swap3A_742 {strides = array<i32>} : memref<4096xi32, #tpu.memory_space<vmem>>, vector<16xi32>,
    %add3A_743 = arith.constant 640 : i32
    %add3A_744 = vector.broadcast %add3A_743 : i32 to vector<16xi32>
    %add3A_745 = arith.addi %add3A_707, %add3A_744 : vector<16xi32>
    %swap3A_746 = arith.constant 2720 : index
    %swap3A_747 = tpu.vector_load %arg9[%swap3A_746] {strides = array<i32>} : memref<4096xi32, #tpu.memory_space<vmem>>, vector<16xi32>,
    %swap3A_748 = vector.shape_cast %swap3A_747 : vector<16xi32> to vector<16xi32>
    %swap3A_749 = vector.shape_cast %add3A_745 : vector<16xi32> to vector<16xi32>
    tpu.vector_store %arg9[%swap3A_746], %swap3A_749 {strides = array<i32>} : memref<4096xi32, #tpu.memory_space<vmem>>, vector<16xi32>,
    %add3A_750 = arith.constant 768 : i32
    %add3A_751 = vector.broadcast %add3A_750 : i32 to vector<16xi32>
    %add3A_752 = arith.addi %add3A_707, %add3A_751 : vector<16xi32>
    %swap3A_753 = arith.constant 3232 : index
    %swap3A_754 = tpu.vector_load %arg9[%swap3A_753] {strides = array<i32>} : memref<4096xi32, #tpu.memory_space<vmem>>, vector<16xi32>,
    %swap3A_755 = vector.shape_cast %swap3A_754 : vector<16xi32> to vector<16xi32>
    %swap3A_756 = vector.shape_cast %add3A_752 : vector<16xi32> to vector<16xi32>
    tpu.vector_store %arg9[%swap3A_753], %swap3A_756 {strides = array<i32>} : memref<4096xi32, #tpu.memory_space<vmem>>, vector<16xi32>,
    %add3A_757 = arith.constant 896 : i32
    %add3A_758 = vector.broadcast %add3A_757 : i32 to vector<16xi32>
    %add3A_759 = arith.addi %add3A_707, %add3A_758 : vector<16xi32>
    %swap3A_760 = arith.constant 3744 : index
    %swap3A_761 = tpu.vector_load %arg9[%swap3A_760] {strides = array<i32>} : memref<4096xi32, #tpu.memory_space<vmem>>, vector<16xi32>,
    %swap3A_762 = vector.shape_cast %swap3A_761 : vector<16xi32> to vector<16xi32>
    %swap3A_763 = vector.shape_cast %add3A_759 : vector<16xi32> to vector<16xi32>
    tpu.vector_store %arg9[%swap3A_760], %swap3A_763 {strides = array<i32>} : memref<4096xi32, #tpu.memory_space<vmem>>, vector<16xi32>,
    %get3A_764 = arith.constant 176 : index
    %get3A_765 = tpu.vector_load %arg7[%get3A_764] {strides = array<i32>} : memref<512xi32, #tpu.memory_space<vmem>>, vector<16xi32>,
    %get3A_766 = vector.shape_cast %get3A_765 : vector<16xi32> to vector<16xi32>
    %shift_right_logical3A_767 = arith.constant 7 : i32
    %shift_right_logical3A_768 = vector.broadcast %shift_right_logical3A_767 : i32 to vector<16xi32>
    %shift_right_logical3A_769 = arith.shrui %get3A_766, %shift_right_logical3A_768 : vector<16xi32>
    %mul3A_770 = arith.constant 1024 : i32
    %mul3A_771 = vector.broadcast %mul3A_770 : i32 to vector<16xi32>
    %mul3A_772 = arith.muli %shift_right_logical3A_769, %mul3A_771 : vector<16xi32>
    %and3A_773 = arith.constant 127 : i32
    %and3A_774 = vector.broadcast %and3A_773 : i32 to vector<16xi32>
    %and3A_775 = arith.andi %get3A_766, %and3A_774 : vector<16xi32>
    %add3A_776 = arith.addi %mul3A_772, %and3A_775 : vector<16xi32>
    %add3A_777 = arith.constant 0 : i32
    %add3A_778 = vector.broadcast %add3A_777 : i32 to vector<16xi32>
    %add3A_779 = arith.addi %add3A_776, %add3A_778 : vector<16xi32>
    %swap3A_780 = arith.constant 176 : index
    %swap3A_781 = tpu.vector_load %arg9[%swap3A_780] {strides = array<i32>} : memref<4096xi32, #tpu.memory_space<vmem>>, vector<16xi32>,
    %swap3A_782 = vector.shape_cast %swap3A_781 : vector<16xi32> to vector<16xi32>
    %swap3A_783 = vector.shape_cast %add3A_779 : vector<16xi32> to vector<16xi32>
    tpu.vector_store %arg9[%swap3A_780], %swap3A_783 {strides = array<i32>} : memref<4096xi32, #tpu.memory_space<vmem>>, vector<16xi32>,
    %add3A_784 = arith.constant 128 : i32
    %add3A_785 = vector.broadcast %add3A_784 : i32 to vector<16xi32>
    %add3A_786 = arith.addi %add3A_776, %add3A_785 : vector<16xi32>
    %swap3A_787 = arith.constant 688 : index
    %swap3A_788 = tpu.vector_load %arg9[%swap3A_787] {strides = array<i32>} : memref<4096xi32, #tpu.memory_space<vmem>>, vector<16xi32>,
    %swap3A_789 = vector.shape_cast %swap3A_788 : vector<16xi32> to vector<16xi32>
    %swap3A_790 = vector.shape_cast %add3A_786 : vector<16xi32> to vector<16xi32>
    tpu.vector_store %arg9[%swap3A_787], %swap3A_790 {strides = array<i32>} : memref<4096xi32, #tpu.memory_space<vmem>>, vector<16xi32>,
    %add3A_791 = arith.constant 256 : i32
    %add3A_792 = vector.broadcast %add3A_791 : i32 to vector<16xi32>
    %add3A_793 = arith.addi %add3A_776, %add3A_792 : vector<16xi32>
    %swap3A_794 = arith.constant 1200 : index
    %swap3A_795 = tpu.vector_load %arg9[%swap3A_794] {strides = array<i32>} : memref<4096xi32, #tpu.memory_space<vmem>>, vector<16xi32>,
    %swap3A_796 = vector.shape_cast %swap3A_795 : vector<16xi32> to vector<16xi32>
    %swap3A_797 = vector.shape_cast %add3A_793 : vector<16xi32> to vector<16xi32>
    tpu.vector_store %arg9[%swap3A_794], %swap3A_797 {strides = array<i32>} : memref<4096xi32, #tpu.memory_space<vmem>>, vector<16xi32>,
    %add3A_798 = arith.constant 384 : i32
    %add3A_799 = vector.broadcast %add3A_798 : i32 to vector<16xi32>
    %add3A_800 = arith.addi %add3A_776, %add3A_799 : vector<16xi32>
    %swap3A_801 = arith.constant 1712 : index
    %swap3A_802 = tpu.vector_load %arg9[%swap3A_801] {strides = array<i32>} : memref<4096xi32, #tpu.memory_space<vmem>>, vector<16xi32>,
    %swap3A_803 = vector.shape_cast %swap3A_802 : vector<16xi32> to vector<16xi32>
    %swap3A_804 = vector.shape_cast %add3A_800 : vector<16xi32> to vector<16xi32>
    tpu.vector_store %arg9[%swap3A_801], %swap3A_804 {strides = array<i32>} : memref<4096xi32, #tpu.memory_space<vmem>>, vector<16xi32>,
    %add3A_805 = arith.constant 512 : i32
    %add3A_806 = vector.broadcast %add3A_805 : i32 to vector<16xi32>
    %add3A_807 = arith.addi %add3A_776, %add3A_806 : vector<16xi32>
    %swap3A_808 = arith.constant 2224 : index
    %swap3A_809 = tpu.vector_load %arg9[%swap3A_808] {strides = array<i32>} : memref<4096xi32, #tpu.memory_space<vmem>>, vector<16xi32>,
    %swap3A_810 = vector.shape_cast %swap3A_809 : vector<16xi32> to vector<16xi32>
    %swap3A_811 = vector.shape_cast %add3A_807 : vector<16xi32> to vector<16xi32>
    tpu.vector_store %arg9[%swap3A_808], %swap3A_811 {strides = array<i32>} : memref<4096xi32, #tpu.memory_space<vmem>>, vector<16xi32>,
    %add3A_812 = arith.constant 640 : i32
    %add3A_813 = vector.broadcast %add3A_812 : i32 to vector<16xi32>
    %add3A_814 = arith.addi %add3A_776, %add3A_813 : vector<16xi32>
    %swap3A_815 = arith.constant 2736 : index
    %swap3A_816 = tpu.vector_load %arg9[%swap3A_815] {strides = array<i32>} : memref<4096xi32, #tpu.memory_space<vmem>>, vector<16xi32>,
    %swap3A_817 = vector.shape_cast %swap3A_816 : vector<16xi32> to vector<16xi32>
    %swap3A_818 = vector.shape_cast %add3A_814 : vector<16xi32> to vector<16xi32>
    tpu.vector_store %arg9[%swap3A_815], %swap3A_818 {strides = array<i32>} : memref<4096xi32, #tpu.memory_space<vmem>>, vector<16xi32>,
    %add3A_819 = arith.constant 768 : i32
    %add3A_820 = vector.broadcast %add3A_819 : i32 to vector<16xi32>
    %add3A_821 = arith.addi %add3A_776, %add3A_820 : vector<16xi32>
    %swap3A_822 = arith.constant 3248 : index
    %swap3A_823 = tpu.vector_load %arg9[%swap3A_822] {strides = array<i32>} : memref<4096xi32, #tpu.memory_space<vmem>>, vector<16xi32>,
    %swap3A_824 = vector.shape_cast %swap3A_823 : vector<16xi32> to vector<16xi32>
    %swap3A_825 = vector.shape_cast %add3A_821 : vector<16xi32> to vector<16xi32>
    tpu.vector_store %arg9[%swap3A_822], %swap3A_825 {strides = array<i32>} : memref<4096xi32, #tpu.memory_space<vmem>>, vector<16xi32>,
    %add3A_826 = arith.constant 896 : i32
    %add3A_827 = vector.broadcast %add3A_826 : i32 to vector<16xi32>
    %add3A_828 = arith.addi %add3A_776, %add3A_827 : vector<16xi32>
    %swap3A_829 = arith.constant 3760 : index
    %swap3A_830 = tpu.vector_load %arg9[%swap3A_829] {strides = array<i32>} : memref<4096xi32, #tpu.memory_space<vmem>>, vector<16xi32>,
    %swap3A_831 = vector.shape_cast %swap3A_830 : vector<16xi32> to vector<16xi32>
    %swap3A_832 = vector.shape_cast %add3A_828 : vector<16xi32> to vector<16xi32>
    tpu.vector_store %arg9[%swap3A_829], %swap3A_832 {strides = array<i32>} : memref<4096xi32, #tpu.memory_space<vmem>>, vector<16xi32>,
    %get3A_833 = arith.constant 192 : index
    %get3A_834 = tpu.vector_load %arg7[%get3A_833] {strides = array<i32>} : memref<512xi32, #tpu.memory_space<vmem>>, vector<16xi32>,
    %get3A_835 = vector.shape_cast %get3A_834 : vector<16xi32> to vector<16xi32>
    %shift_right_logical3A_836 = arith.constant 7 : i32
    %shift_right_logical3A_837 = vector.broadcast %shift_right_logical3A_836 : i32 to vector<16xi32>
    %shift_right_logical3A_838 = arith.shrui %get3A_835, %shift_right_logical3A_837 : vector<16xi32>
    %mul3A_839 = arith.constant 1024 : i32
    %mul3A_840 = vector.broadcast %mul3A_839 : i32 to vector<16xi32>
    %mul3A_841 = arith.muli %shift_right_logical3A_838, %mul3A_840 : vector<16xi32>
    %and3A_842 = arith.constant 127 : i32
    %and3A_843 = vector.broadcast %and3A_842 : i32 to vector<16xi32>
    %and3A_844 = arith.andi %get3A_835, %and3A_843 : vector<16xi32>
    %add3A_845 = arith.addi %mul3A_841, %and3A_844 : vector<16xi32>
    %add3A_846 = arith.constant 0 : i32
    %add3A_847 = vector.broadcast %add3A_846 : i32 to vector<16xi32>
    %add3A_848 = arith.addi %add3A_845, %add3A_847 : vector<16xi32>
    %swap3A_849 = arith.constant 192 : index
    %swap3A_850 = tpu.vector_load %arg9[%swap3A_849] {strides = array<i32>} : memref<4096xi32, #tpu.memory_space<vmem>>, vector<16xi32>,
    %swap3A_851 = vector.shape_cast %swap3A_850 : vector<16xi32> to vector<16xi32>
    %swap3A_852 = vector.shape_cast %add3A_848 : vector<16xi32> to vector<16xi32>
    tpu.vector_store %arg9[%swap3A_849], %swap3A_852 {strides = array<i32>} : memref<4096xi32, #tpu.memory_space<vmem>>, vector<16xi32>,
    %add3A_853 = arith.constant 128 : i32
    %add3A_854 = vector.broadcast %add3A_853 : i32 to vector<16xi32>
    %add3A_855 = arith.addi %add3A_845, %add3A_854 : vector<16xi32>
    %swap3A_856 = arith.constant 704 : index
    %swap3A_857 = tpu.vector_load %arg9[%swap3A_856] {strides = array<i32>} : memref<4096xi32, #tpu.memory_space<vmem>>, vector<16xi32>,
    %swap3A_858 = vector.shape_cast %swap3A_857 : vector<16xi32> to vector<16xi32>
    %swap3A_859 = vector.shape_cast %add3A_855 : vector<16xi32> to vector<16xi32>
    tpu.vector_store %arg9[%swap3A_856], %swap3A_859 {strides = array<i32>} : memref<4096xi32, #tpu.memory_space<vmem>>, vector<16xi32>,
    %add3A_860 = arith.constant 256 : i32
    %add3A_861 = vector.broadcast %add3A_860 : i32 to vector<16xi32>
    %add3A_862 = arith.addi %add3A_845, %add3A_861 : vector<16xi32>
    %swap3A_863 = arith.constant 1216 : index
    %swap3A_864 = tpu.vector_load %arg9[%swap3A_863] {strides = array<i32>} : memref<4096xi32, #tpu.memory_space<vmem>>, vector<16xi32>,
    %swap3A_865 = vector.shape_cast %swap3A_864 : vector<16xi32> to vector<16xi32>
    %swap3A_866 = vector.shape_cast %add3A_862 : vector<16xi32> to vector<16xi32>
    tpu.vector_store %arg9[%swap3A_863], %swap3A_866 {strides = array<i32>} : memref<4096xi32, #tpu.memory_space<vmem>>, vector<16xi32>,
    %add3A_867 = arith.constant 384 : i32
    %add3A_868 = vector.broadcast %add3A_867 : i32 to vector<16xi32>
    %add3A_869 = arith.addi %add3A_845, %add3A_868 : vector<16xi32>
    %swap3A_870 = arith.constant 1728 : index
    %swap3A_871 = tpu.vector_load %arg9[%swap3A_870] {strides = array<i32>} : memref<4096xi32, #tpu.memory_space<vmem>>, vector<16xi32>,
    %swap3A_872 = vector.shape_cast %swap3A_871 : vector<16xi32> to vector<16xi32>
    %swap3A_873 = vector.shape_cast %add3A_869 : vector<16xi32> to vector<16xi32>
    tpu.vector_store %arg9[%swap3A_870], %swap3A_873 {strides = array<i32>} : memref<4096xi32, #tpu.memory_space<vmem>>, vector<16xi32>,
    %add3A_874 = arith.constant 512 : i32
    %add3A_875 = vector.broadcast %add3A_874 : i32 to vector<16xi32>
    %add3A_876 = arith.addi %add3A_845, %add3A_875 : vector<16xi32>
    %swap3A_877 = arith.constant 2240 : index
    %swap3A_878 = tpu.vector_load %arg9[%swap3A_877] {strides = array<i32>} : memref<4096xi32, #tpu.memory_space<vmem>>, vector<16xi32>,
    %swap3A_879 = vector.shape_cast %swap3A_878 : vector<16xi32> to vector<16xi32>
    %swap3A_880 = vector.shape_cast %add3A_876 : vector<16xi32> to vector<16xi32>
    tpu.vector_store %arg9[%swap3A_877], %swap3A_880 {strides = array<i32>} : memref<4096xi32, #tpu.memory_space<vmem>>, vector<16xi32>,
    %add3A_881 = arith.constant 640 : i32
    %add3A_882 = vector.broadcast %add3A_881 : i32 to vector<16xi32>
    %add3A_883 = arith.addi %add3A_845, %add3A_882 : vector<16xi32>
    %swap3A_884 = arith.constant 2752 : index
    %swap3A_885 = tpu.vector_load %arg9[%swap3A_884] {strides = array<i32>} : memref<4096xi32, #tpu.memory_space<vmem>>, vector<16xi32>,
    %swap3A_886 = vector.shape_cast %swap3A_885 : vector<16xi32> to vector<16xi32>
    %swap3A_887 = vector.shape_cast %add3A_883 : vector<16xi32> to vector<16xi32>
    tpu.vector_store %arg9[%swap3A_884], %swap3A_887 {strides = array<i32>} : memref<4096xi32, #tpu.memory_space<vmem>>, vector<16xi32>,
    %add3A_888 = arith.constant 768 : i32
    %add3A_889 = vector.broadcast %add3A_888 : i32 to vector<16xi32>
    %add3A_890 = arith.addi %add3A_845, %add3A_889 : vector<16xi32>
    %swap3A_891 = arith.constant 3264 : index
    %swap3A_892 = tpu.vector_load %arg9[%swap3A_891] {strides = array<i32>} : memref<4096xi32, #tpu.memory_space<vmem>>, vector<16xi32>,
    %swap3A_893 = vector.shape_cast %swap3A_892 : vector<16xi32> to vector<16xi32>
    %swap3A_894 = vector.shape_cast %add3A_890 : vector<16xi32> to vector<16xi32>
    tpu.vector_store %arg9[%swap3A_891], %swap3A_894 {strides = array<i32>} : memref<4096xi32, #tpu.memory_space<vmem>>, vector<16xi32>,
    %add3A_895 = arith.constant 896 : i32
    %add3A_896 = vector.broadcast %add3A_895 : i32 to vector<16xi32>
    %add3A_897 = arith.addi %add3A_845, %add3A_896 : vector<16xi32>
    %swap3A_898 = arith.constant 3776 : index
    %swap3A_899 = tpu.vector_load %arg9[%swap3A_898] {strides = array<i32>} : memref<4096xi32, #tpu.memory_space<vmem>>, vector<16xi32>,
    %swap3A_900 = vector.shape_cast %swap3A_899 : vector<16xi32> to vector<16xi32>
    %swap3A_901 = vector.shape_cast %add3A_897 : vector<16xi32> to vector<16xi32>
    tpu.vector_store %arg9[%swap3A_898], %swap3A_901 {strides = array<i32>} : memref<4096xi32, #tpu.memory_space<vmem>>, vector<16xi32>,
    %get3A_902 = arith.constant 208 : index
    %get3A_903 = tpu.vector_load %arg7[%get3A_902] {strides = array<i32>} : memref<512xi32, #tpu.memory_space<vmem>>, vector<16xi32>,
    %get3A_904 = vector.shape_cast %get3A_903 : vector<16xi32> to vector<16xi32>
    %shift_right_logical3A_905 = arith.constant 7 : i32
    %shift_right_logical3A_906 = vector.broadcast %shift_right_logical3A_905 : i32 to vector<16xi32>
    %shift_right_logical3A_907 = arith.shrui %get3A_904, %shift_right_logical3A_906 : vector<16xi32>
    %mul3A_908 = arith.constant 1024 : i32
    %mul3A_909 = vector.broadcast %mul3A_908 : i32 to vector<16xi32>
    %mul3A_910 = arith.muli %shift_right_logical3A_907, %mul3A_909 : vector<16xi32>
    %and3A_911 = arith.constant 127 : i32
    %and3A_912 = vector.broadcast %and3A_911 : i32 to vector<16xi32>
    %and3A_913 = arith.andi %get3A_904, %and3A_912 : vector<16xi32>
    %add3A_914 = arith.addi %mul3A_910, %and3A_913 : vector<16xi32>
    %add3A_915 = arith.constant 0 : i32
    %add3A_916 = vector.broadcast %add3A_915 : i32 to vector<16xi32>
    %add3A_917 = arith.addi %add3A_914, %add3A_916 : vector<16xi32>
    %swap3A_918 = arith.constant 208 : index
    %swap3A_919 = tpu.vector_load %arg9[%swap3A_918] {strides = array<i32>} : memref<4096xi32, #tpu.memory_space<vmem>>, vector<16xi32>,
    %swap3A_920 = vector.shape_cast %swap3A_919 : vector<16xi32> to vector<16xi32>
    %swap3A_921 = vector.shape_cast %add3A_917 : vector<16xi32> to vector<16xi32>
    tpu.vector_store %arg9[%swap3A_918], %swap3A_921 {strides = array<i32>} : memref<4096xi32, #tpu.memory_space<vmem>>, vector<16xi32>,
    %add3A_922 = arith.constant 128 : i32
    %add3A_923 = vector.broadcast %add3A_922 : i32 to vector<16xi32>
    %add3A_924 = arith.addi %add3A_914, %add3A_923 : vector<16xi32>
    %swap3A_925 = arith.constant 720 : index
    %swap3A_926 = tpu.vector_load %arg9[%swap3A_925] {strides = array<i32>} : memref<4096xi32, #tpu.memory_space<vmem>>, vector<16xi32>,
    %swap3A_927 = vector.shape_cast %swap3A_926 : vector<16xi32> to vector<16xi32>
    %swap3A_928 = vector.shape_cast %add3A_924 : vector<16xi32> to vector<16xi32>
    tpu.vector_store %arg9[%swap3A_925], %swap3A_928 {strides = array<i32>} : memref<4096xi32, #tpu.memory_space<vmem>>, vector<16xi32>,
    %add3A_929 = arith.constant 256 : i32
    %add3A_930 = vector.broadcast %add3A_929 : i32 to vector<16xi32>
    %add3A_931 = arith.addi %add3A_914, %add3A_930 : vector<16xi32>
    %swap3A_932 = arith.constant 1232 : index
    %swap3A_933 = tpu.vector_load %arg9[%swap3A_932] {strides = array<i32>} : memref<4096xi32, #tpu.memory_space<vmem>>, vector<16xi32>,
    %swap3A_934 = vector.shape_cast %swap3A_933 : vector<16xi32> to vector<16xi32>
    %swap3A_935 = vector.shape_cast %add3A_931 : vector<16xi32> to vector<16xi32>
    tpu.vector_store %arg9[%swap3A_932], %swap3A_935 {strides = array<i32>} : memref<4096xi32, #tpu.memory_space<vmem>>, vector<16xi32>,
    %add3A_936 = arith.constant 384 : i32
    %add3A_937 = vector.broadcast %add3A_936 : i32 to vector<16xi32>
    %add3A_938 = arith.addi %add3A_914, %add3A_937 : vector<16xi32>
    %swap3A_939 = arith.constant 1744 : index
    %swap3A_940 = tpu.vector_load %arg9[%swap3A_939] {strides = array<i32>} : memref<4096xi32, #tpu.memory_space<vmem>>, vector<16xi32>,
    %swap3A_941 = vector.shape_cast %swap3A_940 : vector<16xi32> to vector<16xi32>
    %swap3A_942 = vector.shape_cast %add3A_938 : vector<16xi32> to vector<16xi32>
    tpu.vector_store %arg9[%swap3A_939], %swap3A_942 {strides = array<i32>} : memref<4096xi32, #tpu.memory_space<vmem>>, vector<16xi32>,
    %add3A_943 = arith.constant 512 : i32
    %add3A_944 = vector.broadcast %add3A_943 : i32 to vector<16xi32>
    %add3A_945 = arith.addi %add3A_914, %add3A_944 : vector<16xi32>
    %swap3A_946 = arith.constant 2256 : index
    %swap3A_947 = tpu.vector_load %arg9[%swap3A_946] {strides = array<i32>} : memref<4096xi32, #tpu.memory_space<vmem>>, vector<16xi32>,
    %swap3A_948 = vector.shape_cast %swap3A_947 : vector<16xi32> to vector<16xi32>
    %swap3A_949 = vector.shape_cast %add3A_945 : vector<16xi32> to vector<16xi32>
    tpu.vector_store %arg9[%swap3A_946], %swap3A_949 {strides = array<i32>} : memref<4096xi32, #tpu.memory_space<vmem>>, vector<16xi32>,
    %add3A_950 = arith.constant 640 : i32
    %add3A_951 = vector.broadcast %add3A_950 : i32 to vector<16xi32>
    %add3A_952 = arith.addi %add3A_914, %add3A_951 : vector<16xi32>
    %swap3A_953 = arith.constant 2768 : index
    %swap3A_954 = tpu.vector_load %arg9[%swap3A_953] {strides = array<i32>} : memref<4096xi32, #tpu.memory_space<vmem>>, vector<16xi32>,
    %swap3A_955 = vector.shape_cast %swap3A_954 : vector<16xi32> to vector<16xi32>
    %swap3A_956 = vector.shape_cast %add3A_952 : vector<16xi32> to vector<16xi32>
    tpu.vector_store %arg9[%swap3A_953], %swap3A_956 {strides = array<i32>} : memref<4096xi32, #tpu.memory_space<vmem>>, vector<16xi32>,
    %add3A_957 = arith.constant 768 : i32
    %add3A_958 = vector.broadcast %add3A_957 : i32 to vector<16xi32>
    %add3A_959 = arith.addi %add3A_914, %add3A_958 : vector<16xi32>
    %swap3A_960 = arith.constant 3280 : index
    %swap3A_961 = tpu.vector_load %arg9[%swap3A_960] {strides = array<i32>} : memref<4096xi32, #tpu.memory_space<vmem>>, vector<16xi32>,
    %swap3A_962 = vector.shape_cast %swap3A_961 : vector<16xi32> to vector<16xi32>
    %swap3A_963 = vector.shape_cast %add3A_959 : vector<16xi32> to vector<16xi32>
    tpu.vector_store %arg9[%swap3A_960], %swap3A_963 {strides = array<i32>} : memref<4096xi32, #tpu.memory_space<vmem>>, vector<16xi32>,
    %add3A_964 = arith.constant 896 : i32
    %add3A_965 = vector.broadcast %add3A_964 : i32 to vector<16xi32>
    %add3A_966 = arith.addi %add3A_914, %add3A_965 : vector<16xi32>
    %swap3A_967 = arith.constant 3792 : index
    %swap3A_968 = tpu.vector_load %arg9[%swap3A_967] {strides = array<i32>} : memref<4096xi32, #tpu.memory_space<vmem>>, vector<16xi32>,
    %swap3A_969 = vector.shape_cast %swap3A_968 : vector<16xi32> to vector<16xi32>
    %swap3A_970 = vector.shape_cast %add3A_966 : vector<16xi32> to vector<16xi32>
    tpu.vector_store %arg9[%swap3A_967], %swap3A_970 {strides = array<i32>} : memref<4096xi32, #tpu.memory_space<vmem>>, vector<16xi32>,
    %get3A_971 = arith.constant 224 : index
    %get3A_972 = tpu.vector_load %arg7[%get3A_971] {strides = array<i32>} : memref<512xi32, #tpu.memory_space<vmem>>, vector<16xi32>,
    %get3A_973 = vector.shape_cast %get3A_972 : vector<16xi32> to vector<16xi32>
    %shift_right_logical3A_974 = arith.constant 7 : i32
    %shift_right_logical3A_975 = vector.broadcast %shift_right_logical3A_974 : i32 to vector<16xi32>
    %shift_right_logical3A_976 = arith.shrui %get3A_973, %shift_right_logical3A_975 : vector<16xi32>
    %mul3A_977 = arith.constant 1024 : i32
    %mul3A_978 = vector.broadcast %mul3A_977 : i32 to vector<16xi32>
    %mul3A_979 = arith.muli %shift_right_logical3A_976, %mul3A_978 : vector<16xi32>
    %and3A_980 = arith.constant 127 : i32
    %and3A_981 = vector.broadcast %and3A_980 : i32 to vector<16xi32>
    %and3A_982 = arith.andi %get3A_973, %and3A_981 : vector<16xi32>
    %add3A_983 = arith.addi %mul3A_979, %and3A_982 : vector<16xi32>
    %add3A_984 = arith.constant 0 : i32
    %add3A_985 = vector.broadcast %add3A_984 : i32 to vector<16xi32>
    %add3A_986 = arith.addi %add3A_983, %add3A_985 : vector<16xi32>
    %swap3A_987 = arith.constant 224 : index
    %swap3A_988 = tpu.vector_load %arg9[%swap3A_987] {strides = array<i32>} : memref<4096xi32, #tpu.memory_space<vmem>>, vector<16xi32>,
    %swap3A_989 = vector.shape_cast %swap3A_988 : vector<16xi32> to vector<16xi32>
    %swap3A_990 = vector.shape_cast %add3A_986 : vector<16xi32> to vector<16xi32>
    tpu.vector_store %arg9[%swap3A_987], %swap3A_990 {strides = array<i32>} : memref<4096xi32, #tpu.memory_space<vmem>>, vector<16xi32>,
    %add3A_991 = arith.constant 128 : i32
    %add3A_992 = vector.broadcast %add3A_991 : i32 to vector<16xi32>
    %add3A_993 = arith.addi %add3A_983, %add3A_992 : vector<16xi32>
    %swap3A_994 = arith.constant 736 : index
    %swap3A_995 = tpu.vector_load %arg9[%swap3A_994] {strides = array<i32>} : memref<4096xi32, #tpu.memory_space<vmem>>, vector<16xi32>,
    %swap3A_996 = vector.shape_cast %swap3A_995 : vector<16xi32> to vector<16xi32>
    %swap3A_997 = vector.shape_cast %add3A_993 : vector<16xi32> to vector<16xi32>
    tpu.vector_store %arg9[%swap3A_994], %swap3A_997 {strides = array<i32>} : memref<4096xi32, #tpu.memory_space<vmem>>, vector<16xi32>,
    %add3A_998 = arith.constant 256 : i32
    %add3A_999 = vector.broadcast %add3A_998 : i32 to vector<16xi32>
    %add3A_1000 = arith.addi %add3A_983, %add3A_999 : vector<16xi32>
    %swap3A_1001 = arith.constant 1248 : index
    %swap3A_1002 = tpu.vector_load %arg9[%swap3A_1001] {strides = array<i32>} : memref<4096xi32, #tpu.memory_space<vmem>>, vector<16xi32>,
    %swap3A_1003 = vector.shape_cast %swap3A_1002 : vector<16xi32> to vector<16xi32>
    %swap3A_1004 = vector.shape_cast %add3A_1000 : vector<16xi32> to vector<16xi32>
    tpu.vector_store %arg9[%swap3A_1001], %swap3A_1004 {strides = array<i32>} : memref<4096xi32, #tpu.memory_space<vmem>>, vector<16xi32>,
    %add3A_1005 = arith.constant 384 : i32
    %add3A_1006 = vector.broadcast %add3A_1005 : i32 to vector<16xi32>
    %add3A_1007 = arith.addi %add3A_983, %add3A_1006 : vector<16xi32>
    %swap3A_1008 = arith.constant 1760 : index
    %swap3A_1009 = tpu.vector_load %arg9[%swap3A_1008] {strides = array<i32>} : memref<4096xi32, #tpu.memory_space<vmem>>, vector<16xi32>,
    %swap3A_1010 = vector.shape_cast %swap3A_1009 : vector<16xi32> to vector<16xi32>
    %swap3A_1011 = vector.shape_cast %add3A_1007 : vector<16xi32> to vector<16xi32>
    tpu.vector_store %arg9[%swap3A_1008], %swap3A_1011 {strides = array<i32>} : memref<4096xi32, #tpu.memory_space<vmem>>, vector<16xi32>,
    %add3A_1012 = arith.constant 512 : i32
    %add3A_1013 = vector.broadcast %add3A_1012 : i32 to vector<16xi32>
    %add3A_1014 = arith.addi %add3A_983, %add3A_1013 : vector<16xi32>
    %swap3A_1015 = arith.constant 2272 : index
    %swap3A_1016 = tpu.vector_load %arg9[%swap3A_1015] {strides = array<i32>} : memref<4096xi32, #tpu.memory_space<vmem>>, vector<16xi32>,
    %swap3A_1017 = vector.shape_cast %swap3A_1016 : vector<16xi32> to vector<16xi32>
    %swap3A_1018 = vector.shape_cast %add3A_1014 : vector<16xi32> to vector<16xi32>
    tpu.vector_store %arg9[%swap3A_1015], %swap3A_1018 {strides = array<i32>} : memref<4096xi32, #tpu.memory_space<vmem>>, vector<16xi32>,
    %add3A_1019 = arith.constant 640 : i32
    %add3A_1020 = vector.broadcast %add3A_1019 : i32 to vector<16xi32>
    %add3A_1021 = arith.addi %add3A_983, %add3A_1020 : vector<16xi32>
    %swap3A_1022 = arith.constant 2784 : index
    %swap3A_1023 = tpu.vector_load %arg9[%swap3A_1022] {strides = array<i32>} : memref<4096xi32, #tpu.memory_space<vmem>>, vector<16xi32>,
    %swap3A_1024 = vector.shape_cast %swap3A_1023 : vector<16xi32> to vector<16xi32>
    %swap3A_1025 = vector.shape_cast %add3A_1021 : vector<16xi32> to vector<16xi32>
    tpu.vector_store %arg9[%swap3A_1022], %swap3A_1025 {strides = array<i32>} : memref<4096xi32, #tpu.memory_space<vmem>>, vector<16xi32>,
    %add3A_1026 = arith.constant 768 : i32
    %add3A_1027 = vector.broadcast %add3A_1026 : i32 to vector<16xi32>
    %add3A_1028 = arith.addi %add3A_983, %add3A_1027 : vector<16xi32>
    %swap3A_1029 = arith.constant 3296 : index
    %swap3A_1030 = tpu.vector_load %arg9[%swap3A_1029] {strides = array<i32>} : memref<4096xi32, #tpu.memory_space<vmem>>, vector<16xi32>,
    %swap3A_1031 = vector.shape_cast %swap3A_1030 : vector<16xi32> to vector<16xi32>
    %swap3A_1032 = vector.shape_cast %add3A_1028 : vector<16xi32> to vector<16xi32>
    tpu.vector_store %arg9[%swap3A_1029], %swap3A_1032 {strides = array<i32>} : memref<4096xi32, #tpu.memory_space<vmem>>, vector<16xi32>,
    %add3A_1033 = arith.constant 896 : i32
    %add3A_1034 = vector.broadcast %add3A_1033 : i32 to vector<16xi32>
    %add3A_1035 = arith.addi %add3A_983, %add3A_1034 : vector<16xi32>
    %swap3A_1036 = arith.constant 3808 : index
    %swap3A_1037 = tpu.vector_load %arg9[%swap3A_1036] {strides = array<i32>} : memref<4096xi32, #tpu.memory_space<vmem>>, vector<16xi32>,
    %swap3A_1038 = vector.shape_cast %swap3A_1037 : vector<16xi32> to vector<16xi32>
    %swap3A_1039 = vector.shape_cast %add3A_1035 : vector<16xi32> to vector<16xi32>
    tpu.vector_store %arg9[%swap3A_1036], %swap3A_1039 {strides = array<i32>} : memref<4096xi32, #tpu.memory_space<vmem>>, vector<16xi32>,
    %get3A_1040 = arith.constant 240 : index
    %get3A_1041 = tpu.vector_load %arg7[%get3A_1040] {strides = array<i32>} : memref<512xi32, #tpu.memory_space<vmem>>, vector<16xi32>,
    %get3A_1042 = vector.shape_cast %get3A_1041 : vector<16xi32> to vector<16xi32>
    %shift_right_logical3A_1043 = arith.constant 7 : i32
    %shift_right_logical3A_1044 = vector.broadcast %shift_right_logical3A_1043 : i32 to vector<16xi32>
    %shift_right_logical3A_1045 = arith.shrui %get3A_1042, %shift_right_logical3A_1044 : vector<16xi32>
    %mul3A_1046 = arith.constant 1024 : i32
    %mul3A_1047 = vector.broadcast %mul3A_1046 : i32 to vector<16xi32>
    %mul3A_1048 = arith.muli %shift_right_logical3A_1045, %mul3A_1047 : vector<16xi32>
    %and3A_1049 = arith.constant 127 : i32
    %and3A_1050 = vector.broadcast %and3A_1049 : i32 to vector<16xi32>
    %and3A_1051 = arith.andi %get3A_1042, %and3A_1050 : vector<16xi32>
    %add3A_1052 = arith.addi %mul3A_1048, %and3A_1051 : vector<16xi32>
    %add3A_1053 = arith.constant 0 : i32
    %add3A_1054 = vector.broadcast %add3A_1053 : i32 to vector<16xi32>
    %add3A_1055 = arith.addi %add3A_1052, %add3A_1054 : vector<16xi32>
    %swap3A_1056 = arith.constant 240 : index
    %swap3A_1057 = tpu.vector_load %arg9[%swap3A_1056] {strides = array<i32>} : memref<4096xi32, #tpu.memory_space<vmem>>, vector<16xi32>,
    %swap3A_1058 = vector.shape_cast %swap3A_1057 : vector<16xi32> to vector<16xi32>
    %swap3A_1059 = vector.shape_cast %add3A_1055 : vector<16xi32> to vector<16xi32>
    tpu.vector_store %arg9[%swap3A_1056], %swap3A_1059 {strides = array<i32>} : memref<4096xi32, #tpu.memory_space<vmem>>, vector<16xi32>,
    %add3A_1060 = arith.constant 128 : i32
    %add3A_1061 = vector.broadcast %add3A_1060 : i32 to vector<16xi32>
    %add3A_1062 = arith.addi %add3A_1052, %add3A_1061 : vector<16xi32>
    %swap3A_1063 = arith.constant 752 : index
    %swap3A_1064 = tpu.vector_load %arg9[%swap3A_1063] {strides = array<i32>} : memref<4096xi32, #tpu.memory_space<vmem>>, vector<16xi32>,
    %swap3A_1065 = vector.shape_cast %swap3A_1064 : vector<16xi32> to vector<16xi32>
    %swap3A_1066 = vector.shape_cast %add3A_1062 : vector<16xi32> to vector<16xi32>
    tpu.vector_store %arg9[%swap3A_1063], %swap3A_1066 {strides = array<i32>} : memref<4096xi32, #tpu.memory_space<vmem>>, vector<16xi32>,
    %add3A_1067 = arith.constant 256 : i32
    %add3A_1068 = vector.broadcast %add3A_1067 : i32 to vector<16xi32>
    %add3A_1069 = arith.addi %add3A_1052, %add3A_1068 : vector<16xi32>
    %swap3A_1070 = arith.constant 1264 : index
    %swap3A_1071 = tpu.vector_load %arg9[%swap3A_1070] {strides = array<i32>} : memref<4096xi32, #tpu.memory_space<vmem>>, vector<16xi32>,
    %swap3A_1072 = vector.shape_cast %swap3A_1071 : vector<16xi32> to vector<16xi32>
    %swap3A_1073 = vector.shape_cast %add3A_1069 : vector<16xi32> to vector<16xi32>
    tpu.vector_store %arg9[%swap3A_1070], %swap3A_1073 {strides = array<i32>} : memref<4096xi32, #tpu.memory_space<vmem>>, vector<16xi32>,
    %add3A_1074 = arith.constant 384 : i32
    %add3A_1075 = vector.broadcast %add3A_1074 : i32 to vector<16xi32>
    %add3A_1076 = arith.addi %add3A_1052, %add3A_1075 : vector<16xi32>
    %swap3A_1077 = arith.constant 1776 : index
    %swap3A_1078 = tpu.vector_load %arg9[%swap3A_1077] {strides = array<i32>} : memref<4096xi32, #tpu.memory_space<vmem>>, vector<16xi32>,
    %swap3A_1079 = vector.shape_cast %swap3A_1078 : vector<16xi32> to vector<16xi32>
    %swap3A_1080 = vector.shape_cast %add3A_1076 : vector<16xi32> to vector<16xi32>
    tpu.vector_store %arg9[%swap3A_1077], %swap3A_1080 {strides = array<i32>} : memref<4096xi32, #tpu.memory_space<vmem>>, vector<16xi32>,
    %add3A_1081 = arith.constant 512 : i32
    %add3A_1082 = vector.broadcast %add3A_1081 : i32 to vector<16xi32>
    %add3A_1083 = arith.addi %add3A_1052, %add3A_1082 : vector<16xi32>
    %swap3A_1084 = arith.constant 2288 : index
    %swap3A_1085 = tpu.vector_load %arg9[%swap3A_1084] {strides = array<i32>} : memref<4096xi32, #tpu.memory_space<vmem>>, vector<16xi32>,
    %swap3A_1086 = vector.shape_cast %swap3A_1085 : vector<16xi32> to vector<16xi32>
    %swap3A_1087 = vector.shape_cast %add3A_1083 : vector<16xi32> to vector<16xi32>
    tpu.vector_store %arg9[%swap3A_1084], %swap3A_1087 {strides = array<i32>} : memref<4096xi32, #tpu.memory_space<vmem>>, vector<16xi32>,
    %add3A_1088 = arith.constant 640 : i32
    %add3A_1089 = vector.broadcast %add3A_1088 : i32 to vector<16xi32>
    %add3A_1090 = arith.addi %add3A_1052, %add3A_1089 : vector<16xi32>
    %swap3A_1091 = arith.constant 2800 : index
    %swap3A_1092 = tpu.vector_load %arg9[%swap3A_1091] {strides = array<i32>} : memref<4096xi32, #tpu.memory_space<vmem>>, vector<16xi32>,
    %swap3A_1093 = vector.shape_cast %swap3A_1092 : vector<16xi32> to vector<16xi32>
    %swap3A_1094 = vector.shape_cast %add3A_1090 : vector<16xi32> to vector<16xi32>
    tpu.vector_store %arg9[%swap3A_1091], %swap3A_1094 {strides = array<i32>} : memref<4096xi32, #tpu.memory_space<vmem>>, vector<16xi32>,
    %add3A_1095 = arith.constant 768 : i32
    %add3A_1096 = vector.broadcast %add3A_1095 : i32 to vector<16xi32>
    %add3A_1097 = arith.addi %add3A_1052, %add3A_1096 : vector<16xi32>
    %swap3A_1098 = arith.constant 3312 : index
    %swap3A_1099 = tpu.vector_load %arg9[%swap3A_1098] {strides = array<i32>} : memref<4096xi32, #tpu.memory_space<vmem>>, vector<16xi32>,
    %swap3A_1100 = vector.shape_cast %swap3A_1099 : vector<16xi32> to vector<16xi32>
    %swap3A_1101 = vector.shape_cast %add3A_1097 : vector<16xi32> to vector<16xi32>
    tpu.vector_store %arg9[%swap3A_1098], %swap3A_1101 {strides = array<i32>} : memref<4096xi32, #tpu.memory_space<vmem>>, vector<16xi32>,
    %add3A_1102 = arith.constant 896 : i32
    %add3A_1103 = vector.broadcast %add3A_1102 : i32 to vector<16xi32>
    %add3A_1104 = arith.addi %add3A_1052, %add3A_1103 : vector<16xi32>
    %swap3A_1105 = arith.constant 3824 : index
    %swap3A_1106 = tpu.vector_load %arg9[%swap3A_1105] {strides = array<i32>} : memref<4096xi32, #tpu.memory_space<vmem>>, vector<16xi32>,
    %swap3A_1107 = vector.shape_cast %swap3A_1106 : vector<16xi32> to vector<16xi32>
    %swap3A_1108 = vector.shape_cast %add3A_1104 : vector<16xi32> to vector<16xi32>
    tpu.vector_store %arg9[%swap3A_1105], %swap3A_1108 {strides = array<i32>} : memref<4096xi32, #tpu.memory_space<vmem>>, vector<16xi32>,
    %get3A_1109 = arith.constant 256 : index
    %get3A_1110 = tpu.vector_load %arg7[%get3A_1109] {strides = array<i32>} : memref<512xi32, #tpu.memory_space<vmem>>, vector<16xi32>,
    %get3A_1111 = vector.shape_cast %get3A_1110 : vector<16xi32> to vector<16xi32>
    %shift_right_logical3A_1112 = arith.constant 7 : i32
    %shift_right_logical3A_1113 = vector.broadcast %shift_right_logical3A_1112 : i32 to vector<16xi32>
    %shift_right_logical3A_1114 = arith.shrui %get3A_1111, %shift_right_logical3A_1113 : vector<16xi32>
    %mul3A_1115 = arith.constant 1024 : i32
    %mul3A_1116 = vector.broadcast %mul3A_1115 : i32 to vector<16xi32>
    %mul3A_1117 = arith.muli %shift_right_logical3A_1114, %mul3A_1116 : vector<16xi32>
    %and3A_1118 = arith.constant 127 : i32
    %and3A_1119 = vector.broadcast %and3A_1118 : i32 to vector<16xi32>
    %and3A_1120 = arith.andi %get3A_1111, %and3A_1119 : vector<16xi32>
    %add3A_1121 = arith.addi %mul3A_1117, %and3A_1120 : vector<16xi32>
    %add3A_1122 = arith.constant 0 : i32
    %add3A_1123 = vector.broadcast %add3A_1122 : i32 to vector<16xi32>
    %add3A_1124 = arith.addi %add3A_1121, %add3A_1123 : vector<16xi32>
    %swap3A_1125 = arith.constant 256 : index
    %swap3A_1126 = tpu.vector_load %arg9[%swap3A_1125] {strides = array<i32>} : memref<4096xi32, #tpu.memory_space<vmem>>, vector<16xi32>,
    %swap3A_1127 = vector.shape_cast %swap3A_1126 : vector<16xi32> to vector<16xi32>
    %swap3A_1128 = vector.shape_cast %add3A_1124 : vector<16xi32> to vector<16xi32>
    tpu.vector_store %arg9[%swap3A_1125], %swap3A_1128 {strides = array<i32>} : memref<4096xi32, #tpu.memory_space<vmem>>, vector<16xi32>,
    %add3A_1129 = arith.constant 128 : i32
    %add3A_1130 = vector.broadcast %add3A_1129 : i32 to vector<16xi32>
    %add3A_1131 = arith.addi %add3A_1121, %add3A_1130 : vector<16xi32>
    %swap3A_1132 = arith.constant 768 : index
    %swap3A_1133 = tpu.vector_load %arg9[%swap3A_1132] {strides = array<i32>} : memref<4096xi32, #tpu.memory_space<vmem>>, vector<16xi32>,
    %swap3A_1134 = vector.shape_cast %swap3A_1133 : vector<16xi32> to vector<16xi32>
    %swap3A_1135 = vector.shape_cast %add3A_1131 : vector<16xi32> to vector<16xi32>
    tpu.vector_store %arg9[%swap3A_1132], %swap3A_1135 {strides = array<i32>} : memref<4096xi32, #tpu.memory_space<vmem>>, vector<16xi32>,
    %add3A_1136 = arith.constant 256 : i32
    %add3A_1137 = vector.broadcast %add3A_1136 : i32 to vector<16xi32>
    %add3A_1138 = arith.addi %add3A_1121, %add3A_1137 : vector<16xi32>
    %swap3A_1139 = arith.constant 1280 : index
    %swap3A_1140 = tpu.vector_load %arg9[%swap3A_1139] {strides = array<i32>} : memref<4096xi32, #tpu.memory_space<vmem>>, vector<16xi32>,
    %swap3A_1141 = vector.shape_cast %swap3A_1140 : vector<16xi32> to vector<16xi32>
    %swap3A_1142 = vector.shape_cast %add3A_1138 : vector<16xi32> to vector<16xi32>
    tpu.vector_store %arg9[%swap3A_1139], %swap3A_1142 {strides = array<i32>} : memref<4096xi32, #tpu.memory_space<vmem>>, vector<16xi32>,
    %add3A_1143 = arith.constant 384 : i32
    %add3A_1144 = vector.broadcast %add3A_1143 : i32 to vector<16xi32>
    %add3A_1145 = arith.addi %add3A_1121, %add3A_1144 : vector<16xi32>
    %swap3A_1146 = arith.constant 1792 : index
    %swap3A_1147 = tpu.vector_load %arg9[%swap3A_1146] {strides = array<i32>} : memref<4096xi32, #tpu.memory_space<vmem>>, vector<16xi32>,
    %swap3A_1148 = vector.shape_cast %swap3A_1147 : vector<16xi32> to vector<16xi32>
    %swap3A_1149 = vector.shape_cast %add3A_1145 : vector<16xi32> to vector<16xi32>
    tpu.vector_store %arg9[%swap3A_1146], %swap3A_1149 {strides = array<i32>} : memref<4096xi32, #tpu.memory_space<vmem>>, vector<16xi32>,
    %add3A_1150 = arith.constant 512 : i32
    %add3A_1151 = vector.broadcast %add3A_1150 : i32 to vector<16xi32>
    %add3A_1152 = arith.addi %add3A_1121, %add3A_1151 : vector<16xi32>
    %swap3A_1153 = arith.constant 2304 : index
    %swap3A_1154 = tpu.vector_load %arg9[%swap3A_1153] {strides = array<i32>} : memref<4096xi32, #tpu.memory_space<vmem>>, vector<16xi32>,
    %swap3A_1155 = vector.shape_cast %swap3A_1154 : vector<16xi32> to vector<16xi32>
    %swap3A_1156 = vector.shape_cast %add3A_1152 : vector<16xi32> to vector<16xi32>
    tpu.vector_store %arg9[%swap3A_1153], %swap3A_1156 {strides = array<i32>} : memref<4096xi32, #tpu.memory_space<vmem>>, vector<16xi32>,
    %add3A_1157 = arith.constant 640 : i32
    %add3A_1158 = vector.broadcast %add3A_1157 : i32 to vector<16xi32>
    %add3A_1159 = arith.addi %add3A_1121, %add3A_1158 : vector<16xi32>
    %swap3A_1160 = arith.constant 2816 : index
    %swap3A_1161 = tpu.vector_load %arg9[%swap3A_1160] {strides = array<i32>} : memref<4096xi32, #tpu.memory_space<vmem>>, vector<16xi32>,
    %swap3A_1162 = vector.shape_cast %swap3A_1161 : vector<16xi32> to vector<16xi32>
    %swap3A_1163 = vector.shape_cast %add3A_1159 : vector<16xi32> to vector<16xi32>
    tpu.vector_store %arg9[%swap3A_1160], %swap3A_1163 {strides = array<i32>} : memref<4096xi32, #tpu.memory_space<vmem>>, vector<16xi32>,
    %add3A_1164 = arith.constant 768 : i32
    %add3A_1165 = vector.broadcast %add3A_1164 : i32 to vector<16xi32>
    %add3A_1166 = arith.addi %add3A_1121, %add3A_1165 : vector<16xi32>
    %swap3A_1167 = arith.constant 3328 : index
    %swap3A_1168 = tpu.vector_load %arg9[%swap3A_1167] {strides = array<i32>} : memref<4096xi32, #tpu.memory_space<vmem>>, vector<16xi32>,
    %swap3A_1169 = vector.shape_cast %swap3A_1168 : vector<16xi32> to vector<16xi32>
    %swap3A_1170 = vector.shape_cast %add3A_1166 : vector<16xi32> to vector<16xi32>
    tpu.vector_store %arg9[%swap3A_1167], %swap3A_1170 {strides = array<i32>} : memref<4096xi32, #tpu.memory_space<vmem>>, vector<16xi32>,
    %add3A_1171 = arith.constant 896 : i32
    %add3A_1172 = vector.broadcast %add3A_1171 : i32 to vector<16xi32>
    %add3A_1173 = arith.addi %add3A_1121, %add3A_1172 : vector<16xi32>
    %swap3A_1174 = arith.constant 3840 : index
    %swap3A_1175 = tpu.vector_load %arg9[%swap3A_1174] {strides = array<i32>} : memref<4096xi32, #tpu.memory_space<vmem>>, vector<16xi32>,
    %swap3A_1176 = vector.shape_cast %swap3A_1175 : vector<16xi32> to vector<16xi32>
    %swap3A_1177 = vector.shape_cast %add3A_1173 : vector<16xi32> to vector<16xi32>
    tpu.vector_store %arg9[%swap3A_1174], %swap3A_1177 {strides = array<i32>} : memref<4096xi32, #tpu.memory_space<vmem>>, vector<16xi32>,
    %get3A_1178 = arith.constant 272 : index
    %get3A_1179 = tpu.vector_load %arg7[%get3A_1178] {strides = array<i32>} : memref<512xi32, #tpu.memory_space<vmem>>, vector<16xi32>,
    %get3A_1180 = vector.shape_cast %get3A_1179 : vector<16xi32> to vector<16xi32>
    %shift_right_logical3A_1181 = arith.constant 7 : i32
    %shift_right_logical3A_1182 = vector.broadcast %shift_right_logical3A_1181 : i32 to vector<16xi32>
    %shift_right_logical3A_1183 = arith.shrui %get3A_1180, %shift_right_logical3A_1182 : vector<16xi32>
    %mul3A_1184 = arith.constant 1024 : i32
    %mul3A_1185 = vector.broadcast %mul3A_1184 : i32 to vector<16xi32>
    %mul3A_1186 = arith.muli %shift_right_logical3A_1183, %mul3A_1185 : vector<16xi32>
    %and3A_1187 = arith.constant 127 : i32
    %and3A_1188 = vector.broadcast %and3A_1187 : i32 to vector<16xi32>
    %and3A_1189 = arith.andi %get3A_1180, %and3A_1188 : vector<16xi32>
    %add3A_1190 = arith.addi %mul3A_1186, %and3A_1189 : vector<16xi32>
    %add3A_1191 = arith.constant 0 : i32
    %add3A_1192 = vector.broadcast %add3A_1191 : i32 to vector<16xi32>
    %add3A_1193 = arith.addi %add3A_1190, %add3A_1192 : vector<16xi32>
    %swap3A_1194 = arith.constant 272 : index
    %swap3A_1195 = tpu.vector_load %arg9[%swap3A_1194] {strides = array<i32>} : memref<4096xi32, #tpu.memory_space<vmem>>, vector<16xi32>,
    %swap3A_1196 = vector.shape_cast %swap3A_1195 : vector<16xi32> to vector<16xi32>
    %swap3A_1197 = vector.shape_cast %add3A_1193 : vector<16xi32> to vector<16xi32>
    tpu.vector_store %arg9[%swap3A_1194], %swap3A_1197 {strides = array<i32>} : memref<4096xi32, #tpu.memory_space<vmem>>, vector<16xi32>,
    %add3A_1198 = arith.constant 128 : i32
    %add3A_1199 = vector.broadcast %add3A_1198 : i32 to vector<16xi32>
    %add3A_1200 = arith.addi %add3A_1190, %add3A_1199 : vector<16xi32>
    %swap3A_1201 = arith.constant 784 : index
    %swap3A_1202 = tpu.vector_load %arg9[%swap3A_1201] {strides = array<i32>} : memref<4096xi32, #tpu.memory_space<vmem>>, vector<16xi32>,
    %swap3A_1203 = vector.shape_cast %swap3A_1202 : vector<16xi32> to vector<16xi32>
    %swap3A_1204 = vector.shape_cast %add3A_1200 : vector<16xi32> to vector<16xi32>
    tpu.vector_store %arg9[%swap3A_1201], %swap3A_1204 {strides = array<i32>} : memref<4096xi32, #tpu.memory_space<vmem>>, vector<16xi32>,
    %add3A_1205 = arith.constant 256 : i32
    %add3A_1206 = vector.broadcast %add3A_1205 : i32 to vector<16xi32>
    %add3A_1207 = arith.addi %add3A_1190, %add3A_1206 : vector<16xi32>
    %swap3A_1208 = arith.constant 1296 : index
    %swap3A_1209 = tpu.vector_load %arg9[%swap3A_1208] {strides = array<i32>} : memref<4096xi32, #tpu.memory_space<vmem>>, vector<16xi32>,
    %swap3A_1210 = vector.shape_cast %swap3A_1209 : vector<16xi32> to vector<16xi32>
    %swap3A_1211 = vector.shape_cast %add3A_1207 : vector<16xi32> to vector<16xi32>
    tpu.vector_store %arg9[%swap3A_1208], %swap3A_1211 {strides = array<i32>} : memref<4096xi32, #tpu.memory_space<vmem>>, vector<16xi32>,
    %add3A_1212 = arith.constant 384 : i32
    %add3A_1213 = vector.broadcast %add3A_1212 : i32 to vector<16xi32>
    %add3A_1214 = arith.addi %add3A_1190, %add3A_1213 : vector<16xi32>
    %swap3A_1215 = arith.constant 1808 : index
    %swap3A_1216 = tpu.vector_load %arg9[%swap3A_1215] {strides = array<i32>} : memref<4096xi32, #tpu.memory_space<vmem>>, vector<16xi32>,
    %swap3A_1217 = vector.shape_cast %swap3A_1216 : vector<16xi32> to vector<16xi32>
    %swap3A_1218 = vector.shape_cast %add3A_1214 : vector<16xi32> to vector<16xi32>
    tpu.vector_store %arg9[%swap3A_1215], %swap3A_1218 {strides = array<i32>} : memref<4096xi32, #tpu.memory_space<vmem>>, vector<16xi32>,
    %add3A_1219 = arith.constant 512 : i32
    %add3A_1220 = vector.broadcast %add3A_1219 : i32 to vector<16xi32>
    %add3A_1221 = arith.addi %add3A_1190, %add3A_1220 : vector<16xi32>
    %swap3A_1222 = arith.constant 2320 : index
    %swap3A_1223 = tpu.vector_load %arg9[%swap3A_1222] {strides = array<i32>} : memref<4096xi32, #tpu.memory_space<vmem>>, vector<16xi32>,
    %swap3A_1224 = vector.shape_cast %swap3A_1223 : vector<16xi32> to vector<16xi32>
    %swap3A_1225 = vector.shape_cast %add3A_1221 : vector<16xi32> to vector<16xi32>
    tpu.vector_store %arg9[%swap3A_1222], %swap3A_1225 {strides = array<i32>} : memref<4096xi32, #tpu.memory_space<vmem>>, vector<16xi32>,
    %add3A_1226 = arith.constant 640 : i32
    %add3A_1227 = vector.broadcast %add3A_1226 : i32 to vector<16xi32>
    %add3A_1228 = arith.addi %add3A_1190, %add3A_1227 : vector<16xi32>
    %swap3A_1229 = arith.constant 2832 : index
    %swap3A_1230 = tpu.vector_load %arg9[%swap3A_1229] {strides = array<i32>} : memref<4096xi32, #tpu.memory_space<vmem>>, vector<16xi32>,
    %swap3A_1231 = vector.shape_cast %swap3A_1230 : vector<16xi32> to vector<16xi32>
    %swap3A_1232 = vector.shape_cast %add3A_1228 : vector<16xi32> to vector<16xi32>
    tpu.vector_store %arg9[%swap3A_1229], %swap3A_1232 {strides = array<i32>} : memref<4096xi32, #tpu.memory_space<vmem>>, vector<16xi32>,
    %add3A_1233 = arith.constant 768 : i32
    %add3A_1234 = vector.broadcast %add3A_1233 : i32 to vector<16xi32>
    %add3A_1235 = arith.addi %add3A_1190, %add3A_1234 : vector<16xi32>
    %swap3A_1236 = arith.constant 3344 : index
    %swap3A_1237 = tpu.vector_load %arg9[%swap3A_1236] {strides = array<i32>} : memref<4096xi32, #tpu.memory_space<vmem>>, vector<16xi32>,
    %swap3A_1238 = vector.shape_cast %swap3A_1237 : vector<16xi32> to vector<16xi32>
    %swap3A_1239 = vector.shape_cast %add3A_1235 : vector<16xi32> to vector<16xi32>
    tpu.vector_store %arg9[%swap3A_1236], %swap3A_1239 {strides = array<i32>} : memref<4096xi32, #tpu.memory_space<vmem>>, vector<16xi32>,
    %add3A_1240 = arith.constant 896 : i32
    %add3A_1241 = vector.broadcast %add3A_1240 : i32 to vector<16xi32>
    %add3A_1242 = arith.addi %add3A_1190, %add3A_1241 : vector<16xi32>
    %swap3A_1243 = arith.constant 3856 : index
    %swap3A_1244 = tpu.vector_load %arg9[%swap3A_1243] {strides = array<i32>} : memref<4096xi32, #tpu.memory_space<vmem>>, vector<16xi32>,
    %swap3A_1245 = vector.shape_cast %swap3A_1244 : vector<16xi32> to vector<16xi32>
    %swap3A_1246 = vector.shape_cast %add3A_1242 : vector<16xi32> to vector<16xi32>
    tpu.vector_store %arg9[%swap3A_1243], %swap3A_1246 {strides = array<i32>} : memref<4096xi32, #tpu.memory_space<vmem>>, vector<16xi32>,
    %get3A_1247 = arith.constant 288 : index
    %get3A_1248 = tpu.vector_load %arg7[%get3A_1247] {strides = array<i32>} : memref<512xi32, #tpu.memory_space<vmem>>, vector<16xi32>,
    %get3A_1249 = vector.shape_cast %get3A_1248 : vector<16xi32> to vector<16xi32>
    %shift_right_logical3A_1250 = arith.constant 7 : i32
    %shift_right_logical3A_1251 = vector.broadcast %shift_right_logical3A_1250 : i32 to vector<16xi32>
    %shift_right_logical3A_1252 = arith.shrui %get3A_1249, %shift_right_logical3A_1251 : vector<16xi32>
    %mul3A_1253 = arith.constant 1024 : i32
    %mul3A_1254 = vector.broadcast %mul3A_1253 : i32 to vector<16xi32>
    %mul3A_1255 = arith.muli %shift_right_logical3A_1252, %mul3A_1254 : vector<16xi32>
    %and3A_1256 = arith.constant 127 : i32
    %and3A_1257 = vector.broadcast %and3A_1256 : i32 to vector<16xi32>
    %and3A_1258 = arith.andi %get3A_1249, %and3A_1257 : vector<16xi32>
    %add3A_1259 = arith.addi %mul3A_1255, %and3A_1258 : vector<16xi32>
    %add3A_1260 = arith.constant 0 : i32
    %add3A_1261 = vector.broadcast %add3A_1260 : i32 to vector<16xi32>
    %add3A_1262 = arith.addi %add3A_1259, %add3A_1261 : vector<16xi32>
    %swap3A_1263 = arith.constant 288 : index
    %swap3A_1264 = tpu.vector_load %arg9[%swap3A_1263] {strides = array<i32>} : memref<4096xi32, #tpu.memory_space<vmem>>, vector<16xi32>,
    %swap3A_1265 = vector.shape_cast %swap3A_1264 : vector<16xi32> to vector<16xi32>
    %swap3A_1266 = vector.shape_cast %add3A_1262 : vector<16xi32> to vector<16xi32>
    tpu.vector_store %arg9[%swap3A_1263], %swap3A_1266 {strides = array<i32>} : memref<4096xi32, #tpu.memory_space<vmem>>, vector<16xi32>,
    %add3A_1267 = arith.constant 128 : i32
    %add3A_1268 = vector.broadcast %add3A_1267 : i32 to vector<16xi32>
    %add3A_1269 = arith.addi %add3A_1259, %add3A_1268 : vector<16xi32>
    %swap3A_1270 = arith.constant 800 : index
    %swap3A_1271 = tpu.vector_load %arg9[%swap3A_1270] {strides = array<i32>} : memref<4096xi32, #tpu.memory_space<vmem>>, vector<16xi32>,
    %swap3A_1272 = vector.shape_cast %swap3A_1271 : vector<16xi32> to vector<16xi32>
    %swap3A_1273 = vector.shape_cast %add3A_1269 : vector<16xi32> to vector<16xi32>
    tpu.vector_store %arg9[%swap3A_1270], %swap3A_1273 {strides = array<i32>} : memref<4096xi32, #tpu.memory_space<vmem>>, vector<16xi32>,
    %add3A_1274 = arith.constant 256 : i32
    %add3A_1275 = vector.broadcast %add3A_1274 : i32 to vector<16xi32>
    %add3A_1276 = arith.addi %add3A_1259, %add3A_1275 : vector<16xi32>
    %swap3A_1277 = arith.constant 1312 : index
    %swap3A_1278 = tpu.vector_load %arg9[%swap3A_1277] {strides = array<i32>} : memref<4096xi32, #tpu.memory_space<vmem>>, vector<16xi32>,
    %swap3A_1279 = vector.shape_cast %swap3A_1278 : vector<16xi32> to vector<16xi32>
    %swap3A_1280 = vector.shape_cast %add3A_1276 : vector<16xi32> to vector<16xi32>
    tpu.vector_store %arg9[%swap3A_1277], %swap3A_1280 {strides = array<i32>} : memref<4096xi32, #tpu.memory_space<vmem>>, vector<16xi32>,
    %add3A_1281 = arith.constant 384 : i32
    %add3A_1282 = vector.broadcast %add3A_1281 : i32 to vector<16xi32>
    %add3A_1283 = arith.addi %add3A_1259, %add3A_1282 : vector<16xi32>
    %swap3A_1284 = arith.constant 1824 : index
    %swap3A_1285 = tpu.vector_load %arg9[%swap3A_1284] {strides = array<i32>} : memref<4096xi32, #tpu.memory_space<vmem>>, vector<16xi32>,
    %swap3A_1286 = vector.shape_cast %swap3A_1285 : vector<16xi32> to vector<16xi32>
    %swap3A_1287 = vector.shape_cast %add3A_1283 : vector<16xi32> to vector<16xi32>
    tpu.vector_store %arg9[%swap3A_1284], %swap3A_1287 {strides = array<i32>} : memref<4096xi32, #tpu.memory_space<vmem>>, vector<16xi32>,
    %add3A_1288 = arith.constant 512 : i32
    %add3A_1289 = vector.broadcast %add3A_1288 : i32 to vector<16xi32>
    %add3A_1290 = arith.addi %add3A_1259, %add3A_1289 : vector<16xi32>
    %swap3A_1291 = arith.constant 2336 : index
    %swap3A_1292 = tpu.vector_load %arg9[%swap3A_1291] {strides = array<i32>} : memref<4096xi32, #tpu.memory_space<vmem>>, vector<16xi32>,
    %swap3A_1293 = vector.shape_cast %swap3A_1292 : vector<16xi32> to vector<16xi32>
    %swap3A_1294 = vector.shape_cast %add3A_1290 : vector<16xi32> to vector<16xi32>
    tpu.vector_store %arg9[%swap3A_1291], %swap3A_1294 {strides = array<i32>} : memref<4096xi32, #tpu.memory_space<vmem>>, vector<16xi32>,
    %add3A_1295 = arith.constant 640 : i32
    %add3A_1296 = vector.broadcast %add3A_1295 : i32 to vector<16xi32>
    %add3A_1297 = arith.addi %add3A_1259, %add3A_1296 : vector<16xi32>
    %swap3A_1298 = arith.constant 2848 : index
    %swap3A_1299 = tpu.vector_load %arg9[%swap3A_1298] {strides = array<i32>} : memref<4096xi32, #tpu.memory_space<vmem>>, vector<16xi32>,
    %swap3A_1300 = vector.shape_cast %swap3A_1299 : vector<16xi32> to vector<16xi32>
    %swap3A_1301 = vector.shape_cast %add3A_1297 : vector<16xi32> to vector<16xi32>
    tpu.vector_store %arg9[%swap3A_1298], %swap3A_1301 {strides = array<i32>} : memref<4096xi32, #tpu.memory_space<vmem>>, vector<16xi32>,
    %add3A_1302 = arith.constant 768 : i32
    %add3A_1303 = vector.broadcast %add3A_1302 : i32 to vector<16xi32>
    %add3A_1304 = arith.addi %add3A_1259, %add3A_1303 : vector<16xi32>
    %swap3A_1305 = arith.constant 3360 : index
    %swap3A_1306 = tpu.vector_load %arg9[%swap3A_1305] {strides = array<i32>} : memref<4096xi32, #tpu.memory_space<vmem>>, vector<16xi32>,
    %swap3A_1307 = vector.shape_cast %swap3A_1306 : vector<16xi32> to vector<16xi32>
    %swap3A_1308 = vector.shape_cast %add3A_1304 : vector<16xi32> to vector<16xi32>
    tpu.vector_store %arg9[%swap3A_1305], %swap3A_1308 {strides = array<i32>} : memref<4096xi32, #tpu.memory_space<vmem>>, vector<16xi32>,
    %add3A_1309 = arith.constant 896 : i32
    %add3A_1310 = vector.broadcast %add3A_1309 : i32 to vector<16xi32>
    %add3A_1311 = arith.addi %add3A_1259, %add3A_1310 : vector<16xi32>
    %swap3A_1312 = arith.constant 3872 : index
    %swap3A_1313 = tpu.vector_load %arg9[%swap3A_1312] {strides = array<i32>} : memref<4096xi32, #tpu.memory_space<vmem>>, vector<16xi32>,
    %swap3A_1314 = vector.shape_cast %swap3A_1313 : vector<16xi32> to vector<16xi32>
    %swap3A_1315 = vector.shape_cast %add3A_1311 : vector<16xi32> to vector<16xi32>
    tpu.vector_store %arg9[%swap3A_1312], %swap3A_1315 {strides = array<i32>} : memref<4096xi32, #tpu.memory_space<vmem>>, vector<16xi32>,
    %get3A_1316 = arith.constant 304 : index
    %get3A_1317 = tpu.vector_load %arg7[%get3A_1316] {strides = array<i32>} : memref<512xi32, #tpu.memory_space<vmem>>, vector<16xi32>,
    %get3A_1318 = vector.shape_cast %get3A_1317 : vector<16xi32> to vector<16xi32>
    %shift_right_logical3A_1319 = arith.constant 7 : i32
    %shift_right_logical3A_1320 = vector.broadcast %shift_right_logical3A_1319 : i32 to vector<16xi32>
    %shift_right_logical3A_1321 = arith.shrui %get3A_1318, %shift_right_logical3A_1320 : vector<16xi32>
    %mul3A_1322 = arith.constant 1024 : i32
    %mul3A_1323 = vector.broadcast %mul3A_1322 : i32 to vector<16xi32>
    %mul3A_1324 = arith.muli %shift_right_logical3A_1321, %mul3A_1323 : vector<16xi32>
    %and3A_1325 = arith.constant 127 : i32
    %and3A_1326 = vector.broadcast %and3A_1325 : i32 to vector<16xi32>
    %and3A_1327 = arith.andi %get3A_1318, %and3A_1326 : vector<16xi32>
    %add3A_1328 = arith.addi %mul3A_1324, %and3A_1327 : vector<16xi32>
    %add3A_1329 = arith.constant 0 : i32
    %add3A_1330 = vector.broadcast %add3A_1329 : i32 to vector<16xi32>
    %add3A_1331 = arith.addi %add3A_1328, %add3A_1330 : vector<16xi32>
    %swap3A_1332 = arith.constant 304 : index
    %swap3A_1333 = tpu.vector_load %arg9[%swap3A_1332] {strides = array<i32>} : memref<4096xi32, #tpu.memory_space<vmem>>, vector<16xi32>,
    %swap3A_1334 = vector.shape_cast %swap3A_1333 : vector<16xi32> to vector<16xi32>
    %swap3A_1335 = vector.shape_cast %add3A_1331 : vector<16xi32> to vector<16xi32>
    tpu.vector_store %arg9[%swap3A_1332], %swap3A_1335 {strides = array<i32>} : memref<4096xi32, #tpu.memory_space<vmem>>, vector<16xi32>,
    %add3A_1336 = arith.constant 128 : i32
    %add3A_1337 = vector.broadcast %add3A_1336 : i32 to vector<16xi32>
    %add3A_1338 = arith.addi %add3A_1328, %add3A_1337 : vector<16xi32>
    %swap3A_1339 = arith.constant 816 : index
    %swap3A_1340 = tpu.vector_load %arg9[%swap3A_1339] {strides = array<i32>} : memref<4096xi32, #tpu.memory_space<vmem>>, vector<16xi32>,
    %swap3A_1341 = vector.shape_cast %swap3A_1340 : vector<16xi32> to vector<16xi32>
    %swap3A_1342 = vector.shape_cast %add3A_1338 : vector<16xi32> to vector<16xi32>
    tpu.vector_store %arg9[%swap3A_1339], %swap3A_1342 {strides = array<i32>} : memref<4096xi32, #tpu.memory_space<vmem>>, vector<16xi32>,
    %add3A_1343 = arith.constant 256 : i32
    %add3A_1344 = vector.broadcast %add3A_1343 : i32 to vector<16xi32>
    %add3A_1345 = arith.addi %add3A_1328, %add3A_1344 : vector<16xi32>
    %swap3A_1346 = arith.constant 1328 : index
    %swap3A_1347 = tpu.vector_load %arg9[%swap3A_1346] {strides = array<i32>} : memref<4096xi32, #tpu.memory_space<vmem>>, vector<16xi32>,
    %swap3A_1348 = vector.shape_cast %swap3A_1347 : vector<16xi32> to vector<16xi32>
    %swap3A_1349 = vector.shape_cast %add3A_1345 : vector<16xi32> to vector<16xi32>
    tpu.vector_store %arg9[%swap3A_1346], %swap3A_1349 {strides = array<i32>} : memref<4096xi32, #tpu.memory_space<vmem>>, vector<16xi32>,
    %add3A_1350 = arith.constant 384 : i32
    %add3A_1351 = vector.broadcast %add3A_1350 : i32 to vector<16xi32>
    %add3A_1352 = arith.addi %add3A_1328, %add3A_1351 : vector<16xi32>
    %swap3A_1353 = arith.constant 1840 : index
    %swap3A_1354 = tpu.vector_load %arg9[%swap3A_1353] {strides = array<i32>} : memref<4096xi32, #tpu.memory_space<vmem>>, vector<16xi32>,
    %swap3A_1355 = vector.shape_cast %swap3A_1354 : vector<16xi32> to vector<16xi32>
    %swap3A_1356 = vector.shape_cast %add3A_1352 : vector<16xi32> to vector<16xi32>
    tpu.vector_store %arg9[%swap3A_1353], %swap3A_1356 {strides = array<i32>} : memref<4096xi32, #tpu.memory_space<vmem>>, vector<16xi32>,
    %add3A_1357 = arith.constant 512 : i32
    %add3A_1358 = vector.broadcast %add3A_1357 : i32 to vector<16xi32>
    %add3A_1359 = arith.addi %add3A_1328, %add3A_1358 : vector<16xi32>
    %swap3A_1360 = arith.constant 2352 : index
    %swap3A_1361 = tpu.vector_load %arg9[%swap3A_1360] {strides = array<i32>} : memref<4096xi32, #tpu.memory_space<vmem>>, vector<16xi32>,
    %swap3A_1362 = vector.shape_cast %swap3A_1361 : vector<16xi32> to vector<16xi32>
    %swap3A_1363 = vector.shape_cast %add3A_1359 : vector<16xi32> to vector<16xi32>
    tpu.vector_store %arg9[%swap3A_1360], %swap3A_1363 {strides = array<i32>} : memref<4096xi32, #tpu.memory_space<vmem>>, vector<16xi32>,
    %add3A_1364 = arith.constant 640 : i32
    %add3A_1365 = vector.broadcast %add3A_1364 : i32 to vector<16xi32>
    %add3A_1366 = arith.addi %add3A_1328, %add3A_1365 : vector<16xi32>
    %swap3A_1367 = arith.constant 2864 : index
    %swap3A_1368 = tpu.vector_load %arg9[%swap3A_1367] {strides = array<i32>} : memref<4096xi32, #tpu.memory_space<vmem>>, vector<16xi32>,
    %swap3A_1369 = vector.shape_cast %swap3A_1368 : vector<16xi32> to vector<16xi32>
    %swap3A_1370 = vector.shape_cast %add3A_1366 : vector<16xi32> to vector<16xi32>
    tpu.vector_store %arg9[%swap3A_1367], %swap3A_1370 {strides = array<i32>} : memref<4096xi32, #tpu.memory_space<vmem>>, vector<16xi32>,
    %add3A_1371 = arith.constant 768 : i32
    %add3A_1372 = vector.broadcast %add3A_1371 : i32 to vector<16xi32>
    %add3A_1373 = arith.addi %add3A_1328, %add3A_1372 : vector<16xi32>
    %swap3A_1374 = arith.constant 3376 : index
    %swap3A_1375 = tpu.vector_load %arg9[%swap3A_1374] {strides = array<i32>} : memref<4096xi32, #tpu.memory_space<vmem>>, vector<16xi32>,
    %swap3A_1376 = vector.shape_cast %swap3A_1375 : vector<16xi32> to vector<16xi32>
    %swap3A_1377 = vector.shape_cast %add3A_1373 : vector<16xi32> to vector<16xi32>
    tpu.vector_store %arg9[%swap3A_1374], %swap3A_1377 {strides = array<i32>} : memref<4096xi32, #tpu.memory_space<vmem>>, vector<16xi32>,
    %add3A_1378 = arith.constant 896 : i32
    %add3A_1379 = vector.broadcast %add3A_1378 : i32 to vector<16xi32>
    %add3A_1380 = arith.addi %add3A_1328, %add3A_1379 : vector<16xi32>
    %swap3A_1381 = arith.constant 3888 : index
    %swap3A_1382 = tpu.vector_load %arg9[%swap3A_1381] {strides = array<i32>} : memref<4096xi32, #tpu.memory_space<vmem>>, vector<16xi32>,
    %swap3A_1383 = vector.shape_cast %swap3A_1382 : vector<16xi32> to vector<16xi32>
    %swap3A_1384 = vector.shape_cast %add3A_1380 : vector<16xi32> to vector<16xi32>
    tpu.vector_store %arg9[%swap3A_1381], %swap3A_1384 {strides = array<i32>} : memref<4096xi32, #tpu.memory_space<vmem>>, vector<16xi32>,
    %get3A_1385 = arith.constant 320 : index
    %get3A_1386 = tpu.vector_load %arg7[%get3A_1385] {strides = array<i32>} : memref<512xi32, #tpu.memory_space<vmem>>, vector<16xi32>,
    %get3A_1387 = vector.shape_cast %get3A_1386 : vector<16xi32> to vector<16xi32>
    %shift_right_logical3A_1388 = arith.constant 7 : i32
    %shift_right_logical3A_1389 = vector.broadcast %shift_right_logical3A_1388 : i32 to vector<16xi32>
    %shift_right_logical3A_1390 = arith.shrui %get3A_1387, %shift_right_logical3A_1389 : vector<16xi32>
    %mul3A_1391 = arith.constant 1024 : i32
    %mul3A_1392 = vector.broadcast %mul3A_1391 : i32 to vector<16xi32>
    %mul3A_1393 = arith.muli %shift_right_logical3A_1390, %mul3A_1392 : vector<16xi32>
    %and3A_1394 = arith.constant 127 : i32
    %and3A_1395 = vector.broadcast %and3A_1394 : i32 to vector<16xi32>
    %and3A_1396 = arith.andi %get3A_1387, %and3A_1395 : vector<16xi32>
    %add3A_1397 = arith.addi %mul3A_1393, %and3A_1396 : vector<16xi32>
    %add3A_1398 = arith.constant 0 : i32
    %add3A_1399 = vector.broadcast %add3A_1398 : i32 to vector<16xi32>
    %add3A_1400 = arith.addi %add3A_1397, %add3A_1399 : vector<16xi32>
    %swap3A_1401 = arith.constant 320 : index
    %swap3A_1402 = tpu.vector_load %arg9[%swap3A_1401] {strides = array<i32>} : memref<4096xi32, #tpu.memory_space<vmem>>, vector<16xi32>,
    %swap3A_1403 = vector.shape_cast %swap3A_1402 : vector<16xi32> to vector<16xi32>
    %swap3A_1404 = vector.shape_cast %add3A_1400 : vector<16xi32> to vector<16xi32>
    tpu.vector_store %arg9[%swap3A_1401], %swap3A_1404 {strides = array<i32>} : memref<4096xi32, #tpu.memory_space<vmem>>, vector<16xi32>,
    %add3A_1405 = arith.constant 128 : i32
    %add3A_1406 = vector.broadcast %add3A_1405 : i32 to vector<16xi32>
    %add3A_1407 = arith.addi %add3A_1397, %add3A_1406 : vector<16xi32>
    %swap3A_1408 = arith.constant 832 : index
    %swap3A_1409 = tpu.vector_load %arg9[%swap3A_1408] {strides = array<i32>} : memref<4096xi32, #tpu.memory_space<vmem>>, vector<16xi32>,
    %swap3A_1410 = vector.shape_cast %swap3A_1409 : vector<16xi32> to vector<16xi32>
    %swap3A_1411 = vector.shape_cast %add3A_1407 : vector<16xi32> to vector<16xi32>
    tpu.vector_store %arg9[%swap3A_1408], %swap3A_1411 {strides = array<i32>} : memref<4096xi32, #tpu.memory_space<vmem>>, vector<16xi32>,
    %add3A_1412 = arith.constant 256 : i32
    %add3A_1413 = vector.broadcast %add3A_1412 : i32 to vector<16xi32>
    %add3A_1414 = arith.addi %add3A_1397, %add3A_1413 : vector<16xi32>
    %swap3A_1415 = arith.constant 1344 : index
    %swap3A_1416 = tpu.vector_load %arg9[%swap3A_1415] {strides = array<i32>} : memref<4096xi32, #tpu.memory_space<vmem>>, vector<16xi32>,
    %swap3A_1417 = vector.shape_cast %swap3A_1416 : vector<16xi32> to vector<16xi32>
    %swap3A_1418 = vector.shape_cast %add3A_1414 : vector<16xi32> to vector<16xi32>
    tpu.vector_store %arg9[%swap3A_1415], %swap3A_1418 {strides = array<i32>} : memref<4096xi32, #tpu.memory_space<vmem>>, vector<16xi32>,
    %add3A_1419 = arith.constant 384 : i32
    %add3A_1420 = vector.broadcast %add3A_1419 : i32 to vector<16xi32>
    %add3A_1421 = arith.addi %add3A_1397, %add3A_1420 : vector<16xi32>
    %swap3A_1422 = arith.constant 1856 : index
    %swap3A_1423 = tpu.vector_load %arg9[%swap3A_1422] {strides = array<i32>} : memref<4096xi32, #tpu.memory_space<vmem>>, vector<16xi32>,
    %swap3A_1424 = vector.shape_cast %swap3A_1423 : vector<16xi32> to vector<16xi32>
    %swap3A_1425 = vector.shape_cast %add3A_1421 : vector<16xi32> to vector<16xi32>
    tpu.vector_store %arg9[%swap3A_1422], %swap3A_1425 {strides = array<i32>} : memref<4096xi32, #tpu.memory_space<vmem>>, vector<16xi32>,
    %add3A_1426 = arith.constant 512 : i32
    %add3A_1427 = vector.broadcast %add3A_1426 : i32 to vector<16xi32>
    %add3A_1428 = arith.addi %add3A_1397, %add3A_1427 : vector<16xi32>
    %swap3A_1429 = arith.constant 2368 : index
    %swap3A_1430 = tpu.vector_load %arg9[%swap3A_1429] {strides = array<i32>} : memref<4096xi32, #tpu.memory_space<vmem>>, vector<16xi32>,
    %swap3A_1431 = vector.shape_cast %swap3A_1430 : vector<16xi32> to vector<16xi32>
    %swap3A_1432 = vector.shape_cast %add3A_1428 : vector<16xi32> to vector<16xi32>
    tpu.vector_store %arg9[%swap3A_1429], %swap3A_1432 {strides = array<i32>} : memref<4096xi32, #tpu.memory_space<vmem>>, vector<16xi32>,
    %add3A_1433 = arith.constant 640 : i32
    %add3A_1434 = vector.broadcast %add3A_1433 : i32 to vector<16xi32>
    %add3A_1435 = arith.addi %add3A_1397, %add3A_1434 : vector<16xi32>
    %swap3A_1436 = arith.constant 2880 : index
    %swap3A_1437 = tpu.vector_load %arg9[%swap3A_1436] {strides = array<i32>} : memref<4096xi32, #tpu.memory_space<vmem>>, vector<16xi32>,
    %swap3A_1438 = vector.shape_cast %swap3A_1437 : vector<16xi32> to vector<16xi32>
    %swap3A_1439 = vector.shape_cast %add3A_1435 : vector<16xi32> to vector<16xi32>
    tpu.vector_store %arg9[%swap3A_1436], %swap3A_1439 {strides = array<i32>} : memref<4096xi32, #tpu.memory_space<vmem>>, vector<16xi32>,
    %add3A_1440 = arith.constant 768 : i32
    %add3A_1441 = vector.broadcast %add3A_1440 : i32 to vector<16xi32>
    %add3A_1442 = arith.addi %add3A_1397, %add3A_1441 : vector<16xi32>
    %swap3A_1443 = arith.constant 3392 : index
    %swap3A_1444 = tpu.vector_load %arg9[%swap3A_1443] {strides = array<i32>} : memref<4096xi32, #tpu.memory_space<vmem>>, vector<16xi32>,
    %swap3A_1445 = vector.shape_cast %swap3A_1444 : vector<16xi32> to vector<16xi32>
    %swap3A_1446 = vector.shape_cast %add3A_1442 : vector<16xi32> to vector<16xi32>
    tpu.vector_store %arg9[%swap3A_1443], %swap3A_1446 {strides = array<i32>} : memref<4096xi32, #tpu.memory_space<vmem>>, vector<16xi32>,
    %add3A_1447 = arith.constant 896 : i32
    %add3A_1448 = vector.broadcast %add3A_1447 : i32 to vector<16xi32>
    %add3A_1449 = arith.addi %add3A_1397, %add3A_1448 : vector<16xi32>
    %swap3A_1450 = arith.constant 3904 : index
    %swap3A_1451 = tpu.vector_load %arg9[%swap3A_1450] {strides = array<i32>} : memref<4096xi32, #tpu.memory_space<vmem>>, vector<16xi32>,
    %swap3A_1452 = vector.shape_cast %swap3A_1451 : vector<16xi32> to vector<16xi32>
    %swap3A_1453 = vector.shape_cast %add3A_1449 : vector<16xi32> to vector<16xi32>
    tpu.vector_store %arg9[%swap3A_1450], %swap3A_1453 {strides = array<i32>} : memref<4096xi32, #tpu.memory_space<vmem>>, vector<16xi32>,
    %get3A_1454 = arith.constant 336 : index
    %get3A_1455 = tpu.vector_load %arg7[%get3A_1454] {strides = array<i32>} : memref<512xi32, #tpu.memory_space<vmem>>, vector<16xi32>,
    %get3A_1456 = vector.shape_cast %get3A_1455 : vector<16xi32> to vector<16xi32>
    %shift_right_logical3A_1457 = arith.constant 7 : i32
    %shift_right_logical3A_1458 = vector.broadcast %shift_right_logical3A_1457 : i32 to vector<16xi32>
    %shift_right_logical3A_1459 = arith.shrui %get3A_1456, %shift_right_logical3A_1458 : vector<16xi32>
    %mul3A_1460 = arith.constant 1024 : i32
    %mul3A_1461 = vector.broadcast %mul3A_1460 : i32 to vector<16xi32>
    %mul3A_1462 = arith.muli %shift_right_logical3A_1459, %mul3A_1461 : vector<16xi32>
    %and3A_1463 = arith.constant 127 : i32
    %and3A_1464 = vector.broadcast %and3A_1463 : i32 to vector<16xi32>
    %and3A_1465 = arith.andi %get3A_1456, %and3A_1464 : vector<16xi32>
    %add3A_1466 = arith.addi %mul3A_1462, %and3A_1465 : vector<16xi32>
    %add3A_1467 = arith.constant 0 : i32
    %add3A_1468 = vector.broadcast %add3A_1467 : i32 to vector<16xi32>
    %add3A_1469 = arith.addi %add3A_1466, %add3A_1468 : vector<16xi32>
    %swap3A_1470 = arith.constant 336 : index
    %swap3A_1471 = tpu.vector_load %arg9[%swap3A_1470] {strides = array<i32>} : memref<4096xi32, #tpu.memory_space<vmem>>, vector<16xi32>,
    %swap3A_1472 = vector.shape_cast %swap3A_1471 : vector<16xi32> to vector<16xi32>
    %swap3A_1473 = vector.shape_cast %add3A_1469 : vector<16xi32> to vector<16xi32>
    tpu.vector_store %arg9[%swap3A_1470], %swap3A_1473 {strides = array<i32>} : memref<4096xi32, #tpu.memory_space<vmem>>, vector<16xi32>,
    %add3A_1474 = arith.constant 128 : i32
    %add3A_1475 = vector.broadcast %add3A_1474 : i32 to vector<16xi32>
    %add3A_1476 = arith.addi %add3A_1466, %add3A_1475 : vector<16xi32>
    %swap3A_1477 = arith.constant 848 : index
    %swap3A_1478 = tpu.vector_load %arg9[%swap3A_1477] {strides = array<i32>} : memref<4096xi32, #tpu.memory_space<vmem>>, vector<16xi32>,
    %swap3A_1479 = vector.shape_cast %swap3A_1478 : vector<16xi32> to vector<16xi32>
    %swap3A_1480 = vector.shape_cast %add3A_1476 : vector<16xi32> to vector<16xi32>
    tpu.vector_store %arg9[%swap3A_1477], %swap3A_1480 {strides = array<i32>} : memref<4096xi32, #tpu.memory_space<vmem>>, vector<16xi32>,
    %add3A_1481 = arith.constant 256 : i32
    %add3A_1482 = vector.broadcast %add3A_1481 : i32 to vector<16xi32>
    %add3A_1483 = arith.addi %add3A_1466, %add3A_1482 : vector<16xi32>
    %swap3A_1484 = arith.constant 1360 : index
    %swap3A_1485 = tpu.vector_load %arg9[%swap3A_1484] {strides = array<i32>} : memref<4096xi32, #tpu.memory_space<vmem>>, vector<16xi32>,
    %swap3A_1486 = vector.shape_cast %swap3A_1485 : vector<16xi32> to vector<16xi32>
    %swap3A_1487 = vector.shape_cast %add3A_1483 : vector<16xi32> to vector<16xi32>
    tpu.vector_store %arg9[%swap3A_1484], %swap3A_1487 {strides = array<i32>} : memref<4096xi32, #tpu.memory_space<vmem>>, vector<16xi32>,
    %add3A_1488 = arith.constant 384 : i32
    %add3A_1489 = vector.broadcast %add3A_1488 : i32 to vector<16xi32>
    %add3A_1490 = arith.addi %add3A_1466, %add3A_1489 : vector<16xi32>
    %swap3A_1491 = arith.constant 1872 : index
    %swap3A_1492 = tpu.vector_load %arg9[%swap3A_1491] {strides = array<i32>} : memref<4096xi32, #tpu.memory_space<vmem>>, vector<16xi32>,
    %swap3A_1493 = vector.shape_cast %swap3A_1492 : vector<16xi32> to vector<16xi32>
    %swap3A_1494 = vector.shape_cast %add3A_1490 : vector<16xi32> to vector<16xi32>
    tpu.vector_store %arg9[%swap3A_1491], %swap3A_1494 {strides = array<i32>} : memref<4096xi32, #tpu.memory_space<vmem>>, vector<16xi32>,
    %add3A_1495 = arith.constant 512 : i32
    %add3A_1496 = vector.broadcast %add3A_1495 : i32 to vector<16xi32>
    %add3A_1497 = arith.addi %add3A_1466, %add3A_1496 : vector<16xi32>
    %swap3A_1498 = arith.constant 2384 : index
    %swap3A_1499 = tpu.vector_load %arg9[%swap3A_1498] {strides = array<i32>} : memref<4096xi32, #tpu.memory_space<vmem>>, vector<16xi32>,
    %swap3A_1500 = vector.shape_cast %swap3A_1499 : vector<16xi32> to vector<16xi32>
    %swap3A_1501 = vector.shape_cast %add3A_1497 : vector<16xi32> to vector<16xi32>
    tpu.vector_store %arg9[%swap3A_1498], %swap3A_1501 {strides = array<i32>} : memref<4096xi32, #tpu.memory_space<vmem>>, vector<16xi32>,
    %add3A_1502 = arith.constant 640 : i32
    %add3A_1503 = vector.broadcast %add3A_1502 : i32 to vector<16xi32>
    %add3A_1504 = arith.addi %add3A_1466, %add3A_1503 : vector<16xi32>
    %swap3A_1505 = arith.constant 2896 : index
    %swap3A_1506 = tpu.vector_load %arg9[%swap3A_1505] {strides = array<i32>} : memref<4096xi32, #tpu.memory_space<vmem>>, vector<16xi32>,
    %swap3A_1507 = vector.shape_cast %swap3A_1506 : vector<16xi32> to vector<16xi32>
    %swap3A_1508 = vector.shape_cast %add3A_1504 : vector<16xi32> to vector<16xi32>
    tpu.vector_store %arg9[%swap3A_1505], %swap3A_1508 {strides = array<i32>} : memref<4096xi32, #tpu.memory_space<vmem>>, vector<16xi32>,
    %add3A_1509 = arith.constant 768 : i32
    %add3A_1510 = vector.broadcast %add3A_1509 : i32 to vector<16xi32>
    %add3A_1511 = arith.addi %add3A_1466, %add3A_1510 : vector<16xi32>
    %swap3A_1512 = arith.constant 3408 : index
    %swap3A_1513 = tpu.vector_load %arg9[%swap3A_1512] {strides = array<i32>} : memref<4096xi32, #tpu.memory_space<vmem>>, vector<16xi32>,
    %swap3A_1514 = vector.shape_cast %swap3A_1513 : vector<16xi32> to vector<16xi32>
    %swap3A_1515 = vector.shape_cast %add3A_1511 : vector<16xi32> to vector<16xi32>
    tpu.vector_store %arg9[%swap3A_1512], %swap3A_1515 {strides = array<i32>} : memref<4096xi32, #tpu.memory_space<vmem>>, vector<16xi32>,
    %add3A_1516 = arith.constant 896 : i32
    %add3A_1517 = vector.broadcast %add3A_1516 : i32 to vector<16xi32>
    %add3A_1518 = arith.addi %add3A_1466, %add3A_1517 : vector<16xi32>
    %swap3A_1519 = arith.constant 3920 : index
    %swap3A_1520 = tpu.vector_load %arg9[%swap3A_1519] {strides = array<i32>} : memref<4096xi32, #tpu.memory_space<vmem>>, vector<16xi32>,
    %swap3A_1521 = vector.shape_cast %swap3A_1520 : vector<16xi32> to vector<16xi32>
    %swap3A_1522 = vector.shape_cast %add3A_1518 : vector<16xi32> to vector<16xi32>
    tpu.vector_store %arg9[%swap3A_1519], %swap3A_1522 {strides = array<i32>} : memref<4096xi32, #tpu.memory_space<vmem>>, vector<16xi32>,
    %get3A_1523 = arith.constant 352 : index
    %get3A_1524 = tpu.vector_load %arg7[%get3A_1523] {strides = array<i32>} : memref<512xi32, #tpu.memory_space<vmem>>, vector<16xi32>,
    %get3A_1525 = vector.shape_cast %get3A_1524 : vector<16xi32> to vector<16xi32>
    %shift_right_logical3A_1526 = arith.constant 7 : i32
    %shift_right_logical3A_1527 = vector.broadcast %shift_right_logical3A_1526 : i32 to vector<16xi32>
    %shift_right_logical3A_1528 = arith.shrui %get3A_1525, %shift_right_logical3A_1527 : vector<16xi32>
    %mul3A_1529 = arith.constant 1024 : i32
    %mul3A_1530 = vector.broadcast %mul3A_1529 : i32 to vector<16xi32>
    %mul3A_1531 = arith.muli %shift_right_logical3A_1528, %mul3A_1530 : vector<16xi32>
    %and3A_1532 = arith.constant 127 : i32
    %and3A_1533 = vector.broadcast %and3A_1532 : i32 to vector<16xi32>
    %and3A_1534 = arith.andi %get3A_1525, %and3A_1533 : vector<16xi32>
    %add3A_1535 = arith.addi %mul3A_1531, %and3A_1534 : vector<16xi32>
    %add3A_1536 = arith.constant 0 : i32
    %add3A_1537 = vector.broadcast %add3A_1536 : i32 to vector<16xi32>
    %add3A_1538 = arith.addi %add3A_1535, %add3A_1537 : vector<16xi32>
    %swap3A_1539 = arith.constant 352 : index
    %swap3A_1540 = tpu.vector_load %arg9[%swap3A_1539] {strides = array<i32>} : memref<4096xi32, #tpu.memory_space<vmem>>, vector<16xi32>,
    %swap3A_1541 = vector.shape_cast %swap3A_1540 : vector<16xi32> to vector<16xi32>
    %swap3A_1542 = vector.shape_cast %add3A_1538 : vector<16xi32> to vector<16xi32>
    tpu.vector_store %arg9[%swap3A_1539], %swap3A_1542 {strides = array<i32>} : memref<4096xi32, #tpu.memory_space<vmem>>, vector<16xi32>,
    %add3A_1543 = arith.constant 128 : i32
    %add3A_1544 = vector.broadcast %add3A_1543 : i32 to vector<16xi32>
    %add3A_1545 = arith.addi %add3A_1535, %add3A_1544 : vector<16xi32>
    %swap3A_1546 = arith.constant 864 : index
    %swap3A_1547 = tpu.vector_load %arg9[%swap3A_1546] {strides = array<i32>} : memref<4096xi32, #tpu.memory_space<vmem>>, vector<16xi32>,
    %swap3A_1548 = vector.shape_cast %swap3A_1547 : vector<16xi32> to vector<16xi32>
    %swap3A_1549 = vector.shape_cast %add3A_1545 : vector<16xi32> to vector<16xi32>
    tpu.vector_store %arg9[%swap3A_1546], %swap3A_1549 {strides = array<i32>} : memref<4096xi32, #tpu.memory_space<vmem>>, vector<16xi32>,
    %add3A_1550 = arith.constant 256 : i32
    %add3A_1551 = vector.broadcast %add3A_1550 : i32 to vector<16xi32>
    %add3A_1552 = arith.addi %add3A_1535, %add3A_1551 : vector<16xi32>
    %swap3A_1553 = arith.constant 1376 : index
    %swap3A_1554 = tpu.vector_load %arg9[%swap3A_1553] {strides = array<i32>} : memref<4096xi32, #tpu.memory_space<vmem>>, vector<16xi32>,
    %swap3A_1555 = vector.shape_cast %swap3A_1554 : vector<16xi32> to vector<16xi32>
    %swap3A_1556 = vector.shape_cast %add3A_1552 : vector<16xi32> to vector<16xi32>
    tpu.vector_store %arg9[%swap3A_1553], %swap3A_1556 {strides = array<i32>} : memref<4096xi32, #tpu.memory_space<vmem>>, vector<16xi32>,
    %add3A_1557 = arith.constant 384 : i32
    %add3A_1558 = vector.broadcast %add3A_1557 : i32 to vector<16xi32>
    %add3A_1559 = arith.addi %add3A_1535, %add3A_1558 : vector<16xi32>
    %swap3A_1560 = arith.constant 1888 : index
    %swap3A_1561 = tpu.vector_load %arg9[%swap3A_1560] {strides = array<i32>} : memref<4096xi32, #tpu.memory_space<vmem>>, vector<16xi32>,
    %swap3A_1562 = vector.shape_cast %swap3A_1561 : vector<16xi32> to vector<16xi32>
    %swap3A_1563 = vector.shape_cast %add3A_1559 : vector<16xi32> to vector<16xi32>
    tpu.vector_store %arg9[%swap3A_1560], %swap3A_1563 {strides = array<i32>} : memref<4096xi32, #tpu.memory_space<vmem>>, vector<16xi32>,
    %add3A_1564 = arith.constant 512 : i32
    %add3A_1565 = vector.broadcast %add3A_1564 : i32 to vector<16xi32>
    %add3A_1566 = arith.addi %add3A_1535, %add3A_1565 : vector<16xi32>
    %swap3A_1567 = arith.constant 2400 : index
    %swap3A_1568 = tpu.vector_load %arg9[%swap3A_1567] {strides = array<i32>} : memref<4096xi32, #tpu.memory_space<vmem>>, vector<16xi32>,
    %swap3A_1569 = vector.shape_cast %swap3A_1568 : vector<16xi32> to vector<16xi32>
    %swap3A_1570 = vector.shape_cast %add3A_1566 : vector<16xi32> to vector<16xi32>
    tpu.vector_store %arg9[%swap3A_1567], %swap3A_1570 {strides = array<i32>} : memref<4096xi32, #tpu.memory_space<vmem>>, vector<16xi32>,
    %add3A_1571 = arith.constant 640 : i32
    %add3A_1572 = vector.broadcast %add3A_1571 : i32 to vector<16xi32>
    %add3A_1573 = arith.addi %add3A_1535, %add3A_1572 : vector<16xi32>
    %swap3A_1574 = arith.constant 2912 : index
    %swap3A_1575 = tpu.vector_load %arg9[%swap3A_1574] {strides = array<i32>} : memref<4096xi32, #tpu.memory_space<vmem>>, vector<16xi32>,
    %swap3A_1576 = vector.shape_cast %swap3A_1575 : vector<16xi32> to vector<16xi32>
    %swap3A_1577 = vector.shape_cast %add3A_1573 : vector<16xi32> to vector<16xi32>
    tpu.vector_store %arg9[%swap3A_1574], %swap3A_1577 {strides = array<i32>} : memref<4096xi32, #tpu.memory_space<vmem>>, vector<16xi32>,
    %add3A_1578 = arith.constant 768 : i32
    %add3A_1579 = vector.broadcast %add3A_1578 : i32 to vector<16xi32>
    %add3A_1580 = arith.addi %add3A_1535, %add3A_1579 : vector<16xi32>
    %swap3A_1581 = arith.constant 3424 : index
    %swap3A_1582 = tpu.vector_load %arg9[%swap3A_1581] {strides = array<i32>} : memref<4096xi32, #tpu.memory_space<vmem>>, vector<16xi32>,
    %swap3A_1583 = vector.shape_cast %swap3A_1582 : vector<16xi32> to vector<16xi32>
    %swap3A_1584 = vector.shape_cast %add3A_1580 : vector<16xi32> to vector<16xi32>
    tpu.vector_store %arg9[%swap3A_1581], %swap3A_1584 {strides = array<i32>} : memref<4096xi32, #tpu.memory_space<vmem>>, vector<16xi32>,
    %add3A_1585 = arith.constant 896 : i32
    %add3A_1586 = vector.broadcast %add3A_1585 : i32 to vector<16xi32>
    %add3A_1587 = arith.addi %add3A_1535, %add3A_1586 : vector<16xi32>
    %swap3A_1588 = arith.constant 3936 : index
    %swap3A_1589 = tpu.vector_load %arg9[%swap3A_1588] {strides = array<i32>} : memref<4096xi32, #tpu.memory_space<vmem>>, vector<16xi32>,
    %swap3A_1590 = vector.shape_cast %swap3A_1589 : vector<16xi32> to vector<16xi32>
    %swap3A_1591 = vector.shape_cast %add3A_1587 : vector<16xi32> to vector<16xi32>
    tpu.vector_store %arg9[%swap3A_1588], %swap3A_1591 {strides = array<i32>} : memref<4096xi32, #tpu.memory_space<vmem>>, vector<16xi32>,
    %get3A_1592 = arith.constant 368 : index
    %get3A_1593 = tpu.vector_load %arg7[%get3A_1592] {strides = array<i32>} : memref<512xi32, #tpu.memory_space<vmem>>, vector<16xi32>,
    %get3A_1594 = vector.shape_cast %get3A_1593 : vector<16xi32> to vector<16xi32>
    %shift_right_logical3A_1595 = arith.constant 7 : i32
    %shift_right_logical3A_1596 = vector.broadcast %shift_right_logical3A_1595 : i32 to vector<16xi32>
    %shift_right_logical3A_1597 = arith.shrui %get3A_1594, %shift_right_logical3A_1596 : vector<16xi32>
    %mul3A_1598 = arith.constant 1024 : i32
    %mul3A_1599 = vector.broadcast %mul3A_1598 : i32 to vector<16xi32>
    %mul3A_1600 = arith.muli %shift_right_logical3A_1597, %mul3A_1599 : vector<16xi32>
    %and3A_1601 = arith.constant 127 : i32
    %and3A_1602 = vector.broadcast %and3A_1601 : i32 to vector<16xi32>
    %and3A_1603 = arith.andi %get3A_1594, %and3A_1602 : vector<16xi32>
    %add3A_1604 = arith.addi %mul3A_1600, %and3A_1603 : vector<16xi32>
    %add3A_1605 = arith.constant 0 : i32
    %add3A_1606 = vector.broadcast %add3A_1605 : i32 to vector<16xi32>
    %add3A_1607 = arith.addi %add3A_1604, %add3A_1606 : vector<16xi32>
    %swap3A_1608 = arith.constant 368 : index
    %swap3A_1609 = tpu.vector_load %arg9[%swap3A_1608] {strides = array<i32>} : memref<4096xi32, #tpu.memory_space<vmem>>, vector<16xi32>,
    %swap3A_1610 = vector.shape_cast %swap3A_1609 : vector<16xi32> to vector<16xi32>
    %swap3A_1611 = vector.shape_cast %add3A_1607 : vector<16xi32> to vector<16xi32>
    tpu.vector_store %arg9[%swap3A_1608], %swap3A_1611 {strides = array<i32>} : memref<4096xi32, #tpu.memory_space<vmem>>, vector<16xi32>,
    %add3A_1612 = arith.constant 128 : i32
    %add3A_1613 = vector.broadcast %add3A_1612 : i32 to vector<16xi32>
    %add3A_1614 = arith.addi %add3A_1604, %add3A_1613 : vector<16xi32>
    %swap3A_1615 = arith.constant 880 : index
    %swap3A_1616 = tpu.vector_load %arg9[%swap3A_1615] {strides = array<i32>} : memref<4096xi32, #tpu.memory_space<vmem>>, vector<16xi32>,
    %swap3A_1617 = vector.shape_cast %swap3A_1616 : vector<16xi32> to vector<16xi32>
    %swap3A_1618 = vector.shape_cast %add3A_1614 : vector<16xi32> to vector<16xi32>
    tpu.vector_store %arg9[%swap3A_1615], %swap3A_1618 {strides = array<i32>} : memref<4096xi32, #tpu.memory_space<vmem>>, vector<16xi32>,
    %add3A_1619 = arith.constant 256 : i32
    %add3A_1620 = vector.broadcast %add3A_1619 : i32 to vector<16xi32>
    %add3A_1621 = arith.addi %add3A_1604, %add3A_1620 : vector<16xi32>
    %swap3A_1622 = arith.constant 1392 : index
    %swap3A_1623 = tpu.vector_load %arg9[%swap3A_1622] {strides = array<i32>} : memref<4096xi32, #tpu.memory_space<vmem>>, vector<16xi32>,
    %swap3A_1624 = vector.shape_cast %swap3A_1623 : vector<16xi32> to vector<16xi32>
    %swap3A_1625 = vector.shape_cast %add3A_1621 : vector<16xi32> to vector<16xi32>
    tpu.vector_store %arg9[%swap3A_1622], %swap3A_1625 {strides = array<i32>} : memref<4096xi32, #tpu.memory_space<vmem>>, vector<16xi32>,
    %add3A_1626 = arith.constant 384 : i32
    %add3A_1627 = vector.broadcast %add3A_1626 : i32 to vector<16xi32>
    %add3A_1628 = arith.addi %add3A_1604, %add3A_1627 : vector<16xi32>
    %swap3A_1629 = arith.constant 1904 : index
    %swap3A_1630 = tpu.vector_load %arg9[%swap3A_1629] {strides = array<i32>} : memref<4096xi32, #tpu.memory_space<vmem>>, vector<16xi32>,
    %swap3A_1631 = vector.shape_cast %swap3A_1630 : vector<16xi32> to vector<16xi32>
    %swap3A_1632 = vector.shape_cast %add3A_1628 : vector<16xi32> to vector<16xi32>
    tpu.vector_store %arg9[%swap3A_1629], %swap3A_1632 {strides = array<i32>} : memref<4096xi32, #tpu.memory_space<vmem>>, vector<16xi32>,
    %add3A_1633 = arith.constant 512 : i32
    %add3A_1634 = vector.broadcast %add3A_1633 : i32 to vector<16xi32>
    %add3A_1635 = arith.addi %add3A_1604, %add3A_1634 : vector<16xi32>
    %swap3A_1636 = arith.constant 2416 : index
    %swap3A_1637 = tpu.vector_load %arg9[%swap3A_1636] {strides = array<i32>} : memref<4096xi32, #tpu.memory_space<vmem>>, vector<16xi32>,
    %swap3A_1638 = vector.shape_cast %swap3A_1637 : vector<16xi32> to vector<16xi32>
    %swap3A_1639 = vector.shape_cast %add3A_1635 : vector<16xi32> to vector<16xi32>
    tpu.vector_store %arg9[%swap3A_1636], %swap3A_1639 {strides = array<i32>} : memref<4096xi32, #tpu.memory_space<vmem>>, vector<16xi32>,
    %add3A_1640 = arith.constant 640 : i32
    %add3A_1641 = vector.broadcast %add3A_1640 : i32 to vector<16xi32>
    %add3A_1642 = arith.addi %add3A_1604, %add3A_1641 : vector<16xi32>
    %swap3A_1643 = arith.constant 2928 : index
    %swap3A_1644 = tpu.vector_load %arg9[%swap3A_1643] {strides = array<i32>} : memref<4096xi32, #tpu.memory_space<vmem>>, vector<16xi32>,
    %swap3A_1645 = vector.shape_cast %swap3A_1644 : vector<16xi32> to vector<16xi32>
    %swap3A_1646 = vector.shape_cast %add3A_1642 : vector<16xi32> to vector<16xi32>
    tpu.vector_store %arg9[%swap3A_1643], %swap3A_1646 {strides = array<i32>} : memref<4096xi32, #tpu.memory_space<vmem>>, vector<16xi32>,
    %add3A_1647 = arith.constant 768 : i32
    %add3A_1648 = vector.broadcast %add3A_1647 : i32 to vector<16xi32>
    %add3A_1649 = arith.addi %add3A_1604, %add3A_1648 : vector<16xi32>
    %swap3A_1650 = arith.constant 3440 : index
    %swap3A_1651 = tpu.vector_load %arg9[%swap3A_1650] {strides = array<i32>} : memref<4096xi32, #tpu.memory_space<vmem>>, vector<16xi32>,
    %swap3A_1652 = vector.shape_cast %swap3A_1651 : vector<16xi32> to vector<16xi32>
    %swap3A_1653 = vector.shape_cast %add3A_1649 : vector<16xi32> to vector<16xi32>
    tpu.vector_store %arg9[%swap3A_1650], %swap3A_1653 {strides = array<i32>} : memref<4096xi32, #tpu.memory_space<vmem>>, vector<16xi32>,
    %add3A_1654 = arith.constant 896 : i32
    %add3A_1655 = vector.broadcast %add3A_1654 : i32 to vector<16xi32>
    %add3A_1656 = arith.addi %add3A_1604, %add3A_1655 : vector<16xi32>
    %swap3A_1657 = arith.constant 3952 : index
    %swap3A_1658 = tpu.vector_load %arg9[%swap3A_1657] {strides = array<i32>} : memref<4096xi32, #tpu.memory_space<vmem>>, vector<16xi32>,
    %swap3A_1659 = vector.shape_cast %swap3A_1658 : vector<16xi32> to vector<16xi32>
    %swap3A_1660 = vector.shape_cast %add3A_1656 : vector<16xi32> to vector<16xi32>
    tpu.vector_store %arg9[%swap3A_1657], %swap3A_1660 {strides = array<i32>} : memref<4096xi32, #tpu.memory_space<vmem>>, vector<16xi32>,
    %get3A_1661 = arith.constant 384 : index
    %get3A_1662 = tpu.vector_load %arg7[%get3A_1661] {strides = array<i32>} : memref<512xi32, #tpu.memory_space<vmem>>, vector<16xi32>,
    %get3A_1663 = vector.shape_cast %get3A_1662 : vector<16xi32> to vector<16xi32>
    %shift_right_logical3A_1664 = arith.constant 7 : i32
    %shift_right_logical3A_1665 = vector.broadcast %shift_right_logical3A_1664 : i32 to vector<16xi32>
    %shift_right_logical3A_1666 = arith.shrui %get3A_1663, %shift_right_logical3A_1665 : vector<16xi32>
    %mul3A_1667 = arith.constant 1024 : i32
    %mul3A_1668 = vector.broadcast %mul3A_1667 : i32 to vector<16xi32>
    %mul3A_1669 = arith.muli %shift_right_logical3A_1666, %mul3A_1668 : vector<16xi32>
    %and3A_1670 = arith.constant 127 : i32
    %and3A_1671 = vector.broadcast %and3A_1670 : i32 to vector<16xi32>
    %and3A_1672 = arith.andi %get3A_1663, %and3A_1671 : vector<16xi32>
    %add3A_1673 = arith.addi %mul3A_1669, %and3A_1672 : vector<16xi32>
    %add3A_1674 = arith.constant 0 : i32
    %add3A_1675 = vector.broadcast %add3A_1674 : i32 to vector<16xi32>
    %add3A_1676 = arith.addi %add3A_1673, %add3A_1675 : vector<16xi32>
    %swap3A_1677 = arith.constant 384 : index
    %swap3A_1678 = tpu.vector_load %arg9[%swap3A_1677] {strides = array<i32>} : memref<4096xi32, #tpu.memory_space<vmem>>, vector<16xi32>,
    %swap3A_1679 = vector.shape_cast %swap3A_1678 : vector<16xi32> to vector<16xi32>
    %swap3A_1680 = vector.shape_cast %add3A_1676 : vector<16xi32> to vector<16xi32>
    tpu.vector_store %arg9[%swap3A_1677], %swap3A_1680 {strides = array<i32>} : memref<4096xi32, #tpu.memory_space<vmem>>, vector<16xi32>,
    %add3A_1681 = arith.constant 128 : i32
    %add3A_1682 = vector.broadcast %add3A_1681 : i32 to vector<16xi32>
    %add3A_1683 = arith.addi %add3A_1673, %add3A_1682 : vector<16xi32>
    %swap3A_1684 = arith.constant 896 : index
    %swap3A_1685 = tpu.vector_load %arg9[%swap3A_1684] {strides = array<i32>} : memref<4096xi32, #tpu.memory_space<vmem>>, vector<16xi32>,
    %swap3A_1686 = vector.shape_cast %swap3A_1685 : vector<16xi32> to vector<16xi32>
    %swap3A_1687 = vector.shape_cast %add3A_1683 : vector<16xi32> to vector<16xi32>
    tpu.vector_store %arg9[%swap3A_1684], %swap3A_1687 {strides = array<i32>} : memref<4096xi32, #tpu.memory_space<vmem>>, vector<16xi32>,
    %add3A_1688 = arith.constant 256 : i32
    %add3A_1689 = vector.broadcast %add3A_1688 : i32 to vector<16xi32>
    %add3A_1690 = arith.addi %add3A_1673, %add3A_1689 : vector<16xi32>
    %swap3A_1691 = arith.constant 1408 : index
    %swap3A_1692 = tpu.vector_load %arg9[%swap3A_1691] {strides = array<i32>} : memref<4096xi32, #tpu.memory_space<vmem>>, vector<16xi32>,
    %swap3A_1693 = vector.shape_cast %swap3A_1692 : vector<16xi32> to vector<16xi32>
    %swap3A_1694 = vector.shape_cast %add3A_1690 : vector<16xi32> to vector<16xi32>
    tpu.vector_store %arg9[%swap3A_1691], %swap3A_1694 {strides = array<i32>} : memref<4096xi32, #tpu.memory_space<vmem>>, vector<16xi32>,
    %add3A_1695 = arith.constant 384 : i32
    %add3A_1696 = vector.broadcast %add3A_1695 : i32 to vector<16xi32>
    %add3A_1697 = arith.addi %add3A_1673, %add3A_1696 : vector<16xi32>
    %swap3A_1698 = arith.constant 1920 : index
    %swap3A_1699 = tpu.vector_load %arg9[%swap3A_1698] {strides = array<i32>} : memref<4096xi32, #tpu.memory_space<vmem>>, vector<16xi32>,
    %swap3A_1700 = vector.shape_cast %swap3A_1699 : vector<16xi32> to vector<16xi32>
    %swap3A_1701 = vector.shape_cast %add3A_1697 : vector<16xi32> to vector<16xi32>
    tpu.vector_store %arg9[%swap3A_1698], %swap3A_1701 {strides = array<i32>} : memref<4096xi32, #tpu.memory_space<vmem>>, vector<16xi32>,
    %add3A_1702 = arith.constant 512 : i32
    %add3A_1703 = vector.broadcast %add3A_1702 : i32 to vector<16xi32>
    %add3A_1704 = arith.addi %add3A_1673, %add3A_1703 : vector<16xi32>
    %swap3A_1705 = arith.constant 2432 : index
    %swap3A_1706 = tpu.vector_load %arg9[%swap3A_1705] {strides = array<i32>} : memref<4096xi32, #tpu.memory_space<vmem>>, vector<16xi32>,
    %swap3A_1707 = vector.shape_cast %swap3A_1706 : vector<16xi32> to vector<16xi32>
    %swap3A_1708 = vector.shape_cast %add3A_1704 : vector<16xi32> to vector<16xi32>
    tpu.vector_store %arg9[%swap3A_1705], %swap3A_1708 {strides = array<i32>} : memref<4096xi32, #tpu.memory_space<vmem>>, vector<16xi32>,
    %add3A_1709 = arith.constant 640 : i32
    %add3A_1710 = vector.broadcast %add3A_1709 : i32 to vector<16xi32>
    %add3A_1711 = arith.addi %add3A_1673, %add3A_1710 : vector<16xi32>
    %swap3A_1712 = arith.constant 2944 : index
    %swap3A_1713 = tpu.vector_load %arg9[%swap3A_1712] {strides = array<i32>} : memref<4096xi32, #tpu.memory_space<vmem>>, vector<16xi32>,
    %swap3A_1714 = vector.shape_cast %swap3A_1713 : vector<16xi32> to vector<16xi32>
    %swap3A_1715 = vector.shape_cast %add3A_1711 : vector<16xi32> to vector<16xi32>
    tpu.vector_store %arg9[%swap3A_1712], %swap3A_1715 {strides = array<i32>} : memref<4096xi32, #tpu.memory_space<vmem>>, vector<16xi32>,
    %add3A_1716 = arith.constant 768 : i32
    %add3A_1717 = vector.broadcast %add3A_1716 : i32 to vector<16xi32>
    %add3A_1718 = arith.addi %add3A_1673, %add3A_1717 : vector<16xi32>
    %swap3A_1719 = arith.constant 3456 : index
    %swap3A_1720 = tpu.vector_load %arg9[%swap3A_1719] {strides = array<i32>} : memref<4096xi32, #tpu.memory_space<vmem>>, vector<16xi32>,
    %swap3A_1721 = vector.shape_cast %swap3A_1720 : vector<16xi32> to vector<16xi32>
    %swap3A_1722 = vector.shape_cast %add3A_1718 : vector<16xi32> to vector<16xi32>
    tpu.vector_store %arg9[%swap3A_1719], %swap3A_1722 {strides = array<i32>} : memref<4096xi32, #tpu.memory_space<vmem>>, vector<16xi32>,
    %add3A_1723 = arith.constant 896 : i32
    %add3A_1724 = vector.broadcast %add3A_1723 : i32 to vector<16xi32>
    %add3A_1725 = arith.addi %add3A_1673, %add3A_1724 : vector<16xi32>
    %swap3A_1726 = arith.constant 3968 : index
    %swap3A_1727 = tpu.vector_load %arg9[%swap3A_1726] {strides = array<i32>} : memref<4096xi32, #tpu.memory_space<vmem>>, vector<16xi32>,
    %swap3A_1728 = vector.shape_cast %swap3A_1727 : vector<16xi32> to vector<16xi32>
    %swap3A_1729 = vector.shape_cast %add3A_1725 : vector<16xi32> to vector<16xi32>
    tpu.vector_store %arg9[%swap3A_1726], %swap3A_1729 {strides = array<i32>} : memref<4096xi32, #tpu.memory_space<vmem>>, vector<16xi32>,
    %get3A_1730 = arith.constant 400 : index
    %get3A_1731 = tpu.vector_load %arg7[%get3A_1730] {strides = array<i32>} : memref<512xi32, #tpu.memory_space<vmem>>, vector<16xi32>,
    %get3A_1732 = vector.shape_cast %get3A_1731 : vector<16xi32> to vector<16xi32>
    %shift_right_logical3A_1733 = arith.constant 7 : i32
    %shift_right_logical3A_1734 = vector.broadcast %shift_right_logical3A_1733 : i32 to vector<16xi32>
    %shift_right_logical3A_1735 = arith.shrui %get3A_1732, %shift_right_logical3A_1734 : vector<16xi32>
    %mul3A_1736 = arith.constant 1024 : i32
    %mul3A_1737 = vector.broadcast %mul3A_1736 : i32 to vector<16xi32>
    %mul3A_1738 = arith.muli %shift_right_logical3A_1735, %mul3A_1737 : vector<16xi32>
    %and3A_1739 = arith.constant 127 : i32
    %and3A_1740 = vector.broadcast %and3A_1739 : i32 to vector<16xi32>
    %and3A_1741 = arith.andi %get3A_1732, %and3A_1740 : vector<16xi32>
    %add3A_1742 = arith.addi %mul3A_1738, %and3A_1741 : vector<16xi32>
    %add3A_1743 = arith.constant 0 : i32
    %add3A_1744 = vector.broadcast %add3A_1743 : i32 to vector<16xi32>
    %add3A_1745 = arith.addi %add3A_1742, %add3A_1744 : vector<16xi32>
    %swap3A_1746 = arith.constant 400 : index
    %swap3A_1747 = tpu.vector_load %arg9[%swap3A_1746] {strides = array<i32>} : memref<4096xi32, #tpu.memory_space<vmem>>, vector<16xi32>,
    %swap3A_1748 = vector.shape_cast %swap3A_1747 : vector<16xi32> to vector<16xi32>
    %swap3A_1749 = vector.shape_cast %add3A_1745 : vector<16xi32> to vector<16xi32>
    tpu.vector_store %arg9[%swap3A_1746], %swap3A_1749 {strides = array<i32>} : memref<4096xi32, #tpu.memory_space<vmem>>, vector<16xi32>,
    %add3A_1750 = arith.constant 128 : i32
    %add3A_1751 = vector.broadcast %add3A_1750 : i32 to vector<16xi32>
    %add3A_1752 = arith.addi %add3A_1742, %add3A_1751 : vector<16xi32>
    %swap3A_1753 = arith.constant 912 : index
    %swap3A_1754 = tpu.vector_load %arg9[%swap3A_1753] {strides = array<i32>} : memref<4096xi32, #tpu.memory_space<vmem>>, vector<16xi32>,
    %swap3A_1755 = vector.shape_cast %swap3A_1754 : vector<16xi32> to vector<16xi32>
    %swap3A_1756 = vector.shape_cast %add3A_1752 : vector<16xi32> to vector<16xi32>
    tpu.vector_store %arg9[%swap3A_1753], %swap3A_1756 {strides = array<i32>} : memref<4096xi32, #tpu.memory_space<vmem>>, vector<16xi32>,
    %add3A_1757 = arith.constant 256 : i32
    %add3A_1758 = vector.broadcast %add3A_1757 : i32 to vector<16xi32>
    %add3A_1759 = arith.addi %add3A_1742, %add3A_1758 : vector<16xi32>
    %swap3A_1760 = arith.constant 1424 : index
    %swap3A_1761 = tpu.vector_load %arg9[%swap3A_1760] {strides = array<i32>} : memref<4096xi32, #tpu.memory_space<vmem>>, vector<16xi32>,
    %swap3A_1762 = vector.shape_cast %swap3A_1761 : vector<16xi32> to vector<16xi32>
    %swap3A_1763 = vector.shape_cast %add3A_1759 : vector<16xi32> to vector<16xi32>
    tpu.vector_store %arg9[%swap3A_1760], %swap3A_1763 {strides = array<i32>} : memref<4096xi32, #tpu.memory_space<vmem>>, vector<16xi32>,
    %add3A_1764 = arith.constant 384 : i32
    %add3A_1765 = vector.broadcast %add3A_1764 : i32 to vector<16xi32>
    %add3A_1766 = arith.addi %add3A_1742, %add3A_1765 : vector<16xi32>
    %swap3A_1767 = arith.constant 1936 : index
    %swap3A_1768 = tpu.vector_load %arg9[%swap3A_1767] {strides = array<i32>} : memref<4096xi32, #tpu.memory_space<vmem>>, vector<16xi32>,
    %swap3A_1769 = vector.shape_cast %swap3A_1768 : vector<16xi32> to vector<16xi32>
    %swap3A_1770 = vector.shape_cast %add3A_1766 : vector<16xi32> to vector<16xi32>
    tpu.vector_store %arg9[%swap3A_1767], %swap3A_1770 {strides = array<i32>} : memref<4096xi32, #tpu.memory_space<vmem>>, vector<16xi32>,
    %add3A_1771 = arith.constant 512 : i32
    %add3A_1772 = vector.broadcast %add3A_1771 : i32 to vector<16xi32>
    %add3A_1773 = arith.addi %add3A_1742, %add3A_1772 : vector<16xi32>
    %swap3A_1774 = arith.constant 2448 : index
    %swap3A_1775 = tpu.vector_load %arg9[%swap3A_1774] {strides = array<i32>} : memref<4096xi32, #tpu.memory_space<vmem>>, vector<16xi32>,
    %swap3A_1776 = vector.shape_cast %swap3A_1775 : vector<16xi32> to vector<16xi32>
    %swap3A_1777 = vector.shape_cast %add3A_1773 : vector<16xi32> to vector<16xi32>
    tpu.vector_store %arg9[%swap3A_1774], %swap3A_1777 {strides = array<i32>} : memref<4096xi32, #tpu.memory_space<vmem>>, vector<16xi32>,
    %add3A_1778 = arith.constant 640 : i32
    %add3A_1779 = vector.broadcast %add3A_1778 : i32 to vector<16xi32>
    %add3A_1780 = arith.addi %add3A_1742, %add3A_1779 : vector<16xi32>
    %swap3A_1781 = arith.constant 2960 : index
    %swap3A_1782 = tpu.vector_load %arg9[%swap3A_1781] {strides = array<i32>} : memref<4096xi32, #tpu.memory_space<vmem>>, vector<16xi32>,
    %swap3A_1783 = vector.shape_cast %swap3A_1782 : vector<16xi32> to vector<16xi32>
    %swap3A_1784 = vector.shape_cast %add3A_1780 : vector<16xi32> to vector<16xi32>
    tpu.vector_store %arg9[%swap3A_1781], %swap3A_1784 {strides = array<i32>} : memref<4096xi32, #tpu.memory_space<vmem>>, vector<16xi32>,
    %add3A_1785 = arith.constant 768 : i32
    %add3A_1786 = vector.broadcast %add3A_1785 : i32 to vector<16xi32>
    %add3A_1787 = arith.addi %add3A_1742, %add3A_1786 : vector<16xi32>
    %swap3A_1788 = arith.constant 3472 : index
    %swap3A_1789 = tpu.vector_load %arg9[%swap3A_1788] {strides = array<i32>} : memref<4096xi32, #tpu.memory_space<vmem>>, vector<16xi32>,
    %swap3A_1790 = vector.shape_cast %swap3A_1789 : vector<16xi32> to vector<16xi32>
    %swap3A_1791 = vector.shape_cast %add3A_1787 : vector<16xi32> to vector<16xi32>
    tpu.vector_store %arg9[%swap3A_1788], %swap3A_1791 {strides = array<i32>} : memref<4096xi32, #tpu.memory_space<vmem>>, vector<16xi32>,
    %add3A_1792 = arith.constant 896 : i32
    %add3A_1793 = vector.broadcast %add3A_1792 : i32 to vector<16xi32>
    %add3A_1794 = arith.addi %add3A_1742, %add3A_1793 : vector<16xi32>
    %swap3A_1795 = arith.constant 3984 : index
    %swap3A_1796 = tpu.vector_load %arg9[%swap3A_1795] {strides = array<i32>} : memref<4096xi32, #tpu.memory_space<vmem>>, vector<16xi32>,
    %swap3A_1797 = vector.shape_cast %swap3A_1796 : vector<16xi32> to vector<16xi32>
    %swap3A_1798 = vector.shape_cast %add3A_1794 : vector<16xi32> to vector<16xi32>
    tpu.vector_store %arg9[%swap3A_1795], %swap3A_1798 {strides = array<i32>} : memref<4096xi32, #tpu.memory_space<vmem>>, vector<16xi32>,
    %get3A_1799 = arith.constant 416 : index
    %get3A_1800 = tpu.vector_load %arg7[%get3A_1799] {strides = array<i32>} : memref<512xi32, #tpu.memory_space<vmem>>, vector<16xi32>,
    %get3A_1801 = vector.shape_cast %get3A_1800 : vector<16xi32> to vector<16xi32>
    %shift_right_logical3A_1802 = arith.constant 7 : i32
    %shift_right_logical3A_1803 = vector.broadcast %shift_right_logical3A_1802 : i32 to vector<16xi32>
    %shift_right_logical3A_1804 = arith.shrui %get3A_1801, %shift_right_logical3A_1803 : vector<16xi32>
    %mul3A_1805 = arith.constant 1024 : i32
    %mul3A_1806 = vector.broadcast %mul3A_1805 : i32 to vector<16xi32>
    %mul3A_1807 = arith.muli %shift_right_logical3A_1804, %mul3A_1806 : vector<16xi32>
    %and3A_1808 = arith.constant 127 : i32
    %and3A_1809 = vector.broadcast %and3A_1808 : i32 to vector<16xi32>
    %and3A_1810 = arith.andi %get3A_1801, %and3A_1809 : vector<16xi32>
    %add3A_1811 = arith.addi %mul3A_1807, %and3A_1810 : vector<16xi32>
    %add3A_1812 = arith.constant 0 : i32
    %add3A_1813 = vector.broadcast %add3A_1812 : i32 to vector<16xi32>
    %add3A_1814 = arith.addi %add3A_1811, %add3A_1813 : vector<16xi32>
    %swap3A_1815 = arith.constant 416 : index
    %swap3A_1816 = tpu.vector_load %arg9[%swap3A_1815] {strides = array<i32>} : memref<4096xi32, #tpu.memory_space<vmem>>, vector<16xi32>,
    %swap3A_1817 = vector.shape_cast %swap3A_1816 : vector<16xi32> to vector<16xi32>
    %swap3A_1818 = vector.shape_cast %add3A_1814 : vector<16xi32> to vector<16xi32>
    tpu.vector_store %arg9[%swap3A_1815], %swap3A_1818 {strides = array<i32>} : memref<4096xi32, #tpu.memory_space<vmem>>, vector<16xi32>,
    %add3A_1819 = arith.constant 128 : i32
    %add3A_1820 = vector.broadcast %add3A_1819 : i32 to vector<16xi32>
    %add3A_1821 = arith.addi %add3A_1811, %add3A_1820 : vector<16xi32>
    %swap3A_1822 = arith.constant 928 : index
    %swap3A_1823 = tpu.vector_load %arg9[%swap3A_1822] {strides = array<i32>} : memref<4096xi32, #tpu.memory_space<vmem>>, vector<16xi32>,
    %swap3A_1824 = vector.shape_cast %swap3A_1823 : vector<16xi32> to vector<16xi32>
    %swap3A_1825 = vector.shape_cast %add3A_1821 : vector<16xi32> to vector<16xi32>
    tpu.vector_store %arg9[%swap3A_1822], %swap3A_1825 {strides = array<i32>} : memref<4096xi32, #tpu.memory_space<vmem>>, vector<16xi32>,
    %add3A_1826 = arith.constant 256 : i32
    %add3A_1827 = vector.broadcast %add3A_1826 : i32 to vector<16xi32>
    %add3A_1828 = arith.addi %add3A_1811, %add3A_1827 : vector<16xi32>
    %swap3A_1829 = arith.constant 1440 : index
    %swap3A_1830 = tpu.vector_load %arg9[%swap3A_1829] {strides = array<i32>} : memref<4096xi32, #tpu.memory_space<vmem>>, vector<16xi32>,
    %swap3A_1831 = vector.shape_cast %swap3A_1830 : vector<16xi32> to vector<16xi32>
    %swap3A_1832 = vector.shape_cast %add3A_1828 : vector<16xi32> to vector<16xi32>
    tpu.vector_store %arg9[%swap3A_1829], %swap3A_1832 {strides = array<i32>} : memref<4096xi32, #tpu.memory_space<vmem>>, vector<16xi32>,
    %add3A_1833 = arith.constant 384 : i32
    %add3A_1834 = vector.broadcast %add3A_1833 : i32 to vector<16xi32>
    %add3A_1835 = arith.addi %add3A_1811, %add3A_1834 : vector<16xi32>
    %swap3A_1836 = arith.constant 1952 : index
    %swap3A_1837 = tpu.vector_load %arg9[%swap3A_1836] {strides = array<i32>} : memref<4096xi32, #tpu.memory_space<vmem>>, vector<16xi32>,
    %swap3A_1838 = vector.shape_cast %swap3A_1837 : vector<16xi32> to vector<16xi32>
    %swap3A_1839 = vector.shape_cast %add3A_1835 : vector<16xi32> to vector<16xi32>
    tpu.vector_store %arg9[%swap3A_1836], %swap3A_1839 {strides = array<i32>} : memref<4096xi32, #tpu.memory_space<vmem>>, vector<16xi32>,
    %add3A_1840 = arith.constant 512 : i32
    %add3A_1841 = vector.broadcast %add3A_1840 : i32 to vector<16xi32>
    %add3A_1842 = arith.addi %add3A_1811, %add3A_1841 : vector<16xi32>
    %swap3A_1843 = arith.constant 2464 : index
    %swap3A_1844 = tpu.vector_load %arg9[%swap3A_1843] {strides = array<i32>} : memref<4096xi32, #tpu.memory_space<vmem>>, vector<16xi32>,
    %swap3A_1845 = vector.shape_cast %swap3A_1844 : vector<16xi32> to vector<16xi32>
    %swap3A_1846 = vector.shape_cast %add3A_1842 : vector<16xi32> to vector<16xi32>
    tpu.vector_store %arg9[%swap3A_1843], %swap3A_1846 {strides = array<i32>} : memref<4096xi32, #tpu.memory_space<vmem>>, vector<16xi32>,
    %add3A_1847 = arith.constant 640 : i32
    %add3A_1848 = vector.broadcast %add3A_1847 : i32 to vector<16xi32>
    %add3A_1849 = arith.addi %add3A_1811, %add3A_1848 : vector<16xi32>
    %swap3A_1850 = arith.constant 2976 : index
    %swap3A_1851 = tpu.vector_load %arg9[%swap3A_1850] {strides = array<i32>} : memref<4096xi32, #tpu.memory_space<vmem>>, vector<16xi32>,
    %swap3A_1852 = vector.shape_cast %swap3A_1851 : vector<16xi32> to vector<16xi32>
    %swap3A_1853 = vector.shape_cast %add3A_1849 : vector<16xi32> to vector<16xi32>
    tpu.vector_store %arg9[%swap3A_1850], %swap3A_1853 {strides = array<i32>} : memref<4096xi32, #tpu.memory_space<vmem>>, vector<16xi32>,
    %add3A_1854 = arith.constant 768 : i32
    %add3A_1855 = vector.broadcast %add3A_1854 : i32 to vector<16xi32>
    %add3A_1856 = arith.addi %add3A_1811, %add3A_1855 : vector<16xi32>
    %swap3A_1857 = arith.constant 3488 : index
    %swap3A_1858 = tpu.vector_load %arg9[%swap3A_1857] {strides = array<i32>} : memref<4096xi32, #tpu.memory_space<vmem>>, vector<16xi32>,
    %swap3A_1859 = vector.shape_cast %swap3A_1858 : vector<16xi32> to vector<16xi32>
    %swap3A_1860 = vector.shape_cast %add3A_1856 : vector<16xi32> to vector<16xi32>
    tpu.vector_store %arg9[%swap3A_1857], %swap3A_1860 {strides = array<i32>} : memref<4096xi32, #tpu.memory_space<vmem>>, vector<16xi32>,
    %add3A_1861 = arith.constant 896 : i32
    %add3A_1862 = vector.broadcast %add3A_1861 : i32 to vector<16xi32>
    %add3A_1863 = arith.addi %add3A_1811, %add3A_1862 : vector<16xi32>
    %swap3A_1864 = arith.constant 4000 : index
    %swap3A_1865 = tpu.vector_load %arg9[%swap3A_1864] {strides = array<i32>} : memref<4096xi32, #tpu.memory_space<vmem>>, vector<16xi32>,
    %swap3A_1866 = vector.shape_cast %swap3A_1865 : vector<16xi32> to vector<16xi32>
    %swap3A_1867 = vector.shape_cast %add3A_1863 : vector<16xi32> to vector<16xi32>
    tpu.vector_store %arg9[%swap3A_1864], %swap3A_1867 {strides = array<i32>} : memref<4096xi32, #tpu.memory_space<vmem>>, vector<16xi32>,
    %get3A_1868 = arith.constant 432 : index
    %get3A_1869 = tpu.vector_load %arg7[%get3A_1868] {strides = array<i32>} : memref<512xi32, #tpu.memory_space<vmem>>, vector<16xi32>,
    %get3A_1870 = vector.shape_cast %get3A_1869 : vector<16xi32> to vector<16xi32>
    %shift_right_logical3A_1871 = arith.constant 7 : i32
    %shift_right_logical3A_1872 = vector.broadcast %shift_right_logical3A_1871 : i32 to vector<16xi32>
    %shift_right_logical3A_1873 = arith.shrui %get3A_1870, %shift_right_logical3A_1872 : vector<16xi32>
    %mul3A_1874 = arith.constant 1024 : i32
    %mul3A_1875 = vector.broadcast %mul3A_1874 : i32 to vector<16xi32>
    %mul3A_1876 = arith.muli %shift_right_logical3A_1873, %mul3A_1875 : vector<16xi32>
    %and3A_1877 = arith.constant 127 : i32
    %and3A_1878 = vector.broadcast %and3A_1877 : i32 to vector<16xi32>
    %and3A_1879 = arith.andi %get3A_1870, %and3A_1878 : vector<16xi32>
    %add3A_1880 = arith.addi %mul3A_1876, %and3A_1879 : vector<16xi32>
    %add3A_1881 = arith.constant 0 : i32
    %add3A_1882 = vector.broadcast %add3A_1881 : i32 to vector<16xi32>
    %add3A_1883 = arith.addi %add3A_1880, %add3A_1882 : vector<16xi32>
    %swap3A_1884 = arith.constant 432 : index
    %swap3A_1885 = tpu.vector_load %arg9[%swap3A_1884] {strides = array<i32>} : memref<4096xi32, #tpu.memory_space<vmem>>, vector<16xi32>,
    %swap3A_1886 = vector.shape_cast %swap3A_1885 : vector<16xi32> to vector<16xi32>
    %swap3A_1887 = vector.shape_cast %add3A_1883 : vector<16xi32> to vector<16xi32>
    tpu.vector_store %arg9[%swap3A_1884], %swap3A_1887 {strides = array<i32>} : memref<4096xi32, #tpu.memory_space<vmem>>, vector<16xi32>,
    %add3A_1888 = arith.constant 128 : i32
    %add3A_1889 = vector.broadcast %add3A_1888 : i32 to vector<16xi32>
    %add3A_1890 = arith.addi %add3A_1880, %add3A_1889 : vector<16xi32>
    %swap3A_1891 = arith.constant 944 : index
    %swap3A_1892 = tpu.vector_load %arg9[%swap3A_1891] {strides = array<i32>} : memref<4096xi32, #tpu.memory_space<vmem>>, vector<16xi32>,
    %swap3A_1893 = vector.shape_cast %swap3A_1892 : vector<16xi32> to vector<16xi32>
    %swap3A_1894 = vector.shape_cast %add3A_1890 : vector<16xi32> to vector<16xi32>
    tpu.vector_store %arg9[%swap3A_1891], %swap3A_1894 {strides = array<i32>} : memref<4096xi32, #tpu.memory_space<vmem>>, vector<16xi32>,
    %add3A_1895 = arith.constant 256 : i32
    %add3A_1896 = vector.broadcast %add3A_1895 : i32 to vector<16xi32>
    %add3A_1897 = arith.addi %add3A_1880, %add3A_1896 : vector<16xi32>
    %swap3A_1898 = arith.constant 1456 : index
    %swap3A_1899 = tpu.vector_load %arg9[%swap3A_1898] {strides = array<i32>} : memref<4096xi32, #tpu.memory_space<vmem>>, vector<16xi32>,
    %swap3A_1900 = vector.shape_cast %swap3A_1899 : vector<16xi32> to vector<16xi32>
    %swap3A_1901 = vector.shape_cast %add3A_1897 : vector<16xi32> to vector<16xi32>
    tpu.vector_store %arg9[%swap3A_1898], %swap3A_1901 {strides = array<i32>} : memref<4096xi32, #tpu.memory_space<vmem>>, vector<16xi32>,
    %add3A_1902 = arith.constant 384 : i32
    %add3A_1903 = vector.broadcast %add3A_1902 : i32 to vector<16xi32>
    %add3A_1904 = arith.addi %add3A_1880, %add3A_1903 : vector<16xi32>
    %swap3A_1905 = arith.constant 1968 : index
    %swap3A_1906 = tpu.vector_load %arg9[%swap3A_1905] {strides = array<i32>} : memref<4096xi32, #tpu.memory_space<vmem>>, vector<16xi32>,
    %swap3A_1907 = vector.shape_cast %swap3A_1906 : vector<16xi32> to vector<16xi32>
    %swap3A_1908 = vector.shape_cast %add3A_1904 : vector<16xi32> to vector<16xi32>
    tpu.vector_store %arg9[%swap3A_1905], %swap3A_1908 {strides = array<i32>} : memref<4096xi32, #tpu.memory_space<vmem>>, vector<16xi32>,
    %add3A_1909 = arith.constant 512 : i32
    %add3A_1910 = vector.broadcast %add3A_1909 : i32 to vector<16xi32>
    %add3A_1911 = arith.addi %add3A_1880, %add3A_1910 : vector<16xi32>
    %swap3A_1912 = arith.constant 2480 : index
    %swap3A_1913 = tpu.vector_load %arg9[%swap3A_1912] {strides = array<i32>} : memref<4096xi32, #tpu.memory_space<vmem>>, vector<16xi32>,
    %swap3A_1914 = vector.shape_cast %swap3A_1913 : vector<16xi32> to vector<16xi32>
    %swap3A_1915 = vector.shape_cast %add3A_1911 : vector<16xi32> to vector<16xi32>
    tpu.vector_store %arg9[%swap3A_1912], %swap3A_1915 {strides = array<i32>} : memref<4096xi32, #tpu.memory_space<vmem>>, vector<16xi32>,
    %add3A_1916 = arith.constant 640 : i32
    %add3A_1917 = vector.broadcast %add3A_1916 : i32 to vector<16xi32>
    %add3A_1918 = arith.addi %add3A_1880, %add3A_1917 : vector<16xi32>
    %swap3A_1919 = arith.constant 2992 : index
    %swap3A_1920 = tpu.vector_load %arg9[%swap3A_1919] {strides = array<i32>} : memref<4096xi32, #tpu.memory_space<vmem>>, vector<16xi32>,
    %swap3A_1921 = vector.shape_cast %swap3A_1920 : vector<16xi32> to vector<16xi32>
    %swap3A_1922 = vector.shape_cast %add3A_1918 : vector<16xi32> to vector<16xi32>
    tpu.vector_store %arg9[%swap3A_1919], %swap3A_1922 {strides = array<i32>} : memref<4096xi32, #tpu.memory_space<vmem>>, vector<16xi32>,
    %add3A_1923 = arith.constant 768 : i32
    %add3A_1924 = vector.broadcast %add3A_1923 : i32 to vector<16xi32>
    %add3A_1925 = arith.addi %add3A_1880, %add3A_1924 : vector<16xi32>
    %swap3A_1926 = arith.constant 3504 : index
    %swap3A_1927 = tpu.vector_load %arg9[%swap3A_1926] {strides = array<i32>} : memref<4096xi32, #tpu.memory_space<vmem>>, vector<16xi32>,
    %swap3A_1928 = vector.shape_cast %swap3A_1927 : vector<16xi32> to vector<16xi32>
    %swap3A_1929 = vector.shape_cast %add3A_1925 : vector<16xi32> to vector<16xi32>
    tpu.vector_store %arg9[%swap3A_1926], %swap3A_1929 {strides = array<i32>} : memref<4096xi32, #tpu.memory_space<vmem>>, vector<16xi32>,
    %add3A_1930 = arith.constant 896 : i32
    %add3A_1931 = vector.broadcast %add3A_1930 : i32 to vector<16xi32>
    %add3A_1932 = arith.addi %add3A_1880, %add3A_1931 : vector<16xi32>
    %swap3A_1933 = arith.constant 4016 : index
    %swap3A_1934 = tpu.vector_load %arg9[%swap3A_1933] {strides = array<i32>} : memref<4096xi32, #tpu.memory_space<vmem>>, vector<16xi32>,
    %swap3A_1935 = vector.shape_cast %swap3A_1934 : vector<16xi32> to vector<16xi32>
    %swap3A_1936 = vector.shape_cast %add3A_1932 : vector<16xi32> to vector<16xi32>
    tpu.vector_store %arg9[%swap3A_1933], %swap3A_1936 {strides = array<i32>} : memref<4096xi32, #tpu.memory_space<vmem>>, vector<16xi32>,
    %get3A_1937 = arith.constant 448 : index
    %get3A_1938 = tpu.vector_load %arg7[%get3A_1937] {strides = array<i32>} : memref<512xi32, #tpu.memory_space<vmem>>, vector<16xi32>,
    %get3A_1939 = vector.shape_cast %get3A_1938 : vector<16xi32> to vector<16xi32>
    %shift_right_logical3A_1940 = arith.constant 7 : i32
    %shift_right_logical3A_1941 = vector.broadcast %shift_right_logical3A_1940 : i32 to vector<16xi32>
    %shift_right_logical3A_1942 = arith.shrui %get3A_1939, %shift_right_logical3A_1941 : vector<16xi32>
    %mul3A_1943 = arith.constant 1024 : i32
    %mul3A_1944 = vector.broadcast %mul3A_1943 : i32 to vector<16xi32>
    %mul3A_1945 = arith.muli %shift_right_logical3A_1942, %mul3A_1944 : vector<16xi32>
    %and3A_1946 = arith.constant 127 : i32
    %and3A_1947 = vector.broadcast %and3A_1946 : i32 to vector<16xi32>
    %and3A_1948 = arith.andi %get3A_1939, %and3A_1947 : vector<16xi32>
    %add3A_1949 = arith.addi %mul3A_1945, %and3A_1948 : vector<16xi32>
    %add3A_1950 = arith.constant 0 : i32
    %add3A_1951 = vector.broadcast %add3A_1950 : i32 to vector<16xi32>
    %add3A_1952 = arith.addi %add3A_1949, %add3A_1951 : vector<16xi32>
    %swap3A_1953 = arith.constant 448 : index
    %swap3A_1954 = tpu.vector_load %arg9[%swap3A_1953] {strides = array<i32>} : memref<4096xi32, #tpu.memory_space<vmem>>, vector<16xi32>,
    %swap3A_1955 = vector.shape_cast %swap3A_1954 : vector<16xi32> to vector<16xi32>
    %swap3A_1956 = vector.shape_cast %add3A_1952 : vector<16xi32> to vector<16xi32>
    tpu.vector_store %arg9[%swap3A_1953], %swap3A_1956 {strides = array<i32>} : memref<4096xi32, #tpu.memory_space<vmem>>, vector<16xi32>,
    %add3A_1957 = arith.constant 128 : i32
    %add3A_1958 = vector.broadcast %add3A_1957 : i32 to vector<16xi32>
    %add3A_1959 = arith.addi %add3A_1949, %add3A_1958 : vector<16xi32>
    %swap3A_1960 = arith.constant 960 : index
    %swap3A_1961 = tpu.vector_load %arg9[%swap3A_1960] {strides = array<i32>} : memref<4096xi32, #tpu.memory_space<vmem>>, vector<16xi32>,
    %swap3A_1962 = vector.shape_cast %swap3A_1961 : vector<16xi32> to vector<16xi32>
    %swap3A_1963 = vector.shape_cast %add3A_1959 : vector<16xi32> to vector<16xi32>
    tpu.vector_store %arg9[%swap3A_1960], %swap3A_1963 {strides = array<i32>} : memref<4096xi32, #tpu.memory_space<vmem>>, vector<16xi32>,
    %add3A_1964 = arith.constant 256 : i32
    %add3A_1965 = vector.broadcast %add3A_1964 : i32 to vector<16xi32>
    %add3A_1966 = arith.addi %add3A_1949, %add3A_1965 : vector<16xi32>
    %swap3A_1967 = arith.constant 1472 : index
    %swap3A_1968 = tpu.vector_load %arg9[%swap3A_1967] {strides = array<i32>} : memref<4096xi32, #tpu.memory_space<vmem>>, vector<16xi32>,
    %swap3A_1969 = vector.shape_cast %swap3A_1968 : vector<16xi32> to vector<16xi32>
    %swap3A_1970 = vector.shape_cast %add3A_1966 : vector<16xi32> to vector<16xi32>
    tpu.vector_store %arg9[%swap3A_1967], %swap3A_1970 {strides = array<i32>} : memref<4096xi32, #tpu.memory_space<vmem>>, vector<16xi32>,
    %add3A_1971 = arith.constant 384 : i32
    %add3A_1972 = vector.broadcast %add3A_1971 : i32 to vector<16xi32>
    %add3A_1973 = arith.addi %add3A_1949, %add3A_1972 : vector<16xi32>
    %swap3A_1974 = arith.constant 1984 : index
    %swap3A_1975 = tpu.vector_load %arg9[%swap3A_1974] {strides = array<i32>} : memref<4096xi32, #tpu.memory_space<vmem>>, vector<16xi32>,
    %swap3A_1976 = vector.shape_cast %swap3A_1975 : vector<16xi32> to vector<16xi32>
    %swap3A_1977 = vector.shape_cast %add3A_1973 : vector<16xi32> to vector<16xi32>
    tpu.vector_store %arg9[%swap3A_1974], %swap3A_1977 {strides = array<i32>} : memref<4096xi32, #tpu.memory_space<vmem>>, vector<16xi32>,
    %add3A_1978 = arith.constant 512 : i32
    %add3A_1979 = vector.broadcast %add3A_1978 : i32 to vector<16xi32>
    %add3A_1980 = arith.addi %add3A_1949, %add3A_1979 : vector<16xi32>
    %swap3A_1981 = arith.constant 2496 : index
    %swap3A_1982 = tpu.vector_load %arg9[%swap3A_1981] {strides = array<i32>} : memref<4096xi32, #tpu.memory_space<vmem>>, vector<16xi32>,
    %swap3A_1983 = vector.shape_cast %swap3A_1982 : vector<16xi32> to vector<16xi32>
    %swap3A_1984 = vector.shape_cast %add3A_1980 : vector<16xi32> to vector<16xi32>
    tpu.vector_store %arg9[%swap3A_1981], %swap3A_1984 {strides = array<i32>} : memref<4096xi32, #tpu.memory_space<vmem>>, vector<16xi32>,
    %add3A_1985 = arith.constant 640 : i32
    %add3A_1986 = vector.broadcast %add3A_1985 : i32 to vector<16xi32>
    %add3A_1987 = arith.addi %add3A_1949, %add3A_1986 : vector<16xi32>
    %swap3A_1988 = arith.constant 3008 : index
    %swap3A_1989 = tpu.vector_load %arg9[%swap3A_1988] {strides = array<i32>} : memref<4096xi32, #tpu.memory_space<vmem>>, vector<16xi32>,
    %swap3A_1990 = vector.shape_cast %swap3A_1989 : vector<16xi32> to vector<16xi32>
    %swap3A_1991 = vector.shape_cast %add3A_1987 : vector<16xi32> to vector<16xi32>
    tpu.vector_store %arg9[%swap3A_1988], %swap3A_1991 {strides = array<i32>} : memref<4096xi32, #tpu.memory_space<vmem>>, vector<16xi32>,
    %add3A_1992 = arith.constant 768 : i32
    %add3A_1993 = vector.broadcast %add3A_1992 : i32 to vector<16xi32>
    %add3A_1994 = arith.addi %add3A_1949, %add3A_1993 : vector<16xi32>
    %swap3A_1995 = arith.constant 3520 : index
    %swap3A_1996 = tpu.vector_load %arg9[%swap3A_1995] {strides = array<i32>} : memref<4096xi32, #tpu.memory_space<vmem>>, vector<16xi32>,
    %swap3A_1997 = vector.shape_cast %swap3A_1996 : vector<16xi32> to vector<16xi32>
    %swap3A_1998 = vector.shape_cast %add3A_1994 : vector<16xi32> to vector<16xi32>
    tpu.vector_store %arg9[%swap3A_1995], %swap3A_1998 {strides = array<i32>} : memref<4096xi32, #tpu.memory_space<vmem>>, vector<16xi32>,
    %add3A_1999 = arith.constant 896 : i32
    %add3A_2000 = vector.broadcast %add3A_1999 : i32 to vector<16xi32>
    %add3A_2001 = arith.addi %add3A_1949, %add3A_2000 : vector<16xi32>
    %swap3A_2002 = arith.constant 4032 : index
    %swap3A_2003 = tpu.vector_load %arg9[%swap3A_2002] {strides = array<i32>} : memref<4096xi32, #tpu.memory_space<vmem>>, vector<16xi32>,
    %swap3A_2004 = vector.shape_cast %swap3A_2003 : vector<16xi32> to vector<16xi32>
    %swap3A_2005 = vector.shape_cast %add3A_2001 : vector<16xi32> to vector<16xi32>
    tpu.vector_store %arg9[%swap3A_2002], %swap3A_2005 {strides = array<i32>} : memref<4096xi32, #tpu.memory_space<vmem>>, vector<16xi32>,
    %get3A_2006 = arith.constant 464 : index
    %get3A_2007 = tpu.vector_load %arg7[%get3A_2006] {strides = array<i32>} : memref<512xi32, #tpu.memory_space<vmem>>, vector<16xi32>,
    %get3A_2008 = vector.shape_cast %get3A_2007 : vector<16xi32> to vector<16xi32>
    %shift_right_logical3A_2009 = arith.constant 7 : i32
    %shift_right_logical3A_2010 = vector.broadcast %shift_right_logical3A_2009 : i32 to vector<16xi32>
    %shift_right_logical3A_2011 = arith.shrui %get3A_2008, %shift_right_logical3A_2010 : vector<16xi32>
    %mul3A_2012 = arith.constant 1024 : i32
    %mul3A_2013 = vector.broadcast %mul3A_2012 : i32 to vector<16xi32>
    %mul3A_2014 = arith.muli %shift_right_logical3A_2011, %mul3A_2013 : vector<16xi32>
    %and3A_2015 = arith.constant 127 : i32
    %and3A_2016 = vector.broadcast %and3A_2015 : i32 to vector<16xi32>
    %and3A_2017 = arith.andi %get3A_2008, %and3A_2016 : vector<16xi32>
    %add3A_2018 = arith.addi %mul3A_2014, %and3A_2017 : vector<16xi32>
    %add3A_2019 = arith.constant 0 : i32
    %add3A_2020 = vector.broadcast %add3A_2019 : i32 to vector<16xi32>
    %add3A_2021 = arith.addi %add3A_2018, %add3A_2020 : vector<16xi32>
    %swap3A_2022 = arith.constant 464 : index
    %swap3A_2023 = tpu.vector_load %arg9[%swap3A_2022] {strides = array<i32>} : memref<4096xi32, #tpu.memory_space<vmem>>, vector<16xi32>,
    %swap3A_2024 = vector.shape_cast %swap3A_2023 : vector<16xi32> to vector<16xi32>
    %swap3A_2025 = vector.shape_cast %add3A_2021 : vector<16xi32> to vector<16xi32>
    tpu.vector_store %arg9[%swap3A_2022], %swap3A_2025 {strides = array<i32>} : memref<4096xi32, #tpu.memory_space<vmem>>, vector<16xi32>,
    %add3A_2026 = arith.constant 128 : i32
    %add3A_2027 = vector.broadcast %add3A_2026 : i32 to vector<16xi32>
    %add3A_2028 = arith.addi %add3A_2018, %add3A_2027 : vector<16xi32>
    %swap3A_2029 = arith.constant 976 : index
    %swap3A_2030 = tpu.vector_load %arg9[%swap3A_2029] {strides = array<i32>} : memref<4096xi32, #tpu.memory_space<vmem>>, vector<16xi32>,
    %swap3A_2031 = vector.shape_cast %swap3A_2030 : vector<16xi32> to vector<16xi32>
    %swap3A_2032 = vector.shape_cast %add3A_2028 : vector<16xi32> to vector<16xi32>
    tpu.vector_store %arg9[%swap3A_2029], %swap3A_2032 {strides = array<i32>} : memref<4096xi32, #tpu.memory_space<vmem>>, vector<16xi32>,
    %add3A_2033 = arith.constant 256 : i32
    %add3A_2034 = vector.broadcast %add3A_2033 : i32 to vector<16xi32>
    %add3A_2035 = arith.addi %add3A_2018, %add3A_2034 : vector<16xi32>
    %swap3A_2036 = arith.constant 1488 : index
    %swap3A_2037 = tpu.vector_load %arg9[%swap3A_2036] {strides = array<i32>} : memref<4096xi32, #tpu.memory_space<vmem>>, vector<16xi32>,
    %swap3A_2038 = vector.shape_cast %swap3A_2037 : vector<16xi32> to vector<16xi32>
    %swap3A_2039 = vector.shape_cast %add3A_2035 : vector<16xi32> to vector<16xi32>
    tpu.vector_store %arg9[%swap3A_2036], %swap3A_2039 {strides = array<i32>} : memref<4096xi32, #tpu.memory_space<vmem>>, vector<16xi32>,
    %add3A_2040 = arith.constant 384 : i32
    %add3A_2041 = vector.broadcast %add3A_2040 : i32 to vector<16xi32>
    %add3A_2042 = arith.addi %add3A_2018, %add3A_2041 : vector<16xi32>
    %swap3A_2043 = arith.constant 2000 : index
    %swap3A_2044 = tpu.vector_load %arg9[%swap3A_2043] {strides = array<i32>} : memref<4096xi32, #tpu.memory_space<vmem>>, vector<16xi32>,
    %swap3A_2045 = vector.shape_cast %swap3A_2044 : vector<16xi32> to vector<16xi32>
    %swap3A_2046 = vector.shape_cast %add3A_2042 : vector<16xi32> to vector<16xi32>
    tpu.vector_store %arg9[%swap3A_2043], %swap3A_2046 {strides = array<i32>} : memref<4096xi32, #tpu.memory_space<vmem>>, vector<16xi32>,
    %add3A_2047 = arith.constant 512 : i32
    %add3A_2048 = vector.broadcast %add3A_2047 : i32 to vector<16xi32>
    %add3A_2049 = arith.addi %add3A_2018, %add3A_2048 : vector<16xi32>
    %swap3A_2050 = arith.constant 2512 : index
    %swap3A_2051 = tpu.vector_load %arg9[%swap3A_2050] {strides = array<i32>} : memref<4096xi32, #tpu.memory_space<vmem>>, vector<16xi32>,
    %swap3A_2052 = vector.shape_cast %swap3A_2051 : vector<16xi32> to vector<16xi32>
    %swap3A_2053 = vector.shape_cast %add3A_2049 : vector<16xi32> to vector<16xi32>
    tpu.vector_store %arg9[%swap3A_2050], %swap3A_2053 {strides = array<i32>} : memref<4096xi32, #tpu.memory_space<vmem>>, vector<16xi32>,
    %add3A_2054 = arith.constant 640 : i32
    %add3A_2055 = vector.broadcast %add3A_2054 : i32 to vector<16xi32>
    %add3A_2056 = arith.addi %add3A_2018, %add3A_2055 : vector<16xi32>
    %swap3A_2057 = arith.constant 3024 : index
    %swap3A_2058 = tpu.vector_load %arg9[%swap3A_2057] {strides = array<i32>} : memref<4096xi32, #tpu.memory_space<vmem>>, vector<16xi32>,
    %swap3A_2059 = vector.shape_cast %swap3A_2058 : vector<16xi32> to vector<16xi32>
    %swap3A_2060 = vector.shape_cast %add3A_2056 : vector<16xi32> to vector<16xi32>
    tpu.vector_store %arg9[%swap3A_2057], %swap3A_2060 {strides = array<i32>} : memref<4096xi32, #tpu.memory_space<vmem>>, vector<16xi32>,
    %add3A_2061 = arith.constant 768 : i32
    %add3A_2062 = vector.broadcast %add3A_2061 : i32 to vector<16xi32>
    %add3A_2063 = arith.addi %add3A_2018, %add3A_2062 : vector<16xi32>
    %swap3A_2064 = arith.constant 3536 : index
    %swap3A_2065 = tpu.vector_load %arg9[%swap3A_2064] {strides = array<i32>} : memref<4096xi32, #tpu.memory_space<vmem>>, vector<16xi32>,
    %swap3A_2066 = vector.shape_cast %swap3A_2065 : vector<16xi32> to vector<16xi32>
    %swap3A_2067 = vector.shape_cast %add3A_2063 : vector<16xi32> to vector<16xi32>
    tpu.vector_store %arg9[%swap3A_2064], %swap3A_2067 {strides = array<i32>} : memref<4096xi32, #tpu.memory_space<vmem>>, vector<16xi32>,
    %add3A_2068 = arith.constant 896 : i32
    %add3A_2069 = vector.broadcast %add3A_2068 : i32 to vector<16xi32>
    %add3A_2070 = arith.addi %add3A_2018, %add3A_2069 : vector<16xi32>
    %swap3A_2071 = arith.constant 4048 : index
    %swap3A_2072 = tpu.vector_load %arg9[%swap3A_2071] {strides = array<i32>} : memref<4096xi32, #tpu.memory_space<vmem>>, vector<16xi32>,
    %swap3A_2073 = vector.shape_cast %swap3A_2072 : vector<16xi32> to vector<16xi32>
    %swap3A_2074 = vector.shape_cast %add3A_2070 : vector<16xi32> to vector<16xi32>
    tpu.vector_store %arg9[%swap3A_2071], %swap3A_2074 {strides = array<i32>} : memref<4096xi32, #tpu.memory_space<vmem>>, vector<16xi32>,
    %get3A_2075 = arith.constant 480 : index
    %get3A_2076 = tpu.vector_load %arg7[%get3A_2075] {strides = array<i32>} : memref<512xi32, #tpu.memory_space<vmem>>, vector<16xi32>,
    %get3A_2077 = vector.shape_cast %get3A_2076 : vector<16xi32> to vector<16xi32>
    %shift_right_logical3A_2078 = arith.constant 7 : i32
    %shift_right_logical3A_2079 = vector.broadcast %shift_right_logical3A_2078 : i32 to vector<16xi32>
    %shift_right_logical3A_2080 = arith.shrui %get3A_2077, %shift_right_logical3A_2079 : vector<16xi32>
    %mul3A_2081 = arith.constant 1024 : i32
    %mul3A_2082 = vector.broadcast %mul3A_2081 : i32 to vector<16xi32>
    %mul3A_2083 = arith.muli %shift_right_logical3A_2080, %mul3A_2082 : vector<16xi32>
    %and3A_2084 = arith.constant 127 : i32
    %and3A_2085 = vector.broadcast %and3A_2084 : i32 to vector<16xi32>
    %and3A_2086 = arith.andi %get3A_2077, %and3A_2085 : vector<16xi32>
    %add3A_2087 = arith.addi %mul3A_2083, %and3A_2086 : vector<16xi32>
    %add3A_2088 = arith.constant 0 : i32
    %add3A_2089 = vector.broadcast %add3A_2088 : i32 to vector<16xi32>
    %add3A_2090 = arith.addi %add3A_2087, %add3A_2089 : vector<16xi32>
    %swap3A_2091 = arith.constant 480 : index
    %swap3A_2092 = tpu.vector_load %arg9[%swap3A_2091] {strides = array<i32>} : memref<4096xi32, #tpu.memory_space<vmem>>, vector<16xi32>,
    %swap3A_2093 = vector.shape_cast %swap3A_2092 : vector<16xi32> to vector<16xi32>
    %swap3A_2094 = vector.shape_cast %add3A_2090 : vector<16xi32> to vector<16xi32>
    tpu.vector_store %arg9[%swap3A_2091], %swap3A_2094 {strides = array<i32>} : memref<4096xi32, #tpu.memory_space<vmem>>, vector<16xi32>,
    %add3A_2095 = arith.constant 128 : i32
    %add3A_2096 = vector.broadcast %add3A_2095 : i32 to vector<16xi32>
    %add3A_2097 = arith.addi %add3A_2087, %add3A_2096 : vector<16xi32>
    %swap3A_2098 = arith.constant 992 : index
    %swap3A_2099 = tpu.vector_load %arg9[%swap3A_2098] {strides = array<i32>} : memref<4096xi32, #tpu.memory_space<vmem>>, vector<16xi32>,
    %swap3A_2100 = vector.shape_cast %swap3A_2099 : vector<16xi32> to vector<16xi32>
    %swap3A_2101 = vector.shape_cast %add3A_2097 : vector<16xi32> to vector<16xi32>
    tpu.vector_store %arg9[%swap3A_2098], %swap3A_2101 {strides = array<i32>} : memref<4096xi32, #tpu.memory_space<vmem>>, vector<16xi32>,
    %add3A_2102 = arith.constant 256 : i32
    %add3A_2103 = vector.broadcast %add3A_2102 : i32 to vector<16xi32>
    %add3A_2104 = arith.addi %add3A_2087, %add3A_2103 : vector<16xi32>
    %swap3A_2105 = arith.constant 1504 : index
    %swap3A_2106 = tpu.vector_load %arg9[%swap3A_2105] {strides = array<i32>} : memref<4096xi32, #tpu.memory_space<vmem>>, vector<16xi32>,
    %swap3A_2107 = vector.shape_cast %swap3A_2106 : vector<16xi32> to vector<16xi32>
    %swap3A_2108 = vector.shape_cast %add3A_2104 : vector<16xi32> to vector<16xi32>
    tpu.vector_store %arg9[%swap3A_2105], %swap3A_2108 {strides = array<i32>} : memref<4096xi32, #tpu.memory_space<vmem>>, vector<16xi32>,
    %add3A_2109 = arith.constant 384 : i32
    %add3A_2110 = vector.broadcast %add3A_2109 : i32 to vector<16xi32>
    %add3A_2111 = arith.addi %add3A_2087, %add3A_2110 : vector<16xi32>
    %swap3A_2112 = arith.constant 2016 : index
    %swap3A_2113 = tpu.vector_load %arg9[%swap3A_2112] {strides = array<i32>} : memref<4096xi32, #tpu.memory_space<vmem>>, vector<16xi32>,
    %swap3A_2114 = vector.shape_cast %swap3A_2113 : vector<16xi32> to vector<16xi32>
    %swap3A_2115 = vector.shape_cast %add3A_2111 : vector<16xi32> to vector<16xi32>
    tpu.vector_store %arg9[%swap3A_2112], %swap3A_2115 {strides = array<i32>} : memref<4096xi32, #tpu.memory_space<vmem>>, vector<16xi32>,
    %add3A_2116 = arith.constant 512 : i32
    %add3A_2117 = vector.broadcast %add3A_2116 : i32 to vector<16xi32>
    %add3A_2118 = arith.addi %add3A_2087, %add3A_2117 : vector<16xi32>
    %swap3A_2119 = arith.constant 2528 : index
    %swap3A_2120 = tpu.vector_load %arg9[%swap3A_2119] {strides = array<i32>} : memref<4096xi32, #tpu.memory_space<vmem>>, vector<16xi32>,
    %swap3A_2121 = vector.shape_cast %swap3A_2120 : vector<16xi32> to vector<16xi32>
    %swap3A_2122 = vector.shape_cast %add3A_2118 : vector<16xi32> to vector<16xi32>
    tpu.vector_store %arg9[%swap3A_2119], %swap3A_2122 {strides = array<i32>} : memref<4096xi32, #tpu.memory_space<vmem>>, vector<16xi32>,
    %add3A_2123 = arith.constant 640 : i32
    %add3A_2124 = vector.broadcast %add3A_2123 : i32 to vector<16xi32>
    %add3A_2125 = arith.addi %add3A_2087, %add3A_2124 : vector<16xi32>
    %swap3A_2126 = arith.constant 3040 : index
    %swap3A_2127 = tpu.vector_load %arg9[%swap3A_2126] {strides = array<i32>} : memref<4096xi32, #tpu.memory_space<vmem>>, vector<16xi32>,
    %swap3A_2128 = vector.shape_cast %swap3A_2127 : vector<16xi32> to vector<16xi32>
    %swap3A_2129 = vector.shape_cast %add3A_2125 : vector<16xi32> to vector<16xi32>
    tpu.vector_store %arg9[%swap3A_2126], %swap3A_2129 {strides = array<i32>} : memref<4096xi32, #tpu.memory_space<vmem>>, vector<16xi32>,
    %add3A_2130 = arith.constant 768 : i32
    %add3A_2131 = vector.broadcast %add3A_2130 : i32 to vector<16xi32>
    %add3A_2132 = arith.addi %add3A_2087, %add3A_2131 : vector<16xi32>
    %swap3A_2133 = arith.constant 3552 : index
    %swap3A_2134 = tpu.vector_load %arg9[%swap3A_2133] {strides = array<i32>} : memref<4096xi32, #tpu.memory_space<vmem>>, vector<16xi32>,
    %swap3A_2135 = vector.shape_cast %swap3A_2134 : vector<16xi32> to vector<16xi32>
    %swap3A_2136 = vector.shape_cast %add3A_2132 : vector<16xi32> to vector<16xi32>
    tpu.vector_store %arg9[%swap3A_2133], %swap3A_2136 {strides = array<i32>} : memref<4096xi32, #tpu.memory_space<vmem>>, vector<16xi32>,
    %add3A_2137 = arith.constant 896 : i32
    %add3A_2138 = vector.broadcast %add3A_2137 : i32 to vector<16xi32>
    %add3A_2139 = arith.addi %add3A_2087, %add3A_2138 : vector<16xi32>
    %swap3A_2140 = arith.constant 4064 : index
    %swap3A_2141 = tpu.vector_load %arg9[%swap3A_2140] {strides = array<i32>} : memref<4096xi32, #tpu.memory_space<vmem>>, vector<16xi32>,
    %swap3A_2142 = vector.shape_cast %swap3A_2141 : vector<16xi32> to vector<16xi32>
    %swap3A_2143 = vector.shape_cast %add3A_2139 : vector<16xi32> to vector<16xi32>
    tpu.vector_store %arg9[%swap3A_2140], %swap3A_2143 {strides = array<i32>} : memref<4096xi32, #tpu.memory_space<vmem>>, vector<16xi32>,
    %get3A_2144 = arith.constant 496 : index
    %get3A_2145 = tpu.vector_load %arg7[%get3A_2144] {strides = array<i32>} : memref<512xi32, #tpu.memory_space<vmem>>, vector<16xi32>,
    %get3A_2146 = vector.shape_cast %get3A_2145 : vector<16xi32> to vector<16xi32>
    %shift_right_logical3A_2147 = arith.constant 7 : i32
    %shift_right_logical3A_2148 = vector.broadcast %shift_right_logical3A_2147 : i32 to vector<16xi32>
    %shift_right_logical3A_2149 = arith.shrui %get3A_2146, %shift_right_logical3A_2148 : vector<16xi32>
    %mul3A_2150 = arith.constant 1024 : i32
    %mul3A_2151 = vector.broadcast %mul3A_2150 : i32 to vector<16xi32>
    %mul3A_2152 = arith.muli %shift_right_logical3A_2149, %mul3A_2151 : vector<16xi32>
    %and3A_2153 = arith.constant 127 : i32
    %and3A_2154 = vector.broadcast %and3A_2153 : i32 to vector<16xi32>
    %and3A_2155 = arith.andi %get3A_2146, %and3A_2154 : vector<16xi32>
    %add3A_2156 = arith.addi %mul3A_2152, %and3A_2155 : vector<16xi32>
    %add3A_2157 = arith.constant 0 : i32
    %add3A_2158 = vector.broadcast %add3A_2157 : i32 to vector<16xi32>
    %add3A_2159 = arith.addi %add3A_2156, %add3A_2158 : vector<16xi32>
    %swap3A_2160 = arith.constant 496 : index
    %swap3A_2161 = tpu.vector_load %arg9[%swap3A_2160] {strides = array<i32>} : memref<4096xi32, #tpu.memory_space<vmem>>, vector<16xi32>,
    %swap3A_2162 = vector.shape_cast %swap3A_2161 : vector<16xi32> to vector<16xi32>
    %swap3A_2163 = vector.shape_cast %add3A_2159 : vector<16xi32> to vector<16xi32>
    tpu.vector_store %arg9[%swap3A_2160], %swap3A_2163 {strides = array<i32>} : memref<4096xi32, #tpu.memory_space<vmem>>, vector<16xi32>,
    %add3A_2164 = arith.constant 128 : i32
    %add3A_2165 = vector.broadcast %add3A_2164 : i32 to vector<16xi32>
    %add3A_2166 = arith.addi %add3A_2156, %add3A_2165 : vector<16xi32>
    %swap3A_2167 = arith.constant 1008 : index
    %swap3A_2168 = tpu.vector_load %arg9[%swap3A_2167] {strides = array<i32>} : memref<4096xi32, #tpu.memory_space<vmem>>, vector<16xi32>,
    %swap3A_2169 = vector.shape_cast %swap3A_2168 : vector<16xi32> to vector<16xi32>
    %swap3A_2170 = vector.shape_cast %add3A_2166 : vector<16xi32> to vector<16xi32>
    tpu.vector_store %arg9[%swap3A_2167], %swap3A_2170 {strides = array<i32>} : memref<4096xi32, #tpu.memory_space<vmem>>, vector<16xi32>,
    %add3A_2171 = arith.constant 256 : i32
    %add3A_2172 = vector.broadcast %add3A_2171 : i32 to vector<16xi32>
    %add3A_2173 = arith.addi %add3A_2156, %add3A_2172 : vector<16xi32>
    %swap3A_2174 = arith.constant 1520 : index
    %swap3A_2175 = tpu.vector_load %arg9[%swap3A_2174] {strides = array<i32>} : memref<4096xi32, #tpu.memory_space<vmem>>, vector<16xi32>,
    %swap3A_2176 = vector.shape_cast %swap3A_2175 : vector<16xi32> to vector<16xi32>
    %swap3A_2177 = vector.shape_cast %add3A_2173 : vector<16xi32> to vector<16xi32>
    tpu.vector_store %arg9[%swap3A_2174], %swap3A_2177 {strides = array<i32>} : memref<4096xi32, #tpu.memory_space<vmem>>, vector<16xi32>,
    %add3A_2178 = arith.constant 384 : i32
    %add3A_2179 = vector.broadcast %add3A_2178 : i32 to vector<16xi32>
    %add3A_2180 = arith.addi %add3A_2156, %add3A_2179 : vector<16xi32>
    %swap3A_2181 = arith.constant 2032 : index
    %swap3A_2182 = tpu.vector_load %arg9[%swap3A_2181] {strides = array<i32>} : memref<4096xi32, #tpu.memory_space<vmem>>, vector<16xi32>,
    %swap3A_2183 = vector.shape_cast %swap3A_2182 : vector<16xi32> to vector<16xi32>
    %swap3A_2184 = vector.shape_cast %add3A_2180 : vector<16xi32> to vector<16xi32>
    tpu.vector_store %arg9[%swap3A_2181], %swap3A_2184 {strides = array<i32>} : memref<4096xi32, #tpu.memory_space<vmem>>, vector<16xi32>,
    %add3A_2185 = arith.constant 512 : i32
    %add3A_2186 = vector.broadcast %add3A_2185 : i32 to vector<16xi32>
    %add3A_2187 = arith.addi %add3A_2156, %add3A_2186 : vector<16xi32>
    %swap3A_2188 = arith.constant 2544 : index
    %swap3A_2189 = tpu.vector_load %arg9[%swap3A_2188] {strides = array<i32>} : memref<4096xi32, #tpu.memory_space<vmem>>, vector<16xi32>,
    %swap3A_2190 = vector.shape_cast %swap3A_2189 : vector<16xi32> to vector<16xi32>
    %swap3A_2191 = vector.shape_cast %add3A_2187 : vector<16xi32> to vector<16xi32>
    tpu.vector_store %arg9[%swap3A_2188], %swap3A_2191 {strides = array<i32>} : memref<4096xi32, #tpu.memory_space<vmem>>, vector<16xi32>,
    %add3A_2192 = arith.constant 640 : i32
    %add3A_2193 = vector.broadcast %add3A_2192 : i32 to vector<16xi32>
    %add3A_2194 = arith.addi %add3A_2156, %add3A_2193 : vector<16xi32>
    %swap3A_2195 = arith.constant 3056 : index
    %swap3A_2196 = tpu.vector_load %arg9[%swap3A_2195] {strides = array<i32>} : memref<4096xi32, #tpu.memory_space<vmem>>, vector<16xi32>,
    %swap3A_2197 = vector.shape_cast %swap3A_2196 : vector<16xi32> to vector<16xi32>
    %swap3A_2198 = vector.shape_cast %add3A_2194 : vector<16xi32> to vector<16xi32>
    tpu.vector_store %arg9[%swap3A_2195], %swap3A_2198 {strides = array<i32>} : memref<4096xi32, #tpu.memory_space<vmem>>, vector<16xi32>,
    %add3A_2199 = arith.constant 768 : i32
    %add3A_2200 = vector.broadcast %add3A_2199 : i32 to vector<16xi32>
    %add3A_2201 = arith.addi %add3A_2156, %add3A_2200 : vector<16xi32>
    %swap3A_2202 = arith.constant 3568 : index
    %swap3A_2203 = tpu.vector_load %arg9[%swap3A_2202] {strides = array<i32>} : memref<4096xi32, #tpu.memory_space<vmem>>, vector<16xi32>,
    %swap3A_2204 = vector.shape_cast %swap3A_2203 : vector<16xi32> to vector<16xi32>
    %swap3A_2205 = vector.shape_cast %add3A_2201 : vector<16xi32> to vector<16xi32>
    tpu.vector_store %arg9[%swap3A_2202], %swap3A_2205 {strides = array<i32>} : memref<4096xi32, #tpu.memory_space<vmem>>, vector<16xi32>,
    %add3A_2206 = arith.constant 896 : i32
    %add3A_2207 = vector.broadcast %add3A_2206 : i32 to vector<16xi32>
    %add3A_2208 = arith.addi %add3A_2156, %add3A_2207 : vector<16xi32>
    %swap3A_2209 = arith.constant 4080 : index
    %swap3A_2210 = tpu.vector_load %arg9[%swap3A_2209] {strides = array<i32>} : memref<4096xi32, #tpu.memory_space<vmem>>, vector<16xi32>,
    %swap3A_2211 = vector.shape_cast %swap3A_2210 : vector<16xi32> to vector<16xi32>
    %swap3A_2212 = vector.shape_cast %add3A_2208 : vector<16xi32> to vector<16xi32>
    tpu.vector_store %arg9[%swap3A_2209], %swap3A_2212 {strides = array<i32>} : memref<4096xi32, #tpu.memory_space<vmem>>, vector<16xi32>,
    %dma_start3A_2213 = arith.constant 0 : i32
    %dma_start3A_2214 = tpu.memref_slice %arg4[%dma_start3A_2213] : memref<8000512xf32, #tpu.memory_space<hbm>> -> memref<8000512xf32, #tpu.memory_space<hbm>>
    tpu.enqueue_indirect_dma source(%dma_start3A_2214 : memref<8000512xf32, #tpu.memory_space<hbm>>) target(%arg11 : memref<4096xf32, #tpu.memory_space<vmem>>) offsets(%arg9 : memref<4096xi32, #tpu.memory_space<vmem>>) semaphore(%arg13 : memref<!tpu.dma_semaphore, #tpu.memory_space<semaphore_mem>>)
    %get3A_2215 = arith.constant 0 : index
    %get3A_2216 = tpu.vector_load %arg8[%get3A_2215] {strides = array<i32>} : memref<512xi32, #tpu.memory_space<vmem>>, vector<16xi32>,
    %get3A_2217 = vector.shape_cast %get3A_2216 : vector<16xi32> to vector<16xi32>
    %shift_right_logical3A_2218 = arith.constant 7 : i32
    %shift_right_logical3A_2219 = vector.broadcast %shift_right_logical3A_2218 : i32 to vector<16xi32>
    %shift_right_logical3A_2220 = arith.shrui %get3A_2217, %shift_right_logical3A_2219 : vector<16xi32>
    %mul3A_2221 = arith.constant 1024 : i32
    %mul3A_2222 = vector.broadcast %mul3A_2221 : i32 to vector<16xi32>
    %mul3A_2223 = arith.muli %shift_right_logical3A_2220, %mul3A_2222 : vector<16xi32>
    %and3A_2224 = arith.constant 127 : i32
    %and3A_2225 = vector.broadcast %and3A_2224 : i32 to vector<16xi32>
    %and3A_2226 = arith.andi %get3A_2217, %and3A_2225 : vector<16xi32>
    %add3A_2227 = arith.addi %mul3A_2223, %and3A_2226 : vector<16xi32>
    %add3A_2228 = arith.constant 0 : i32
    %add3A_2229 = vector.broadcast %add3A_2228 : i32 to vector<16xi32>
    %add3A_2230 = arith.addi %add3A_2227, %add3A_2229 : vector<16xi32>
    %swap3A_2231 = arith.constant 0 : index
    %swap3A_2232 = tpu.vector_load %arg10[%swap3A_2231] {strides = array<i32>} : memref<4096xi32, #tpu.memory_space<vmem>>, vector<16xi32>,
    %swap3A_2233 = vector.shape_cast %swap3A_2232 : vector<16xi32> to vector<16xi32>
    %swap3A_2234 = vector.shape_cast %add3A_2230 : vector<16xi32> to vector<16xi32>
    tpu.vector_store %arg10[%swap3A_2231], %swap3A_2234 {strides = array<i32>} : memref<4096xi32, #tpu.memory_space<vmem>>, vector<16xi32>,
    %add3A_2235 = arith.constant 128 : i32
    %add3A_2236 = vector.broadcast %add3A_2235 : i32 to vector<16xi32>
    %add3A_2237 = arith.addi %add3A_2227, %add3A_2236 : vector<16xi32>
    %swap3A_2238 = arith.constant 512 : index
    %swap3A_2239 = tpu.vector_load %arg10[%swap3A_2238] {strides = array<i32>} : memref<4096xi32, #tpu.memory_space<vmem>>, vector<16xi32>,
    %swap3A_2240 = vector.shape_cast %swap3A_2239 : vector<16xi32> to vector<16xi32>
    %swap3A_2241 = vector.shape_cast %add3A_2237 : vector<16xi32> to vector<16xi32>
    tpu.vector_store %arg10[%swap3A_2238], %swap3A_2241 {strides = array<i32>} : memref<4096xi32, #tpu.memory_space<vmem>>, vector<16xi32>,
    %add3A_2242 = arith.constant 256 : i32
    %add3A_2243 = vector.broadcast %add3A_2242 : i32 to vector<16xi32>
    %add3A_2244 = arith.addi %add3A_2227, %add3A_2243 : vector<16xi32>
    %swap3A_2245 = arith.constant 1024 : index
    %swap3A_2246 = tpu.vector_load %arg10[%swap3A_2245] {strides = array<i32>} : memref<4096xi32, #tpu.memory_space<vmem>>, vector<16xi32>,
    %swap3A_2247 = vector.shape_cast %swap3A_2246 : vector<16xi32> to vector<16xi32>
    %swap3A_2248 = vector.shape_cast %add3A_2244 : vector<16xi32> to vector<16xi32>
    tpu.vector_store %arg10[%swap3A_2245], %swap3A_2248 {strides = array<i32>} : memref<4096xi32, #tpu.memory_space<vmem>>, vector<16xi32>,
    %add3A_2249 = arith.constant 384 : i32
    %add3A_2250 = vector.broadcast %add3A_2249 : i32 to vector<16xi32>
    %add3A_2251 = arith.addi %add3A_2227, %add3A_2250 : vector<16xi32>
    %swap3A_2252 = arith.constant 1536 : index
    %swap3A_2253 = tpu.vector_load %arg10[%swap3A_2252] {strides = array<i32>} : memref<4096xi32, #tpu.memory_space<vmem>>, vector<16xi32>,
    %swap3A_2254 = vector.shape_cast %swap3A_2253 : vector<16xi32> to vector<16xi32>
    %swap3A_2255 = vector.shape_cast %add3A_2251 : vector<16xi32> to vector<16xi32>
    tpu.vector_store %arg10[%swap3A_2252], %swap3A_2255 {strides = array<i32>} : memref<4096xi32, #tpu.memory_space<vmem>>, vector<16xi32>,
    %add3A_2256 = arith.constant 512 : i32
    %add3A_2257 = vector.broadcast %add3A_2256 : i32 to vector<16xi32>
    %add3A_2258 = arith.addi %add3A_2227, %add3A_2257 : vector<16xi32>
    %swap3A_2259 = arith.constant 2048 : index
    %swap3A_2260 = tpu.vector_load %arg10[%swap3A_2259] {strides = array<i32>} : memref<4096xi32, #tpu.memory_space<vmem>>, vector<16xi32>,
    %swap3A_2261 = vector.shape_cast %swap3A_2260 : vector<16xi32> to vector<16xi32>
    %swap3A_2262 = vector.shape_cast %add3A_2258 : vector<16xi32> to vector<16xi32>
    tpu.vector_store %arg10[%swap3A_2259], %swap3A_2262 {strides = array<i32>} : memref<4096xi32, #tpu.memory_space<vmem>>, vector<16xi32>,
    %add3A_2263 = arith.constant 640 : i32
    %add3A_2264 = vector.broadcast %add3A_2263 : i32 to vector<16xi32>
    %add3A_2265 = arith.addi %add3A_2227, %add3A_2264 : vector<16xi32>
    %swap3A_2266 = arith.constant 2560 : index
    %swap3A_2267 = tpu.vector_load %arg10[%swap3A_2266] {strides = array<i32>} : memref<4096xi32, #tpu.memory_space<vmem>>, vector<16xi32>,
    %swap3A_2268 = vector.shape_cast %swap3A_2267 : vector<16xi32> to vector<16xi32>
    %swap3A_2269 = vector.shape_cast %add3A_2265 : vector<16xi32> to vector<16xi32>
    tpu.vector_store %arg10[%swap3A_2266], %swap3A_2269 {strides = array<i32>} : memref<4096xi32, #tpu.memory_space<vmem>>, vector<16xi32>,
    %add3A_2270 = arith.constant 768 : i32
    %add3A_2271 = vector.broadcast %add3A_2270 : i32 to vector<16xi32>
    %add3A_2272 = arith.addi %add3A_2227, %add3A_2271 : vector<16xi32>
    %swap3A_2273 = arith.constant 3072 : index
    %swap3A_2274 = tpu.vector_load %arg10[%swap3A_2273] {strides = array<i32>} : memref<4096xi32, #tpu.memory_space<vmem>>, vector<16xi32>,
    %swap3A_2275 = vector.shape_cast %swap3A_2274 : vector<16xi32> to vector<16xi32>
    %swap3A_2276 = vector.shape_cast %add3A_2272 : vector<16xi32> to vector<16xi32>
    tpu.vector_store %arg10[%swap3A_2273], %swap3A_2276 {strides = array<i32>} : memref<4096xi32, #tpu.memory_space<vmem>>, vector<16xi32>,
    %add3A_2277 = arith.constant 896 : i32
    %add3A_2278 = vector.broadcast %add3A_2277 : i32 to vector<16xi32>
    %add3A_2279 = arith.addi %add3A_2227, %add3A_2278 : vector<16xi32>
    %swap3A_2280 = arith.constant 3584 : index
    %swap3A_2281 = tpu.vector_load %arg10[%swap3A_2280] {strides = array<i32>} : memref<4096xi32, #tpu.memory_space<vmem>>, vector<16xi32>,
    %swap3A_2282 = vector.shape_cast %swap3A_2281 : vector<16xi32> to vector<16xi32>
    %swap3A_2283 = vector.shape_cast %add3A_2279 : vector<16xi32> to vector<16xi32>
    tpu.vector_store %arg10[%swap3A_2280], %swap3A_2283 {strides = array<i32>} : memref<4096xi32, #tpu.memory_space<vmem>>, vector<16xi32>,
    %get3A_2284 = arith.constant 16 : index
    %get3A_2285 = tpu.vector_load %arg8[%get3A_2284] {strides = array<i32>} : memref<512xi32, #tpu.memory_space<vmem>>, vector<16xi32>,
    %get3A_2286 = vector.shape_cast %get3A_2285 : vector<16xi32> to vector<16xi32>
    %shift_right_logical3A_2287 = arith.constant 7 : i32
    %shift_right_logical3A_2288 = vector.broadcast %shift_right_logical3A_2287 : i32 to vector<16xi32>
    %shift_right_logical3A_2289 = arith.shrui %get3A_2286, %shift_right_logical3A_2288 : vector<16xi32>
    %mul3A_2290 = arith.constant 1024 : i32
    %mul3A_2291 = vector.broadcast %mul3A_2290 : i32 to vector<16xi32>
    %mul3A_2292 = arith.muli %shift_right_logical3A_2289, %mul3A_2291 : vector<16xi32>
    %and3A_2293 = arith.constant 127 : i32
    %and3A_2294 = vector.broadcast %and3A_2293 : i32 to vector<16xi32>
    %and3A_2295 = arith.andi %get3A_2286, %and3A_2294 : vector<16xi32>
    %add3A_2296 = arith.addi %mul3A_2292, %and3A_2295 : vector<16xi32>
    %add3A_2297 = arith.constant 0 : i32
    %add3A_2298 = vector.broadcast %add3A_2297 : i32 to vector<16xi32>
    %add3A_2299 = arith.addi %add3A_2296, %add3A_2298 : vector<16xi32>
    %swap3A_2300 = arith.constant 16 : index
    %swap3A_2301 = tpu.vector_load %arg10[%swap3A_2300] {strides = array<i32>} : memref<4096xi32, #tpu.memory_space<vmem>>, vector<16xi32>,
    %swap3A_2302 = vector.shape_cast %swap3A_2301 : vector<16xi32> to vector<16xi32>
    %swap3A_2303 = vector.shape_cast %add3A_2299 : vector<16xi32> to vector<16xi32>
    tpu.vector_store %arg10[%swap3A_2300], %swap3A_2303 {strides = array<i32>} : memref<4096xi32, #tpu.memory_space<vmem>>, vector<16xi32>,
    %add3A_2304 = arith.constant 128 : i32
    %add3A_2305 = vector.broadcast %add3A_2304 : i32 to vector<16xi32>
    %add3A_2306 = arith.addi %add3A_2296, %add3A_2305 : vector<16xi32>
    %swap3A_2307 = arith.constant 528 : index
    %swap3A_2308 = tpu.vector_load %arg10[%swap3A_2307] {strides = array<i32>} : memref<4096xi32, #tpu.memory_space<vmem>>, vector<16xi32>,
    %swap3A_2309 = vector.shape_cast %swap3A_2308 : vector<16xi32> to vector<16xi32>
    %swap3A_2310 = vector.shape_cast %add3A_2306 : vector<16xi32> to vector<16xi32>
    tpu.vector_store %arg10[%swap3A_2307], %swap3A_2310 {strides = array<i32>} : memref<4096xi32, #tpu.memory_space<vmem>>, vector<16xi32>,
    %add3A_2311 = arith.constant 256 : i32
    %add3A_2312 = vector.broadcast %add3A_2311 : i32 to vector<16xi32>
    %add3A_2313 = arith.addi %add3A_2296, %add3A_2312 : vector<16xi32>
    %swap3A_2314 = arith.constant 1040 : index
    %swap3A_2315 = tpu.vector_load %arg10[%swap3A_2314] {strides = array<i32>} : memref<4096xi32, #tpu.memory_space<vmem>>, vector<16xi32>,
    %swap3A_2316 = vector.shape_cast %swap3A_2315 : vector<16xi32> to vector<16xi32>
    %swap3A_2317 = vector.shape_cast %add3A_2313 : vector<16xi32> to vector<16xi32>
    tpu.vector_store %arg10[%swap3A_2314], %swap3A_2317 {strides = array<i32>} : memref<4096xi32, #tpu.memory_space<vmem>>, vector<16xi32>,
    %add3A_2318 = arith.constant 384 : i32
    %add3A_2319 = vector.broadcast %add3A_2318 : i32 to vector<16xi32>
    %add3A_2320 = arith.addi %add3A_2296, %add3A_2319 : vector<16xi32>
    %swap3A_2321 = arith.constant 1552 : index
    %swap3A_2322 = tpu.vector_load %arg10[%swap3A_2321] {strides = array<i32>} : memref<4096xi32, #tpu.memory_space<vmem>>, vector<16xi32>,
    %swap3A_2323 = vector.shape_cast %swap3A_2322 : vector<16xi32> to vector<16xi32>
    %swap3A_2324 = vector.shape_cast %add3A_2320 : vector<16xi32> to vector<16xi32>
    tpu.vector_store %arg10[%swap3A_2321], %swap3A_2324 {strides = array<i32>} : memref<4096xi32, #tpu.memory_space<vmem>>, vector<16xi32>,
    %add3A_2325 = arith.constant 512 : i32
    %add3A_2326 = vector.broadcast %add3A_2325 : i32 to vector<16xi32>
    %add3A_2327 = arith.addi %add3A_2296, %add3A_2326 : vector<16xi32>
    %swap3A_2328 = arith.constant 2064 : index
    %swap3A_2329 = tpu.vector_load %arg10[%swap3A_2328] {strides = array<i32>} : memref<4096xi32, #tpu.memory_space<vmem>>, vector<16xi32>,
    %swap3A_2330 = vector.shape_cast %swap3A_2329 : vector<16xi32> to vector<16xi32>
    %swap3A_2331 = vector.shape_cast %add3A_2327 : vector<16xi32> to vector<16xi32>
    tpu.vector_store %arg10[%swap3A_2328], %swap3A_2331 {strides = array<i32>} : memref<4096xi32, #tpu.memory_space<vmem>>, vector<16xi32>,
    %add3A_2332 = arith.constant 640 : i32
    %add3A_2333 = vector.broadcast %add3A_2332 : i32 to vector<16xi32>
    %add3A_2334 = arith.addi %add3A_2296, %add3A_2333 : vector<16xi32>
    %swap3A_2335 = arith.constant 2576 : index
    %swap3A_2336 = tpu.vector_load %arg10[%swap3A_2335] {strides = array<i32>} : memref<4096xi32, #tpu.memory_space<vmem>>, vector<16xi32>,
    %swap3A_2337 = vector.shape_cast %swap3A_2336 : vector<16xi32> to vector<16xi32>
    %swap3A_2338 = vector.shape_cast %add3A_2334 : vector<16xi32> to vector<16xi32>
    tpu.vector_store %arg10[%swap3A_2335], %swap3A_2338 {strides = array<i32>} : memref<4096xi32, #tpu.memory_space<vmem>>, vector<16xi32>,
    %add3A_2339 = arith.constant 768 : i32
    %add3A_2340 = vector.broadcast %add3A_2339 : i32 to vector<16xi32>
    %add3A_2341 = arith.addi %add3A_2296, %add3A_2340 : vector<16xi32>
    %swap3A_2342 = arith.constant 3088 : index
    %swap3A_2343 = tpu.vector_load %arg10[%swap3A_2342] {strides = array<i32>} : memref<4096xi32, #tpu.memory_space<vmem>>, vector<16xi32>,
    %swap3A_2344 = vector.shape_cast %swap3A_2343 : vector<16xi32> to vector<16xi32>
    %swap3A_2345 = vector.shape_cast %add3A_2341 : vector<16xi32> to vector<16xi32>
    tpu.vector_store %arg10[%swap3A_2342], %swap3A_2345 {strides = array<i32>} : memref<4096xi32, #tpu.memory_space<vmem>>, vector<16xi32>,
    %add3A_2346 = arith.constant 896 : i32
    %add3A_2347 = vector.broadcast %add3A_2346 : i32 to vector<16xi32>
    %add3A_2348 = arith.addi %add3A_2296, %add3A_2347 : vector<16xi32>
    %swap3A_2349 = arith.constant 3600 : index
    %swap3A_2350 = tpu.vector_load %arg10[%swap3A_2349] {strides = array<i32>} : memref<4096xi32, #tpu.memory_space<vmem>>, vector<16xi32>,
    %swap3A_2351 = vector.shape_cast %swap3A_2350 : vector<16xi32> to vector<16xi32>
    %swap3A_2352 = vector.shape_cast %add3A_2348 : vector<16xi32> to vector<16xi32>
    tpu.vector_store %arg10[%swap3A_2349], %swap3A_2352 {strides = array<i32>} : memref<4096xi32, #tpu.memory_space<vmem>>, vector<16xi32>,
    %get3A_2353 = arith.constant 32 : index
    %get3A_2354 = tpu.vector_load %arg8[%get3A_2353] {strides = array<i32>} : memref<512xi32, #tpu.memory_space<vmem>>, vector<16xi32>,
    %get3A_2355 = vector.shape_cast %get3A_2354 : vector<16xi32> to vector<16xi32>
    %shift_right_logical3A_2356 = arith.constant 7 : i32
    %shift_right_logical3A_2357 = vector.broadcast %shift_right_logical3A_2356 : i32 to vector<16xi32>
    %shift_right_logical3A_2358 = arith.shrui %get3A_2355, %shift_right_logical3A_2357 : vector<16xi32>
    %mul3A_2359 = arith.constant 1024 : i32
    %mul3A_2360 = vector.broadcast %mul3A_2359 : i32 to vector<16xi32>
    %mul3A_2361 = arith.muli %shift_right_logical3A_2358, %mul3A_2360 : vector<16xi32>
    %and3A_2362 = arith.constant 127 : i32
    %and3A_2363 = vector.broadcast %and3A_2362 : i32 to vector<16xi32>
    %and3A_2364 = arith.andi %get3A_2355, %and3A_2363 : vector<16xi32>
    %add3A_2365 = arith.addi %mul3A_2361, %and3A_2364 : vector<16xi32>
    %add3A_2366 = arith.constant 0 : i32
    %add3A_2367 = vector.broadcast %add3A_2366 : i32 to vector<16xi32>
    %add3A_2368 = arith.addi %add3A_2365, %add3A_2367 : vector<16xi32>
    %swap3A_2369 = arith.constant 32 : index
    %swap3A_2370 = tpu.vector_load %arg10[%swap3A_2369] {strides = array<i32>} : memref<4096xi32, #tpu.memory_space<vmem>>, vector<16xi32>,
    %swap3A_2371 = vector.shape_cast %swap3A_2370 : vector<16xi32> to vector<16xi32>
    %swap3A_2372 = vector.shape_cast %add3A_2368 : vector<16xi32> to vector<16xi32>
    tpu.vector_store %arg10[%swap3A_2369], %swap3A_2372 {strides = array<i32>} : memref<4096xi32, #tpu.memory_space<vmem>>, vector<16xi32>,
    %add3A_2373 = arith.constant 128 : i32
    %add3A_2374 = vector.broadcast %add3A_2373 : i32 to vector<16xi32>
    %add3A_2375 = arith.addi %add3A_2365, %add3A_2374 : vector<16xi32>
    %swap3A_2376 = arith.constant 544 : index
    %swap3A_2377 = tpu.vector_load %arg10[%swap3A_2376] {strides = array<i32>} : memref<4096xi32, #tpu.memory_space<vmem>>, vector<16xi32>,
    %swap3A_2378 = vector.shape_cast %swap3A_2377 : vector<16xi32> to vector<16xi32>
    %swap3A_2379 = vector.shape_cast %add3A_2375 : vector<16xi32> to vector<16xi32>
    tpu.vector_store %arg10[%swap3A_2376], %swap3A_2379 {strides = array<i32>} : memref<4096xi32, #tpu.memory_space<vmem>>, vector<16xi32>,
    %add3A_2380 = arith.constant 256 : i32
    %add3A_2381 = vector.broadcast %add3A_2380 : i32 to vector<16xi32>
    %add3A_2382 = arith.addi %add3A_2365, %add3A_2381 : vector<16xi32>
    %swap3A_2383 = arith.constant 1056 : index
    %swap3A_2384 = tpu.vector_load %arg10[%swap3A_2383] {strides = array<i32>} : memref<4096xi32, #tpu.memory_space<vmem>>, vector<16xi32>,
    %swap3A_2385 = vector.shape_cast %swap3A_2384 : vector<16xi32> to vector<16xi32>
    %swap3A_2386 = vector.shape_cast %add3A_2382 : vector<16xi32> to vector<16xi32>
    tpu.vector_store %arg10[%swap3A_2383], %swap3A_2386 {strides = array<i32>} : memref<4096xi32, #tpu.memory_space<vmem>>, vector<16xi32>,
    %add3A_2387 = arith.constant 384 : i32
    %add3A_2388 = vector.broadcast %add3A_2387 : i32 to vector<16xi32>
    %add3A_2389 = arith.addi %add3A_2365, %add3A_2388 : vector<16xi32>
    %swap3A_2390 = arith.constant 1568 : index
    %swap3A_2391 = tpu.vector_load %arg10[%swap3A_2390] {strides = array<i32>} : memref<4096xi32, #tpu.memory_space<vmem>>, vector<16xi32>,
    %swap3A_2392 = vector.shape_cast %swap3A_2391 : vector<16xi32> to vector<16xi32>
    %swap3A_2393 = vector.shape_cast %add3A_2389 : vector<16xi32> to vector<16xi32>
    tpu.vector_store %arg10[%swap3A_2390], %swap3A_2393 {strides = array<i32>} : memref<4096xi32, #tpu.memory_space<vmem>>, vector<16xi32>,
    %add3A_2394 = arith.constant 512 : i32
    %add3A_2395 = vector.broadcast %add3A_2394 : i32 to vector<16xi32>
    %add3A_2396 = arith.addi %add3A_2365, %add3A_2395 : vector<16xi32>
    %swap3A_2397 = arith.constant 2080 : index
    %swap3A_2398 = tpu.vector_load %arg10[%swap3A_2397] {strides = array<i32>} : memref<4096xi32, #tpu.memory_space<vmem>>, vector<16xi32>,
    %swap3A_2399 = vector.shape_cast %swap3A_2398 : vector<16xi32> to vector<16xi32>
    %swap3A_2400 = vector.shape_cast %add3A_2396 : vector<16xi32> to vector<16xi32>
    tpu.vector_store %arg10[%swap3A_2397], %swap3A_2400 {strides = array<i32>} : memref<4096xi32, #tpu.memory_space<vmem>>, vector<16xi32>,
    %add3A_2401 = arith.constant 640 : i32
    %add3A_2402 = vector.broadcast %add3A_2401 : i32 to vector<16xi32>
    %add3A_2403 = arith.addi %add3A_2365, %add3A_2402 : vector<16xi32>
    %swap3A_2404 = arith.constant 2592 : index
    %swap3A_2405 = tpu.vector_load %arg10[%swap3A_2404] {strides = array<i32>} : memref<4096xi32, #tpu.memory_space<vmem>>, vector<16xi32>,
    %swap3A_2406 = vector.shape_cast %swap3A_2405 : vector<16xi32> to vector<16xi32>
    %swap3A_2407 = vector.shape_cast %add3A_2403 : vector<16xi32> to vector<16xi32>
    tpu.vector_store %arg10[%swap3A_2404], %swap3A_2407 {strides = array<i32>} : memref<4096xi32, #tpu.memory_space<vmem>>, vector<16xi32>,
    %add3A_2408 = arith.constant 768 : i32
    %add3A_2409 = vector.broadcast %add3A_2408 : i32 to vector<16xi32>
    %add3A_2410 = arith.addi %add3A_2365, %add3A_2409 : vector<16xi32>
    %swap3A_2411 = arith.constant 3104 : index
    %swap3A_2412 = tpu.vector_load %arg10[%swap3A_2411] {strides = array<i32>} : memref<4096xi32, #tpu.memory_space<vmem>>, vector<16xi32>,
    %swap3A_2413 = vector.shape_cast %swap3A_2412 : vector<16xi32> to vector<16xi32>
    %swap3A_2414 = vector.shape_cast %add3A_2410 : vector<16xi32> to vector<16xi32>
    tpu.vector_store %arg10[%swap3A_2411], %swap3A_2414 {strides = array<i32>} : memref<4096xi32, #tpu.memory_space<vmem>>, vector<16xi32>,
    %add3A_2415 = arith.constant 896 : i32
    %add3A_2416 = vector.broadcast %add3A_2415 : i32 to vector<16xi32>
    %add3A_2417 = arith.addi %add3A_2365, %add3A_2416 : vector<16xi32>
    %swap3A_2418 = arith.constant 3616 : index
    %swap3A_2419 = tpu.vector_load %arg10[%swap3A_2418] {strides = array<i32>} : memref<4096xi32, #tpu.memory_space<vmem>>, vector<16xi32>,
    %swap3A_2420 = vector.shape_cast %swap3A_2419 : vector<16xi32> to vector<16xi32>
    %swap3A_2421 = vector.shape_cast %add3A_2417 : vector<16xi32> to vector<16xi32>
    tpu.vector_store %arg10[%swap3A_2418], %swap3A_2421 {strides = array<i32>} : memref<4096xi32, #tpu.memory_space<vmem>>, vector<16xi32>,
    %get3A_2422 = arith.constant 48 : index
    %get3A_2423 = tpu.vector_load %arg8[%get3A_2422] {strides = array<i32>} : memref<512xi32, #tpu.memory_space<vmem>>, vector<16xi32>,
    %get3A_2424 = vector.shape_cast %get3A_2423 : vector<16xi32> to vector<16xi32>
    %shift_right_logical3A_2425 = arith.constant 7 : i32
    %shift_right_logical3A_2426 = vector.broadcast %shift_right_logical3A_2425 : i32 to vector<16xi32>
    %shift_right_logical3A_2427 = arith.shrui %get3A_2424, %shift_right_logical3A_2426 : vector<16xi32>
    %mul3A_2428 = arith.constant 1024 : i32
    %mul3A_2429 = vector.broadcast %mul3A_2428 : i32 to vector<16xi32>
    %mul3A_2430 = arith.muli %shift_right_logical3A_2427, %mul3A_2429 : vector<16xi32>
    %and3A_2431 = arith.constant 127 : i32
    %and3A_2432 = vector.broadcast %and3A_2431 : i32 to vector<16xi32>
    %and3A_2433 = arith.andi %get3A_2424, %and3A_2432 : vector<16xi32>
    %add3A_2434 = arith.addi %mul3A_2430, %and3A_2433 : vector<16xi32>
    %add3A_2435 = arith.constant 0 : i32
    %add3A_2436 = vector.broadcast %add3A_2435 : i32 to vector<16xi32>
    %add3A_2437 = arith.addi %add3A_2434, %add3A_2436 : vector<16xi32>
    %swap3A_2438 = arith.constant 48 : index
    %swap3A_2439 = tpu.vector_load %arg10[%swap3A_2438] {strides = array<i32>} : memref<4096xi32, #tpu.memory_space<vmem>>, vector<16xi32>,
    %swap3A_2440 = vector.shape_cast %swap3A_2439 : vector<16xi32> to vector<16xi32>
    %swap3A_2441 = vector.shape_cast %add3A_2437 : vector<16xi32> to vector<16xi32>
    tpu.vector_store %arg10[%swap3A_2438], %swap3A_2441 {strides = array<i32>} : memref<4096xi32, #tpu.memory_space<vmem>>, vector<16xi32>,
    %add3A_2442 = arith.constant 128 : i32
    %add3A_2443 = vector.broadcast %add3A_2442 : i32 to vector<16xi32>
    %add3A_2444 = arith.addi %add3A_2434, %add3A_2443 : vector<16xi32>
    %swap3A_2445 = arith.constant 560 : index
    %swap3A_2446 = tpu.vector_load %arg10[%swap3A_2445] {strides = array<i32>} : memref<4096xi32, #tpu.memory_space<vmem>>, vector<16xi32>,
    %swap3A_2447 = vector.shape_cast %swap3A_2446 : vector<16xi32> to vector<16xi32>
    %swap3A_2448 = vector.shape_cast %add3A_2444 : vector<16xi32> to vector<16xi32>
    tpu.vector_store %arg10[%swap3A_2445], %swap3A_2448 {strides = array<i32>} : memref<4096xi32, #tpu.memory_space<vmem>>, vector<16xi32>,
    %add3A_2449 = arith.constant 256 : i32
    %add3A_2450 = vector.broadcast %add3A_2449 : i32 to vector<16xi32>
    %add3A_2451 = arith.addi %add3A_2434, %add3A_2450 : vector<16xi32>
    %swap3A_2452 = arith.constant 1072 : index
    %swap3A_2453 = tpu.vector_load %arg10[%swap3A_2452] {strides = array<i32>} : memref<4096xi32, #tpu.memory_space<vmem>>, vector<16xi32>,
    %swap3A_2454 = vector.shape_cast %swap3A_2453 : vector<16xi32> to vector<16xi32>
    %swap3A_2455 = vector.shape_cast %add3A_2451 : vector<16xi32> to vector<16xi32>
    tpu.vector_store %arg10[%swap3A_2452], %swap3A_2455 {strides = array<i32>} : memref<4096xi32, #tpu.memory_space<vmem>>, vector<16xi32>,
    %add3A_2456 = arith.constant 384 : i32
    %add3A_2457 = vector.broadcast %add3A_2456 : i32 to vector<16xi32>
    %add3A_2458 = arith.addi %add3A_2434, %add3A_2457 : vector<16xi32>
    %swap3A_2459 = arith.constant 1584 : index
    %swap3A_2460 = tpu.vector_load %arg10[%swap3A_2459] {strides = array<i32>} : memref<4096xi32, #tpu.memory_space<vmem>>, vector<16xi32>,
    %swap3A_2461 = vector.shape_cast %swap3A_2460 : vector<16xi32> to vector<16xi32>
    %swap3A_2462 = vector.shape_cast %add3A_2458 : vector<16xi32> to vector<16xi32>
    tpu.vector_store %arg10[%swap3A_2459], %swap3A_2462 {strides = array<i32>} : memref<4096xi32, #tpu.memory_space<vmem>>, vector<16xi32>,
    %add3A_2463 = arith.constant 512 : i32
    %add3A_2464 = vector.broadcast %add3A_2463 : i32 to vector<16xi32>
    %add3A_2465 = arith.addi %add3A_2434, %add3A_2464 : vector<16xi32>
    %swap3A_2466 = arith.constant 2096 : index
    %swap3A_2467 = tpu.vector_load %arg10[%swap3A_2466] {strides = array<i32>} : memref<4096xi32, #tpu.memory_space<vmem>>, vector<16xi32>,
    %swap3A_2468 = vector.shape_cast %swap3A_2467 : vector<16xi32> to vector<16xi32>
    %swap3A_2469 = vector.shape_cast %add3A_2465 : vector<16xi32> to vector<16xi32>
    tpu.vector_store %arg10[%swap3A_2466], %swap3A_2469 {strides = array<i32>} : memref<4096xi32, #tpu.memory_space<vmem>>, vector<16xi32>,
    %add3A_2470 = arith.constant 640 : i32
    %add3A_2471 = vector.broadcast %add3A_2470 : i32 to vector<16xi32>
    %add3A_2472 = arith.addi %add3A_2434, %add3A_2471 : vector<16xi32>
    %swap3A_2473 = arith.constant 2608 : index
    %swap3A_2474 = tpu.vector_load %arg10[%swap3A_2473] {strides = array<i32>} : memref<4096xi32, #tpu.memory_space<vmem>>, vector<16xi32>,
    %swap3A_2475 = vector.shape_cast %swap3A_2474 : vector<16xi32> to vector<16xi32>
    %swap3A_2476 = vector.shape_cast %add3A_2472 : vector<16xi32> to vector<16xi32>
    tpu.vector_store %arg10[%swap3A_2473], %swap3A_2476 {strides = array<i32>} : memref<4096xi32, #tpu.memory_space<vmem>>, vector<16xi32>,
    %add3A_2477 = arith.constant 768 : i32
    %add3A_2478 = vector.broadcast %add3A_2477 : i32 to vector<16xi32>
    %add3A_2479 = arith.addi %add3A_2434, %add3A_2478 : vector<16xi32>
    %swap3A_2480 = arith.constant 3120 : index
    %swap3A_2481 = tpu.vector_load %arg10[%swap3A_2480] {strides = array<i32>} : memref<4096xi32, #tpu.memory_space<vmem>>, vector<16xi32>,
    %swap3A_2482 = vector.shape_cast %swap3A_2481 : vector<16xi32> to vector<16xi32>
    %swap3A_2483 = vector.shape_cast %add3A_2479 : vector<16xi32> to vector<16xi32>
    tpu.vector_store %arg10[%swap3A_2480], %swap3A_2483 {strides = array<i32>} : memref<4096xi32, #tpu.memory_space<vmem>>, vector<16xi32>,
    %add3A_2484 = arith.constant 896 : i32
    %add3A_2485 = vector.broadcast %add3A_2484 : i32 to vector<16xi32>
    %add3A_2486 = arith.addi %add3A_2434, %add3A_2485 : vector<16xi32>
    %swap3A_2487 = arith.constant 3632 : index
    %swap3A_2488 = tpu.vector_load %arg10[%swap3A_2487] {strides = array<i32>} : memref<4096xi32, #tpu.memory_space<vmem>>, vector<16xi32>,
    %swap3A_2489 = vector.shape_cast %swap3A_2488 : vector<16xi32> to vector<16xi32>
    %swap3A_2490 = vector.shape_cast %add3A_2486 : vector<16xi32> to vector<16xi32>
    tpu.vector_store %arg10[%swap3A_2487], %swap3A_2490 {strides = array<i32>} : memref<4096xi32, #tpu.memory_space<vmem>>, vector<16xi32>,
    %get3A_2491 = arith.constant 64 : index
    %get3A_2492 = tpu.vector_load %arg8[%get3A_2491] {strides = array<i32>} : memref<512xi32, #tpu.memory_space<vmem>>, vector<16xi32>,
    %get3A_2493 = vector.shape_cast %get3A_2492 : vector<16xi32> to vector<16xi32>
    %shift_right_logical3A_2494 = arith.constant 7 : i32
    %shift_right_logical3A_2495 = vector.broadcast %shift_right_logical3A_2494 : i32 to vector<16xi32>
    %shift_right_logical3A_2496 = arith.shrui %get3A_2493, %shift_right_logical3A_2495 : vector<16xi32>
    %mul3A_2497 = arith.constant 1024 : i32
    %mul3A_2498 = vector.broadcast %mul3A_2497 : i32 to vector<16xi32>
    %mul3A_2499 = arith.muli %shift_right_logical3A_2496, %mul3A_2498 : vector<16xi32>
    %and3A_2500 = arith.constant 127 : i32
    %and3A_2501 = vector.broadcast %and3A_2500 : i32 to vector<16xi32>
    %and3A_2502 = arith.andi %get3A_2493, %and3A_2501 : vector<16xi32>
    %add3A_2503 = arith.addi %mul3A_2499, %and3A_2502 : vector<16xi32>
    %add3A_2504 = arith.constant 0 : i32
    %add3A_2505 = vector.broadcast %add3A_2504 : i32 to vector<16xi32>
    %add3A_2506 = arith.addi %add3A_2503, %add3A_2505 : vector<16xi32>
    %swap3A_2507 = arith.constant 64 : index
    %swap3A_2508 = tpu.vector_load %arg10[%swap3A_2507] {strides = array<i32>} : memref<4096xi32, #tpu.memory_space<vmem>>, vector<16xi32>,
    %swap3A_2509 = vector.shape_cast %swap3A_2508 : vector<16xi32> to vector<16xi32>
    %swap3A_2510 = vector.shape_cast %add3A_2506 : vector<16xi32> to vector<16xi32>
    tpu.vector_store %arg10[%swap3A_2507], %swap3A_2510 {strides = array<i32>} : memref<4096xi32, #tpu.memory_space<vmem>>, vector<16xi32>,
    %add3A_2511 = arith.constant 128 : i32
    %add3A_2512 = vector.broadcast %add3A_2511 : i32 to vector<16xi32>
    %add3A_2513 = arith.addi %add3A_2503, %add3A_2512 : vector<16xi32>
    %swap3A_2514 = arith.constant 576 : index
    %swap3A_2515 = tpu.vector_load %arg10[%swap3A_2514] {strides = array<i32>} : memref<4096xi32, #tpu.memory_space<vmem>>, vector<16xi32>,
    %swap3A_2516 = vector.shape_cast %swap3A_2515 : vector<16xi32> to vector<16xi32>
    %swap3A_2517 = vector.shape_cast %add3A_2513 : vector<16xi32> to vector<16xi32>
    tpu.vector_store %arg10[%swap3A_2514], %swap3A_2517 {strides = array<i32>} : memref<4096xi32, #tpu.memory_space<vmem>>, vector<16xi32>,
    %add3A_2518 = arith.constant 256 : i32
    %add3A_2519 = vector.broadcast %add3A_2518 : i32 to vector<16xi32>
    %add3A_2520 = arith.addi %add3A_2503, %add3A_2519 : vector<16xi32>
    %swap3A_2521 = arith.constant 1088 : index
    %swap3A_2522 = tpu.vector_load %arg10[%swap3A_2521] {strides = array<i32>} : memref<4096xi32, #tpu.memory_space<vmem>>, vector<16xi32>,
    %swap3A_2523 = vector.shape_cast %swap3A_2522 : vector<16xi32> to vector<16xi32>
    %swap3A_2524 = vector.shape_cast %add3A_2520 : vector<16xi32> to vector<16xi32>
    tpu.vector_store %arg10[%swap3A_2521], %swap3A_2524 {strides = array<i32>} : memref<4096xi32, #tpu.memory_space<vmem>>, vector<16xi32>,
    %add3A_2525 = arith.constant 384 : i32
    %add3A_2526 = vector.broadcast %add3A_2525 : i32 to vector<16xi32>
    %add3A_2527 = arith.addi %add3A_2503, %add3A_2526 : vector<16xi32>
    %swap3A_2528 = arith.constant 1600 : index
    %swap3A_2529 = tpu.vector_load %arg10[%swap3A_2528] {strides = array<i32>} : memref<4096xi32, #tpu.memory_space<vmem>>, vector<16xi32>,
    %swap3A_2530 = vector.shape_cast %swap3A_2529 : vector<16xi32> to vector<16xi32>
    %swap3A_2531 = vector.shape_cast %add3A_2527 : vector<16xi32> to vector<16xi32>
    tpu.vector_store %arg10[%swap3A_2528], %swap3A_2531 {strides = array<i32>} : memref<4096xi32, #tpu.memory_space<vmem>>, vector<16xi32>,
    %add3A_2532 = arith.constant 512 : i32
    %add3A_2533 = vector.broadcast %add3A_2532 : i32 to vector<16xi32>
    %add3A_2534 = arith.addi %add3A_2503, %add3A_2533 : vector<16xi32>
    %swap3A_2535 = arith.constant 2112 : index
    %swap3A_2536 = tpu.vector_load %arg10[%swap3A_2535] {strides = array<i32>} : memref<4096xi32, #tpu.memory_space<vmem>>, vector<16xi32>,
    %swap3A_2537 = vector.shape_cast %swap3A_2536 : vector<16xi32> to vector<16xi32>
    %swap3A_2538 = vector.shape_cast %add3A_2534 : vector<16xi32> to vector<16xi32>
    tpu.vector_store %arg10[%swap3A_2535], %swap3A_2538 {strides = array<i32>} : memref<4096xi32, #tpu.memory_space<vmem>>, vector<16xi32>,
    %add3A_2539 = arith.constant 640 : i32
    %add3A_2540 = vector.broadcast %add3A_2539 : i32 to vector<16xi32>
    %add3A_2541 = arith.addi %add3A_2503, %add3A_2540 : vector<16xi32>
    %swap3A_2542 = arith.constant 2624 : index
    %swap3A_2543 = tpu.vector_load %arg10[%swap3A_2542] {strides = array<i32>} : memref<4096xi32, #tpu.memory_space<vmem>>, vector<16xi32>,
    %swap3A_2544 = vector.shape_cast %swap3A_2543 : vector<16xi32> to vector<16xi32>
    %swap3A_2545 = vector.shape_cast %add3A_2541 : vector<16xi32> to vector<16xi32>
    tpu.vector_store %arg10[%swap3A_2542], %swap3A_2545 {strides = array<i32>} : memref<4096xi32, #tpu.memory_space<vmem>>, vector<16xi32>,
    %add3A_2546 = arith.constant 768 : i32
    %add3A_2547 = vector.broadcast %add3A_2546 : i32 to vector<16xi32>
    %add3A_2548 = arith.addi %add3A_2503, %add3A_2547 : vector<16xi32>
    %swap3A_2549 = arith.constant 3136 : index
    %swap3A_2550 = tpu.vector_load %arg10[%swap3A_2549] {strides = array<i32>} : memref<4096xi32, #tpu.memory_space<vmem>>, vector<16xi32>,
    %swap3A_2551 = vector.shape_cast %swap3A_2550 : vector<16xi32> to vector<16xi32>
    %swap3A_2552 = vector.shape_cast %add3A_2548 : vector<16xi32> to vector<16xi32>
    tpu.vector_store %arg10[%swap3A_2549], %swap3A_2552 {strides = array<i32>} : memref<4096xi32, #tpu.memory_space<vmem>>, vector<16xi32>,
    %add3A_2553 = arith.constant 896 : i32
    %add3A_2554 = vector.broadcast %add3A_2553 : i32 to vector<16xi32>
    %add3A_2555 = arith.addi %add3A_2503, %add3A_2554 : vector<16xi32>
    %swap3A_2556 = arith.constant 3648 : index
    %swap3A_2557 = tpu.vector_load %arg10[%swap3A_2556] {strides = array<i32>} : memref<4096xi32, #tpu.memory_space<vmem>>, vector<16xi32>,
    %swap3A_2558 = vector.shape_cast %swap3A_2557 : vector<16xi32> to vector<16xi32>
    %swap3A_2559 = vector.shape_cast %add3A_2555 : vector<16xi32> to vector<16xi32>
    tpu.vector_store %arg10[%swap3A_2556], %swap3A_2559 {strides = array<i32>} : memref<4096xi32, #tpu.memory_space<vmem>>, vector<16xi32>,
    %get3A_2560 = arith.constant 80 : index
    %get3A_2561 = tpu.vector_load %arg8[%get3A_2560] {strides = array<i32>} : memref<512xi32, #tpu.memory_space<vmem>>, vector<16xi32>,
    %get3A_2562 = vector.shape_cast %get3A_2561 : vector<16xi32> to vector<16xi32>
    %shift_right_logical3A_2563 = arith.constant 7 : i32
    %shift_right_logical3A_2564 = vector.broadcast %shift_right_logical3A_2563 : i32 to vector<16xi32>
    %shift_right_logical3A_2565 = arith.shrui %get3A_2562, %shift_right_logical3A_2564 : vector<16xi32>
    %mul3A_2566 = arith.constant 1024 : i32
    %mul3A_2567 = vector.broadcast %mul3A_2566 : i32 to vector<16xi32>
    %mul3A_2568 = arith.muli %shift_right_logical3A_2565, %mul3A_2567 : vector<16xi32>
    %and3A_2569 = arith.constant 127 : i32
    %and3A_2570 = vector.broadcast %and3A_2569 : i32 to vector<16xi32>
    %and3A_2571 = arith.andi %get3A_2562, %and3A_2570 : vector<16xi32>
    %add3A_2572 = arith.addi %mul3A_2568, %and3A_2571 : vector<16xi32>
    %add3A_2573 = arith.constant 0 : i32
    %add3A_2574 = vector.broadcast %add3A_2573 : i32 to vector<16xi32>
    %add3A_2575 = arith.addi %add3A_2572, %add3A_2574 : vector<16xi32>
    %swap3A_2576 = arith.constant 80 : index
    %swap3A_2577 = tpu.vector_load %arg10[%swap3A_2576] {strides = array<i32>} : memref<4096xi32, #tpu.memory_space<vmem>>, vector<16xi32>,
    %swap3A_2578 = vector.shape_cast %swap3A_2577 : vector<16xi32> to vector<16xi32>
    %swap3A_2579 = vector.shape_cast %add3A_2575 : vector<16xi32> to vector<16xi32>
    tpu.vector_store %arg10[%swap3A_2576], %swap3A_2579 {strides = array<i32>} : memref<4096xi32, #tpu.memory_space<vmem>>, vector<16xi32>,
    %add3A_2580 = arith.constant 128 : i32
    %add3A_2581 = vector.broadcast %add3A_2580 : i32 to vector<16xi32>
    %add3A_2582 = arith.addi %add3A_2572, %add3A_2581 : vector<16xi32>
    %swap3A_2583 = arith.constant 592 : index
    %swap3A_2584 = tpu.vector_load %arg10[%swap3A_2583] {strides = array<i32>} : memref<4096xi32, #tpu.memory_space<vmem>>, vector<16xi32>,
    %swap3A_2585 = vector.shape_cast %swap3A_2584 : vector<16xi32> to vector<16xi32>
    %swap3A_2586 = vector.shape_cast %add3A_2582 : vector<16xi32> to vector<16xi32>
    tpu.vector_store %arg10[%swap3A_2583], %swap3A_2586 {strides = array<i32>} : memref<4096xi32, #tpu.memory_space<vmem>>, vector<16xi32>,
    %add3A_2587 = arith.constant 256 : i32
    %add3A_2588 = vector.broadcast %add3A_2587 : i32 to vector<16xi32>
    %add3A_2589 = arith.addi %add3A_2572, %add3A_2588 : vector<16xi32>
    %swap3A_2590 = arith.constant 1104 : index
    %swap3A_2591 = tpu.vector_load %arg10[%swap3A_2590] {strides = array<i32>} : memref<4096xi32, #tpu.memory_space<vmem>>, vector<16xi32>,
    %swap3A_2592 = vector.shape_cast %swap3A_2591 : vector<16xi32> to vector<16xi32>
    %swap3A_2593 = vector.shape_cast %add3A_2589 : vector<16xi32> to vector<16xi32>
    tpu.vector_store %arg10[%swap3A_2590], %swap3A_2593 {strides = array<i32>} : memref<4096xi32, #tpu.memory_space<vmem>>, vector<16xi32>,
    %add3A_2594 = arith.constant 384 : i32
    %add3A_2595 = vector.broadcast %add3A_2594 : i32 to vector<16xi32>
    %add3A_2596 = arith.addi %add3A_2572, %add3A_2595 : vector<16xi32>
    %swap3A_2597 = arith.constant 1616 : index
    %swap3A_2598 = tpu.vector_load %arg10[%swap3A_2597] {strides = array<i32>} : memref<4096xi32, #tpu.memory_space<vmem>>, vector<16xi32>,
    %swap3A_2599 = vector.shape_cast %swap3A_2598 : vector<16xi32> to vector<16xi32>
    %swap3A_2600 = vector.shape_cast %add3A_2596 : vector<16xi32> to vector<16xi32>
    tpu.vector_store %arg10[%swap3A_2597], %swap3A_2600 {strides = array<i32>} : memref<4096xi32, #tpu.memory_space<vmem>>, vector<16xi32>,
    %add3A_2601 = arith.constant 512 : i32
    %add3A_2602 = vector.broadcast %add3A_2601 : i32 to vector<16xi32>
    %add3A_2603 = arith.addi %add3A_2572, %add3A_2602 : vector<16xi32>
    %swap3A_2604 = arith.constant 2128 : index
    %swap3A_2605 = tpu.vector_load %arg10[%swap3A_2604] {strides = array<i32>} : memref<4096xi32, #tpu.memory_space<vmem>>, vector<16xi32>,
    %swap3A_2606 = vector.shape_cast %swap3A_2605 : vector<16xi32> to vector<16xi32>
    %swap3A_2607 = vector.shape_cast %add3A_2603 : vector<16xi32> to vector<16xi32>
    tpu.vector_store %arg10[%swap3A_2604], %swap3A_2607 {strides = array<i32>} : memref<4096xi32, #tpu.memory_space<vmem>>, vector<16xi32>,
    %add3A_2608 = arith.constant 640 : i32
    %add3A_2609 = vector.broadcast %add3A_2608 : i32 to vector<16xi32>
    %add3A_2610 = arith.addi %add3A_2572, %add3A_2609 : vector<16xi32>
    %swap3A_2611 = arith.constant 2640 : index
    %swap3A_2612 = tpu.vector_load %arg10[%swap3A_2611] {strides = array<i32>} : memref<4096xi32, #tpu.memory_space<vmem>>, vector<16xi32>,
    %swap3A_2613 = vector.shape_cast %swap3A_2612 : vector<16xi32> to vector<16xi32>
    %swap3A_2614 = vector.shape_cast %add3A_2610 : vector<16xi32> to vector<16xi32>
    tpu.vector_store %arg10[%swap3A_2611], %swap3A_2614 {strides = array<i32>} : memref<4096xi32, #tpu.memory_space<vmem>>, vector<16xi32>,
    %add3A_2615 = arith.constant 768 : i32
    %add3A_2616 = vector.broadcast %add3A_2615 : i32 to vector<16xi32>
    %add3A_2617 = arith.addi %add3A_2572, %add3A_2616 : vector<16xi32>
    %swap3A_2618 = arith.constant 3152 : index
    %swap3A_2619 = tpu.vector_load %arg10[%swap3A_2618] {strides = array<i32>} : memref<4096xi32, #tpu.memory_space<vmem>>, vector<16xi32>,
    %swap3A_2620 = vector.shape_cast %swap3A_2619 : vector<16xi32> to vector<16xi32>
    %swap3A_2621 = vector.shape_cast %add3A_2617 : vector<16xi32> to vector<16xi32>
    tpu.vector_store %arg10[%swap3A_2618], %swap3A_2621 {strides = array<i32>} : memref<4096xi32, #tpu.memory_space<vmem>>, vector<16xi32>,
    %add3A_2622 = arith.constant 896 : i32
    %add3A_2623 = vector.broadcast %add3A_2622 : i32 to vector<16xi32>
    %add3A_2624 = arith.addi %add3A_2572, %add3A_2623 : vector<16xi32>
    %swap3A_2625 = arith.constant 3664 : index
    %swap3A_2626 = tpu.vector_load %arg10[%swap3A_2625] {strides = array<i32>} : memref<4096xi32, #tpu.memory_space<vmem>>, vector<16xi32>,
    %swap3A_2627 = vector.shape_cast %swap3A_2626 : vector<16xi32> to vector<16xi32>
    %swap3A_2628 = vector.shape_cast %add3A_2624 : vector<16xi32> to vector<16xi32>
    tpu.vector_store %arg10[%swap3A_2625], %swap3A_2628 {strides = array<i32>} : memref<4096xi32, #tpu.memory_space<vmem>>, vector<16xi32>,
    %get3A_2629 = arith.constant 96 : index
    %get3A_2630 = tpu.vector_load %arg8[%get3A_2629] {strides = array<i32>} : memref<512xi32, #tpu.memory_space<vmem>>, vector<16xi32>,
    %get3A_2631 = vector.shape_cast %get3A_2630 : vector<16xi32> to vector<16xi32>
    %shift_right_logical3A_2632 = arith.constant 7 : i32
    %shift_right_logical3A_2633 = vector.broadcast %shift_right_logical3A_2632 : i32 to vector<16xi32>
    %shift_right_logical3A_2634 = arith.shrui %get3A_2631, %shift_right_logical3A_2633 : vector<16xi32>
    %mul3A_2635 = arith.constant 1024 : i32
    %mul3A_2636 = vector.broadcast %mul3A_2635 : i32 to vector<16xi32>
    %mul3A_2637 = arith.muli %shift_right_logical3A_2634, %mul3A_2636 : vector<16xi32>
    %and3A_2638 = arith.constant 127 : i32
    %and3A_2639 = vector.broadcast %and3A_2638 : i32 to vector<16xi32>
    %and3A_2640 = arith.andi %get3A_2631, %and3A_2639 : vector<16xi32>
    %add3A_2641 = arith.addi %mul3A_2637, %and3A_2640 : vector<16xi32>
    %add3A_2642 = arith.constant 0 : i32
    %add3A_2643 = vector.broadcast %add3A_2642 : i32 to vector<16xi32>
    %add3A_2644 = arith.addi %add3A_2641, %add3A_2643 : vector<16xi32>
    %swap3A_2645 = arith.constant 96 : index
    %swap3A_2646 = tpu.vector_load %arg10[%swap3A_2645] {strides = array<i32>} : memref<4096xi32, #tpu.memory_space<vmem>>, vector<16xi32>,
    %swap3A_2647 = vector.shape_cast %swap3A_2646 : vector<16xi32> to vector<16xi32>
    %swap3A_2648 = vector.shape_cast %add3A_2644 : vector<16xi32> to vector<16xi32>
    tpu.vector_store %arg10[%swap3A_2645], %swap3A_2648 {strides = array<i32>} : memref<4096xi32, #tpu.memory_space<vmem>>, vector<16xi32>,
    %add3A_2649 = arith.constant 128 : i32
    %add3A_2650 = vector.broadcast %add3A_2649 : i32 to vector<16xi32>
    %add3A_2651 = arith.addi %add3A_2641, %add3A_2650 : vector<16xi32>
    %swap3A_2652 = arith.constant 608 : index
    %swap3A_2653 = tpu.vector_load %arg10[%swap3A_2652] {strides = array<i32>} : memref<4096xi32, #tpu.memory_space<vmem>>, vector<16xi32>,
    %swap3A_2654 = vector.shape_cast %swap3A_2653 : vector<16xi32> to vector<16xi32>
    %swap3A_2655 = vector.shape_cast %add3A_2651 : vector<16xi32> to vector<16xi32>
    tpu.vector_store %arg10[%swap3A_2652], %swap3A_2655 {strides = array<i32>} : memref<4096xi32, #tpu.memory_space<vmem>>, vector<16xi32>,
    %add3A_2656 = arith.constant 256 : i32
    %add3A_2657 = vector.broadcast %add3A_2656 : i32 to vector<16xi32>
    %add3A_2658 = arith.addi %add3A_2641, %add3A_2657 : vector<16xi32>
    %swap3A_2659 = arith.constant 1120 : index
    %swap3A_2660 = tpu.vector_load %arg10[%swap3A_2659] {strides = array<i32>} : memref<4096xi32, #tpu.memory_space<vmem>>, vector<16xi32>,
    %swap3A_2661 = vector.shape_cast %swap3A_2660 : vector<16xi32> to vector<16xi32>
    %swap3A_2662 = vector.shape_cast %add3A_2658 : vector<16xi32> to vector<16xi32>
    tpu.vector_store %arg10[%swap3A_2659], %swap3A_2662 {strides = array<i32>} : memref<4096xi32, #tpu.memory_space<vmem>>, vector<16xi32>,
    %add3A_2663 = arith.constant 384 : i32
    %add3A_2664 = vector.broadcast %add3A_2663 : i32 to vector<16xi32>
    %add3A_2665 = arith.addi %add3A_2641, %add3A_2664 : vector<16xi32>
    %swap3A_2666 = arith.constant 1632 : index
    %swap3A_2667 = tpu.vector_load %arg10[%swap3A_2666] {strides = array<i32>} : memref<4096xi32, #tpu.memory_space<vmem>>, vector<16xi32>,
    %swap3A_2668 = vector.shape_cast %swap3A_2667 : vector<16xi32> to vector<16xi32>
    %swap3A_2669 = vector.shape_cast %add3A_2665 : vector<16xi32> to vector<16xi32>
    tpu.vector_store %arg10[%swap3A_2666], %swap3A_2669 {strides = array<i32>} : memref<4096xi32, #tpu.memory_space<vmem>>, vector<16xi32>,
    %add3A_2670 = arith.constant 512 : i32
    %add3A_2671 = vector.broadcast %add3A_2670 : i32 to vector<16xi32>
    %add3A_2672 = arith.addi %add3A_2641, %add3A_2671 : vector<16xi32>
    %swap3A_2673 = arith.constant 2144 : index
    %swap3A_2674 = tpu.vector_load %arg10[%swap3A_2673] {strides = array<i32>} : memref<4096xi32, #tpu.memory_space<vmem>>, vector<16xi32>,
    %swap3A_2675 = vector.shape_cast %swap3A_2674 : vector<16xi32> to vector<16xi32>
    %swap3A_2676 = vector.shape_cast %add3A_2672 : vector<16xi32> to vector<16xi32>
    tpu.vector_store %arg10[%swap3A_2673], %swap3A_2676 {strides = array<i32>} : memref<4096xi32, #tpu.memory_space<vmem>>, vector<16xi32>,
    %add3A_2677 = arith.constant 640 : i32
    %add3A_2678 = vector.broadcast %add3A_2677 : i32 to vector<16xi32>
    %add3A_2679 = arith.addi %add3A_2641, %add3A_2678 : vector<16xi32>
    %swap3A_2680 = arith.constant 2656 : index
    %swap3A_2681 = tpu.vector_load %arg10[%swap3A_2680] {strides = array<i32>} : memref<4096xi32, #tpu.memory_space<vmem>>, vector<16xi32>,
    %swap3A_2682 = vector.shape_cast %swap3A_2681 : vector<16xi32> to vector<16xi32>
    %swap3A_2683 = vector.shape_cast %add3A_2679 : vector<16xi32> to vector<16xi32>
    tpu.vector_store %arg10[%swap3A_2680], %swap3A_2683 {strides = array<i32>} : memref<4096xi32, #tpu.memory_space<vmem>>, vector<16xi32>,
    %add3A_2684 = arith.constant 768 : i32
    %add3A_2685 = vector.broadcast %add3A_2684 : i32 to vector<16xi32>
    %add3A_2686 = arith.addi %add3A_2641, %add3A_2685 : vector<16xi32>
    %swap3A_2687 = arith.constant 3168 : index
    %swap3A_2688 = tpu.vector_load %arg10[%swap3A_2687] {strides = array<i32>} : memref<4096xi32, #tpu.memory_space<vmem>>, vector<16xi32>,
    %swap3A_2689 = vector.shape_cast %swap3A_2688 : vector<16xi32> to vector<16xi32>
    %swap3A_2690 = vector.shape_cast %add3A_2686 : vector<16xi32> to vector<16xi32>
    tpu.vector_store %arg10[%swap3A_2687], %swap3A_2690 {strides = array<i32>} : memref<4096xi32, #tpu.memory_space<vmem>>, vector<16xi32>,
    %add3A_2691 = arith.constant 896 : i32
    %add3A_2692 = vector.broadcast %add3A_2691 : i32 to vector<16xi32>
    %add3A_2693 = arith.addi %add3A_2641, %add3A_2692 : vector<16xi32>
    %swap3A_2694 = arith.constant 3680 : index
    %swap3A_2695 = tpu.vector_load %arg10[%swap3A_2694] {strides = array<i32>} : memref<4096xi32, #tpu.memory_space<vmem>>, vector<16xi32>,
    %swap3A_2696 = vector.shape_cast %swap3A_2695 : vector<16xi32> to vector<16xi32>
    %swap3A_2697 = vector.shape_cast %add3A_2693 : vector<16xi32> to vector<16xi32>
    tpu.vector_store %arg10[%swap3A_2694], %swap3A_2697 {strides = array<i32>} : memref<4096xi32, #tpu.memory_space<vmem>>, vector<16xi32>,
    %get3A_2698 = arith.constant 112 : index
    %get3A_2699 = tpu.vector_load %arg8[%get3A_2698] {strides = array<i32>} : memref<512xi32, #tpu.memory_space<vmem>>, vector<16xi32>,
    %get3A_2700 = vector.shape_cast %get3A_2699 : vector<16xi32> to vector<16xi32>
    %shift_right_logical3A_2701 = arith.constant 7 : i32
    %shift_right_logical3A_2702 = vector.broadcast %shift_right_logical3A_2701 : i32 to vector<16xi32>
    %shift_right_logical3A_2703 = arith.shrui %get3A_2700, %shift_right_logical3A_2702 : vector<16xi32>
    %mul3A_2704 = arith.constant 1024 : i32
    %mul3A_2705 = vector.broadcast %mul3A_2704 : i32 to vector<16xi32>
    %mul3A_2706 = arith.muli %shift_right_logical3A_2703, %mul3A_2705 : vector<16xi32>
    %and3A_2707 = arith.constant 127 : i32
    %and3A_2708 = vector.broadcast %and3A_2707 : i32 to vector<16xi32>
    %and3A_2709 = arith.andi %get3A_2700, %and3A_2708 : vector<16xi32>
    %add3A_2710 = arith.addi %mul3A_2706, %and3A_2709 : vector<16xi32>
    %add3A_2711 = arith.constant 0 : i32
    %add3A_2712 = vector.broadcast %add3A_2711 : i32 to vector<16xi32>
    %add3A_2713 = arith.addi %add3A_2710, %add3A_2712 : vector<16xi32>
    %swap3A_2714 = arith.constant 112 : index
    %swap3A_2715 = tpu.vector_load %arg10[%swap3A_2714] {strides = array<i32>} : memref<4096xi32, #tpu.memory_space<vmem>>, vector<16xi32>,
    %swap3A_2716 = vector.shape_cast %swap3A_2715 : vector<16xi32> to vector<16xi32>
    %swap3A_2717 = vector.shape_cast %add3A_2713 : vector<16xi32> to vector<16xi32>
    tpu.vector_store %arg10[%swap3A_2714], %swap3A_2717 {strides = array<i32>} : memref<4096xi32, #tpu.memory_space<vmem>>, vector<16xi32>,
    %add3A_2718 = arith.constant 128 : i32
    %add3A_2719 = vector.broadcast %add3A_2718 : i32 to vector<16xi32>
    %add3A_2720 = arith.addi %add3A_2710, %add3A_2719 : vector<16xi32>
    %swap3A_2721 = arith.constant 624 : index
    %swap3A_2722 = tpu.vector_load %arg10[%swap3A_2721] {strides = array<i32>} : memref<4096xi32, #tpu.memory_space<vmem>>, vector<16xi32>,
    %swap3A_2723 = vector.shape_cast %swap3A_2722 : vector<16xi32> to vector<16xi32>
    %swap3A_2724 = vector.shape_cast %add3A_2720 : vector<16xi32> to vector<16xi32>
    tpu.vector_store %arg10[%swap3A_2721], %swap3A_2724 {strides = array<i32>} : memref<4096xi32, #tpu.memory_space<vmem>>, vector<16xi32>,
    %add3A_2725 = arith.constant 256 : i32
    %add3A_2726 = vector.broadcast %add3A_2725 : i32 to vector<16xi32>
    %add3A_2727 = arith.addi %add3A_2710, %add3A_2726 : vector<16xi32>
    %swap3A_2728 = arith.constant 1136 : index
    %swap3A_2729 = tpu.vector_load %arg10[%swap3A_2728] {strides = array<i32>} : memref<4096xi32, #tpu.memory_space<vmem>>, vector<16xi32>,
    %swap3A_2730 = vector.shape_cast %swap3A_2729 : vector<16xi32> to vector<16xi32>
    %swap3A_2731 = vector.shape_cast %add3A_2727 : vector<16xi32> to vector<16xi32>
    tpu.vector_store %arg10[%swap3A_2728], %swap3A_2731 {strides = array<i32>} : memref<4096xi32, #tpu.memory_space<vmem>>, vector<16xi32>,
    %add3A_2732 = arith.constant 384 : i32
    %add3A_2733 = vector.broadcast %add3A_2732 : i32 to vector<16xi32>
    %add3A_2734 = arith.addi %add3A_2710, %add3A_2733 : vector<16xi32>
    %swap3A_2735 = arith.constant 1648 : index
    %swap3A_2736 = tpu.vector_load %arg10[%swap3A_2735] {strides = array<i32>} : memref<4096xi32, #tpu.memory_space<vmem>>, vector<16xi32>,
    %swap3A_2737 = vector.shape_cast %swap3A_2736 : vector<16xi32> to vector<16xi32>
    %swap3A_2738 = vector.shape_cast %add3A_2734 : vector<16xi32> to vector<16xi32>
    tpu.vector_store %arg10[%swap3A_2735], %swap3A_2738 {strides = array<i32>} : memref<4096xi32, #tpu.memory_space<vmem>>, vector<16xi32>,
    %add3A_2739 = arith.constant 512 : i32
    %add3A_2740 = vector.broadcast %add3A_2739 : i32 to vector<16xi32>
    %add3A_2741 = arith.addi %add3A_2710, %add3A_2740 : vector<16xi32>
    %swap3A_2742 = arith.constant 2160 : index
    %swap3A_2743 = tpu.vector_load %arg10[%swap3A_2742] {strides = array<i32>} : memref<4096xi32, #tpu.memory_space<vmem>>, vector<16xi32>,
    %swap3A_2744 = vector.shape_cast %swap3A_2743 : vector<16xi32> to vector<16xi32>
    %swap3A_2745 = vector.shape_cast %add3A_2741 : vector<16xi32> to vector<16xi32>
    tpu.vector_store %arg10[%swap3A_2742], %swap3A_2745 {strides = array<i32>} : memref<4096xi32, #tpu.memory_space<vmem>>, vector<16xi32>,
    %add3A_2746 = arith.constant 640 : i32
    %add3A_2747 = vector.broadcast %add3A_2746 : i32 to vector<16xi32>
    %add3A_2748 = arith.addi %add3A_2710, %add3A_2747 : vector<16xi32>
    %swap3A_2749 = arith.constant 2672 : index
    %swap3A_2750 = tpu.vector_load %arg10[%swap3A_2749] {strides = array<i32>} : memref<4096xi32, #tpu.memory_space<vmem>>, vector<16xi32>,
    %swap3A_2751 = vector.shape_cast %swap3A_2750 : vector<16xi32> to vector<16xi32>
    %swap3A_2752 = vector.shape_cast %add3A_2748 : vector<16xi32> to vector<16xi32>
    tpu.vector_store %arg10[%swap3A_2749], %swap3A_2752 {strides = array<i32>} : memref<4096xi32, #tpu.memory_space<vmem>>, vector<16xi32>,
    %add3A_2753 = arith.constant 768 : i32
    %add3A_2754 = vector.broadcast %add3A_2753 : i32 to vector<16xi32>
    %add3A_2755 = arith.addi %add3A_2710, %add3A_2754 : vector<16xi32>
    %swap3A_2756 = arith.constant 3184 : index
    %swap3A_2757 = tpu.vector_load %arg10[%swap3A_2756] {strides = array<i32>} : memref<4096xi32, #tpu.memory_space<vmem>>, vector<16xi32>,
    %swap3A_2758 = vector.shape_cast %swap3A_2757 : vector<16xi32> to vector<16xi32>
    %swap3A_2759 = vector.shape_cast %add3A_2755 : vector<16xi32> to vector<16xi32>
    tpu.vector_store %arg10[%swap3A_2756], %swap3A_2759 {strides = array<i32>} : memref<4096xi32, #tpu.memory_space<vmem>>, vector<16xi32>,
    %add3A_2760 = arith.constant 896 : i32
    %add3A_2761 = vector.broadcast %add3A_2760 : i32 to vector<16xi32>
    %add3A_2762 = arith.addi %add3A_2710, %add3A_2761 : vector<16xi32>
    %swap3A_2763 = arith.constant 3696 : index
    %swap3A_2764 = tpu.vector_load %arg10[%swap3A_2763] {strides = array<i32>} : memref<4096xi32, #tpu.memory_space<vmem>>, vector<16xi32>,
    %swap3A_2765 = vector.shape_cast %swap3A_2764 : vector<16xi32> to vector<16xi32>
    %swap3A_2766 = vector.shape_cast %add3A_2762 : vector<16xi32> to vector<16xi32>
    tpu.vector_store %arg10[%swap3A_2763], %swap3A_2766 {strides = array<i32>} : memref<4096xi32, #tpu.memory_space<vmem>>, vector<16xi32>,
    %get3A_2767 = arith.constant 128 : index
    %get3A_2768 = tpu.vector_load %arg8[%get3A_2767] {strides = array<i32>} : memref<512xi32, #tpu.memory_space<vmem>>, vector<16xi32>,
    %get3A_2769 = vector.shape_cast %get3A_2768 : vector<16xi32> to vector<16xi32>
    %shift_right_logical3A_2770 = arith.constant 7 : i32
    %shift_right_logical3A_2771 = vector.broadcast %shift_right_logical3A_2770 : i32 to vector<16xi32>
    %shift_right_logical3A_2772 = arith.shrui %get3A_2769, %shift_right_logical3A_2771 : vector<16xi32>
    %mul3A_2773 = arith.constant 1024 : i32
    %mul3A_2774 = vector.broadcast %mul3A_2773 : i32 to vector<16xi32>
    %mul3A_2775 = arith.muli %shift_right_logical3A_2772, %mul3A_2774 : vector<16xi32>
    %and3A_2776 = arith.constant 127 : i32
    %and3A_2777 = vector.broadcast %and3A_2776 : i32 to vector<16xi32>
    %and3A_2778 = arith.andi %get3A_2769, %and3A_2777 : vector<16xi32>
    %add3A_2779 = arith.addi %mul3A_2775, %and3A_2778 : vector<16xi32>
    %add3A_2780 = arith.constant 0 : i32
    %add3A_2781 = vector.broadcast %add3A_2780 : i32 to vector<16xi32>
    %add3A_2782 = arith.addi %add3A_2779, %add3A_2781 : vector<16xi32>
    %swap3A_2783 = arith.constant 128 : index
    %swap3A_2784 = tpu.vector_load %arg10[%swap3A_2783] {strides = array<i32>} : memref<4096xi32, #tpu.memory_space<vmem>>, vector<16xi32>,
    %swap3A_2785 = vector.shape_cast %swap3A_2784 : vector<16xi32> to vector<16xi32>
    %swap3A_2786 = vector.shape_cast %add3A_2782 : vector<16xi32> to vector<16xi32>
    tpu.vector_store %arg10[%swap3A_2783], %swap3A_2786 {strides = array<i32>} : memref<4096xi32, #tpu.memory_space<vmem>>, vector<16xi32>,
    %add3A_2787 = arith.constant 128 : i32
    %add3A_2788 = vector.broadcast %add3A_2787 : i32 to vector<16xi32>
    %add3A_2789 = arith.addi %add3A_2779, %add3A_2788 : vector<16xi32>
    %swap3A_2790 = arith.constant 640 : index
    %swap3A_2791 = tpu.vector_load %arg10[%swap3A_2790] {strides = array<i32>} : memref<4096xi32, #tpu.memory_space<vmem>>, vector<16xi32>,
    %swap3A_2792 = vector.shape_cast %swap3A_2791 : vector<16xi32> to vector<16xi32>
    %swap3A_2793 = vector.shape_cast %add3A_2789 : vector<16xi32> to vector<16xi32>
    tpu.vector_store %arg10[%swap3A_2790], %swap3A_2793 {strides = array<i32>} : memref<4096xi32, #tpu.memory_space<vmem>>, vector<16xi32>,
    %add3A_2794 = arith.constant 256 : i32
    %add3A_2795 = vector.broadcast %add3A_2794 : i32 to vector<16xi32>
    %add3A_2796 = arith.addi %add3A_2779, %add3A_2795 : vector<16xi32>
    %swap3A_2797 = arith.constant 1152 : index
    %swap3A_2798 = tpu.vector_load %arg10[%swap3A_2797] {strides = array<i32>} : memref<4096xi32, #tpu.memory_space<vmem>>, vector<16xi32>,
    %swap3A_2799 = vector.shape_cast %swap3A_2798 : vector<16xi32> to vector<16xi32>
    %swap3A_2800 = vector.shape_cast %add3A_2796 : vector<16xi32> to vector<16xi32>
    tpu.vector_store %arg10[%swap3A_2797], %swap3A_2800 {strides = array<i32>} : memref<4096xi32, #tpu.memory_space<vmem>>, vector<16xi32>,
    %add3A_2801 = arith.constant 384 : i32
    %add3A_2802 = vector.broadcast %add3A_2801 : i32 to vector<16xi32>
    %add3A_2803 = arith.addi %add3A_2779, %add3A_2802 : vector<16xi32>
    %swap3A_2804 = arith.constant 1664 : index
    %swap3A_2805 = tpu.vector_load %arg10[%swap3A_2804] {strides = array<i32>} : memref<4096xi32, #tpu.memory_space<vmem>>, vector<16xi32>,
    %swap3A_2806 = vector.shape_cast %swap3A_2805 : vector<16xi32> to vector<16xi32>
    %swap3A_2807 = vector.shape_cast %add3A_2803 : vector<16xi32> to vector<16xi32>
    tpu.vector_store %arg10[%swap3A_2804], %swap3A_2807 {strides = array<i32>} : memref<4096xi32, #tpu.memory_space<vmem>>, vector<16xi32>,
    %add3A_2808 = arith.constant 512 : i32
    %add3A_2809 = vector.broadcast %add3A_2808 : i32 to vector<16xi32>
    %add3A_2810 = arith.addi %add3A_2779, %add3A_2809 : vector<16xi32>
    %swap3A_2811 = arith.constant 2176 : index
    %swap3A_2812 = tpu.vector_load %arg10[%swap3A_2811] {strides = array<i32>} : memref<4096xi32, #tpu.memory_space<vmem>>, vector<16xi32>,
    %swap3A_2813 = vector.shape_cast %swap3A_2812 : vector<16xi32> to vector<16xi32>
    %swap3A_2814 = vector.shape_cast %add3A_2810 : vector<16xi32> to vector<16xi32>
    tpu.vector_store %arg10[%swap3A_2811], %swap3A_2814 {strides = array<i32>} : memref<4096xi32, #tpu.memory_space<vmem>>, vector<16xi32>,
    %add3A_2815 = arith.constant 640 : i32
    %add3A_2816 = vector.broadcast %add3A_2815 : i32 to vector<16xi32>
    %add3A_2817 = arith.addi %add3A_2779, %add3A_2816 : vector<16xi32>
    %swap3A_2818 = arith.constant 2688 : index
    %swap3A_2819 = tpu.vector_load %arg10[%swap3A_2818] {strides = array<i32>} : memref<4096xi32, #tpu.memory_space<vmem>>, vector<16xi32>,
    %swap3A_2820 = vector.shape_cast %swap3A_2819 : vector<16xi32> to vector<16xi32>
    %swap3A_2821 = vector.shape_cast %add3A_2817 : vector<16xi32> to vector<16xi32>
    tpu.vector_store %arg10[%swap3A_2818], %swap3A_2821 {strides = array<i32>} : memref<4096xi32, #tpu.memory_space<vmem>>, vector<16xi32>,
    %add3A_2822 = arith.constant 768 : i32
    %add3A_2823 = vector.broadcast %add3A_2822 : i32 to vector<16xi32>
    %add3A_2824 = arith.addi %add3A_2779, %add3A_2823 : vector<16xi32>
    %swap3A_2825 = arith.constant 3200 : index
    %swap3A_2826 = tpu.vector_load %arg10[%swap3A_2825] {strides = array<i32>} : memref<4096xi32, #tpu.memory_space<vmem>>, vector<16xi32>,
    %swap3A_2827 = vector.shape_cast %swap3A_2826 : vector<16xi32> to vector<16xi32>
    %swap3A_2828 = vector.shape_cast %add3A_2824 : vector<16xi32> to vector<16xi32>
    tpu.vector_store %arg10[%swap3A_2825], %swap3A_2828 {strides = array<i32>} : memref<4096xi32, #tpu.memory_space<vmem>>, vector<16xi32>,
    %add3A_2829 = arith.constant 896 : i32
    %add3A_2830 = vector.broadcast %add3A_2829 : i32 to vector<16xi32>
    %add3A_2831 = arith.addi %add3A_2779, %add3A_2830 : vector<16xi32>
    %swap3A_2832 = arith.constant 3712 : index
    %swap3A_2833 = tpu.vector_load %arg10[%swap3A_2832] {strides = array<i32>} : memref<4096xi32, #tpu.memory_space<vmem>>, vector<16xi32>,
    %swap3A_2834 = vector.shape_cast %swap3A_2833 : vector<16xi32> to vector<16xi32>
    %swap3A_2835 = vector.shape_cast %add3A_2831 : vector<16xi32> to vector<16xi32>
    tpu.vector_store %arg10[%swap3A_2832], %swap3A_2835 {strides = array<i32>} : memref<4096xi32, #tpu.memory_space<vmem>>, vector<16xi32>,
    %get3A_2836 = arith.constant 144 : index
    %get3A_2837 = tpu.vector_load %arg8[%get3A_2836] {strides = array<i32>} : memref<512xi32, #tpu.memory_space<vmem>>, vector<16xi32>,
    %get3A_2838 = vector.shape_cast %get3A_2837 : vector<16xi32> to vector<16xi32>
    %shift_right_logical3A_2839 = arith.constant 7 : i32
    %shift_right_logical3A_2840 = vector.broadcast %shift_right_logical3A_2839 : i32 to vector<16xi32>
    %shift_right_logical3A_2841 = arith.shrui %get3A_2838, %shift_right_logical3A_2840 : vector<16xi32>
    %mul3A_2842 = arith.constant 1024 : i32
    %mul3A_2843 = vector.broadcast %mul3A_2842 : i32 to vector<16xi32>
    %mul3A_2844 = arith.muli %shift_right_logical3A_2841, %mul3A_2843 : vector<16xi32>
    %and3A_2845 = arith.constant 127 : i32
    %and3A_2846 = vector.broadcast %and3A_2845 : i32 to vector<16xi32>
    %and3A_2847 = arith.andi %get3A_2838, %and3A_2846 : vector<16xi32>
    %add3A_2848 = arith.addi %mul3A_2844, %and3A_2847 : vector<16xi32>
    %add3A_2849 = arith.constant 0 : i32
    %add3A_2850 = vector.broadcast %add3A_2849 : i32 to vector<16xi32>
    %add3A_2851 = arith.addi %add3A_2848, %add3A_2850 : vector<16xi32>
    %swap3A_2852 = arith.constant 144 : index
    %swap3A_2853 = tpu.vector_load %arg10[%swap3A_2852] {strides = array<i32>} : memref<4096xi32, #tpu.memory_space<vmem>>, vector<16xi32>,
    %swap3A_2854 = vector.shape_cast %swap3A_2853 : vector<16xi32> to vector<16xi32>
    %swap3A_2855 = vector.shape_cast %add3A_2851 : vector<16xi32> to vector<16xi32>
    tpu.vector_store %arg10[%swap3A_2852], %swap3A_2855 {strides = array<i32>} : memref<4096xi32, #tpu.memory_space<vmem>>, vector<16xi32>,
    %add3A_2856 = arith.constant 128 : i32
    %add3A_2857 = vector.broadcast %add3A_2856 : i32 to vector<16xi32>
    %add3A_2858 = arith.addi %add3A_2848, %add3A_2857 : vector<16xi32>
    %swap3A_2859 = arith.constant 656 : index
    %swap3A_2860 = tpu.vector_load %arg10[%swap3A_2859] {strides = array<i32>} : memref<4096xi32, #tpu.memory_space<vmem>>, vector<16xi32>,
    %swap3A_2861 = vector.shape_cast %swap3A_2860 : vector<16xi32> to vector<16xi32>
    %swap3A_2862 = vector.shape_cast %add3A_2858 : vector<16xi32> to vector<16xi32>
    tpu.vector_store %arg10[%swap3A_2859], %swap3A_2862 {strides = array<i32>} : memref<4096xi32, #tpu.memory_space<vmem>>, vector<16xi32>,
    %add3A_2863 = arith.constant 256 : i32
    %add3A_2864 = vector.broadcast %add3A_2863 : i32 to vector<16xi32>
    %add3A_2865 = arith.addi %add3A_2848, %add3A_2864 : vector<16xi32>
    %swap3A_2866 = arith.constant 1168 : index
    %swap3A_2867 = tpu.vector_load %arg10[%swap3A_2866] {strides = array<i32>} : memref<4096xi32, #tpu.memory_space<vmem>>, vector<16xi32>,
    %swap3A_2868 = vector.shape_cast %swap3A_2867 : vector<16xi32> to vector<16xi32>
    %swap3A_2869 = vector.shape_cast %add3A_2865 : vector<16xi32> to vector<16xi32>
    tpu.vector_store %arg10[%swap3A_2866], %swap3A_2869 {strides = array<i32>} : memref<4096xi32, #tpu.memory_space<vmem>>, vector<16xi32>,
    %add3A_2870 = arith.constant 384 : i32
    %add3A_2871 = vector.broadcast %add3A_2870 : i32 to vector<16xi32>
    %add3A_2872 = arith.addi %add3A_2848, %add3A_2871 : vector<16xi32>
    %swap3A_2873 = arith.constant 1680 : index
    %swap3A_2874 = tpu.vector_load %arg10[%swap3A_2873] {strides = array<i32>} : memref<4096xi32, #tpu.memory_space<vmem>>, vector<16xi32>,
    %swap3A_2875 = vector.shape_cast %swap3A_2874 : vector<16xi32> to vector<16xi32>
    %swap3A_2876 = vector.shape_cast %add3A_2872 : vector<16xi32> to vector<16xi32>
    tpu.vector_store %arg10[%swap3A_2873], %swap3A_2876 {strides = array<i32>} : memref<4096xi32, #tpu.memory_space<vmem>>, vector<16xi32>,
    %add3A_2877 = arith.constant 512 : i32
    %add3A_2878 = vector.broadcast %add3A_2877 : i32 to vector<16xi32>
    %add3A_2879 = arith.addi %add3A_2848, %add3A_2878 : vector<16xi32>
    %swap3A_2880 = arith.constant 2192 : index
    %swap3A_2881 = tpu.vector_load %arg10[%swap3A_2880] {strides = array<i32>} : memref<4096xi32, #tpu.memory_space<vmem>>, vector<16xi32>,
    %swap3A_2882 = vector.shape_cast %swap3A_2881 : vector<16xi32> to vector<16xi32>
    %swap3A_2883 = vector.shape_cast %add3A_2879 : vector<16xi32> to vector<16xi32>
    tpu.vector_store %arg10[%swap3A_2880], %swap3A_2883 {strides = array<i32>} : memref<4096xi32, #tpu.memory_space<vmem>>, vector<16xi32>,
    %add3A_2884 = arith.constant 640 : i32
    %add3A_2885 = vector.broadcast %add3A_2884 : i32 to vector<16xi32>
    %add3A_2886 = arith.addi %add3A_2848, %add3A_2885 : vector<16xi32>
    %swap3A_2887 = arith.constant 2704 : index
    %swap3A_2888 = tpu.vector_load %arg10[%swap3A_2887] {strides = array<i32>} : memref<4096xi32, #tpu.memory_space<vmem>>, vector<16xi32>,
    %swap3A_2889 = vector.shape_cast %swap3A_2888 : vector<16xi32> to vector<16xi32>
    %swap3A_2890 = vector.shape_cast %add3A_2886 : vector<16xi32> to vector<16xi32>
    tpu.vector_store %arg10[%swap3A_2887], %swap3A_2890 {strides = array<i32>} : memref<4096xi32, #tpu.memory_space<vmem>>, vector<16xi32>,
    %add3A_2891 = arith.constant 768 : i32
    %add3A_2892 = vector.broadcast %add3A_2891 : i32 to vector<16xi32>
    %add3A_2893 = arith.addi %add3A_2848, %add3A_2892 : vector<16xi32>
    %swap3A_2894 = arith.constant 3216 : index
    %swap3A_2895 = tpu.vector_load %arg10[%swap3A_2894] {strides = array<i32>} : memref<4096xi32, #tpu.memory_space<vmem>>, vector<16xi32>,
    %swap3A_2896 = vector.shape_cast %swap3A_2895 : vector<16xi32> to vector<16xi32>
    %swap3A_2897 = vector.shape_cast %add3A_2893 : vector<16xi32> to vector<16xi32>
    tpu.vector_store %arg10[%swap3A_2894], %swap3A_2897 {strides = array<i32>} : memref<4096xi32, #tpu.memory_space<vmem>>, vector<16xi32>,
    %add3A_2898 = arith.constant 896 : i32
    %add3A_2899 = vector.broadcast %add3A_2898 : i32 to vector<16xi32>
    %add3A_2900 = arith.addi %add3A_2848, %add3A_2899 : vector<16xi32>
    %swap3A_2901 = arith.constant 3728 : index
    %swap3A_2902 = tpu.vector_load %arg10[%swap3A_2901] {strides = array<i32>} : memref<4096xi32, #tpu.memory_space<vmem>>, vector<16xi32>,
    %swap3A_2903 = vector.shape_cast %swap3A_2902 : vector<16xi32> to vector<16xi32>
    %swap3A_2904 = vector.shape_cast %add3A_2900 : vector<16xi32> to vector<16xi32>
    tpu.vector_store %arg10[%swap3A_2901], %swap3A_2904 {strides = array<i32>} : memref<4096xi32, #tpu.memory_space<vmem>>, vector<16xi32>,
    %get3A_2905 = arith.constant 160 : index
    %get3A_2906 = tpu.vector_load %arg8[%get3A_2905] {strides = array<i32>} : memref<512xi32, #tpu.memory_space<vmem>>, vector<16xi32>,
    %get3A_2907 = vector.shape_cast %get3A_2906 : vector<16xi32> to vector<16xi32>
    %shift_right_logical3A_2908 = arith.constant 7 : i32
    %shift_right_logical3A_2909 = vector.broadcast %shift_right_logical3A_2908 : i32 to vector<16xi32>
    %shift_right_logical3A_2910 = arith.shrui %get3A_2907, %shift_right_logical3A_2909 : vector<16xi32>
    %mul3A_2911 = arith.constant 1024 : i32
    %mul3A_2912 = vector.broadcast %mul3A_2911 : i32 to vector<16xi32>
    %mul3A_2913 = arith.muli %shift_right_logical3A_2910, %mul3A_2912 : vector<16xi32>
    %and3A_2914 = arith.constant 127 : i32
    %and3A_2915 = vector.broadcast %and3A_2914 : i32 to vector<16xi32>
    %and3A_2916 = arith.andi %get3A_2907, %and3A_2915 : vector<16xi32>
    %add3A_2917 = arith.addi %mul3A_2913, %and3A_2916 : vector<16xi32>
    %add3A_2918 = arith.constant 0 : i32
    %add3A_2919 = vector.broadcast %add3A_2918 : i32 to vector<16xi32>
    %add3A_2920 = arith.addi %add3A_2917, %add3A_2919 : vector<16xi32>
    %swap3A_2921 = arith.constant 160 : index
    %swap3A_2922 = tpu.vector_load %arg10[%swap3A_2921] {strides = array<i32>} : memref<4096xi32, #tpu.memory_space<vmem>>, vector<16xi32>,
    %swap3A_2923 = vector.shape_cast %swap3A_2922 : vector<16xi32> to vector<16xi32>
    %swap3A_2924 = vector.shape_cast %add3A_2920 : vector<16xi32> to vector<16xi32>
    tpu.vector_store %arg10[%swap3A_2921], %swap3A_2924 {strides = array<i32>} : memref<4096xi32, #tpu.memory_space<vmem>>, vector<16xi32>,
    %add3A_2925 = arith.constant 128 : i32
    %add3A_2926 = vector.broadcast %add3A_2925 : i32 to vector<16xi32>
    %add3A_2927 = arith.addi %add3A_2917, %add3A_2926 : vector<16xi32>
    %swap3A_2928 = arith.constant 672 : index
    %swap3A_2929 = tpu.vector_load %arg10[%swap3A_2928] {strides = array<i32>} : memref<4096xi32, #tpu.memory_space<vmem>>, vector<16xi32>,
    %swap3A_2930 = vector.shape_cast %swap3A_2929 : vector<16xi32> to vector<16xi32>
    %swap3A_2931 = vector.shape_cast %add3A_2927 : vector<16xi32> to vector<16xi32>
    tpu.vector_store %arg10[%swap3A_2928], %swap3A_2931 {strides = array<i32>} : memref<4096xi32, #tpu.memory_space<vmem>>, vector<16xi32>,
    %add3A_2932 = arith.constant 256 : i32
    %add3A_2933 = vector.broadcast %add3A_2932 : i32 to vector<16xi32>
    %add3A_2934 = arith.addi %add3A_2917, %add3A_2933 : vector<16xi32>
    %swap3A_2935 = arith.constant 1184 : index
    %swap3A_2936 = tpu.vector_load %arg10[%swap3A_2935] {strides = array<i32>} : memref<4096xi32, #tpu.memory_space<vmem>>, vector<16xi32>,
    %swap3A_2937 = vector.shape_cast %swap3A_2936 : vector<16xi32> to vector<16xi32>
    %swap3A_2938 = vector.shape_cast %add3A_2934 : vector<16xi32> to vector<16xi32>
    tpu.vector_store %arg10[%swap3A_2935], %swap3A_2938 {strides = array<i32>} : memref<4096xi32, #tpu.memory_space<vmem>>, vector<16xi32>,
    %add3A_2939 = arith.constant 384 : i32
    %add3A_2940 = vector.broadcast %add3A_2939 : i32 to vector<16xi32>
    %add3A_2941 = arith.addi %add3A_2917, %add3A_2940 : vector<16xi32>
    %swap3A_2942 = arith.constant 1696 : index
    %swap3A_2943 = tpu.vector_load %arg10[%swap3A_2942] {strides = array<i32>} : memref<4096xi32, #tpu.memory_space<vmem>>, vector<16xi32>,
    %swap3A_2944 = vector.shape_cast %swap3A_2943 : vector<16xi32> to vector<16xi32>
    %swap3A_2945 = vector.shape_cast %add3A_2941 : vector<16xi32> to vector<16xi32>
    tpu.vector_store %arg10[%swap3A_2942], %swap3A_2945 {strides = array<i32>} : memref<4096xi32, #tpu.memory_space<vmem>>, vector<16xi32>,
    %add3A_2946 = arith.constant 512 : i32
    %add3A_2947 = vector.broadcast %add3A_2946 : i32 to vector<16xi32>
    %add3A_2948 = arith.addi %add3A_2917, %add3A_2947 : vector<16xi32>
    %swap3A_2949 = arith.constant 2208 : index
    %swap3A_2950 = tpu.vector_load %arg10[%swap3A_2949] {strides = array<i32>} : memref<4096xi32, #tpu.memory_space<vmem>>, vector<16xi32>,
    %swap3A_2951 = vector.shape_cast %swap3A_2950 : vector<16xi32> to vector<16xi32>
    %swap3A_2952 = vector.shape_cast %add3A_2948 : vector<16xi32> to vector<16xi32>
    tpu.vector_store %arg10[%swap3A_2949], %swap3A_2952 {strides = array<i32>} : memref<4096xi32, #tpu.memory_space<vmem>>, vector<16xi32>,
    %add3A_2953 = arith.constant 640 : i32
    %add3A_2954 = vector.broadcast %add3A_2953 : i32 to vector<16xi32>
    %add3A_2955 = arith.addi %add3A_2917, %add3A_2954 : vector<16xi32>
    %swap3A_2956 = arith.constant 2720 : index
    %swap3A_2957 = tpu.vector_load %arg10[%swap3A_2956] {strides = array<i32>} : memref<4096xi32, #tpu.memory_space<vmem>>, vector<16xi32>,
    %swap3A_2958 = vector.shape_cast %swap3A_2957 : vector<16xi32> to vector<16xi32>
    %swap3A_2959 = vector.shape_cast %add3A_2955 : vector<16xi32> to vector<16xi32>
    tpu.vector_store %arg10[%swap3A_2956], %swap3A_2959 {strides = array<i32>} : memref<4096xi32, #tpu.memory_space<vmem>>, vector<16xi32>,
    %add3A_2960 = arith.constant 768 : i32
    %add3A_2961 = vector.broadcast %add3A_2960 : i32 to vector<16xi32>
    %add3A_2962 = arith.addi %add3A_2917, %add3A_2961 : vector<16xi32>
    %swap3A_2963 = arith.constant 3232 : index
    %swap3A_2964 = tpu.vector_load %arg10[%swap3A_2963] {strides = array<i32>} : memref<4096xi32, #tpu.memory_space<vmem>>, vector<16xi32>,
    %swap3A_2965 = vector.shape_cast %swap3A_2964 : vector<16xi32> to vector<16xi32>
    %swap3A_2966 = vector.shape_cast %add3A_2962 : vector<16xi32> to vector<16xi32>
    tpu.vector_store %arg10[%swap3A_2963], %swap3A_2966 {strides = array<i32>} : memref<4096xi32, #tpu.memory_space<vmem>>, vector<16xi32>,
    %add3A_2967 = arith.constant 896 : i32
    %add3A_2968 = vector.broadcast %add3A_2967 : i32 to vector<16xi32>
    %add3A_2969 = arith.addi %add3A_2917, %add3A_2968 : vector<16xi32>
    %swap3A_2970 = arith.constant 3744 : index
    %swap3A_2971 = tpu.vector_load %arg10[%swap3A_2970] {strides = array<i32>} : memref<4096xi32, #tpu.memory_space<vmem>>, vector<16xi32>,
    %swap3A_2972 = vector.shape_cast %swap3A_2971 : vector<16xi32> to vector<16xi32>
    %swap3A_2973 = vector.shape_cast %add3A_2969 : vector<16xi32> to vector<16xi32>
    tpu.vector_store %arg10[%swap3A_2970], %swap3A_2973 {strides = array<i32>} : memref<4096xi32, #tpu.memory_space<vmem>>, vector<16xi32>,
    %get3A_2974 = arith.constant 176 : index
    %get3A_2975 = tpu.vector_load %arg8[%get3A_2974] {strides = array<i32>} : memref<512xi32, #tpu.memory_space<vmem>>, vector<16xi32>,
    %get3A_2976 = vector.shape_cast %get3A_2975 : vector<16xi32> to vector<16xi32>
    %shift_right_logical3A_2977 = arith.constant 7 : i32
    %shift_right_logical3A_2978 = vector.broadcast %shift_right_logical3A_2977 : i32 to vector<16xi32>
    %shift_right_logical3A_2979 = arith.shrui %get3A_2976, %shift_right_logical3A_2978 : vector<16xi32>
    %mul3A_2980 = arith.constant 1024 : i32
    %mul3A_2981 = vector.broadcast %mul3A_2980 : i32 to vector<16xi32>
    %mul3A_2982 = arith.muli %shift_right_logical3A_2979, %mul3A_2981 : vector<16xi32>
    %and3A_2983 = arith.constant 127 : i32
    %and3A_2984 = vector.broadcast %and3A_2983 : i32 to vector<16xi32>
    %and3A_2985 = arith.andi %get3A_2976, %and3A_2984 : vector<16xi32>
    %add3A_2986 = arith.addi %mul3A_2982, %and3A_2985 : vector<16xi32>
    %add3A_2987 = arith.constant 0 : i32
    %add3A_2988 = vector.broadcast %add3A_2987 : i32 to vector<16xi32>
    %add3A_2989 = arith.addi %add3A_2986, %add3A_2988 : vector<16xi32>
    %swap3A_2990 = arith.constant 176 : index
    %swap3A_2991 = tpu.vector_load %arg10[%swap3A_2990] {strides = array<i32>} : memref<4096xi32, #tpu.memory_space<vmem>>, vector<16xi32>,
    %swap3A_2992 = vector.shape_cast %swap3A_2991 : vector<16xi32> to vector<16xi32>
    %swap3A_2993 = vector.shape_cast %add3A_2989 : vector<16xi32> to vector<16xi32>
    tpu.vector_store %arg10[%swap3A_2990], %swap3A_2993 {strides = array<i32>} : memref<4096xi32, #tpu.memory_space<vmem>>, vector<16xi32>,
    %add3A_2994 = arith.constant 128 : i32
    %add3A_2995 = vector.broadcast %add3A_2994 : i32 to vector<16xi32>
    %add3A_2996 = arith.addi %add3A_2986, %add3A_2995 : vector<16xi32>
    %swap3A_2997 = arith.constant 688 : index
    %swap3A_2998 = tpu.vector_load %arg10[%swap3A_2997] {strides = array<i32>} : memref<4096xi32, #tpu.memory_space<vmem>>, vector<16xi32>,
    %swap3A_2999 = vector.shape_cast %swap3A_2998 : vector<16xi32> to vector<16xi32>
    %swap3A_3000 = vector.shape_cast %add3A_2996 : vector<16xi32> to vector<16xi32>
    tpu.vector_store %arg10[%swap3A_2997], %swap3A_3000 {strides = array<i32>} : memref<4096xi32, #tpu.memory_space<vmem>>, vector<16xi32>,
    %add3A_3001 = arith.constant 256 : i32
    %add3A_3002 = vector.broadcast %add3A_3001 : i32 to vector<16xi32>
    %add3A_3003 = arith.addi %add3A_2986, %add3A_3002 : vector<16xi32>
    %swap3A_3004 = arith.constant 1200 : index
    %swap3A_3005 = tpu.vector_load %arg10[%swap3A_3004] {strides = array<i32>} : memref<4096xi32, #tpu.memory_space<vmem>>, vector<16xi32>,
    %swap3A_3006 = vector.shape_cast %swap3A_3005 : vector<16xi32> to vector<16xi32>
    %swap3A_3007 = vector.shape_cast %add3A_3003 : vector<16xi32> to vector<16xi32>
    tpu.vector_store %arg10[%swap3A_3004], %swap3A_3007 {strides = array<i32>} : memref<4096xi32, #tpu.memory_space<vmem>>, vector<16xi32>,
    %add3A_3008 = arith.constant 384 : i32
    %add3A_3009 = vector.broadcast %add3A_3008 : i32 to vector<16xi32>
    %add3A_3010 = arith.addi %add3A_2986, %add3A_3009 : vector<16xi32>
    %swap3A_3011 = arith.constant 1712 : index
    %swap3A_3012 = tpu.vector_load %arg10[%swap3A_3011] {strides = array<i32>} : memref<4096xi32, #tpu.memory_space<vmem>>, vector<16xi32>,
    %swap3A_3013 = vector.shape_cast %swap3A_3012 : vector<16xi32> to vector<16xi32>
    %swap3A_3014 = vector.shape_cast %add3A_3010 : vector<16xi32> to vector<16xi32>
    tpu.vector_store %arg10[%swap3A_3011], %swap3A_3014 {strides = array<i32>} : memref<4096xi32, #tpu.memory_space<vmem>>, vector<16xi32>,
    %add3A_3015 = arith.constant 512 : i32
    %add3A_3016 = vector.broadcast %add3A_3015 : i32 to vector<16xi32>
    %add3A_3017 = arith.addi %add3A_2986, %add3A_3016 : vector<16xi32>
    %swap3A_3018 = arith.constant 2224 : index
    %swap3A_3019 = tpu.vector_load %arg10[%swap3A_3018] {strides = array<i32>} : memref<4096xi32, #tpu.memory_space<vmem>>, vector<16xi32>,
    %swap3A_3020 = vector.shape_cast %swap3A_3019 : vector<16xi32> to vector<16xi32>
    %swap3A_3021 = vector.shape_cast %add3A_3017 : vector<16xi32> to vector<16xi32>
    tpu.vector_store %arg10[%swap3A_3018], %swap3A_3021 {strides = array<i32>} : memref<4096xi32, #tpu.memory_space<vmem>>, vector<16xi32>,
    %add3A_3022 = arith.constant 640 : i32
    %add3A_3023 = vector.broadcast %add3A_3022 : i32 to vector<16xi32>
    %add3A_3024 = arith.addi %add3A_2986, %add3A_3023 : vector<16xi32>
    %swap3A_3025 = arith.constant 2736 : index
    %swap3A_3026 = tpu.vector_load %arg10[%swap3A_3025] {strides = array<i32>} : memref<4096xi32, #tpu.memory_space<vmem>>, vector<16xi32>,
    %swap3A_3027 = vector.shape_cast %swap3A_3026 : vector<16xi32> to vector<16xi32>
    %swap3A_3028 = vector.shape_cast %add3A_3024 : vector<16xi32> to vector<16xi32>
    tpu.vector_store %arg10[%swap3A_3025], %swap3A_3028 {strides = array<i32>} : memref<4096xi32, #tpu.memory_space<vmem>>, vector<16xi32>,
    %add3A_3029 = arith.constant 768 : i32
    %add3A_3030 = vector.broadcast %add3A_3029 : i32 to vector<16xi32>
    %add3A_3031 = arith.addi %add3A_2986, %add3A_3030 : vector<16xi32>
    %swap3A_3032 = arith.constant 3248 : index
    %swap3A_3033 = tpu.vector_load %arg10[%swap3A_3032] {strides = array<i32>} : memref<4096xi32, #tpu.memory_space<vmem>>, vector<16xi32>,
    %swap3A_3034 = vector.shape_cast %swap3A_3033 : vector<16xi32> to vector<16xi32>
    %swap3A_3035 = vector.shape_cast %add3A_3031 : vector<16xi32> to vector<16xi32>
    tpu.vector_store %arg10[%swap3A_3032], %swap3A_3035 {strides = array<i32>} : memref<4096xi32, #tpu.memory_space<vmem>>, vector<16xi32>,
    %add3A_3036 = arith.constant 896 : i32
    %add3A_3037 = vector.broadcast %add3A_3036 : i32 to vector<16xi32>
    %add3A_3038 = arith.addi %add3A_2986, %add3A_3037 : vector<16xi32>
    %swap3A_3039 = arith.constant 3760 : index
    %swap3A_3040 = tpu.vector_load %arg10[%swap3A_3039] {strides = array<i32>} : memref<4096xi32, #tpu.memory_space<vmem>>, vector<16xi32>,
    %swap3A_3041 = vector.shape_cast %swap3A_3040 : vector<16xi32> to vector<16xi32>
    %swap3A_3042 = vector.shape_cast %add3A_3038 : vector<16xi32> to vector<16xi32>
    tpu.vector_store %arg10[%swap3A_3039], %swap3A_3042 {strides = array<i32>} : memref<4096xi32, #tpu.memory_space<vmem>>, vector<16xi32>,
    %get3A_3043 = arith.constant 192 : index
    %get3A_3044 = tpu.vector_load %arg8[%get3A_3043] {strides = array<i32>} : memref<512xi32, #tpu.memory_space<vmem>>, vector<16xi32>,
    %get3A_3045 = vector.shape_cast %get3A_3044 : vector<16xi32> to vector<16xi32>
    %shift_right_logical3A_3046 = arith.constant 7 : i32
    %shift_right_logical3A_3047 = vector.broadcast %shift_right_logical3A_3046 : i32 to vector<16xi32>
    %shift_right_logical3A_3048 = arith.shrui %get3A_3045, %shift_right_logical3A_3047 : vector<16xi32>
    %mul3A_3049 = arith.constant 1024 : i32
    %mul3A_3050 = vector.broadcast %mul3A_3049 : i32 to vector<16xi32>
    %mul3A_3051 = arith.muli %shift_right_logical3A_3048, %mul3A_3050 : vector<16xi32>
    %and3A_3052 = arith.constant 127 : i32
    %and3A_3053 = vector.broadcast %and3A_3052 : i32 to vector<16xi32>
    %and3A_3054 = arith.andi %get3A_3045, %and3A_3053 : vector<16xi32>
    %add3A_3055 = arith.addi %mul3A_3051, %and3A_3054 : vector<16xi32>
    %add3A_3056 = arith.constant 0 : i32
    %add3A_3057 = vector.broadcast %add3A_3056 : i32 to vector<16xi32>
    %add3A_3058 = arith.addi %add3A_3055, %add3A_3057 : vector<16xi32>
    %swap3A_3059 = arith.constant 192 : index
    %swap3A_3060 = tpu.vector_load %arg10[%swap3A_3059] {strides = array<i32>} : memref<4096xi32, #tpu.memory_space<vmem>>, vector<16xi32>,
    %swap3A_3061 = vector.shape_cast %swap3A_3060 : vector<16xi32> to vector<16xi32>
    %swap3A_3062 = vector.shape_cast %add3A_3058 : vector<16xi32> to vector<16xi32>
    tpu.vector_store %arg10[%swap3A_3059], %swap3A_3062 {strides = array<i32>} : memref<4096xi32, #tpu.memory_space<vmem>>, vector<16xi32>,
    %add3A_3063 = arith.constant 128 : i32
    %add3A_3064 = vector.broadcast %add3A_3063 : i32 to vector<16xi32>
    %add3A_3065 = arith.addi %add3A_3055, %add3A_3064 : vector<16xi32>
    %swap3A_3066 = arith.constant 704 : index
    %swap3A_3067 = tpu.vector_load %arg10[%swap3A_3066] {strides = array<i32>} : memref<4096xi32, #tpu.memory_space<vmem>>, vector<16xi32>,
    %swap3A_3068 = vector.shape_cast %swap3A_3067 : vector<16xi32> to vector<16xi32>
    %swap3A_3069 = vector.shape_cast %add3A_3065 : vector<16xi32> to vector<16xi32>
    tpu.vector_store %arg10[%swap3A_3066], %swap3A_3069 {strides = array<i32>} : memref<4096xi32, #tpu.memory_space<vmem>>, vector<16xi32>,
    %add3A_3070 = arith.constant 256 : i32
    %add3A_3071 = vector.broadcast %add3A_3070 : i32 to vector<16xi32>
    %add3A_3072 = arith.addi %add3A_3055, %add3A_3071 : vector<16xi32>
    %swap3A_3073 = arith.constant 1216 : index
    %swap3A_3074 = tpu.vector_load %arg10[%swap3A_3073] {strides = array<i32>} : memref<4096xi32, #tpu.memory_space<vmem>>, vector<16xi32>,
    %swap3A_3075 = vector.shape_cast %swap3A_3074 : vector<16xi32> to vector<16xi32>
    %swap3A_3076 = vector.shape_cast %add3A_3072 : vector<16xi32> to vector<16xi32>
    tpu.vector_store %arg10[%swap3A_3073], %swap3A_3076 {strides = array<i32>} : memref<4096xi32, #tpu.memory_space<vmem>>, vector<16xi32>,
    %add3A_3077 = arith.constant 384 : i32
    %add3A_3078 = vector.broadcast %add3A_3077 : i32 to vector<16xi32>
    %add3A_3079 = arith.addi %add3A_3055, %add3A_3078 : vector<16xi32>
    %swap3A_3080 = arith.constant 1728 : index
    %swap3A_3081 = tpu.vector_load %arg10[%swap3A_3080] {strides = array<i32>} : memref<4096xi32, #tpu.memory_space<vmem>>, vector<16xi32>,
    %swap3A_3082 = vector.shape_cast %swap3A_3081 : vector<16xi32> to vector<16xi32>
    %swap3A_3083 = vector.shape_cast %add3A_3079 : vector<16xi32> to vector<16xi32>
    tpu.vector_store %arg10[%swap3A_3080], %swap3A_3083 {strides = array<i32>} : memref<4096xi32, #tpu.memory_space<vmem>>, vector<16xi32>,
    %add3A_3084 = arith.constant 512 : i32
    %add3A_3085 = vector.broadcast %add3A_3084 : i32 to vector<16xi32>
    %add3A_3086 = arith.addi %add3A_3055, %add3A_3085 : vector<16xi32>
    %swap3A_3087 = arith.constant 2240 : index
    %swap3A_3088 = tpu.vector_load %arg10[%swap3A_3087] {strides = array<i32>} : memref<4096xi32, #tpu.memory_space<vmem>>, vector<16xi32>,
    %swap3A_3089 = vector.shape_cast %swap3A_3088 : vector<16xi32> to vector<16xi32>
    %swap3A_3090 = vector.shape_cast %add3A_3086 : vector<16xi32> to vector<16xi32>
    tpu.vector_store %arg10[%swap3A_3087], %swap3A_3090 {strides = array<i32>} : memref<4096xi32, #tpu.memory_space<vmem>>, vector<16xi32>,
    %add3A_3091 = arith.constant 640 : i32
    %add3A_3092 = vector.broadcast %add3A_3091 : i32 to vector<16xi32>
    %add3A_3093 = arith.addi %add3A_3055, %add3A_3092 : vector<16xi32>
    %swap3A_3094 = arith.constant 2752 : index
    %swap3A_3095 = tpu.vector_load %arg10[%swap3A_3094] {strides = array<i32>} : memref<4096xi32, #tpu.memory_space<vmem>>, vector<16xi32>,
    %swap3A_3096 = vector.shape_cast %swap3A_3095 : vector<16xi32> to vector<16xi32>
    %swap3A_3097 = vector.shape_cast %add3A_3093 : vector<16xi32> to vector<16xi32>
    tpu.vector_store %arg10[%swap3A_3094], %swap3A_3097 {strides = array<i32>} : memref<4096xi32, #tpu.memory_space<vmem>>, vector<16xi32>,
    %add3A_3098 = arith.constant 768 : i32
    %add3A_3099 = vector.broadcast %add3A_3098 : i32 to vector<16xi32>
    %add3A_3100 = arith.addi %add3A_3055, %add3A_3099 : vector<16xi32>
    %swap3A_3101 = arith.constant 3264 : index
    %swap3A_3102 = tpu.vector_load %arg10[%swap3A_3101] {strides = array<i32>} : memref<4096xi32, #tpu.memory_space<vmem>>, vector<16xi32>,
    %swap3A_3103 = vector.shape_cast %swap3A_3102 : vector<16xi32> to vector<16xi32>
    %swap3A_3104 = vector.shape_cast %add3A_3100 : vector<16xi32> to vector<16xi32>
    tpu.vector_store %arg10[%swap3A_3101], %swap3A_3104 {strides = array<i32>} : memref<4096xi32, #tpu.memory_space<vmem>>, vector<16xi32>,
    %add3A_3105 = arith.constant 896 : i32
    %add3A_3106 = vector.broadcast %add3A_3105 : i32 to vector<16xi32>
    %add3A_3107 = arith.addi %add3A_3055, %add3A_3106 : vector<16xi32>
    %swap3A_3108 = arith.constant 3776 : index
    %swap3A_3109 = tpu.vector_load %arg10[%swap3A_3108] {strides = array<i32>} : memref<4096xi32, #tpu.memory_space<vmem>>, vector<16xi32>,
    %swap3A_3110 = vector.shape_cast %swap3A_3109 : vector<16xi32> to vector<16xi32>
    %swap3A_3111 = vector.shape_cast %add3A_3107 : vector<16xi32> to vector<16xi32>
    tpu.vector_store %arg10[%swap3A_3108], %swap3A_3111 {strides = array<i32>} : memref<4096xi32, #tpu.memory_space<vmem>>, vector<16xi32>,
    %get3A_3112 = arith.constant 208 : index
    %get3A_3113 = tpu.vector_load %arg8[%get3A_3112] {strides = array<i32>} : memref<512xi32, #tpu.memory_space<vmem>>, vector<16xi32>,
    %get3A_3114 = vector.shape_cast %get3A_3113 : vector<16xi32> to vector<16xi32>
    %shift_right_logical3A_3115 = arith.constant 7 : i32
    %shift_right_logical3A_3116 = vector.broadcast %shift_right_logical3A_3115 : i32 to vector<16xi32>
    %shift_right_logical3A_3117 = arith.shrui %get3A_3114, %shift_right_logical3A_3116 : vector<16xi32>
    %mul3A_3118 = arith.constant 1024 : i32
    %mul3A_3119 = vector.broadcast %mul3A_3118 : i32 to vector<16xi32>
    %mul3A_3120 = arith.muli %shift_right_logical3A_3117, %mul3A_3119 : vector<16xi32>
    %and3A_3121 = arith.constant 127 : i32
    %and3A_3122 = vector.broadcast %and3A_3121 : i32 to vector<16xi32>
    %and3A_3123 = arith.andi %get3A_3114, %and3A_3122 : vector<16xi32>
    %add3A_3124 = arith.addi %mul3A_3120, %and3A_3123 : vector<16xi32>
    %add3A_3125 = arith.constant 0 : i32
    %add3A_3126 = vector.broadcast %add3A_3125 : i32 to vector<16xi32>
    %add3A_3127 = arith.addi %add3A_3124, %add3A_3126 : vector<16xi32>
    %swap3A_3128 = arith.constant 208 : index
    %swap3A_3129 = tpu.vector_load %arg10[%swap3A_3128] {strides = array<i32>} : memref<4096xi32, #tpu.memory_space<vmem>>, vector<16xi32>,
    %swap3A_3130 = vector.shape_cast %swap3A_3129 : vector<16xi32> to vector<16xi32>
    %swap3A_3131 = vector.shape_cast %add3A_3127 : vector<16xi32> to vector<16xi32>
    tpu.vector_store %arg10[%swap3A_3128], %swap3A_3131 {strides = array<i32>} : memref<4096xi32, #tpu.memory_space<vmem>>, vector<16xi32>,
    %add3A_3132 = arith.constant 128 : i32
    %add3A_3133 = vector.broadcast %add3A_3132 : i32 to vector<16xi32>
    %add3A_3134 = arith.addi %add3A_3124, %add3A_3133 : vector<16xi32>
    %swap3A_3135 = arith.constant 720 : index
    %swap3A_3136 = tpu.vector_load %arg10[%swap3A_3135] {strides = array<i32>} : memref<4096xi32, #tpu.memory_space<vmem>>, vector<16xi32>,
    %swap3A_3137 = vector.shape_cast %swap3A_3136 : vector<16xi32> to vector<16xi32>
    %swap3A_3138 = vector.shape_cast %add3A_3134 : vector<16xi32> to vector<16xi32>
    tpu.vector_store %arg10[%swap3A_3135], %swap3A_3138 {strides = array<i32>} : memref<4096xi32, #tpu.memory_space<vmem>>, vector<16xi32>,
    %add3A_3139 = arith.constant 256 : i32
    %add3A_3140 = vector.broadcast %add3A_3139 : i32 to vector<16xi32>
    %add3A_3141 = arith.addi %add3A_3124, %add3A_3140 : vector<16xi32>
    %swap3A_3142 = arith.constant 1232 : index
    %swap3A_3143 = tpu.vector_load %arg10[%swap3A_3142] {strides = array<i32>} : memref<4096xi32, #tpu.memory_space<vmem>>, vector<16xi32>,
    %swap3A_3144 = vector.shape_cast %swap3A_3143 : vector<16xi32> to vector<16xi32>
    %swap3A_3145 = vector.shape_cast %add3A_3141 : vector<16xi32> to vector<16xi32>
    tpu.vector_store %arg10[%swap3A_3142], %swap3A_3145 {strides = array<i32>} : memref<4096xi32, #tpu.memory_space<vmem>>, vector<16xi32>,
    %add3A_3146 = arith.constant 384 : i32
    %add3A_3147 = vector.broadcast %add3A_3146 : i32 to vector<16xi32>
    %add3A_3148 = arith.addi %add3A_3124, %add3A_3147 : vector<16xi32>
    %swap3A_3149 = arith.constant 1744 : index
    %swap3A_3150 = tpu.vector_load %arg10[%swap3A_3149] {strides = array<i32>} : memref<4096xi32, #tpu.memory_space<vmem>>, vector<16xi32>,
    %swap3A_3151 = vector.shape_cast %swap3A_3150 : vector<16xi32> to vector<16xi32>
    %swap3A_3152 = vector.shape_cast %add3A_3148 : vector<16xi32> to vector<16xi32>
    tpu.vector_store %arg10[%swap3A_3149], %swap3A_3152 {strides = array<i32>} : memref<4096xi32, #tpu.memory_space<vmem>>, vector<16xi32>,
    %add3A_3153 = arith.constant 512 : i32
    %add3A_3154 = vector.broadcast %add3A_3153 : i32 to vector<16xi32>
    %add3A_3155 = arith.addi %add3A_3124, %add3A_3154 : vector<16xi32>
    %swap3A_3156 = arith.constant 2256 : index
    %swap3A_3157 = tpu.vector_load %arg10[%swap3A_3156] {strides = array<i32>} : memref<4096xi32, #tpu.memory_space<vmem>>, vector<16xi32>,
    %swap3A_3158 = vector.shape_cast %swap3A_3157 : vector<16xi32> to vector<16xi32>
    %swap3A_3159 = vector.shape_cast %add3A_3155 : vector<16xi32> to vector<16xi32>
    tpu.vector_store %arg10[%swap3A_3156], %swap3A_3159 {strides = array<i32>} : memref<4096xi32, #tpu.memory_space<vmem>>, vector<16xi32>,
    %add3A_3160 = arith.constant 640 : i32
    %add3A_3161 = vector.broadcast %add3A_3160 : i32 to vector<16xi32>
    %add3A_3162 = arith.addi %add3A_3124, %add3A_3161 : vector<16xi32>
    %swap3A_3163 = arith.constant 2768 : index
    %swap3A_3164 = tpu.vector_load %arg10[%swap3A_3163] {strides = array<i32>} : memref<4096xi32, #tpu.memory_space<vmem>>, vector<16xi32>,
    %swap3A_3165 = vector.shape_cast %swap3A_3164 : vector<16xi32> to vector<16xi32>
    %swap3A_3166 = vector.shape_cast %add3A_3162 : vector<16xi32> to vector<16xi32>
    tpu.vector_store %arg10[%swap3A_3163], %swap3A_3166 {strides = array<i32>} : memref<4096xi32, #tpu.memory_space<vmem>>, vector<16xi32>,
    %add3A_3167 = arith.constant 768 : i32
    %add3A_3168 = vector.broadcast %add3A_3167 : i32 to vector<16xi32>
    %add3A_3169 = arith.addi %add3A_3124, %add3A_3168 : vector<16xi32>
    %swap3A_3170 = arith.constant 3280 : index
    %swap3A_3171 = tpu.vector_load %arg10[%swap3A_3170] {strides = array<i32>} : memref<4096xi32, #tpu.memory_space<vmem>>, vector<16xi32>,
    %swap3A_3172 = vector.shape_cast %swap3A_3171 : vector<16xi32> to vector<16xi32>
    %swap3A_3173 = vector.shape_cast %add3A_3169 : vector<16xi32> to vector<16xi32>
    tpu.vector_store %arg10[%swap3A_3170], %swap3A_3173 {strides = array<i32>} : memref<4096xi32, #tpu.memory_space<vmem>>, vector<16xi32>,
    %add3A_3174 = arith.constant 896 : i32
    %add3A_3175 = vector.broadcast %add3A_3174 : i32 to vector<16xi32>
    %add3A_3176 = arith.addi %add3A_3124, %add3A_3175 : vector<16xi32>
    %swap3A_3177 = arith.constant 3792 : index
    %swap3A_3178 = tpu.vector_load %arg10[%swap3A_3177] {strides = array<i32>} : memref<4096xi32, #tpu.memory_space<vmem>>, vector<16xi32>,
    %swap3A_3179 = vector.shape_cast %swap3A_3178 : vector<16xi32> to vector<16xi32>
    %swap3A_3180 = vector.shape_cast %add3A_3176 : vector<16xi32> to vector<16xi32>
    tpu.vector_store %arg10[%swap3A_3177], %swap3A_3180 {strides = array<i32>} : memref<4096xi32, #tpu.memory_space<vmem>>, vector<16xi32>,
    %get3A_3181 = arith.constant 224 : index
    %get3A_3182 = tpu.vector_load %arg8[%get3A_3181] {strides = array<i32>} : memref<512xi32, #tpu.memory_space<vmem>>, vector<16xi32>,
    %get3A_3183 = vector.shape_cast %get3A_3182 : vector<16xi32> to vector<16xi32>
    %shift_right_logical3A_3184 = arith.constant 7 : i32
    %shift_right_logical3A_3185 = vector.broadcast %shift_right_logical3A_3184 : i32 to vector<16xi32>
    %shift_right_logical3A_3186 = arith.shrui %get3A_3183, %shift_right_logical3A_3185 : vector<16xi32>
    %mul3A_3187 = arith.constant 1024 : i32
    %mul3A_3188 = vector.broadcast %mul3A_3187 : i32 to vector<16xi32>
    %mul3A_3189 = arith.muli %shift_right_logical3A_3186, %mul3A_3188 : vector<16xi32>
    %and3A_3190 = arith.constant 127 : i32
    %and3A_3191 = vector.broadcast %and3A_3190 : i32 to vector<16xi32>
    %and3A_3192 = arith.andi %get3A_3183, %and3A_3191 : vector<16xi32>
    %add3A_3193 = arith.addi %mul3A_3189, %and3A_3192 : vector<16xi32>
    %add3A_3194 = arith.constant 0 : i32
    %add3A_3195 = vector.broadcast %add3A_3194 : i32 to vector<16xi32>
    %add3A_3196 = arith.addi %add3A_3193, %add3A_3195 : vector<16xi32>
    %swap3A_3197 = arith.constant 224 : index
    %swap3A_3198 = tpu.vector_load %arg10[%swap3A_3197] {strides = array<i32>} : memref<4096xi32, #tpu.memory_space<vmem>>, vector<16xi32>,
    %swap3A_3199 = vector.shape_cast %swap3A_3198 : vector<16xi32> to vector<16xi32>
    %swap3A_3200 = vector.shape_cast %add3A_3196 : vector<16xi32> to vector<16xi32>
    tpu.vector_store %arg10[%swap3A_3197], %swap3A_3200 {strides = array<i32>} : memref<4096xi32, #tpu.memory_space<vmem>>, vector<16xi32>,
    %add3A_3201 = arith.constant 128 : i32
    %add3A_3202 = vector.broadcast %add3A_3201 : i32 to vector<16xi32>
    %add3A_3203 = arith.addi %add3A_3193, %add3A_3202 : vector<16xi32>
    %swap3A_3204 = arith.constant 736 : index
    %swap3A_3205 = tpu.vector_load %arg10[%swap3A_3204] {strides = array<i32>} : memref<4096xi32, #tpu.memory_space<vmem>>, vector<16xi32>,
    %swap3A_3206 = vector.shape_cast %swap3A_3205 : vector<16xi32> to vector<16xi32>
    %swap3A_3207 = vector.shape_cast %add3A_3203 : vector<16xi32> to vector<16xi32>
    tpu.vector_store %arg10[%swap3A_3204], %swap3A_3207 {strides = array<i32>} : memref<4096xi32, #tpu.memory_space<vmem>>, vector<16xi32>,
    %add3A_3208 = arith.constant 256 : i32
    %add3A_3209 = vector.broadcast %add3A_3208 : i32 to vector<16xi32>
    %add3A_3210 = arith.addi %add3A_3193, %add3A_3209 : vector<16xi32>
    %swap3A_3211 = arith.constant 1248 : index
    %swap3A_3212 = tpu.vector_load %arg10[%swap3A_3211] {strides = array<i32>} : memref<4096xi32, #tpu.memory_space<vmem>>, vector<16xi32>,
    %swap3A_3213 = vector.shape_cast %swap3A_3212 : vector<16xi32> to vector<16xi32>
    %swap3A_3214 = vector.shape_cast %add3A_3210 : vector<16xi32> to vector<16xi32>
    tpu.vector_store %arg10[%swap3A_3211], %swap3A_3214 {strides = array<i32>} : memref<4096xi32, #tpu.memory_space<vmem>>, vector<16xi32>,
    %add3A_3215 = arith.constant 384 : i32
    %add3A_3216 = vector.broadcast %add3A_3215 : i32 to vector<16xi32>
    %add3A_3217 = arith.addi %add3A_3193, %add3A_3216 : vector<16xi32>
    %swap3A_3218 = arith.constant 1760 : index
    %swap3A_3219 = tpu.vector_load %arg10[%swap3A_3218] {strides = array<i32>} : memref<4096xi32, #tpu.memory_space<vmem>>, vector<16xi32>,
    %swap3A_3220 = vector.shape_cast %swap3A_3219 : vector<16xi32> to vector<16xi32>
    %swap3A_3221 = vector.shape_cast %add3A_3217 : vector<16xi32> to vector<16xi32>
    tpu.vector_store %arg10[%swap3A_3218], %swap3A_3221 {strides = array<i32>} : memref<4096xi32, #tpu.memory_space<vmem>>, vector<16xi32>,
    %add3A_3222 = arith.constant 512 : i32
    %add3A_3223 = vector.broadcast %add3A_3222 : i32 to vector<16xi32>
    %add3A_3224 = arith.addi %add3A_3193, %add3A_3223 : vector<16xi32>
    %swap3A_3225 = arith.constant 2272 : index
    %swap3A_3226 = tpu.vector_load %arg10[%swap3A_3225] {strides = array<i32>} : memref<4096xi32, #tpu.memory_space<vmem>>, vector<16xi32>,
    %swap3A_3227 = vector.shape_cast %swap3A_3226 : vector<16xi32> to vector<16xi32>
    %swap3A_3228 = vector.shape_cast %add3A_3224 : vector<16xi32> to vector<16xi32>
    tpu.vector_store %arg10[%swap3A_3225], %swap3A_3228 {strides = array<i32>} : memref<4096xi32, #tpu.memory_space<vmem>>, vector<16xi32>,
    %add3A_3229 = arith.constant 640 : i32
    %add3A_3230 = vector.broadcast %add3A_3229 : i32 to vector<16xi32>
    %add3A_3231 = arith.addi %add3A_3193, %add3A_3230 : vector<16xi32>
    %swap3A_3232 = arith.constant 2784 : index
    %swap3A_3233 = tpu.vector_load %arg10[%swap3A_3232] {strides = array<i32>} : memref<4096xi32, #tpu.memory_space<vmem>>, vector<16xi32>,
    %swap3A_3234 = vector.shape_cast %swap3A_3233 : vector<16xi32> to vector<16xi32>
    %swap3A_3235 = vector.shape_cast %add3A_3231 : vector<16xi32> to vector<16xi32>
    tpu.vector_store %arg10[%swap3A_3232], %swap3A_3235 {strides = array<i32>} : memref<4096xi32, #tpu.memory_space<vmem>>, vector<16xi32>,
    %add3A_3236 = arith.constant 768 : i32
    %add3A_3237 = vector.broadcast %add3A_3236 : i32 to vector<16xi32>
    %add3A_3238 = arith.addi %add3A_3193, %add3A_3237 : vector<16xi32>
    %swap3A_3239 = arith.constant 3296 : index
    %swap3A_3240 = tpu.vector_load %arg10[%swap3A_3239] {strides = array<i32>} : memref<4096xi32, #tpu.memory_space<vmem>>, vector<16xi32>,
    %swap3A_3241 = vector.shape_cast %swap3A_3240 : vector<16xi32> to vector<16xi32>
    %swap3A_3242 = vector.shape_cast %add3A_3238 : vector<16xi32> to vector<16xi32>
    tpu.vector_store %arg10[%swap3A_3239], %swap3A_3242 {strides = array<i32>} : memref<4096xi32, #tpu.memory_space<vmem>>, vector<16xi32>,
    %add3A_3243 = arith.constant 896 : i32
    %add3A_3244 = vector.broadcast %add3A_3243 : i32 to vector<16xi32>
    %add3A_3245 = arith.addi %add3A_3193, %add3A_3244 : vector<16xi32>
    %swap3A_3246 = arith.constant 3808 : index
    %swap3A_3247 = tpu.vector_load %arg10[%swap3A_3246] {strides = array<i32>} : memref<4096xi32, #tpu.memory_space<vmem>>, vector<16xi32>,
    %swap3A_3248 = vector.shape_cast %swap3A_3247 : vector<16xi32> to vector<16xi32>
    %swap3A_3249 = vector.shape_cast %add3A_3245 : vector<16xi32> to vector<16xi32>
    tpu.vector_store %arg10[%swap3A_3246], %swap3A_3249 {strides = array<i32>} : memref<4096xi32, #tpu.memory_space<vmem>>, vector<16xi32>,
    %get3A_3250 = arith.constant 240 : index
    %get3A_3251 = tpu.vector_load %arg8[%get3A_3250] {strides = array<i32>} : memref<512xi32, #tpu.memory_space<vmem>>, vector<16xi32>,
    %get3A_3252 = vector.shape_cast %get3A_3251 : vector<16xi32> to vector<16xi32>
    %shift_right_logical3A_3253 = arith.constant 7 : i32
    %shift_right_logical3A_3254 = vector.broadcast %shift_right_logical3A_3253 : i32 to vector<16xi32>
    %shift_right_logical3A_3255 = arith.shrui %get3A_3252, %shift_right_logical3A_3254 : vector<16xi32>
    %mul3A_3256 = arith.constant 1024 : i32
    %mul3A_3257 = vector.broadcast %mul3A_3256 : i32 to vector<16xi32>
    %mul3A_3258 = arith.muli %shift_right_logical3A_3255, %mul3A_3257 : vector<16xi32>
    %and3A_3259 = arith.constant 127 : i32
    %and3A_3260 = vector.broadcast %and3A_3259 : i32 to vector<16xi32>
    %and3A_3261 = arith.andi %get3A_3252, %and3A_3260 : vector<16xi32>
    %add3A_3262 = arith.addi %mul3A_3258, %and3A_3261 : vector<16xi32>
    %add3A_3263 = arith.constant 0 : i32
    %add3A_3264 = vector.broadcast %add3A_3263 : i32 to vector<16xi32>
    %add3A_3265 = arith.addi %add3A_3262, %add3A_3264 : vector<16xi32>
    %swap3A_3266 = arith.constant 240 : index
    %swap3A_3267 = tpu.vector_load %arg10[%swap3A_3266] {strides = array<i32>} : memref<4096xi32, #tpu.memory_space<vmem>>, vector<16xi32>,
    %swap3A_3268 = vector.shape_cast %swap3A_3267 : vector<16xi32> to vector<16xi32>
    %swap3A_3269 = vector.shape_cast %add3A_3265 : vector<16xi32> to vector<16xi32>
    tpu.vector_store %arg10[%swap3A_3266], %swap3A_3269 {strides = array<i32>} : memref<4096xi32, #tpu.memory_space<vmem>>, vector<16xi32>,
    %add3A_3270 = arith.constant 128 : i32
    %add3A_3271 = vector.broadcast %add3A_3270 : i32 to vector<16xi32>
    %add3A_3272 = arith.addi %add3A_3262, %add3A_3271 : vector<16xi32>
    %swap3A_3273 = arith.constant 752 : index
    %swap3A_3274 = tpu.vector_load %arg10[%swap3A_3273] {strides = array<i32>} : memref<4096xi32, #tpu.memory_space<vmem>>, vector<16xi32>,
    %swap3A_3275 = vector.shape_cast %swap3A_3274 : vector<16xi32> to vector<16xi32>
    %swap3A_3276 = vector.shape_cast %add3A_3272 : vector<16xi32> to vector<16xi32>
    tpu.vector_store %arg10[%swap3A_3273], %swap3A_3276 {strides = array<i32>} : memref<4096xi32, #tpu.memory_space<vmem>>, vector<16xi32>,
    %add3A_3277 = arith.constant 256 : i32
    %add3A_3278 = vector.broadcast %add3A_3277 : i32 to vector<16xi32>
    %add3A_3279 = arith.addi %add3A_3262, %add3A_3278 : vector<16xi32>
    %swap3A_3280 = arith.constant 1264 : index
    %swap3A_3281 = tpu.vector_load %arg10[%swap3A_3280] {strides = array<i32>} : memref<4096xi32, #tpu.memory_space<vmem>>, vector<16xi32>,
    %swap3A_3282 = vector.shape_cast %swap3A_3281 : vector<16xi32> to vector<16xi32>
    %swap3A_3283 = vector.shape_cast %add3A_3279 : vector<16xi32> to vector<16xi32>
    tpu.vector_store %arg10[%swap3A_3280], %swap3A_3283 {strides = array<i32>} : memref<4096xi32, #tpu.memory_space<vmem>>, vector<16xi32>,
    %add3A_3284 = arith.constant 384 : i32
    %add3A_3285 = vector.broadcast %add3A_3284 : i32 to vector<16xi32>
    %add3A_3286 = arith.addi %add3A_3262, %add3A_3285 : vector<16xi32>
    %swap3A_3287 = arith.constant 1776 : index
    %swap3A_3288 = tpu.vector_load %arg10[%swap3A_3287] {strides = array<i32>} : memref<4096xi32, #tpu.memory_space<vmem>>, vector<16xi32>,
    %swap3A_3289 = vector.shape_cast %swap3A_3288 : vector<16xi32> to vector<16xi32>
    %swap3A_3290 = vector.shape_cast %add3A_3286 : vector<16xi32> to vector<16xi32>
    tpu.vector_store %arg10[%swap3A_3287], %swap3A_3290 {strides = array<i32>} : memref<4096xi32, #tpu.memory_space<vmem>>, vector<16xi32>,
    %add3A_3291 = arith.constant 512 : i32
    %add3A_3292 = vector.broadcast %add3A_3291 : i32 to vector<16xi32>
    %add3A_3293 = arith.addi %add3A_3262, %add3A_3292 : vector<16xi32>
    %swap3A_3294 = arith.constant 2288 : index
    %swap3A_3295 = tpu.vector_load %arg10[%swap3A_3294] {strides = array<i32>} : memref<4096xi32, #tpu.memory_space<vmem>>, vector<16xi32>,
    %swap3A_3296 = vector.shape_cast %swap3A_3295 : vector<16xi32> to vector<16xi32>
    %swap3A_3297 = vector.shape_cast %add3A_3293 : vector<16xi32> to vector<16xi32>
    tpu.vector_store %arg10[%swap3A_3294], %swap3A_3297 {strides = array<i32>} : memref<4096xi32, #tpu.memory_space<vmem>>, vector<16xi32>,
    %add3A_3298 = arith.constant 640 : i32
    %add3A_3299 = vector.broadcast %add3A_3298 : i32 to vector<16xi32>
    %add3A_3300 = arith.addi %add3A_3262, %add3A_3299 : vector<16xi32>
    %swap3A_3301 = arith.constant 2800 : index
    %swap3A_3302 = tpu.vector_load %arg10[%swap3A_3301] {strides = array<i32>} : memref<4096xi32, #tpu.memory_space<vmem>>, vector<16xi32>,
    %swap3A_3303 = vector.shape_cast %swap3A_3302 : vector<16xi32> to vector<16xi32>
    %swap3A_3304 = vector.shape_cast %add3A_3300 : vector<16xi32> to vector<16xi32>
    tpu.vector_store %arg10[%swap3A_3301], %swap3A_3304 {strides = array<i32>} : memref<4096xi32, #tpu.memory_space<vmem>>, vector<16xi32>,
    %add3A_3305 = arith.constant 768 : i32
    %add3A_3306 = vector.broadcast %add3A_3305 : i32 to vector<16xi32>
    %add3A_3307 = arith.addi %add3A_3262, %add3A_3306 : vector<16xi32>
    %swap3A_3308 = arith.constant 3312 : index
    %swap3A_3309 = tpu.vector_load %arg10[%swap3A_3308] {strides = array<i32>} : memref<4096xi32, #tpu.memory_space<vmem>>, vector<16xi32>,
    %swap3A_3310 = vector.shape_cast %swap3A_3309 : vector<16xi32> to vector<16xi32>
    %swap3A_3311 = vector.shape_cast %add3A_3307 : vector<16xi32> to vector<16xi32>
    tpu.vector_store %arg10[%swap3A_3308], %swap3A_3311 {strides = array<i32>} : memref<4096xi32, #tpu.memory_space<vmem>>, vector<16xi32>,
    %add3A_3312 = arith.constant 896 : i32
    %add3A_3313 = vector.broadcast %add3A_3312 : i32 to vector<16xi32>
    %add3A_3314 = arith.addi %add3A_3262, %add3A_3313 : vector<16xi32>
    %swap3A_3315 = arith.constant 3824 : index
    %swap3A_3316 = tpu.vector_load %arg10[%swap3A_3315] {strides = array<i32>} : memref<4096xi32, #tpu.memory_space<vmem>>, vector<16xi32>,
    %swap3A_3317 = vector.shape_cast %swap3A_3316 : vector<16xi32> to vector<16xi32>
    %swap3A_3318 = vector.shape_cast %add3A_3314 : vector<16xi32> to vector<16xi32>
    tpu.vector_store %arg10[%swap3A_3315], %swap3A_3318 {strides = array<i32>} : memref<4096xi32, #tpu.memory_space<vmem>>, vector<16xi32>,
    %get3A_3319 = arith.constant 256 : index
    %get3A_3320 = tpu.vector_load %arg8[%get3A_3319] {strides = array<i32>} : memref<512xi32, #tpu.memory_space<vmem>>, vector<16xi32>,
    %get3A_3321 = vector.shape_cast %get3A_3320 : vector<16xi32> to vector<16xi32>
    %shift_right_logical3A_3322 = arith.constant 7 : i32
    %shift_right_logical3A_3323 = vector.broadcast %shift_right_logical3A_3322 : i32 to vector<16xi32>
    %shift_right_logical3A_3324 = arith.shrui %get3A_3321, %shift_right_logical3A_3323 : vector<16xi32>
    %mul3A_3325 = arith.constant 1024 : i32
    %mul3A_3326 = vector.broadcast %mul3A_3325 : i32 to vector<16xi32>
    %mul3A_3327 = arith.muli %shift_right_logical3A_3324, %mul3A_3326 : vector<16xi32>
    %and3A_3328 = arith.constant 127 : i32
    %and3A_3329 = vector.broadcast %and3A_3328 : i32 to vector<16xi32>
    %and3A_3330 = arith.andi %get3A_3321, %and3A_3329 : vector<16xi32>
    %add3A_3331 = arith.addi %mul3A_3327, %and3A_3330 : vector<16xi32>
    %add3A_3332 = arith.constant 0 : i32
    %add3A_3333 = vector.broadcast %add3A_3332 : i32 to vector<16xi32>
    %add3A_3334 = arith.addi %add3A_3331, %add3A_3333 : vector<16xi32>
    %swap3A_3335 = arith.constant 256 : index
    %swap3A_3336 = tpu.vector_load %arg10[%swap3A_3335] {strides = array<i32>} : memref<4096xi32, #tpu.memory_space<vmem>>, vector<16xi32>,
    %swap3A_3337 = vector.shape_cast %swap3A_3336 : vector<16xi32> to vector<16xi32>
    %swap3A_3338 = vector.shape_cast %add3A_3334 : vector<16xi32> to vector<16xi32>
    tpu.vector_store %arg10[%swap3A_3335], %swap3A_3338 {strides = array<i32>} : memref<4096xi32, #tpu.memory_space<vmem>>, vector<16xi32>,
    %add3A_3339 = arith.constant 128 : i32
    %add3A_3340 = vector.broadcast %add3A_3339 : i32 to vector<16xi32>
    %add3A_3341 = arith.addi %add3A_3331, %add3A_3340 : vector<16xi32>
    %swap3A_3342 = arith.constant 768 : index
    %swap3A_3343 = tpu.vector_load %arg10[%swap3A_3342] {strides = array<i32>} : memref<4096xi32, #tpu.memory_space<vmem>>, vector<16xi32>,
    %swap3A_3344 = vector.shape_cast %swap3A_3343 : vector<16xi32> to vector<16xi32>
    %swap3A_3345 = vector.shape_cast %add3A_3341 : vector<16xi32> to vector<16xi32>
    tpu.vector_store %arg10[%swap3A_3342], %swap3A_3345 {strides = array<i32>} : memref<4096xi32, #tpu.memory_space<vmem>>, vector<16xi32>,
    %add3A_3346 = arith.constant 256 : i32
    %add3A_3347 = vector.broadcast %add3A_3346 : i32 to vector<16xi32>
    %add3A_3348 = arith.addi %add3A_3331, %add3A_3347 : vector<16xi32>
    %swap3A_3349 = arith.constant 1280 : index
    %swap3A_3350 = tpu.vector_load %arg10[%swap3A_3349] {strides = array<i32>} : memref<4096xi32, #tpu.memory_space<vmem>>, vector<16xi32>,
    %swap3A_3351 = vector.shape_cast %swap3A_3350 : vector<16xi32> to vector<16xi32>
    %swap3A_3352 = vector.shape_cast %add3A_3348 : vector<16xi32> to vector<16xi32>
    tpu.vector_store %arg10[%swap3A_3349], %swap3A_3352 {strides = array<i32>} : memref<4096xi32, #tpu.memory_space<vmem>>, vector<16xi32>,
    %add3A_3353 = arith.constant 384 : i32
    %add3A_3354 = vector.broadcast %add3A_3353 : i32 to vector<16xi32>
    %add3A_3355 = arith.addi %add3A_3331, %add3A_3354 : vector<16xi32>
    %swap3A_3356 = arith.constant 1792 : index
    %swap3A_3357 = tpu.vector_load %arg10[%swap3A_3356] {strides = array<i32>} : memref<4096xi32, #tpu.memory_space<vmem>>, vector<16xi32>,
    %swap3A_3358 = vector.shape_cast %swap3A_3357 : vector<16xi32> to vector<16xi32>
    %swap3A_3359 = vector.shape_cast %add3A_3355 : vector<16xi32> to vector<16xi32>
    tpu.vector_store %arg10[%swap3A_3356], %swap3A_3359 {strides = array<i32>} : memref<4096xi32, #tpu.memory_space<vmem>>, vector<16xi32>,
    %add3A_3360 = arith.constant 512 : i32
    %add3A_3361 = vector.broadcast %add3A_3360 : i32 to vector<16xi32>
    %add3A_3362 = arith.addi %add3A_3331, %add3A_3361 : vector<16xi32>
    %swap3A_3363 = arith.constant 2304 : index
    %swap3A_3364 = tpu.vector_load %arg10[%swap3A_3363] {strides = array<i32>} : memref<4096xi32, #tpu.memory_space<vmem>>, vector<16xi32>,
    %swap3A_3365 = vector.shape_cast %swap3A_3364 : vector<16xi32> to vector<16xi32>
    %swap3A_3366 = vector.shape_cast %add3A_3362 : vector<16xi32> to vector<16xi32>
    tpu.vector_store %arg10[%swap3A_3363], %swap3A_3366 {strides = array<i32>} : memref<4096xi32, #tpu.memory_space<vmem>>, vector<16xi32>,
    %add3A_3367 = arith.constant 640 : i32
    %add3A_3368 = vector.broadcast %add3A_3367 : i32 to vector<16xi32>
    %add3A_3369 = arith.addi %add3A_3331, %add3A_3368 : vector<16xi32>
    %swap3A_3370 = arith.constant 2816 : index
    %swap3A_3371 = tpu.vector_load %arg10[%swap3A_3370] {strides = array<i32>} : memref<4096xi32, #tpu.memory_space<vmem>>, vector<16xi32>,
    %swap3A_3372 = vector.shape_cast %swap3A_3371 : vector<16xi32> to vector<16xi32>
    %swap3A_3373 = vector.shape_cast %add3A_3369 : vector<16xi32> to vector<16xi32>
    tpu.vector_store %arg10[%swap3A_3370], %swap3A_3373 {strides = array<i32>} : memref<4096xi32, #tpu.memory_space<vmem>>, vector<16xi32>,
    %add3A_3374 = arith.constant 768 : i32
    %add3A_3375 = vector.broadcast %add3A_3374 : i32 to vector<16xi32>
    %add3A_3376 = arith.addi %add3A_3331, %add3A_3375 : vector<16xi32>
    %swap3A_3377 = arith.constant 3328 : index
    %swap3A_3378 = tpu.vector_load %arg10[%swap3A_3377] {strides = array<i32>} : memref<4096xi32, #tpu.memory_space<vmem>>, vector<16xi32>,
    %swap3A_3379 = vector.shape_cast %swap3A_3378 : vector<16xi32> to vector<16xi32>
    %swap3A_3380 = vector.shape_cast %add3A_3376 : vector<16xi32> to vector<16xi32>
    tpu.vector_store %arg10[%swap3A_3377], %swap3A_3380 {strides = array<i32>} : memref<4096xi32, #tpu.memory_space<vmem>>, vector<16xi32>,
    %add3A_3381 = arith.constant 896 : i32
    %add3A_3382 = vector.broadcast %add3A_3381 : i32 to vector<16xi32>
    %add3A_3383 = arith.addi %add3A_3331, %add3A_3382 : vector<16xi32>
    %swap3A_3384 = arith.constant 3840 : index
    %swap3A_3385 = tpu.vector_load %arg10[%swap3A_3384] {strides = array<i32>} : memref<4096xi32, #tpu.memory_space<vmem>>, vector<16xi32>,
    %swap3A_3386 = vector.shape_cast %swap3A_3385 : vector<16xi32> to vector<16xi32>
    %swap3A_3387 = vector.shape_cast %add3A_3383 : vector<16xi32> to vector<16xi32>
    tpu.vector_store %arg10[%swap3A_3384], %swap3A_3387 {strides = array<i32>} : memref<4096xi32, #tpu.memory_space<vmem>>, vector<16xi32>,
    %get3A_3388 = arith.constant 272 : index
    %get3A_3389 = tpu.vector_load %arg8[%get3A_3388] {strides = array<i32>} : memref<512xi32, #tpu.memory_space<vmem>>, vector<16xi32>,
    %get3A_3390 = vector.shape_cast %get3A_3389 : vector<16xi32> to vector<16xi32>
    %shift_right_logical3A_3391 = arith.constant 7 : i32
    %shift_right_logical3A_3392 = vector.broadcast %shift_right_logical3A_3391 : i32 to vector<16xi32>
    %shift_right_logical3A_3393 = arith.shrui %get3A_3390, %shift_right_logical3A_3392 : vector<16xi32>
    %mul3A_3394 = arith.constant 1024 : i32
    %mul3A_3395 = vector.broadcast %mul3A_3394 : i32 to vector<16xi32>
    %mul3A_3396 = arith.muli %shift_right_logical3A_3393, %mul3A_3395 : vector<16xi32>
    %and3A_3397 = arith.constant 127 : i32
    %and3A_3398 = vector.broadcast %and3A_3397 : i32 to vector<16xi32>
    %and3A_3399 = arith.andi %get3A_3390, %and3A_3398 : vector<16xi32>
    %add3A_3400 = arith.addi %mul3A_3396, %and3A_3399 : vector<16xi32>
    %add3A_3401 = arith.constant 0 : i32
    %add3A_3402 = vector.broadcast %add3A_3401 : i32 to vector<16xi32>
    %add3A_3403 = arith.addi %add3A_3400, %add3A_3402 : vector<16xi32>
    %swap3A_3404 = arith.constant 272 : index
    %swap3A_3405 = tpu.vector_load %arg10[%swap3A_3404] {strides = array<i32>} : memref<4096xi32, #tpu.memory_space<vmem>>, vector<16xi32>,
    %swap3A_3406 = vector.shape_cast %swap3A_3405 : vector<16xi32> to vector<16xi32>
    %swap3A_3407 = vector.shape_cast %add3A_3403 : vector<16xi32> to vector<16xi32>
    tpu.vector_store %arg10[%swap3A_3404], %swap3A_3407 {strides = array<i32>} : memref<4096xi32, #tpu.memory_space<vmem>>, vector<16xi32>,
    %add3A_3408 = arith.constant 128 : i32
    %add3A_3409 = vector.broadcast %add3A_3408 : i32 to vector<16xi32>
    %add3A_3410 = arith.addi %add3A_3400, %add3A_3409 : vector<16xi32>
    %swap3A_3411 = arith.constant 784 : index
    %swap3A_3412 = tpu.vector_load %arg10[%swap3A_3411] {strides = array<i32>} : memref<4096xi32, #tpu.memory_space<vmem>>, vector<16xi32>,
    %swap3A_3413 = vector.shape_cast %swap3A_3412 : vector<16xi32> to vector<16xi32>
    %swap3A_3414 = vector.shape_cast %add3A_3410 : vector<16xi32> to vector<16xi32>
    tpu.vector_store %arg10[%swap3A_3411], %swap3A_3414 {strides = array<i32>} : memref<4096xi32, #tpu.memory_space<vmem>>, vector<16xi32>,
    %add3A_3415 = arith.constant 256 : i32
    %add3A_3416 = vector.broadcast %add3A_3415 : i32 to vector<16xi32>
    %add3A_3417 = arith.addi %add3A_3400, %add3A_3416 : vector<16xi32>
    %swap3A_3418 = arith.constant 1296 : index
    %swap3A_3419 = tpu.vector_load %arg10[%swap3A_3418] {strides = array<i32>} : memref<4096xi32, #tpu.memory_space<vmem>>, vector<16xi32>,
    %swap3A_3420 = vector.shape_cast %swap3A_3419 : vector<16xi32> to vector<16xi32>
    %swap3A_3421 = vector.shape_cast %add3A_3417 : vector<16xi32> to vector<16xi32>
    tpu.vector_store %arg10[%swap3A_3418], %swap3A_3421 {strides = array<i32>} : memref<4096xi32, #tpu.memory_space<vmem>>, vector<16xi32>,
    %add3A_3422 = arith.constant 384 : i32
    %add3A_3423 = vector.broadcast %add3A_3422 : i32 to vector<16xi32>
    %add3A_3424 = arith.addi %add3A_3400, %add3A_3423 : vector<16xi32>
    %swap3A_3425 = arith.constant 1808 : index
    %swap3A_3426 = tpu.vector_load %arg10[%swap3A_3425] {strides = array<i32>} : memref<4096xi32, #tpu.memory_space<vmem>>, vector<16xi32>,
    %swap3A_3427 = vector.shape_cast %swap3A_3426 : vector<16xi32> to vector<16xi32>
    %swap3A_3428 = vector.shape_cast %add3A_3424 : vector<16xi32> to vector<16xi32>
    tpu.vector_store %arg10[%swap3A_3425], %swap3A_3428 {strides = array<i32>} : memref<4096xi32, #tpu.memory_space<vmem>>, vector<16xi32>,
    %add3A_3429 = arith.constant 512 : i32
    %add3A_3430 = vector.broadcast %add3A_3429 : i32 to vector<16xi32>
    %add3A_3431 = arith.addi %add3A_3400, %add3A_3430 : vector<16xi32>
    %swap3A_3432 = arith.constant 2320 : index
    %swap3A_3433 = tpu.vector_load %arg10[%swap3A_3432] {strides = array<i32>} : memref<4096xi32, #tpu.memory_space<vmem>>, vector<16xi32>,
    %swap3A_3434 = vector.shape_cast %swap3A_3433 : vector<16xi32> to vector<16xi32>
    %swap3A_3435 = vector.shape_cast %add3A_3431 : vector<16xi32> to vector<16xi32>
    tpu.vector_store %arg10[%swap3A_3432], %swap3A_3435 {strides = array<i32>} : memref<4096xi32, #tpu.memory_space<vmem>>, vector<16xi32>,
    %add3A_3436 = arith.constant 640 : i32
    %add3A_3437 = vector.broadcast %add3A_3436 : i32 to vector<16xi32>
    %add3A_3438 = arith.addi %add3A_3400, %add3A_3437 : vector<16xi32>
    %swap3A_3439 = arith.constant 2832 : index
    %swap3A_3440 = tpu.vector_load %arg10[%swap3A_3439] {strides = array<i32>} : memref<4096xi32, #tpu.memory_space<vmem>>, vector<16xi32>,
    %swap3A_3441 = vector.shape_cast %swap3A_3440 : vector<16xi32> to vector<16xi32>
    %swap3A_3442 = vector.shape_cast %add3A_3438 : vector<16xi32> to vector<16xi32>
    tpu.vector_store %arg10[%swap3A_3439], %swap3A_3442 {strides = array<i32>} : memref<4096xi32, #tpu.memory_space<vmem>>, vector<16xi32>,
    %add3A_3443 = arith.constant 768 : i32
    %add3A_3444 = vector.broadcast %add3A_3443 : i32 to vector<16xi32>
    %add3A_3445 = arith.addi %add3A_3400, %add3A_3444 : vector<16xi32>
    %swap3A_3446 = arith.constant 3344 : index
    %swap3A_3447 = tpu.vector_load %arg10[%swap3A_3446] {strides = array<i32>} : memref<4096xi32, #tpu.memory_space<vmem>>, vector<16xi32>,
    %swap3A_3448 = vector.shape_cast %swap3A_3447 : vector<16xi32> to vector<16xi32>
    %swap3A_3449 = vector.shape_cast %add3A_3445 : vector<16xi32> to vector<16xi32>
    tpu.vector_store %arg10[%swap3A_3446], %swap3A_3449 {strides = array<i32>} : memref<4096xi32, #tpu.memory_space<vmem>>, vector<16xi32>,
    %add3A_3450 = arith.constant 896 : i32
    %add3A_3451 = vector.broadcast %add3A_3450 : i32 to vector<16xi32>
    %add3A_3452 = arith.addi %add3A_3400, %add3A_3451 : vector<16xi32>
    %swap3A_3453 = arith.constant 3856 : index
    %swap3A_3454 = tpu.vector_load %arg10[%swap3A_3453] {strides = array<i32>} : memref<4096xi32, #tpu.memory_space<vmem>>, vector<16xi32>,
    %swap3A_3455 = vector.shape_cast %swap3A_3454 : vector<16xi32> to vector<16xi32>
    %swap3A_3456 = vector.shape_cast %add3A_3452 : vector<16xi32> to vector<16xi32>
    tpu.vector_store %arg10[%swap3A_3453], %swap3A_3456 {strides = array<i32>} : memref<4096xi32, #tpu.memory_space<vmem>>, vector<16xi32>,
    %get3A_3457 = arith.constant 288 : index
    %get3A_3458 = tpu.vector_load %arg8[%get3A_3457] {strides = array<i32>} : memref<512xi32, #tpu.memory_space<vmem>>, vector<16xi32>,
    %get3A_3459 = vector.shape_cast %get3A_3458 : vector<16xi32> to vector<16xi32>
    %shift_right_logical3A_3460 = arith.constant 7 : i32
    %shift_right_logical3A_3461 = vector.broadcast %shift_right_logical3A_3460 : i32 to vector<16xi32>
    %shift_right_logical3A_3462 = arith.shrui %get3A_3459, %shift_right_logical3A_3461 : vector<16xi32>
    %mul3A_3463 = arith.constant 1024 : i32
    %mul3A_3464 = vector.broadcast %mul3A_3463 : i32 to vector<16xi32>
    %mul3A_3465 = arith.muli %shift_right_logical3A_3462, %mul3A_3464 : vector<16xi32>
    %and3A_3466 = arith.constant 127 : i32
    %and3A_3467 = vector.broadcast %and3A_3466 : i32 to vector<16xi32>
    %and3A_3468 = arith.andi %get3A_3459, %and3A_3467 : vector<16xi32>
    %add3A_3469 = arith.addi %mul3A_3465, %and3A_3468 : vector<16xi32>
    %add3A_3470 = arith.constant 0 : i32
    %add3A_3471 = vector.broadcast %add3A_3470 : i32 to vector<16xi32>
    %add3A_3472 = arith.addi %add3A_3469, %add3A_3471 : vector<16xi32>
    %swap3A_3473 = arith.constant 288 : index
    %swap3A_3474 = tpu.vector_load %arg10[%swap3A_3473] {strides = array<i32>} : memref<4096xi32, #tpu.memory_space<vmem>>, vector<16xi32>,
    %swap3A_3475 = vector.shape_cast %swap3A_3474 : vector<16xi32> to vector<16xi32>
    %swap3A_3476 = vector.shape_cast %add3A_3472 : vector<16xi32> to vector<16xi32>
    tpu.vector_store %arg10[%swap3A_3473], %swap3A_3476 {strides = array<i32>} : memref<4096xi32, #tpu.memory_space<vmem>>, vector<16xi32>,
    %add3A_3477 = arith.constant 128 : i32
    %add3A_3478 = vector.broadcast %add3A_3477 : i32 to vector<16xi32>
    %add3A_3479 = arith.addi %add3A_3469, %add3A_3478 : vector<16xi32>
    %swap3A_3480 = arith.constant 800 : index
    %swap3A_3481 = tpu.vector_load %arg10[%swap3A_3480] {strides = array<i32>} : memref<4096xi32, #tpu.memory_space<vmem>>, vector<16xi32>,
    %swap3A_3482 = vector.shape_cast %swap3A_3481 : vector<16xi32> to vector<16xi32>
    %swap3A_3483 = vector.shape_cast %add3A_3479 : vector<16xi32> to vector<16xi32>
    tpu.vector_store %arg10[%swap3A_3480], %swap3A_3483 {strides = array<i32>} : memref<4096xi32, #tpu.memory_space<vmem>>, vector<16xi32>,
    %add3A_3484 = arith.constant 256 : i32
    %add3A_3485 = vector.broadcast %add3A_3484 : i32 to vector<16xi32>
    %add3A_3486 = arith.addi %add3A_3469, %add3A_3485 : vector<16xi32>
    %swap3A_3487 = arith.constant 1312 : index
    %swap3A_3488 = tpu.vector_load %arg10[%swap3A_3487] {strides = array<i32>} : memref<4096xi32, #tpu.memory_space<vmem>>, vector<16xi32>,
    %swap3A_3489 = vector.shape_cast %swap3A_3488 : vector<16xi32> to vector<16xi32>
    %swap3A_3490 = vector.shape_cast %add3A_3486 : vector<16xi32> to vector<16xi32>
    tpu.vector_store %arg10[%swap3A_3487], %swap3A_3490 {strides = array<i32>} : memref<4096xi32, #tpu.memory_space<vmem>>, vector<16xi32>,
    %add3A_3491 = arith.constant 384 : i32
    %add3A_3492 = vector.broadcast %add3A_3491 : i32 to vector<16xi32>
    %add3A_3493 = arith.addi %add3A_3469, %add3A_3492 : vector<16xi32>
    %swap3A_3494 = arith.constant 1824 : index
    %swap3A_3495 = tpu.vector_load %arg10[%swap3A_3494] {strides = array<i32>} : memref<4096xi32, #tpu.memory_space<vmem>>, vector<16xi32>,
    %swap3A_3496 = vector.shape_cast %swap3A_3495 : vector<16xi32> to vector<16xi32>
    %swap3A_3497 = vector.shape_cast %add3A_3493 : vector<16xi32> to vector<16xi32>
    tpu.vector_store %arg10[%swap3A_3494], %swap3A_3497 {strides = array<i32>} : memref<4096xi32, #tpu.memory_space<vmem>>, vector<16xi32>,
    %add3A_3498 = arith.constant 512 : i32
    %add3A_3499 = vector.broadcast %add3A_3498 : i32 to vector<16xi32>
    %add3A_3500 = arith.addi %add3A_3469, %add3A_3499 : vector<16xi32>
    %swap3A_3501 = arith.constant 2336 : index
    %swap3A_3502 = tpu.vector_load %arg10[%swap3A_3501] {strides = array<i32>} : memref<4096xi32, #tpu.memory_space<vmem>>, vector<16xi32>,
    %swap3A_3503 = vector.shape_cast %swap3A_3502 : vector<16xi32> to vector<16xi32>
    %swap3A_3504 = vector.shape_cast %add3A_3500 : vector<16xi32> to vector<16xi32>
    tpu.vector_store %arg10[%swap3A_3501], %swap3A_3504 {strides = array<i32>} : memref<4096xi32, #tpu.memory_space<vmem>>, vector<16xi32>,
    %add3A_3505 = arith.constant 640 : i32
    %add3A_3506 = vector.broadcast %add3A_3505 : i32 to vector<16xi32>
    %add3A_3507 = arith.addi %add3A_3469, %add3A_3506 : vector<16xi32>
    %swap3A_3508 = arith.constant 2848 : index
    %swap3A_3509 = tpu.vector_load %arg10[%swap3A_3508] {strides = array<i32>} : memref<4096xi32, #tpu.memory_space<vmem>>, vector<16xi32>,
    %swap3A_3510 = vector.shape_cast %swap3A_3509 : vector<16xi32> to vector<16xi32>
    %swap3A_3511 = vector.shape_cast %add3A_3507 : vector<16xi32> to vector<16xi32>
    tpu.vector_store %arg10[%swap3A_3508], %swap3A_3511 {strides = array<i32>} : memref<4096xi32, #tpu.memory_space<vmem>>, vector<16xi32>,
    %add3A_3512 = arith.constant 768 : i32
    %add3A_3513 = vector.broadcast %add3A_3512 : i32 to vector<16xi32>
    %add3A_3514 = arith.addi %add3A_3469, %add3A_3513 : vector<16xi32>
    %swap3A_3515 = arith.constant 3360 : index
    %swap3A_3516 = tpu.vector_load %arg10[%swap3A_3515] {strides = array<i32>} : memref<4096xi32, #tpu.memory_space<vmem>>, vector<16xi32>,
    %swap3A_3517 = vector.shape_cast %swap3A_3516 : vector<16xi32> to vector<16xi32>
    %swap3A_3518 = vector.shape_cast %add3A_3514 : vector<16xi32> to vector<16xi32>
    tpu.vector_store %arg10[%swap3A_3515], %swap3A_3518 {strides = array<i32>} : memref<4096xi32, #tpu.memory_space<vmem>>, vector<16xi32>,
    %add3A_3519 = arith.constant 896 : i32
    %add3A_3520 = vector.broadcast %add3A_3519 : i32 to vector<16xi32>
    %add3A_3521 = arith.addi %add3A_3469, %add3A_3520 : vector<16xi32>
    %swap3A_3522 = arith.constant 3872 : index
    %swap3A_3523 = tpu.vector_load %arg10[%swap3A_3522] {strides = array<i32>} : memref<4096xi32, #tpu.memory_space<vmem>>, vector<16xi32>,
    %swap3A_3524 = vector.shape_cast %swap3A_3523 : vector<16xi32> to vector<16xi32>
    %swap3A_3525 = vector.shape_cast %add3A_3521 : vector<16xi32> to vector<16xi32>
    tpu.vector_store %arg10[%swap3A_3522], %swap3A_3525 {strides = array<i32>} : memref<4096xi32, #tpu.memory_space<vmem>>, vector<16xi32>,
    %get3A_3526 = arith.constant 304 : index
    %get3A_3527 = tpu.vector_load %arg8[%get3A_3526] {strides = array<i32>} : memref<512xi32, #tpu.memory_space<vmem>>, vector<16xi32>,
    %get3A_3528 = vector.shape_cast %get3A_3527 : vector<16xi32> to vector<16xi32>
    %shift_right_logical3A_3529 = arith.constant 7 : i32
    %shift_right_logical3A_3530 = vector.broadcast %shift_right_logical3A_3529 : i32 to vector<16xi32>
    %shift_right_logical3A_3531 = arith.shrui %get3A_3528, %shift_right_logical3A_3530 : vector<16xi32>
    %mul3A_3532 = arith.constant 1024 : i32
    %mul3A_3533 = vector.broadcast %mul3A_3532 : i32 to vector<16xi32>
    %mul3A_3534 = arith.muli %shift_right_logical3A_3531, %mul3A_3533 : vector<16xi32>
    %and3A_3535 = arith.constant 127 : i32
    %and3A_3536 = vector.broadcast %and3A_3535 : i32 to vector<16xi32>
    %and3A_3537 = arith.andi %get3A_3528, %and3A_3536 : vector<16xi32>
    %add3A_3538 = arith.addi %mul3A_3534, %and3A_3537 : vector<16xi32>
    %add3A_3539 = arith.constant 0 : i32
    %add3A_3540 = vector.broadcast %add3A_3539 : i32 to vector<16xi32>
    %add3A_3541 = arith.addi %add3A_3538, %add3A_3540 : vector<16xi32>
    %swap3A_3542 = arith.constant 304 : index
    %swap3A_3543 = tpu.vector_load %arg10[%swap3A_3542] {strides = array<i32>} : memref<4096xi32, #tpu.memory_space<vmem>>, vector<16xi32>,
    %swap3A_3544 = vector.shape_cast %swap3A_3543 : vector<16xi32> to vector<16xi32>
    %swap3A_3545 = vector.shape_cast %add3A_3541 : vector<16xi32> to vector<16xi32>
    tpu.vector_store %arg10[%swap3A_3542], %swap3A_3545 {strides = array<i32>} : memref<4096xi32, #tpu.memory_space<vmem>>, vector<16xi32>,
    %add3A_3546 = arith.constant 128 : i32
    %add3A_3547 = vector.broadcast %add3A_3546 : i32 to vector<16xi32>
    %add3A_3548 = arith.addi %add3A_3538, %add3A_3547 : vector<16xi32>
    %swap3A_3549 = arith.constant 816 : index
    %swap3A_3550 = tpu.vector_load %arg10[%swap3A_3549] {strides = array<i32>} : memref<4096xi32, #tpu.memory_space<vmem>>, vector<16xi32>,
    %swap3A_3551 = vector.shape_cast %swap3A_3550 : vector<16xi32> to vector<16xi32>
    %swap3A_3552 = vector.shape_cast %add3A_3548 : vector<16xi32> to vector<16xi32>
    tpu.vector_store %arg10[%swap3A_3549], %swap3A_3552 {strides = array<i32>} : memref<4096xi32, #tpu.memory_space<vmem>>, vector<16xi32>,
    %add3A_3553 = arith.constant 256 : i32
    %add3A_3554 = vector.broadcast %add3A_3553 : i32 to vector<16xi32>
    %add3A_3555 = arith.addi %add3A_3538, %add3A_3554 : vector<16xi32>
    %swap3A_3556 = arith.constant 1328 : index
    %swap3A_3557 = tpu.vector_load %arg10[%swap3A_3556] {strides = array<i32>} : memref<4096xi32, #tpu.memory_space<vmem>>, vector<16xi32>,
    %swap3A_3558 = vector.shape_cast %swap3A_3557 : vector<16xi32> to vector<16xi32>
    %swap3A_3559 = vector.shape_cast %add3A_3555 : vector<16xi32> to vector<16xi32>
    tpu.vector_store %arg10[%swap3A_3556], %swap3A_3559 {strides = array<i32>} : memref<4096xi32, #tpu.memory_space<vmem>>, vector<16xi32>,
    %add3A_3560 = arith.constant 384 : i32
    %add3A_3561 = vector.broadcast %add3A_3560 : i32 to vector<16xi32>
    %add3A_3562 = arith.addi %add3A_3538, %add3A_3561 : vector<16xi32>
    %swap3A_3563 = arith.constant 1840 : index
    %swap3A_3564 = tpu.vector_load %arg10[%swap3A_3563] {strides = array<i32>} : memref<4096xi32, #tpu.memory_space<vmem>>, vector<16xi32>,
    %swap3A_3565 = vector.shape_cast %swap3A_3564 : vector<16xi32> to vector<16xi32>
    %swap3A_3566 = vector.shape_cast %add3A_3562 : vector<16xi32> to vector<16xi32>
    tpu.vector_store %arg10[%swap3A_3563], %swap3A_3566 {strides = array<i32>} : memref<4096xi32, #tpu.memory_space<vmem>>, vector<16xi32>,
    %add3A_3567 = arith.constant 512 : i32
    %add3A_3568 = vector.broadcast %add3A_3567 : i32 to vector<16xi32>
    %add3A_3569 = arith.addi %add3A_3538, %add3A_3568 : vector<16xi32>
    %swap3A_3570 = arith.constant 2352 : index
    %swap3A_3571 = tpu.vector_load %arg10[%swap3A_3570] {strides = array<i32>} : memref<4096xi32, #tpu.memory_space<vmem>>, vector<16xi32>,
    %swap3A_3572 = vector.shape_cast %swap3A_3571 : vector<16xi32> to vector<16xi32>
    %swap3A_3573 = vector.shape_cast %add3A_3569 : vector<16xi32> to vector<16xi32>
    tpu.vector_store %arg10[%swap3A_3570], %swap3A_3573 {strides = array<i32>} : memref<4096xi32, #tpu.memory_space<vmem>>, vector<16xi32>,
    %add3A_3574 = arith.constant 640 : i32
    %add3A_3575 = vector.broadcast %add3A_3574 : i32 to vector<16xi32>
    %add3A_3576 = arith.addi %add3A_3538, %add3A_3575 : vector<16xi32>
    %swap3A_3577 = arith.constant 2864 : index
    %swap3A_3578 = tpu.vector_load %arg10[%swap3A_3577] {strides = array<i32>} : memref<4096xi32, #tpu.memory_space<vmem>>, vector<16xi32>,
    %swap3A_3579 = vector.shape_cast %swap3A_3578 : vector<16xi32> to vector<16xi32>
    %swap3A_3580 = vector.shape_cast %add3A_3576 : vector<16xi32> to vector<16xi32>
    tpu.vector_store %arg10[%swap3A_3577], %swap3A_3580 {strides = array<i32>} : memref<4096xi32, #tpu.memory_space<vmem>>, vector<16xi32>,
    %add3A_3581 = arith.constant 768 : i32
    %add3A_3582 = vector.broadcast %add3A_3581 : i32 to vector<16xi32>
    %add3A_3583 = arith.addi %add3A_3538, %add3A_3582 : vector<16xi32>
    %swap3A_3584 = arith.constant 3376 : index
    %swap3A_3585 = tpu.vector_load %arg10[%swap3A_3584] {strides = array<i32>} : memref<4096xi32, #tpu.memory_space<vmem>>, vector<16xi32>,
    %swap3A_3586 = vector.shape_cast %swap3A_3585 : vector<16xi32> to vector<16xi32>
    %swap3A_3587 = vector.shape_cast %add3A_3583 : vector<16xi32> to vector<16xi32>
    tpu.vector_store %arg10[%swap3A_3584], %swap3A_3587 {strides = array<i32>} : memref<4096xi32, #tpu.memory_space<vmem>>, vector<16xi32>,
    %add3A_3588 = arith.constant 896 : i32
    %add3A_3589 = vector.broadcast %add3A_3588 : i32 to vector<16xi32>
    %add3A_3590 = arith.addi %add3A_3538, %add3A_3589 : vector<16xi32>
    %swap3A_3591 = arith.constant 3888 : index
    %swap3A_3592 = tpu.vector_load %arg10[%swap3A_3591] {strides = array<i32>} : memref<4096xi32, #tpu.memory_space<vmem>>, vector<16xi32>,
    %swap3A_3593 = vector.shape_cast %swap3A_3592 : vector<16xi32> to vector<16xi32>
    %swap3A_3594 = vector.shape_cast %add3A_3590 : vector<16xi32> to vector<16xi32>
    tpu.vector_store %arg10[%swap3A_3591], %swap3A_3594 {strides = array<i32>} : memref<4096xi32, #tpu.memory_space<vmem>>, vector<16xi32>,
    %get3A_3595 = arith.constant 320 : index
    %get3A_3596 = tpu.vector_load %arg8[%get3A_3595] {strides = array<i32>} : memref<512xi32, #tpu.memory_space<vmem>>, vector<16xi32>,
    %get3A_3597 = vector.shape_cast %get3A_3596 : vector<16xi32> to vector<16xi32>
    %shift_right_logical3A_3598 = arith.constant 7 : i32
    %shift_right_logical3A_3599 = vector.broadcast %shift_right_logical3A_3598 : i32 to vector<16xi32>
    %shift_right_logical3A_3600 = arith.shrui %get3A_3597, %shift_right_logical3A_3599 : vector<16xi32>
    %mul3A_3601 = arith.constant 1024 : i32
    %mul3A_3602 = vector.broadcast %mul3A_3601 : i32 to vector<16xi32>
    %mul3A_3603 = arith.muli %shift_right_logical3A_3600, %mul3A_3602 : vector<16xi32>
    %and3A_3604 = arith.constant 127 : i32
    %and3A_3605 = vector.broadcast %and3A_3604 : i32 to vector<16xi32>
    %and3A_3606 = arith.andi %get3A_3597, %and3A_3605 : vector<16xi32>
    %add3A_3607 = arith.addi %mul3A_3603, %and3A_3606 : vector<16xi32>
    %add3A_3608 = arith.constant 0 : i32
    %add3A_3609 = vector.broadcast %add3A_3608 : i32 to vector<16xi32>
    %add3A_3610 = arith.addi %add3A_3607, %add3A_3609 : vector<16xi32>
    %swap3A_3611 = arith.constant 320 : index
    %swap3A_3612 = tpu.vector_load %arg10[%swap3A_3611] {strides = array<i32>} : memref<4096xi32, #tpu.memory_space<vmem>>, vector<16xi32>,
    %swap3A_3613 = vector.shape_cast %swap3A_3612 : vector<16xi32> to vector<16xi32>
    %swap3A_3614 = vector.shape_cast %add3A_3610 : vector<16xi32> to vector<16xi32>
    tpu.vector_store %arg10[%swap3A_3611], %swap3A_3614 {strides = array<i32>} : memref<4096xi32, #tpu.memory_space<vmem>>, vector<16xi32>,
    %add3A_3615 = arith.constant 128 : i32
    %add3A_3616 = vector.broadcast %add3A_3615 : i32 to vector<16xi32>
    %add3A_3617 = arith.addi %add3A_3607, %add3A_3616 : vector<16xi32>
    %swap3A_3618 = arith.constant 832 : index
    %swap3A_3619 = tpu.vector_load %arg10[%swap3A_3618] {strides = array<i32>} : memref<4096xi32, #tpu.memory_space<vmem>>, vector<16xi32>,
    %swap3A_3620 = vector.shape_cast %swap3A_3619 : vector<16xi32> to vector<16xi32>
    %swap3A_3621 = vector.shape_cast %add3A_3617 : vector<16xi32> to vector<16xi32>
    tpu.vector_store %arg10[%swap3A_3618], %swap3A_3621 {strides = array<i32>} : memref<4096xi32, #tpu.memory_space<vmem>>, vector<16xi32>,
    %add3A_3622 = arith.constant 256 : i32
    %add3A_3623 = vector.broadcast %add3A_3622 : i32 to vector<16xi32>
    %add3A_3624 = arith.addi %add3A_3607, %add3A_3623 : vector<16xi32>
    %swap3A_3625 = arith.constant 1344 : index
    %swap3A_3626 = tpu.vector_load %arg10[%swap3A_3625] {strides = array<i32>} : memref<4096xi32, #tpu.memory_space<vmem>>, vector<16xi32>,
    %swap3A_3627 = vector.shape_cast %swap3A_3626 : vector<16xi32> to vector<16xi32>
    %swap3A_3628 = vector.shape_cast %add3A_3624 : vector<16xi32> to vector<16xi32>
    tpu.vector_store %arg10[%swap3A_3625], %swap3A_3628 {strides = array<i32>} : memref<4096xi32, #tpu.memory_space<vmem>>, vector<16xi32>,
    %add3A_3629 = arith.constant 384 : i32
    %add3A_3630 = vector.broadcast %add3A_3629 : i32 to vector<16xi32>
    %add3A_3631 = arith.addi %add3A_3607, %add3A_3630 : vector<16xi32>
    %swap3A_3632 = arith.constant 1856 : index
    %swap3A_3633 = tpu.vector_load %arg10[%swap3A_3632] {strides = array<i32>} : memref<4096xi32, #tpu.memory_space<vmem>>, vector<16xi32>,
    %swap3A_3634 = vector.shape_cast %swap3A_3633 : vector<16xi32> to vector<16xi32>
    %swap3A_3635 = vector.shape_cast %add3A_3631 : vector<16xi32> to vector<16xi32>
    tpu.vector_store %arg10[%swap3A_3632], %swap3A_3635 {strides = array<i32>} : memref<4096xi32, #tpu.memory_space<vmem>>, vector<16xi32>,
    %add3A_3636 = arith.constant 512 : i32
    %add3A_3637 = vector.broadcast %add3A_3636 : i32 to vector<16xi32>
    %add3A_3638 = arith.addi %add3A_3607, %add3A_3637 : vector<16xi32>
    %swap3A_3639 = arith.constant 2368 : index
    %swap3A_3640 = tpu.vector_load %arg10[%swap3A_3639] {strides = array<i32>} : memref<4096xi32, #tpu.memory_space<vmem>>, vector<16xi32>,
    %swap3A_3641 = vector.shape_cast %swap3A_3640 : vector<16xi32> to vector<16xi32>
    %swap3A_3642 = vector.shape_cast %add3A_3638 : vector<16xi32> to vector<16xi32>
    tpu.vector_store %arg10[%swap3A_3639], %swap3A_3642 {strides = array<i32>} : memref<4096xi32, #tpu.memory_space<vmem>>, vector<16xi32>,
    %add3A_3643 = arith.constant 640 : i32
    %add3A_3644 = vector.broadcast %add3A_3643 : i32 to vector<16xi32>
    %add3A_3645 = arith.addi %add3A_3607, %add3A_3644 : vector<16xi32>
    %swap3A_3646 = arith.constant 2880 : index
    %swap3A_3647 = tpu.vector_load %arg10[%swap3A_3646] {strides = array<i32>} : memref<4096xi32, #tpu.memory_space<vmem>>, vector<16xi32>,
    %swap3A_3648 = vector.shape_cast %swap3A_3647 : vector<16xi32> to vector<16xi32>
    %swap3A_3649 = vector.shape_cast %add3A_3645 : vector<16xi32> to vector<16xi32>
    tpu.vector_store %arg10[%swap3A_3646], %swap3A_3649 {strides = array<i32>} : memref<4096xi32, #tpu.memory_space<vmem>>, vector<16xi32>,
    %add3A_3650 = arith.constant 768 : i32
    %add3A_3651 = vector.broadcast %add3A_3650 : i32 to vector<16xi32>
    %add3A_3652 = arith.addi %add3A_3607, %add3A_3651 : vector<16xi32>
    %swap3A_3653 = arith.constant 3392 : index
    %swap3A_3654 = tpu.vector_load %arg10[%swap3A_3653] {strides = array<i32>} : memref<4096xi32, #tpu.memory_space<vmem>>, vector<16xi32>,
    %swap3A_3655 = vector.shape_cast %swap3A_3654 : vector<16xi32> to vector<16xi32>
    %swap3A_3656 = vector.shape_cast %add3A_3652 : vector<16xi32> to vector<16xi32>
    tpu.vector_store %arg10[%swap3A_3653], %swap3A_3656 {strides = array<i32>} : memref<4096xi32, #tpu.memory_space<vmem>>, vector<16xi32>,
    %add3A_3657 = arith.constant 896 : i32
    %add3A_3658 = vector.broadcast %add3A_3657 : i32 to vector<16xi32>
    %add3A_3659 = arith.addi %add3A_3607, %add3A_3658 : vector<16xi32>
    %swap3A_3660 = arith.constant 3904 : index
    %swap3A_3661 = tpu.vector_load %arg10[%swap3A_3660] {strides = array<i32>} : memref<4096xi32, #tpu.memory_space<vmem>>, vector<16xi32>,
    %swap3A_3662 = vector.shape_cast %swap3A_3661 : vector<16xi32> to vector<16xi32>
    %swap3A_3663 = vector.shape_cast %add3A_3659 : vector<16xi32> to vector<16xi32>
    tpu.vector_store %arg10[%swap3A_3660], %swap3A_3663 {strides = array<i32>} : memref<4096xi32, #tpu.memory_space<vmem>>, vector<16xi32>,
    %get3A_3664 = arith.constant 336 : index
    %get3A_3665 = tpu.vector_load %arg8[%get3A_3664] {strides = array<i32>} : memref<512xi32, #tpu.memory_space<vmem>>, vector<16xi32>,
    %get3A_3666 = vector.shape_cast %get3A_3665 : vector<16xi32> to vector<16xi32>
    %shift_right_logical3A_3667 = arith.constant 7 : i32
    %shift_right_logical3A_3668 = vector.broadcast %shift_right_logical3A_3667 : i32 to vector<16xi32>
    %shift_right_logical3A_3669 = arith.shrui %get3A_3666, %shift_right_logical3A_3668 : vector<16xi32>
    %mul3A_3670 = arith.constant 1024 : i32
    %mul3A_3671 = vector.broadcast %mul3A_3670 : i32 to vector<16xi32>
    %mul3A_3672 = arith.muli %shift_right_logical3A_3669, %mul3A_3671 : vector<16xi32>
    %and3A_3673 = arith.constant 127 : i32
    %and3A_3674 = vector.broadcast %and3A_3673 : i32 to vector<16xi32>
    %and3A_3675 = arith.andi %get3A_3666, %and3A_3674 : vector<16xi32>
    %add3A_3676 = arith.addi %mul3A_3672, %and3A_3675 : vector<16xi32>
    %add3A_3677 = arith.constant 0 : i32
    %add3A_3678 = vector.broadcast %add3A_3677 : i32 to vector<16xi32>
    %add3A_3679 = arith.addi %add3A_3676, %add3A_3678 : vector<16xi32>
    %swap3A_3680 = arith.constant 336 : index
    %swap3A_3681 = tpu.vector_load %arg10[%swap3A_3680] {strides = array<i32>} : memref<4096xi32, #tpu.memory_space<vmem>>, vector<16xi32>,
    %swap3A_3682 = vector.shape_cast %swap3A_3681 : vector<16xi32> to vector<16xi32>
    %swap3A_3683 = vector.shape_cast %add3A_3679 : vector<16xi32> to vector<16xi32>
    tpu.vector_store %arg10[%swap3A_3680], %swap3A_3683 {strides = array<i32>} : memref<4096xi32, #tpu.memory_space<vmem>>, vector<16xi32>,
    %add3A_3684 = arith.constant 128 : i32
    %add3A_3685 = vector.broadcast %add3A_3684 : i32 to vector<16xi32>
    %add3A_3686 = arith.addi %add3A_3676, %add3A_3685 : vector<16xi32>
    %swap3A_3687 = arith.constant 848 : index
    %swap3A_3688 = tpu.vector_load %arg10[%swap3A_3687] {strides = array<i32>} : memref<4096xi32, #tpu.memory_space<vmem>>, vector<16xi32>,
    %swap3A_3689 = vector.shape_cast %swap3A_3688 : vector<16xi32> to vector<16xi32>
    %swap3A_3690 = vector.shape_cast %add3A_3686 : vector<16xi32> to vector<16xi32>
    tpu.vector_store %arg10[%swap3A_3687], %swap3A_3690 {strides = array<i32>} : memref<4096xi32, #tpu.memory_space<vmem>>, vector<16xi32>,
    %add3A_3691 = arith.constant 256 : i32
    %add3A_3692 = vector.broadcast %add3A_3691 : i32 to vector<16xi32>
    %add3A_3693 = arith.addi %add3A_3676, %add3A_3692 : vector<16xi32>
    %swap3A_3694 = arith.constant 1360 : index
    %swap3A_3695 = tpu.vector_load %arg10[%swap3A_3694] {strides = array<i32>} : memref<4096xi32, #tpu.memory_space<vmem>>, vector<16xi32>,
    %swap3A_3696 = vector.shape_cast %swap3A_3695 : vector<16xi32> to vector<16xi32>
    %swap3A_3697 = vector.shape_cast %add3A_3693 : vector<16xi32> to vector<16xi32>
    tpu.vector_store %arg10[%swap3A_3694], %swap3A_3697 {strides = array<i32>} : memref<4096xi32, #tpu.memory_space<vmem>>, vector<16xi32>,
    %add3A_3698 = arith.constant 384 : i32
    %add3A_3699 = vector.broadcast %add3A_3698 : i32 to vector<16xi32>
    %add3A_3700 = arith.addi %add3A_3676, %add3A_3699 : vector<16xi32>
    %swap3A_3701 = arith.constant 1872 : index
    %swap3A_3702 = tpu.vector_load %arg10[%swap3A_3701] {strides = array<i32>} : memref<4096xi32, #tpu.memory_space<vmem>>, vector<16xi32>,
    %swap3A_3703 = vector.shape_cast %swap3A_3702 : vector<16xi32> to vector<16xi32>
    %swap3A_3704 = vector.shape_cast %add3A_3700 : vector<16xi32> to vector<16xi32>
    tpu.vector_store %arg10[%swap3A_3701], %swap3A_3704 {strides = array<i32>} : memref<4096xi32, #tpu.memory_space<vmem>>, vector<16xi32>,
    %add3A_3705 = arith.constant 512 : i32
    %add3A_3706 = vector.broadcast %add3A_3705 : i32 to vector<16xi32>
    %add3A_3707 = arith.addi %add3A_3676, %add3A_3706 : vector<16xi32>
    %swap3A_3708 = arith.constant 2384 : index
    %swap3A_3709 = tpu.vector_load %arg10[%swap3A_3708] {strides = array<i32>} : memref<4096xi32, #tpu.memory_space<vmem>>, vector<16xi32>,
    %swap3A_3710 = vector.shape_cast %swap3A_3709 : vector<16xi32> to vector<16xi32>
    %swap3A_3711 = vector.shape_cast %add3A_3707 : vector<16xi32> to vector<16xi32>
    tpu.vector_store %arg10[%swap3A_3708], %swap3A_3711 {strides = array<i32>} : memref<4096xi32, #tpu.memory_space<vmem>>, vector<16xi32>,
    %add3A_3712 = arith.constant 640 : i32
    %add3A_3713 = vector.broadcast %add3A_3712 : i32 to vector<16xi32>
    %add3A_3714 = arith.addi %add3A_3676, %add3A_3713 : vector<16xi32>
    %swap3A_3715 = arith.constant 2896 : index
    %swap3A_3716 = tpu.vector_load %arg10[%swap3A_3715] {strides = array<i32>} : memref<4096xi32, #tpu.memory_space<vmem>>, vector<16xi32>,
    %swap3A_3717 = vector.shape_cast %swap3A_3716 : vector<16xi32> to vector<16xi32>
    %swap3A_3718 = vector.shape_cast %add3A_3714 : vector<16xi32> to vector<16xi32>
    tpu.vector_store %arg10[%swap3A_3715], %swap3A_3718 {strides = array<i32>} : memref<4096xi32, #tpu.memory_space<vmem>>, vector<16xi32>,
    %add3A_3719 = arith.constant 768 : i32
    %add3A_3720 = vector.broadcast %add3A_3719 : i32 to vector<16xi32>
    %add3A_3721 = arith.addi %add3A_3676, %add3A_3720 : vector<16xi32>
    %swap3A_3722 = arith.constant 3408 : index
    %swap3A_3723 = tpu.vector_load %arg10[%swap3A_3722] {strides = array<i32>} : memref<4096xi32, #tpu.memory_space<vmem>>, vector<16xi32>,
    %swap3A_3724 = vector.shape_cast %swap3A_3723 : vector<16xi32> to vector<16xi32>
    %swap3A_3725 = vector.shape_cast %add3A_3721 : vector<16xi32> to vector<16xi32>
    tpu.vector_store %arg10[%swap3A_3722], %swap3A_3725 {strides = array<i32>} : memref<4096xi32, #tpu.memory_space<vmem>>, vector<16xi32>,
    %add3A_3726 = arith.constant 896 : i32
    %add3A_3727 = vector.broadcast %add3A_3726 : i32 to vector<16xi32>
    %add3A_3728 = arith.addi %add3A_3676, %add3A_3727 : vector<16xi32>
    %swap3A_3729 = arith.constant 3920 : index
    %swap3A_3730 = tpu.vector_load %arg10[%swap3A_3729] {strides = array<i32>} : memref<4096xi32, #tpu.memory_space<vmem>>, vector<16xi32>,
    %swap3A_3731 = vector.shape_cast %swap3A_3730 : vector<16xi32> to vector<16xi32>
    %swap3A_3732 = vector.shape_cast %add3A_3728 : vector<16xi32> to vector<16xi32>
    tpu.vector_store %arg10[%swap3A_3729], %swap3A_3732 {strides = array<i32>} : memref<4096xi32, #tpu.memory_space<vmem>>, vector<16xi32>,
    %get3A_3733 = arith.constant 352 : index
    %get3A_3734 = tpu.vector_load %arg8[%get3A_3733] {strides = array<i32>} : memref<512xi32, #tpu.memory_space<vmem>>, vector<16xi32>,
    %get3A_3735 = vector.shape_cast %get3A_3734 : vector<16xi32> to vector<16xi32>
    %shift_right_logical3A_3736 = arith.constant 7 : i32
    %shift_right_logical3A_3737 = vector.broadcast %shift_right_logical3A_3736 : i32 to vector<16xi32>
    %shift_right_logical3A_3738 = arith.shrui %get3A_3735, %shift_right_logical3A_3737 : vector<16xi32>
    %mul3A_3739 = arith.constant 1024 : i32
    %mul3A_3740 = vector.broadcast %mul3A_3739 : i32 to vector<16xi32>
    %mul3A_3741 = arith.muli %shift_right_logical3A_3738, %mul3A_3740 : vector<16xi32>
    %and3A_3742 = arith.constant 127 : i32
    %and3A_3743 = vector.broadcast %and3A_3742 : i32 to vector<16xi32>
    %and3A_3744 = arith.andi %get3A_3735, %and3A_3743 : vector<16xi32>
    %add3A_3745 = arith.addi %mul3A_3741, %and3A_3744 : vector<16xi32>
    %add3A_3746 = arith.constant 0 : i32
    %add3A_3747 = vector.broadcast %add3A_3746 : i32 to vector<16xi32>
    %add3A_3748 = arith.addi %add3A_3745, %add3A_3747 : vector<16xi32>
    %swap3A_3749 = arith.constant 352 : index
    %swap3A_3750 = tpu.vector_load %arg10[%swap3A_3749] {strides = array<i32>} : memref<4096xi32, #tpu.memory_space<vmem>>, vector<16xi32>,
    %swap3A_3751 = vector.shape_cast %swap3A_3750 : vector<16xi32> to vector<16xi32>
    %swap3A_3752 = vector.shape_cast %add3A_3748 : vector<16xi32> to vector<16xi32>
    tpu.vector_store %arg10[%swap3A_3749], %swap3A_3752 {strides = array<i32>} : memref<4096xi32, #tpu.memory_space<vmem>>, vector<16xi32>,
    %add3A_3753 = arith.constant 128 : i32
    %add3A_3754 = vector.broadcast %add3A_3753 : i32 to vector<16xi32>
    %add3A_3755 = arith.addi %add3A_3745, %add3A_3754 : vector<16xi32>
    %swap3A_3756 = arith.constant 864 : index
    %swap3A_3757 = tpu.vector_load %arg10[%swap3A_3756] {strides = array<i32>} : memref<4096xi32, #tpu.memory_space<vmem>>, vector<16xi32>,
    %swap3A_3758 = vector.shape_cast %swap3A_3757 : vector<16xi32> to vector<16xi32>
    %swap3A_3759 = vector.shape_cast %add3A_3755 : vector<16xi32> to vector<16xi32>
    tpu.vector_store %arg10[%swap3A_3756], %swap3A_3759 {strides = array<i32>} : memref<4096xi32, #tpu.memory_space<vmem>>, vector<16xi32>,
    %add3A_3760 = arith.constant 256 : i32
    %add3A_3761 = vector.broadcast %add3A_3760 : i32 to vector<16xi32>
    %add3A_3762 = arith.addi %add3A_3745, %add3A_3761 : vector<16xi32>
    %swap3A_3763 = arith.constant 1376 : index
    %swap3A_3764 = tpu.vector_load %arg10[%swap3A_3763] {strides = array<i32>} : memref<4096xi32, #tpu.memory_space<vmem>>, vector<16xi32>,
    %swap3A_3765 = vector.shape_cast %swap3A_3764 : vector<16xi32> to vector<16xi32>
    %swap3A_3766 = vector.shape_cast %add3A_3762 : vector<16xi32> to vector<16xi32>
    tpu.vector_store %arg10[%swap3A_3763], %swap3A_3766 {strides = array<i32>} : memref<4096xi32, #tpu.memory_space<vmem>>, vector<16xi32>,
    %add3A_3767 = arith.constant 384 : i32
    %add3A_3768 = vector.broadcast %add3A_3767 : i32 to vector<16xi32>
    %add3A_3769 = arith.addi %add3A_3745, %add3A_3768 : vector<16xi32>
    %swap3A_3770 = arith.constant 1888 : index
    %swap3A_3771 = tpu.vector_load %arg10[%swap3A_3770] {strides = array<i32>} : memref<4096xi32, #tpu.memory_space<vmem>>, vector<16xi32>,
    %swap3A_3772 = vector.shape_cast %swap3A_3771 : vector<16xi32> to vector<16xi32>
    %swap3A_3773 = vector.shape_cast %add3A_3769 : vector<16xi32> to vector<16xi32>
    tpu.vector_store %arg10[%swap3A_3770], %swap3A_3773 {strides = array<i32>} : memref<4096xi32, #tpu.memory_space<vmem>>, vector<16xi32>,
    %add3A_3774 = arith.constant 512 : i32
    %add3A_3775 = vector.broadcast %add3A_3774 : i32 to vector<16xi32>
    %add3A_3776 = arith.addi %add3A_3745, %add3A_3775 : vector<16xi32>
    %swap3A_3777 = arith.constant 2400 : index
    %swap3A_3778 = tpu.vector_load %arg10[%swap3A_3777] {strides = array<i32>} : memref<4096xi32, #tpu.memory_space<vmem>>, vector<16xi32>,
    %swap3A_3779 = vector.shape_cast %swap3A_3778 : vector<16xi32> to vector<16xi32>
    %swap3A_3780 = vector.shape_cast %add3A_3776 : vector<16xi32> to vector<16xi32>
    tpu.vector_store %arg10[%swap3A_3777], %swap3A_3780 {strides = array<i32>} : memref<4096xi32, #tpu.memory_space<vmem>>, vector<16xi32>,
    %add3A_3781 = arith.constant 640 : i32
    %add3A_3782 = vector.broadcast %add3A_3781 : i32 to vector<16xi32>
    %add3A_3783 = arith.addi %add3A_3745, %add3A_3782 : vector<16xi32>
    %swap3A_3784 = arith.constant 2912 : index
    %swap3A_3785 = tpu.vector_load %arg10[%swap3A_3784] {strides = array<i32>} : memref<4096xi32, #tpu.memory_space<vmem>>, vector<16xi32>,
    %swap3A_3786 = vector.shape_cast %swap3A_3785 : vector<16xi32> to vector<16xi32>
    %swap3A_3787 = vector.shape_cast %add3A_3783 : vector<16xi32> to vector<16xi32>
    tpu.vector_store %arg10[%swap3A_3784], %swap3A_3787 {strides = array<i32>} : memref<4096xi32, #tpu.memory_space<vmem>>, vector<16xi32>,
    %add3A_3788 = arith.constant 768 : i32
    %add3A_3789 = vector.broadcast %add3A_3788 : i32 to vector<16xi32>
    %add3A_3790 = arith.addi %add3A_3745, %add3A_3789 : vector<16xi32>
    %swap3A_3791 = arith.constant 3424 : index
    %swap3A_3792 = tpu.vector_load %arg10[%swap3A_3791] {strides = array<i32>} : memref<4096xi32, #tpu.memory_space<vmem>>, vector<16xi32>,
    %swap3A_3793 = vector.shape_cast %swap3A_3792 : vector<16xi32> to vector<16xi32>
    %swap3A_3794 = vector.shape_cast %add3A_3790 : vector<16xi32> to vector<16xi32>
    tpu.vector_store %arg10[%swap3A_3791], %swap3A_3794 {strides = array<i32>} : memref<4096xi32, #tpu.memory_space<vmem>>, vector<16xi32>,
    %add3A_3795 = arith.constant 896 : i32
    %add3A_3796 = vector.broadcast %add3A_3795 : i32 to vector<16xi32>
    %add3A_3797 = arith.addi %add3A_3745, %add3A_3796 : vector<16xi32>
    %swap3A_3798 = arith.constant 3936 : index
    %swap3A_3799 = tpu.vector_load %arg10[%swap3A_3798] {strides = array<i32>} : memref<4096xi32, #tpu.memory_space<vmem>>, vector<16xi32>,
    %swap3A_3800 = vector.shape_cast %swap3A_3799 : vector<16xi32> to vector<16xi32>
    %swap3A_3801 = vector.shape_cast %add3A_3797 : vector<16xi32> to vector<16xi32>
    tpu.vector_store %arg10[%swap3A_3798], %swap3A_3801 {strides = array<i32>} : memref<4096xi32, #tpu.memory_space<vmem>>, vector<16xi32>,
    %get3A_3802 = arith.constant 368 : index
    %get3A_3803 = tpu.vector_load %arg8[%get3A_3802] {strides = array<i32>} : memref<512xi32, #tpu.memory_space<vmem>>, vector<16xi32>,
    %get3A_3804 = vector.shape_cast %get3A_3803 : vector<16xi32> to vector<16xi32>
    %shift_right_logical3A_3805 = arith.constant 7 : i32
    %shift_right_logical3A_3806 = vector.broadcast %shift_right_logical3A_3805 : i32 to vector<16xi32>
    %shift_right_logical3A_3807 = arith.shrui %get3A_3804, %shift_right_logical3A_3806 : vector<16xi32>
    %mul3A_3808 = arith.constant 1024 : i32
    %mul3A_3809 = vector.broadcast %mul3A_3808 : i32 to vector<16xi32>
    %mul3A_3810 = arith.muli %shift_right_logical3A_3807, %mul3A_3809 : vector<16xi32>
    %and3A_3811 = arith.constant 127 : i32
    %and3A_3812 = vector.broadcast %and3A_3811 : i32 to vector<16xi32>
    %and3A_3813 = arith.andi %get3A_3804, %and3A_3812 : vector<16xi32>
    %add3A_3814 = arith.addi %mul3A_3810, %and3A_3813 : vector<16xi32>
    %add3A_3815 = arith.constant 0 : i32
    %add3A_3816 = vector.broadcast %add3A_3815 : i32 to vector<16xi32>
    %add3A_3817 = arith.addi %add3A_3814, %add3A_3816 : vector<16xi32>
    %swap3A_3818 = arith.constant 368 : index
    %swap3A_3819 = tpu.vector_load %arg10[%swap3A_3818] {strides = array<i32>} : memref<4096xi32, #tpu.memory_space<vmem>>, vector<16xi32>,
    %swap3A_3820 = vector.shape_cast %swap3A_3819 : vector<16xi32> to vector<16xi32>
    %swap3A_3821 = vector.shape_cast %add3A_3817 : vector<16xi32> to vector<16xi32>
    tpu.vector_store %arg10[%swap3A_3818], %swap3A_3821 {strides = array<i32>} : memref<4096xi32, #tpu.memory_space<vmem>>, vector<16xi32>,
    %add3A_3822 = arith.constant 128 : i32
    %add3A_3823 = vector.broadcast %add3A_3822 : i32 to vector<16xi32>
    %add3A_3824 = arith.addi %add3A_3814, %add3A_3823 : vector<16xi32>
    %swap3A_3825 = arith.constant 880 : index
    %swap3A_3826 = tpu.vector_load %arg10[%swap3A_3825] {strides = array<i32>} : memref<4096xi32, #tpu.memory_space<vmem>>, vector<16xi32>,
    %swap3A_3827 = vector.shape_cast %swap3A_3826 : vector<16xi32> to vector<16xi32>
    %swap3A_3828 = vector.shape_cast %add3A_3824 : vector<16xi32> to vector<16xi32>
    tpu.vector_store %arg10[%swap3A_3825], %swap3A_3828 {strides = array<i32>} : memref<4096xi32, #tpu.memory_space<vmem>>, vector<16xi32>,
    %add3A_3829 = arith.constant 256 : i32
    %add3A_3830 = vector.broadcast %add3A_3829 : i32 to vector<16xi32>
    %add3A_3831 = arith.addi %add3A_3814, %add3A_3830 : vector<16xi32>
    %swap3A_3832 = arith.constant 1392 : index
    %swap3A_3833 = tpu.vector_load %arg10[%swap3A_3832] {strides = array<i32>} : memref<4096xi32, #tpu.memory_space<vmem>>, vector<16xi32>,
    %swap3A_3834 = vector.shape_cast %swap3A_3833 : vector<16xi32> to vector<16xi32>
    %swap3A_3835 = vector.shape_cast %add3A_3831 : vector<16xi32> to vector<16xi32>
    tpu.vector_store %arg10[%swap3A_3832], %swap3A_3835 {strides = array<i32>} : memref<4096xi32, #tpu.memory_space<vmem>>, vector<16xi32>,
    %add3A_3836 = arith.constant 384 : i32
    %add3A_3837 = vector.broadcast %add3A_3836 : i32 to vector<16xi32>
    %add3A_3838 = arith.addi %add3A_3814, %add3A_3837 : vector<16xi32>
    %swap3A_3839 = arith.constant 1904 : index
    %swap3A_3840 = tpu.vector_load %arg10[%swap3A_3839] {strides = array<i32>} : memref<4096xi32, #tpu.memory_space<vmem>>, vector<16xi32>,
    %swap3A_3841 = vector.shape_cast %swap3A_3840 : vector<16xi32> to vector<16xi32>
    %swap3A_3842 = vector.shape_cast %add3A_3838 : vector<16xi32> to vector<16xi32>
    tpu.vector_store %arg10[%swap3A_3839], %swap3A_3842 {strides = array<i32>} : memref<4096xi32, #tpu.memory_space<vmem>>, vector<16xi32>,
    %add3A_3843 = arith.constant 512 : i32
    %add3A_3844 = vector.broadcast %add3A_3843 : i32 to vector<16xi32>
    %add3A_3845 = arith.addi %add3A_3814, %add3A_3844 : vector<16xi32>
    %swap3A_3846 = arith.constant 2416 : index
    %swap3A_3847 = tpu.vector_load %arg10[%swap3A_3846] {strides = array<i32>} : memref<4096xi32, #tpu.memory_space<vmem>>, vector<16xi32>,
    %swap3A_3848 = vector.shape_cast %swap3A_3847 : vector<16xi32> to vector<16xi32>
    %swap3A_3849 = vector.shape_cast %add3A_3845 : vector<16xi32> to vector<16xi32>
    tpu.vector_store %arg10[%swap3A_3846], %swap3A_3849 {strides = array<i32>} : memref<4096xi32, #tpu.memory_space<vmem>>, vector<16xi32>,
    %add3A_3850 = arith.constant 640 : i32
    %add3A_3851 = vector.broadcast %add3A_3850 : i32 to vector<16xi32>
    %add3A_3852 = arith.addi %add3A_3814, %add3A_3851 : vector<16xi32>
    %swap3A_3853 = arith.constant 2928 : index
    %swap3A_3854 = tpu.vector_load %arg10[%swap3A_3853] {strides = array<i32>} : memref<4096xi32, #tpu.memory_space<vmem>>, vector<16xi32>,
    %swap3A_3855 = vector.shape_cast %swap3A_3854 : vector<16xi32> to vector<16xi32>
    %swap3A_3856 = vector.shape_cast %add3A_3852 : vector<16xi32> to vector<16xi32>
    tpu.vector_store %arg10[%swap3A_3853], %swap3A_3856 {strides = array<i32>} : memref<4096xi32, #tpu.memory_space<vmem>>, vector<16xi32>,
    %add3A_3857 = arith.constant 768 : i32
    %add3A_3858 = vector.broadcast %add3A_3857 : i32 to vector<16xi32>
    %add3A_3859 = arith.addi %add3A_3814, %add3A_3858 : vector<16xi32>
    %swap3A_3860 = arith.constant 3440 : index
    %swap3A_3861 = tpu.vector_load %arg10[%swap3A_3860] {strides = array<i32>} : memref<4096xi32, #tpu.memory_space<vmem>>, vector<16xi32>,
    %swap3A_3862 = vector.shape_cast %swap3A_3861 : vector<16xi32> to vector<16xi32>
    %swap3A_3863 = vector.shape_cast %add3A_3859 : vector<16xi32> to vector<16xi32>
    tpu.vector_store %arg10[%swap3A_3860], %swap3A_3863 {strides = array<i32>} : memref<4096xi32, #tpu.memory_space<vmem>>, vector<16xi32>,
    %add3A_3864 = arith.constant 896 : i32
    %add3A_3865 = vector.broadcast %add3A_3864 : i32 to vector<16xi32>
    %add3A_3866 = arith.addi %add3A_3814, %add3A_3865 : vector<16xi32>
    %swap3A_3867 = arith.constant 3952 : index
    %swap3A_3868 = tpu.vector_load %arg10[%swap3A_3867] {strides = array<i32>} : memref<4096xi32, #tpu.memory_space<vmem>>, vector<16xi32>,
    %swap3A_3869 = vector.shape_cast %swap3A_3868 : vector<16xi32> to vector<16xi32>
    %swap3A_3870 = vector.shape_cast %add3A_3866 : vector<16xi32> to vector<16xi32>
    tpu.vector_store %arg10[%swap3A_3867], %swap3A_3870 {strides = array<i32>} : memref<4096xi32, #tpu.memory_space<vmem>>, vector<16xi32>,
    %get3A_3871 = arith.constant 384 : index
    %get3A_3872 = tpu.vector_load %arg8[%get3A_3871] {strides = array<i32>} : memref<512xi32, #tpu.memory_space<vmem>>, vector<16xi32>,
    %get3A_3873 = vector.shape_cast %get3A_3872 : vector<16xi32> to vector<16xi32>
    %shift_right_logical3A_3874 = arith.constant 7 : i32
    %shift_right_logical3A_3875 = vector.broadcast %shift_right_logical3A_3874 : i32 to vector<16xi32>
    %shift_right_logical3A_3876 = arith.shrui %get3A_3873, %shift_right_logical3A_3875 : vector<16xi32>
    %mul3A_3877 = arith.constant 1024 : i32
    %mul3A_3878 = vector.broadcast %mul3A_3877 : i32 to vector<16xi32>
    %mul3A_3879 = arith.muli %shift_right_logical3A_3876, %mul3A_3878 : vector<16xi32>
    %and3A_3880 = arith.constant 127 : i32
    %and3A_3881 = vector.broadcast %and3A_3880 : i32 to vector<16xi32>
    %and3A_3882 = arith.andi %get3A_3873, %and3A_3881 : vector<16xi32>
    %add3A_3883 = arith.addi %mul3A_3879, %and3A_3882 : vector<16xi32>
    %add3A_3884 = arith.constant 0 : i32
    %add3A_3885 = vector.broadcast %add3A_3884 : i32 to vector<16xi32>
    %add3A_3886 = arith.addi %add3A_3883, %add3A_3885 : vector<16xi32>
    %swap3A_3887 = arith.constant 384 : index
    %swap3A_3888 = tpu.vector_load %arg10[%swap3A_3887] {strides = array<i32>} : memref<4096xi32, #tpu.memory_space<vmem>>, vector<16xi32>,
    %swap3A_3889 = vector.shape_cast %swap3A_3888 : vector<16xi32> to vector<16xi32>
    %swap3A_3890 = vector.shape_cast %add3A_3886 : vector<16xi32> to vector<16xi32>
    tpu.vector_store %arg10[%swap3A_3887], %swap3A_3890 {strides = array<i32>} : memref<4096xi32, #tpu.memory_space<vmem>>, vector<16xi32>,
    %add3A_3891 = arith.constant 128 : i32
    %add3A_3892 = vector.broadcast %add3A_3891 : i32 to vector<16xi32>
    %add3A_3893 = arith.addi %add3A_3883, %add3A_3892 : vector<16xi32>
    %swap3A_3894 = arith.constant 896 : index
    %swap3A_3895 = tpu.vector_load %arg10[%swap3A_3894] {strides = array<i32>} : memref<4096xi32, #tpu.memory_space<vmem>>, vector<16xi32>,
    %swap3A_3896 = vector.shape_cast %swap3A_3895 : vector<16xi32> to vector<16xi32>
    %swap3A_3897 = vector.shape_cast %add3A_3893 : vector<16xi32> to vector<16xi32>
    tpu.vector_store %arg10[%swap3A_3894], %swap3A_3897 {strides = array<i32>} : memref<4096xi32, #tpu.memory_space<vmem>>, vector<16xi32>,
    %add3A_3898 = arith.constant 256 : i32
    %add3A_3899 = vector.broadcast %add3A_3898 : i32 to vector<16xi32>
    %add3A_3900 = arith.addi %add3A_3883, %add3A_3899 : vector<16xi32>
    %swap3A_3901 = arith.constant 1408 : index
    %swap3A_3902 = tpu.vector_load %arg10[%swap3A_3901] {strides = array<i32>} : memref<4096xi32, #tpu.memory_space<vmem>>, vector<16xi32>,
    %swap3A_3903 = vector.shape_cast %swap3A_3902 : vector<16xi32> to vector<16xi32>
    %swap3A_3904 = vector.shape_cast %add3A_3900 : vector<16xi32> to vector<16xi32>
    tpu.vector_store %arg10[%swap3A_3901], %swap3A_3904 {strides = array<i32>} : memref<4096xi32, #tpu.memory_space<vmem>>, vector<16xi32>,
    %add3A_3905 = arith.constant 384 : i32
    %add3A_3906 = vector.broadcast %add3A_3905 : i32 to vector<16xi32>
    %add3A_3907 = arith.addi %add3A_3883, %add3A_3906 : vector<16xi32>
    %swap3A_3908 = arith.constant 1920 : index
    %swap3A_3909 = tpu.vector_load %arg10[%swap3A_3908] {strides = array<i32>} : memref<4096xi32, #tpu.memory_space<vmem>>, vector<16xi32>,
    %swap3A_3910 = vector.shape_cast %swap3A_3909 : vector<16xi32> to vector<16xi32>
    %swap3A_3911 = vector.shape_cast %add3A_3907 : vector<16xi32> to vector<16xi32>
    tpu.vector_store %arg10[%swap3A_3908], %swap3A_3911 {strides = array<i32>} : memref<4096xi32, #tpu.memory_space<vmem>>, vector<16xi32>,
    %add3A_3912 = arith.constant 512 : i32
    %add3A_3913 = vector.broadcast %add3A_3912 : i32 to vector<16xi32>
    %add3A_3914 = arith.addi %add3A_3883, %add3A_3913 : vector<16xi32>
    %swap3A_3915 = arith.constant 2432 : index
    %swap3A_3916 = tpu.vector_load %arg10[%swap3A_3915] {strides = array<i32>} : memref<4096xi32, #tpu.memory_space<vmem>>, vector<16xi32>,
    %swap3A_3917 = vector.shape_cast %swap3A_3916 : vector<16xi32> to vector<16xi32>
    %swap3A_3918 = vector.shape_cast %add3A_3914 : vector<16xi32> to vector<16xi32>
    tpu.vector_store %arg10[%swap3A_3915], %swap3A_3918 {strides = array<i32>} : memref<4096xi32, #tpu.memory_space<vmem>>, vector<16xi32>,
    %add3A_3919 = arith.constant 640 : i32
    %add3A_3920 = vector.broadcast %add3A_3919 : i32 to vector<16xi32>
    %add3A_3921 = arith.addi %add3A_3883, %add3A_3920 : vector<16xi32>
    %swap3A_3922 = arith.constant 2944 : index
    %swap3A_3923 = tpu.vector_load %arg10[%swap3A_3922] {strides = array<i32>} : memref<4096xi32, #tpu.memory_space<vmem>>, vector<16xi32>,
    %swap3A_3924 = vector.shape_cast %swap3A_3923 : vector<16xi32> to vector<16xi32>
    %swap3A_3925 = vector.shape_cast %add3A_3921 : vector<16xi32> to vector<16xi32>
    tpu.vector_store %arg10[%swap3A_3922], %swap3A_3925 {strides = array<i32>} : memref<4096xi32, #tpu.memory_space<vmem>>, vector<16xi32>,
    %add3A_3926 = arith.constant 768 : i32
    %add3A_3927 = vector.broadcast %add3A_3926 : i32 to vector<16xi32>
    %add3A_3928 = arith.addi %add3A_3883, %add3A_3927 : vector<16xi32>
    %swap3A_3929 = arith.constant 3456 : index
    %swap3A_3930 = tpu.vector_load %arg10[%swap3A_3929] {strides = array<i32>} : memref<4096xi32, #tpu.memory_space<vmem>>, vector<16xi32>,
    %swap3A_3931 = vector.shape_cast %swap3A_3930 : vector<16xi32> to vector<16xi32>
    %swap3A_3932 = vector.shape_cast %add3A_3928 : vector<16xi32> to vector<16xi32>
    tpu.vector_store %arg10[%swap3A_3929], %swap3A_3932 {strides = array<i32>} : memref<4096xi32, #tpu.memory_space<vmem>>, vector<16xi32>,
    %add3A_3933 = arith.constant 896 : i32
    %add3A_3934 = vector.broadcast %add3A_3933 : i32 to vector<16xi32>
    %add3A_3935 = arith.addi %add3A_3883, %add3A_3934 : vector<16xi32>
    %swap3A_3936 = arith.constant 3968 : index
    %swap3A_3937 = tpu.vector_load %arg10[%swap3A_3936] {strides = array<i32>} : memref<4096xi32, #tpu.memory_space<vmem>>, vector<16xi32>,
    %swap3A_3938 = vector.shape_cast %swap3A_3937 : vector<16xi32> to vector<16xi32>
    %swap3A_3939 = vector.shape_cast %add3A_3935 : vector<16xi32> to vector<16xi32>
    tpu.vector_store %arg10[%swap3A_3936], %swap3A_3939 {strides = array<i32>} : memref<4096xi32, #tpu.memory_space<vmem>>, vector<16xi32>,
    %get3A_3940 = arith.constant 400 : index
    %get3A_3941 = tpu.vector_load %arg8[%get3A_3940] {strides = array<i32>} : memref<512xi32, #tpu.memory_space<vmem>>, vector<16xi32>,
    %get3A_3942 = vector.shape_cast %get3A_3941 : vector<16xi32> to vector<16xi32>
    %shift_right_logical3A_3943 = arith.constant 7 : i32
    %shift_right_logical3A_3944 = vector.broadcast %shift_right_logical3A_3943 : i32 to vector<16xi32>
    %shift_right_logical3A_3945 = arith.shrui %get3A_3942, %shift_right_logical3A_3944 : vector<16xi32>
    %mul3A_3946 = arith.constant 1024 : i32
    %mul3A_3947 = vector.broadcast %mul3A_3946 : i32 to vector<16xi32>
    %mul3A_3948 = arith.muli %shift_right_logical3A_3945, %mul3A_3947 : vector<16xi32>
    %and3A_3949 = arith.constant 127 : i32
    %and3A_3950 = vector.broadcast %and3A_3949 : i32 to vector<16xi32>
    %and3A_3951 = arith.andi %get3A_3942, %and3A_3950 : vector<16xi32>
    %add3A_3952 = arith.addi %mul3A_3948, %and3A_3951 : vector<16xi32>
    %add3A_3953 = arith.constant 0 : i32
    %add3A_3954 = vector.broadcast %add3A_3953 : i32 to vector<16xi32>
    %add3A_3955 = arith.addi %add3A_3952, %add3A_3954 : vector<16xi32>
    %swap3A_3956 = arith.constant 400 : index
    %swap3A_3957 = tpu.vector_load %arg10[%swap3A_3956] {strides = array<i32>} : memref<4096xi32, #tpu.memory_space<vmem>>, vector<16xi32>,
    %swap3A_3958 = vector.shape_cast %swap3A_3957 : vector<16xi32> to vector<16xi32>
    %swap3A_3959 = vector.shape_cast %add3A_3955 : vector<16xi32> to vector<16xi32>
    tpu.vector_store %arg10[%swap3A_3956], %swap3A_3959 {strides = array<i32>} : memref<4096xi32, #tpu.memory_space<vmem>>, vector<16xi32>,
    %add3A_3960 = arith.constant 128 : i32
    %add3A_3961 = vector.broadcast %add3A_3960 : i32 to vector<16xi32>
    %add3A_3962 = arith.addi %add3A_3952, %add3A_3961 : vector<16xi32>
    %swap3A_3963 = arith.constant 912 : index
    %swap3A_3964 = tpu.vector_load %arg10[%swap3A_3963] {strides = array<i32>} : memref<4096xi32, #tpu.memory_space<vmem>>, vector<16xi32>,
    %swap3A_3965 = vector.shape_cast %swap3A_3964 : vector<16xi32> to vector<16xi32>
    %swap3A_3966 = vector.shape_cast %add3A_3962 : vector<16xi32> to vector<16xi32>
    tpu.vector_store %arg10[%swap3A_3963], %swap3A_3966 {strides = array<i32>} : memref<4096xi32, #tpu.memory_space<vmem>>, vector<16xi32>,
    %add3A_3967 = arith.constant 256 : i32
    %add3A_3968 = vector.broadcast %add3A_3967 : i32 to vector<16xi32>
    %add3A_3969 = arith.addi %add3A_3952, %add3A_3968 : vector<16xi32>
    %swap3A_3970 = arith.constant 1424 : index
    %swap3A_3971 = tpu.vector_load %arg10[%swap3A_3970] {strides = array<i32>} : memref<4096xi32, #tpu.memory_space<vmem>>, vector<16xi32>,
    %swap3A_3972 = vector.shape_cast %swap3A_3971 : vector<16xi32> to vector<16xi32>
    %swap3A_3973 = vector.shape_cast %add3A_3969 : vector<16xi32> to vector<16xi32>
    tpu.vector_store %arg10[%swap3A_3970], %swap3A_3973 {strides = array<i32>} : memref<4096xi32, #tpu.memory_space<vmem>>, vector<16xi32>,
    %add3A_3974 = arith.constant 384 : i32
    %add3A_3975 = vector.broadcast %add3A_3974 : i32 to vector<16xi32>
    %add3A_3976 = arith.addi %add3A_3952, %add3A_3975 : vector<16xi32>
    %swap3A_3977 = arith.constant 1936 : index
    %swap3A_3978 = tpu.vector_load %arg10[%swap3A_3977] {strides = array<i32>} : memref<4096xi32, #tpu.memory_space<vmem>>, vector<16xi32>,
    %swap3A_3979 = vector.shape_cast %swap3A_3978 : vector<16xi32> to vector<16xi32>
    %swap3A_3980 = vector.shape_cast %add3A_3976 : vector<16xi32> to vector<16xi32>
    tpu.vector_store %arg10[%swap3A_3977], %swap3A_3980 {strides = array<i32>} : memref<4096xi32, #tpu.memory_space<vmem>>, vector<16xi32>,
    %add3A_3981 = arith.constant 512 : i32
    %add3A_3982 = vector.broadcast %add3A_3981 : i32 to vector<16xi32>
    %add3A_3983 = arith.addi %add3A_3952, %add3A_3982 : vector<16xi32>
    %swap3A_3984 = arith.constant 2448 : index
    %swap3A_3985 = tpu.vector_load %arg10[%swap3A_3984] {strides = array<i32>} : memref<4096xi32, #tpu.memory_space<vmem>>, vector<16xi32>,
    %swap3A_3986 = vector.shape_cast %swap3A_3985 : vector<16xi32> to vector<16xi32>
    %swap3A_3987 = vector.shape_cast %add3A_3983 : vector<16xi32> to vector<16xi32>
    tpu.vector_store %arg10[%swap3A_3984], %swap3A_3987 {strides = array<i32>} : memref<4096xi32, #tpu.memory_space<vmem>>, vector<16xi32>,
    %add3A_3988 = arith.constant 640 : i32
    %add3A_3989 = vector.broadcast %add3A_3988 : i32 to vector<16xi32>
    %add3A_3990 = arith.addi %add3A_3952, %add3A_3989 : vector<16xi32>
    %swap3A_3991 = arith.constant 2960 : index
    %swap3A_3992 = tpu.vector_load %arg10[%swap3A_3991] {strides = array<i32>} : memref<4096xi32, #tpu.memory_space<vmem>>, vector<16xi32>,
    %swap3A_3993 = vector.shape_cast %swap3A_3992 : vector<16xi32> to vector<16xi32>
    %swap3A_3994 = vector.shape_cast %add3A_3990 : vector<16xi32> to vector<16xi32>
    tpu.vector_store %arg10[%swap3A_3991], %swap3A_3994 {strides = array<i32>} : memref<4096xi32, #tpu.memory_space<vmem>>, vector<16xi32>,
    %add3A_3995 = arith.constant 768 : i32
    %add3A_3996 = vector.broadcast %add3A_3995 : i32 to vector<16xi32>
    %add3A_3997 = arith.addi %add3A_3952, %add3A_3996 : vector<16xi32>
    %swap3A_3998 = arith.constant 3472 : index
    %swap3A_3999 = tpu.vector_load %arg10[%swap3A_3998] {strides = array<i32>} : memref<4096xi32, #tpu.memory_space<vmem>>, vector<16xi32>,
    %swap3A_4000 = vector.shape_cast %swap3A_3999 : vector<16xi32> to vector<16xi32>
    %swap3A_4001 = vector.shape_cast %add3A_3997 : vector<16xi32> to vector<16xi32>
    tpu.vector_store %arg10[%swap3A_3998], %swap3A_4001 {strides = array<i32>} : memref<4096xi32, #tpu.memory_space<vmem>>, vector<16xi32>,
    %add3A_4002 = arith.constant 896 : i32
    %add3A_4003 = vector.broadcast %add3A_4002 : i32 to vector<16xi32>
    %add3A_4004 = arith.addi %add3A_3952, %add3A_4003 : vector<16xi32>
    %swap3A_4005 = arith.constant 3984 : index
    %swap3A_4006 = tpu.vector_load %arg10[%swap3A_4005] {strides = array<i32>} : memref<4096xi32, #tpu.memory_space<vmem>>, vector<16xi32>,
    %swap3A_4007 = vector.shape_cast %swap3A_4006 : vector<16xi32> to vector<16xi32>
    %swap3A_4008 = vector.shape_cast %add3A_4004 : vector<16xi32> to vector<16xi32>
    tpu.vector_store %arg10[%swap3A_4005], %swap3A_4008 {strides = array<i32>} : memref<4096xi32, #tpu.memory_space<vmem>>, vector<16xi32>,
    %get3A_4009 = arith.constant 416 : index
    %get3A_4010 = tpu.vector_load %arg8[%get3A_4009] {strides = array<i32>} : memref<512xi32, #tpu.memory_space<vmem>>, vector<16xi32>,
    %get3A_4011 = vector.shape_cast %get3A_4010 : vector<16xi32> to vector<16xi32>
    %shift_right_logical3A_4012 = arith.constant 7 : i32
    %shift_right_logical3A_4013 = vector.broadcast %shift_right_logical3A_4012 : i32 to vector<16xi32>
    %shift_right_logical3A_4014 = arith.shrui %get3A_4011, %shift_right_logical3A_4013 : vector<16xi32>
    %mul3A_4015 = arith.constant 1024 : i32
    %mul3A_4016 = vector.broadcast %mul3A_4015 : i32 to vector<16xi32>
    %mul3A_4017 = arith.muli %shift_right_logical3A_4014, %mul3A_4016 : vector<16xi32>
    %and3A_4018 = arith.constant 127 : i32
    %and3A_4019 = vector.broadcast %and3A_4018 : i32 to vector<16xi32>
    %and3A_4020 = arith.andi %get3A_4011, %and3A_4019 : vector<16xi32>
    %add3A_4021 = arith.addi %mul3A_4017, %and3A_4020 : vector<16xi32>
    %add3A_4022 = arith.constant 0 : i32
    %add3A_4023 = vector.broadcast %add3A_4022 : i32 to vector<16xi32>
    %add3A_4024 = arith.addi %add3A_4021, %add3A_4023 : vector<16xi32>
    %swap3A_4025 = arith.constant 416 : index
    %swap3A_4026 = tpu.vector_load %arg10[%swap3A_4025] {strides = array<i32>} : memref<4096xi32, #tpu.memory_space<vmem>>, vector<16xi32>,
    %swap3A_4027 = vector.shape_cast %swap3A_4026 : vector<16xi32> to vector<16xi32>
    %swap3A_4028 = vector.shape_cast %add3A_4024 : vector<16xi32> to vector<16xi32>
    tpu.vector_store %arg10[%swap3A_4025], %swap3A_4028 {strides = array<i32>} : memref<4096xi32, #tpu.memory_space<vmem>>, vector<16xi32>,
    %add3A_4029 = arith.constant 128 : i32
    %add3A_4030 = vector.broadcast %add3A_4029 : i32 to vector<16xi32>
    %add3A_4031 = arith.addi %add3A_4021, %add3A_4030 : vector<16xi32>
    %swap3A_4032 = arith.constant 928 : index
    %swap3A_4033 = tpu.vector_load %arg10[%swap3A_4032] {strides = array<i32>} : memref<4096xi32, #tpu.memory_space<vmem>>, vector<16xi32>,
    %swap3A_4034 = vector.shape_cast %swap3A_4033 : vector<16xi32> to vector<16xi32>
    %swap3A_4035 = vector.shape_cast %add3A_4031 : vector<16xi32> to vector<16xi32>
    tpu.vector_store %arg10[%swap3A_4032], %swap3A_4035 {strides = array<i32>} : memref<4096xi32, #tpu.memory_space<vmem>>, vector<16xi32>,
    %add3A_4036 = arith.constant 256 : i32
    %add3A_4037 = vector.broadcast %add3A_4036 : i32 to vector<16xi32>
    %add3A_4038 = arith.addi %add3A_4021, %add3A_4037 : vector<16xi32>
    %swap3A_4039 = arith.constant 1440 : index
    %swap3A_4040 = tpu.vector_load %arg10[%swap3A_4039] {strides = array<i32>} : memref<4096xi32, #tpu.memory_space<vmem>>, vector<16xi32>,
    %swap3A_4041 = vector.shape_cast %swap3A_4040 : vector<16xi32> to vector<16xi32>
    %swap3A_4042 = vector.shape_cast %add3A_4038 : vector<16xi32> to vector<16xi32>
    tpu.vector_store %arg10[%swap3A_4039], %swap3A_4042 {strides = array<i32>} : memref<4096xi32, #tpu.memory_space<vmem>>, vector<16xi32>,
    %add3A_4043 = arith.constant 384 : i32
    %add3A_4044 = vector.broadcast %add3A_4043 : i32 to vector<16xi32>
    %add3A_4045 = arith.addi %add3A_4021, %add3A_4044 : vector<16xi32>
    %swap3A_4046 = arith.constant 1952 : index
    %swap3A_4047 = tpu.vector_load %arg10[%swap3A_4046] {strides = array<i32>} : memref<4096xi32, #tpu.memory_space<vmem>>, vector<16xi32>,
    %swap3A_4048 = vector.shape_cast %swap3A_4047 : vector<16xi32> to vector<16xi32>
    %swap3A_4049 = vector.shape_cast %add3A_4045 : vector<16xi32> to vector<16xi32>
    tpu.vector_store %arg10[%swap3A_4046], %swap3A_4049 {strides = array<i32>} : memref<4096xi32, #tpu.memory_space<vmem>>, vector<16xi32>,
    %add3A_4050 = arith.constant 512 : i32
    %add3A_4051 = vector.broadcast %add3A_4050 : i32 to vector<16xi32>
    %add3A_4052 = arith.addi %add3A_4021, %add3A_4051 : vector<16xi32>
    %swap3A_4053 = arith.constant 2464 : index
    %swap3A_4054 = tpu.vector_load %arg10[%swap3A_4053] {strides = array<i32>} : memref<4096xi32, #tpu.memory_space<vmem>>, vector<16xi32>,
    %swap3A_4055 = vector.shape_cast %swap3A_4054 : vector<16xi32> to vector<16xi32>
    %swap3A_4056 = vector.shape_cast %add3A_4052 : vector<16xi32> to vector<16xi32>
    tpu.vector_store %arg10[%swap3A_4053], %swap3A_4056 {strides = array<i32>} : memref<4096xi32, #tpu.memory_space<vmem>>, vector<16xi32>,
    %add3A_4057 = arith.constant 640 : i32
    %add3A_4058 = vector.broadcast %add3A_4057 : i32 to vector<16xi32>
    %add3A_4059 = arith.addi %add3A_4021, %add3A_4058 : vector<16xi32>
    %swap3A_4060 = arith.constant 2976 : index
    %swap3A_4061 = tpu.vector_load %arg10[%swap3A_4060] {strides = array<i32>} : memref<4096xi32, #tpu.memory_space<vmem>>, vector<16xi32>,
    %swap3A_4062 = vector.shape_cast %swap3A_4061 : vector<16xi32> to vector<16xi32>
    %swap3A_4063 = vector.shape_cast %add3A_4059 : vector<16xi32> to vector<16xi32>
    tpu.vector_store %arg10[%swap3A_4060], %swap3A_4063 {strides = array<i32>} : memref<4096xi32, #tpu.memory_space<vmem>>, vector<16xi32>,
    %add3A_4064 = arith.constant 768 : i32
    %add3A_4065 = vector.broadcast %add3A_4064 : i32 to vector<16xi32>
    %add3A_4066 = arith.addi %add3A_4021, %add3A_4065 : vector<16xi32>
    %swap3A_4067 = arith.constant 3488 : index
    %swap3A_4068 = tpu.vector_load %arg10[%swap3A_4067] {strides = array<i32>} : memref<4096xi32, #tpu.memory_space<vmem>>, vector<16xi32>,
    %swap3A_4069 = vector.shape_cast %swap3A_4068 : vector<16xi32> to vector<16xi32>
    %swap3A_4070 = vector.shape_cast %add3A_4066 : vector<16xi32> to vector<16xi32>
    tpu.vector_store %arg10[%swap3A_4067], %swap3A_4070 {strides = array<i32>} : memref<4096xi32, #tpu.memory_space<vmem>>, vector<16xi32>,
    %add3A_4071 = arith.constant 896 : i32
    %add3A_4072 = vector.broadcast %add3A_4071 : i32 to vector<16xi32>
    %add3A_4073 = arith.addi %add3A_4021, %add3A_4072 : vector<16xi32>
    %swap3A_4074 = arith.constant 4000 : index
    %swap3A_4075 = tpu.vector_load %arg10[%swap3A_4074] {strides = array<i32>} : memref<4096xi32, #tpu.memory_space<vmem>>, vector<16xi32>,
    %swap3A_4076 = vector.shape_cast %swap3A_4075 : vector<16xi32> to vector<16xi32>
    %swap3A_4077 = vector.shape_cast %add3A_4073 : vector<16xi32> to vector<16xi32>
    tpu.vector_store %arg10[%swap3A_4074], %swap3A_4077 {strides = array<i32>} : memref<4096xi32, #tpu.memory_space<vmem>>, vector<16xi32>,
    %get3A_4078 = arith.constant 432 : index
    %get3A_4079 = tpu.vector_load %arg8[%get3A_4078] {strides = array<i32>} : memref<512xi32, #tpu.memory_space<vmem>>, vector<16xi32>,
    %get3A_4080 = vector.shape_cast %get3A_4079 : vector<16xi32> to vector<16xi32>
    %shift_right_logical3A_4081 = arith.constant 7 : i32
    %shift_right_logical3A_4082 = vector.broadcast %shift_right_logical3A_4081 : i32 to vector<16xi32>
    %shift_right_logical3A_4083 = arith.shrui %get3A_4080, %shift_right_logical3A_4082 : vector<16xi32>
    %mul3A_4084 = arith.constant 1024 : i32
    %mul3A_4085 = vector.broadcast %mul3A_4084 : i32 to vector<16xi32>
    %mul3A_4086 = arith.muli %shift_right_logical3A_4083, %mul3A_4085 : vector<16xi32>
    %and3A_4087 = arith.constant 127 : i32
    %and3A_4088 = vector.broadcast %and3A_4087 : i32 to vector<16xi32>
    %and3A_4089 = arith.andi %get3A_4080, %and3A_4088 : vector<16xi32>
    %add3A_4090 = arith.addi %mul3A_4086, %and3A_4089 : vector<16xi32>
    %add3A_4091 = arith.constant 0 : i32
    %add3A_4092 = vector.broadcast %add3A_4091 : i32 to vector<16xi32>
    %add3A_4093 = arith.addi %add3A_4090, %add3A_4092 : vector<16xi32>
    %swap3A_4094 = arith.constant 432 : index
    %swap3A_4095 = tpu.vector_load %arg10[%swap3A_4094] {strides = array<i32>} : memref<4096xi32, #tpu.memory_space<vmem>>, vector<16xi32>,
    %swap3A_4096 = vector.shape_cast %swap3A_4095 : vector<16xi32> to vector<16xi32>
    %swap3A_4097 = vector.shape_cast %add3A_4093 : vector<16xi32> to vector<16xi32>
    tpu.vector_store %arg10[%swap3A_4094], %swap3A_4097 {strides = array<i32>} : memref<4096xi32, #tpu.memory_space<vmem>>, vector<16xi32>,
    %add3A_4098 = arith.constant 128 : i32
    %add3A_4099 = vector.broadcast %add3A_4098 : i32 to vector<16xi32>
    %add3A_4100 = arith.addi %add3A_4090, %add3A_4099 : vector<16xi32>
    %swap3A_4101 = arith.constant 944 : index
    %swap3A_4102 = tpu.vector_load %arg10[%swap3A_4101] {strides = array<i32>} : memref<4096xi32, #tpu.memory_space<vmem>>, vector<16xi32>,
    %swap3A_4103 = vector.shape_cast %swap3A_4102 : vector<16xi32> to vector<16xi32>
    %swap3A_4104 = vector.shape_cast %add3A_4100 : vector<16xi32> to vector<16xi32>
    tpu.vector_store %arg10[%swap3A_4101], %swap3A_4104 {strides = array<i32>} : memref<4096xi32, #tpu.memory_space<vmem>>, vector<16xi32>,
    %add3A_4105 = arith.constant 256 : i32
    %add3A_4106 = vector.broadcast %add3A_4105 : i32 to vector<16xi32>
    %add3A_4107 = arith.addi %add3A_4090, %add3A_4106 : vector<16xi32>
    %swap3A_4108 = arith.constant 1456 : index
    %swap3A_4109 = tpu.vector_load %arg10[%swap3A_4108] {strides = array<i32>} : memref<4096xi32, #tpu.memory_space<vmem>>, vector<16xi32>,
    %swap3A_4110 = vector.shape_cast %swap3A_4109 : vector<16xi32> to vector<16xi32>
    %swap3A_4111 = vector.shape_cast %add3A_4107 : vector<16xi32> to vector<16xi32>
    tpu.vector_store %arg10[%swap3A_4108], %swap3A_4111 {strides = array<i32>} : memref<4096xi32, #tpu.memory_space<vmem>>, vector<16xi32>,
    %add3A_4112 = arith.constant 384 : i32
    %add3A_4113 = vector.broadcast %add3A_4112 : i32 to vector<16xi32>
    %add3A_4114 = arith.addi %add3A_4090, %add3A_4113 : vector<16xi32>
    %swap3A_4115 = arith.constant 1968 : index
    %swap3A_4116 = tpu.vector_load %arg10[%swap3A_4115] {strides = array<i32>} : memref<4096xi32, #tpu.memory_space<vmem>>, vector<16xi32>,
    %swap3A_4117 = vector.shape_cast %swap3A_4116 : vector<16xi32> to vector<16xi32>
    %swap3A_4118 = vector.shape_cast %add3A_4114 : vector<16xi32> to vector<16xi32>
    tpu.vector_store %arg10[%swap3A_4115], %swap3A_4118 {strides = array<i32>} : memref<4096xi32, #tpu.memory_space<vmem>>, vector<16xi32>,
    %add3A_4119 = arith.constant 512 : i32
    %add3A_4120 = vector.broadcast %add3A_4119 : i32 to vector<16xi32>
    %add3A_4121 = arith.addi %add3A_4090, %add3A_4120 : vector<16xi32>
    %swap3A_4122 = arith.constant 2480 : index
    %swap3A_4123 = tpu.vector_load %arg10[%swap3A_4122] {strides = array<i32>} : memref<4096xi32, #tpu.memory_space<vmem>>, vector<16xi32>,
    %swap3A_4124 = vector.shape_cast %swap3A_4123 : vector<16xi32> to vector<16xi32>
    %swap3A_4125 = vector.shape_cast %add3A_4121 : vector<16xi32> to vector<16xi32>
    tpu.vector_store %arg10[%swap3A_4122], %swap3A_4125 {strides = array<i32>} : memref<4096xi32, #tpu.memory_space<vmem>>, vector<16xi32>,
    %add3A_4126 = arith.constant 640 : i32
    %add3A_4127 = vector.broadcast %add3A_4126 : i32 to vector<16xi32>
    %add3A_4128 = arith.addi %add3A_4090, %add3A_4127 : vector<16xi32>
    %swap3A_4129 = arith.constant 2992 : index
    %swap3A_4130 = tpu.vector_load %arg10[%swap3A_4129] {strides = array<i32>} : memref<4096xi32, #tpu.memory_space<vmem>>, vector<16xi32>,
    %swap3A_4131 = vector.shape_cast %swap3A_4130 : vector<16xi32> to vector<16xi32>
    %swap3A_4132 = vector.shape_cast %add3A_4128 : vector<16xi32> to vector<16xi32>
    tpu.vector_store %arg10[%swap3A_4129], %swap3A_4132 {strides = array<i32>} : memref<4096xi32, #tpu.memory_space<vmem>>, vector<16xi32>,
    %add3A_4133 = arith.constant 768 : i32
    %add3A_4134 = vector.broadcast %add3A_4133 : i32 to vector<16xi32>
    %add3A_4135 = arith.addi %add3A_4090, %add3A_4134 : vector<16xi32>
    %swap3A_4136 = arith.constant 3504 : index
    %swap3A_4137 = tpu.vector_load %arg10[%swap3A_4136] {strides = array<i32>} : memref<4096xi32, #tpu.memory_space<vmem>>, vector<16xi32>,
    %swap3A_4138 = vector.shape_cast %swap3A_4137 : vector<16xi32> to vector<16xi32>
    %swap3A_4139 = vector.shape_cast %add3A_4135 : vector<16xi32> to vector<16xi32>
    tpu.vector_store %arg10[%swap3A_4136], %swap3A_4139 {strides = array<i32>} : memref<4096xi32, #tpu.memory_space<vmem>>, vector<16xi32>,
    %add3A_4140 = arith.constant 896 : i32
    %add3A_4141 = vector.broadcast %add3A_4140 : i32 to vector<16xi32>
    %add3A_4142 = arith.addi %add3A_4090, %add3A_4141 : vector<16xi32>
    %swap3A_4143 = arith.constant 4016 : index
    %swap3A_4144 = tpu.vector_load %arg10[%swap3A_4143] {strides = array<i32>} : memref<4096xi32, #tpu.memory_space<vmem>>, vector<16xi32>,
    %swap3A_4145 = vector.shape_cast %swap3A_4144 : vector<16xi32> to vector<16xi32>
    %swap3A_4146 = vector.shape_cast %add3A_4142 : vector<16xi32> to vector<16xi32>
    tpu.vector_store %arg10[%swap3A_4143], %swap3A_4146 {strides = array<i32>} : memref<4096xi32, #tpu.memory_space<vmem>>, vector<16xi32>,
    %get3A_4147 = arith.constant 448 : index
    %get3A_4148 = tpu.vector_load %arg8[%get3A_4147] {strides = array<i32>} : memref<512xi32, #tpu.memory_space<vmem>>, vector<16xi32>,
    %get3A_4149 = vector.shape_cast %get3A_4148 : vector<16xi32> to vector<16xi32>
    %shift_right_logical3A_4150 = arith.constant 7 : i32
    %shift_right_logical3A_4151 = vector.broadcast %shift_right_logical3A_4150 : i32 to vector<16xi32>
    %shift_right_logical3A_4152 = arith.shrui %get3A_4149, %shift_right_logical3A_4151 : vector<16xi32>
    %mul3A_4153 = arith.constant 1024 : i32
    %mul3A_4154 = vector.broadcast %mul3A_4153 : i32 to vector<16xi32>
    %mul3A_4155 = arith.muli %shift_right_logical3A_4152, %mul3A_4154 : vector<16xi32>
    %and3A_4156 = arith.constant 127 : i32
    %and3A_4157 = vector.broadcast %and3A_4156 : i32 to vector<16xi32>
    %and3A_4158 = arith.andi %get3A_4149, %and3A_4157 : vector<16xi32>
    %add3A_4159 = arith.addi %mul3A_4155, %and3A_4158 : vector<16xi32>
    %add3A_4160 = arith.constant 0 : i32
    %add3A_4161 = vector.broadcast %add3A_4160 : i32 to vector<16xi32>
    %add3A_4162 = arith.addi %add3A_4159, %add3A_4161 : vector<16xi32>
    %swap3A_4163 = arith.constant 448 : index
    %swap3A_4164 = tpu.vector_load %arg10[%swap3A_4163] {strides = array<i32>} : memref<4096xi32, #tpu.memory_space<vmem>>, vector<16xi32>,
    %swap3A_4165 = vector.shape_cast %swap3A_4164 : vector<16xi32> to vector<16xi32>
    %swap3A_4166 = vector.shape_cast %add3A_4162 : vector<16xi32> to vector<16xi32>
    tpu.vector_store %arg10[%swap3A_4163], %swap3A_4166 {strides = array<i32>} : memref<4096xi32, #tpu.memory_space<vmem>>, vector<16xi32>,
    %add3A_4167 = arith.constant 128 : i32
    %add3A_4168 = vector.broadcast %add3A_4167 : i32 to vector<16xi32>
    %add3A_4169 = arith.addi %add3A_4159, %add3A_4168 : vector<16xi32>
    %swap3A_4170 = arith.constant 960 : index
    %swap3A_4171 = tpu.vector_load %arg10[%swap3A_4170] {strides = array<i32>} : memref<4096xi32, #tpu.memory_space<vmem>>, vector<16xi32>,
    %swap3A_4172 = vector.shape_cast %swap3A_4171 : vector<16xi32> to vector<16xi32>
    %swap3A_4173 = vector.shape_cast %add3A_4169 : vector<16xi32> to vector<16xi32>
    tpu.vector_store %arg10[%swap3A_4170], %swap3A_4173 {strides = array<i32>} : memref<4096xi32, #tpu.memory_space<vmem>>, vector<16xi32>,
    %add3A_4174 = arith.constant 256 : i32
    %add3A_4175 = vector.broadcast %add3A_4174 : i32 to vector<16xi32>
    %add3A_4176 = arith.addi %add3A_4159, %add3A_4175 : vector<16xi32>
    %swap3A_4177 = arith.constant 1472 : index
    %swap3A_4178 = tpu.vector_load %arg10[%swap3A_4177] {strides = array<i32>} : memref<4096xi32, #tpu.memory_space<vmem>>, vector<16xi32>,
    %swap3A_4179 = vector.shape_cast %swap3A_4178 : vector<16xi32> to vector<16xi32>
    %swap3A_4180 = vector.shape_cast %add3A_4176 : vector<16xi32> to vector<16xi32>
    tpu.vector_store %arg10[%swap3A_4177], %swap3A_4180 {strides = array<i32>} : memref<4096xi32, #tpu.memory_space<vmem>>, vector<16xi32>,
    %add3A_4181 = arith.constant 384 : i32
    %add3A_4182 = vector.broadcast %add3A_4181 : i32 to vector<16xi32>
    %add3A_4183 = arith.addi %add3A_4159, %add3A_4182 : vector<16xi32>
    %swap3A_4184 = arith.constant 1984 : index
    %swap3A_4185 = tpu.vector_load %arg10[%swap3A_4184] {strides = array<i32>} : memref<4096xi32, #tpu.memory_space<vmem>>, vector<16xi32>,
    %swap3A_4186 = vector.shape_cast %swap3A_4185 : vector<16xi32> to vector<16xi32>
    %swap3A_4187 = vector.shape_cast %add3A_4183 : vector<16xi32> to vector<16xi32>
    tpu.vector_store %arg10[%swap3A_4184], %swap3A_4187 {strides = array<i32>} : memref<4096xi32, #tpu.memory_space<vmem>>, vector<16xi32>,
    %add3A_4188 = arith.constant 512 : i32
    %add3A_4189 = vector.broadcast %add3A_4188 : i32 to vector<16xi32>
    %add3A_4190 = arith.addi %add3A_4159, %add3A_4189 : vector<16xi32>
    %swap3A_4191 = arith.constant 2496 : index
    %swap3A_4192 = tpu.vector_load %arg10[%swap3A_4191] {strides = array<i32>} : memref<4096xi32, #tpu.memory_space<vmem>>, vector<16xi32>,
    %swap3A_4193 = vector.shape_cast %swap3A_4192 : vector<16xi32> to vector<16xi32>
    %swap3A_4194 = vector.shape_cast %add3A_4190 : vector<16xi32> to vector<16xi32>
    tpu.vector_store %arg10[%swap3A_4191], %swap3A_4194 {strides = array<i32>} : memref<4096xi32, #tpu.memory_space<vmem>>, vector<16xi32>,
    %add3A_4195 = arith.constant 640 : i32
    %add3A_4196 = vector.broadcast %add3A_4195 : i32 to vector<16xi32>
    %add3A_4197 = arith.addi %add3A_4159, %add3A_4196 : vector<16xi32>
    %swap3A_4198 = arith.constant 3008 : index
    %swap3A_4199 = tpu.vector_load %arg10[%swap3A_4198] {strides = array<i32>} : memref<4096xi32, #tpu.memory_space<vmem>>, vector<16xi32>,
    %swap3A_4200 = vector.shape_cast %swap3A_4199 : vector<16xi32> to vector<16xi32>
    %swap3A_4201 = vector.shape_cast %add3A_4197 : vector<16xi32> to vector<16xi32>
    tpu.vector_store %arg10[%swap3A_4198], %swap3A_4201 {strides = array<i32>} : memref<4096xi32, #tpu.memory_space<vmem>>, vector<16xi32>,
    %add3A_4202 = arith.constant 768 : i32
    %add3A_4203 = vector.broadcast %add3A_4202 : i32 to vector<16xi32>
    %add3A_4204 = arith.addi %add3A_4159, %add3A_4203 : vector<16xi32>
    %swap3A_4205 = arith.constant 3520 : index
    %swap3A_4206 = tpu.vector_load %arg10[%swap3A_4205] {strides = array<i32>} : memref<4096xi32, #tpu.memory_space<vmem>>, vector<16xi32>,
    %swap3A_4207 = vector.shape_cast %swap3A_4206 : vector<16xi32> to vector<16xi32>
    %swap3A_4208 = vector.shape_cast %add3A_4204 : vector<16xi32> to vector<16xi32>
    tpu.vector_store %arg10[%swap3A_4205], %swap3A_4208 {strides = array<i32>} : memref<4096xi32, #tpu.memory_space<vmem>>, vector<16xi32>,
    %add3A_4209 = arith.constant 896 : i32
    %add3A_4210 = vector.broadcast %add3A_4209 : i32 to vector<16xi32>
    %add3A_4211 = arith.addi %add3A_4159, %add3A_4210 : vector<16xi32>
    %swap3A_4212 = arith.constant 4032 : index
    %swap3A_4213 = tpu.vector_load %arg10[%swap3A_4212] {strides = array<i32>} : memref<4096xi32, #tpu.memory_space<vmem>>, vector<16xi32>,
    %swap3A_4214 = vector.shape_cast %swap3A_4213 : vector<16xi32> to vector<16xi32>
    %swap3A_4215 = vector.shape_cast %add3A_4211 : vector<16xi32> to vector<16xi32>
    tpu.vector_store %arg10[%swap3A_4212], %swap3A_4215 {strides = array<i32>} : memref<4096xi32, #tpu.memory_space<vmem>>, vector<16xi32>,
    %get3A_4216 = arith.constant 464 : index
    %get3A_4217 = tpu.vector_load %arg8[%get3A_4216] {strides = array<i32>} : memref<512xi32, #tpu.memory_space<vmem>>, vector<16xi32>,
    %get3A_4218 = vector.shape_cast %get3A_4217 : vector<16xi32> to vector<16xi32>
    %shift_right_logical3A_4219 = arith.constant 7 : i32
    %shift_right_logical3A_4220 = vector.broadcast %shift_right_logical3A_4219 : i32 to vector<16xi32>
    %shift_right_logical3A_4221 = arith.shrui %get3A_4218, %shift_right_logical3A_4220 : vector<16xi32>
    %mul3A_4222 = arith.constant 1024 : i32
    %mul3A_4223 = vector.broadcast %mul3A_4222 : i32 to vector<16xi32>
    %mul3A_4224 = arith.muli %shift_right_logical3A_4221, %mul3A_4223 : vector<16xi32>
    %and3A_4225 = arith.constant 127 : i32
    %and3A_4226 = vector.broadcast %and3A_4225 : i32 to vector<16xi32>
    %and3A_4227 = arith.andi %get3A_4218, %and3A_4226 : vector<16xi32>
    %add3A_4228 = arith.addi %mul3A_4224, %and3A_4227 : vector<16xi32>
    %add3A_4229 = arith.constant 0 : i32
    %add3A_4230 = vector.broadcast %add3A_4229 : i32 to vector<16xi32>
    %add3A_4231 = arith.addi %add3A_4228, %add3A_4230 : vector<16xi32>
    %swap3A_4232 = arith.constant 464 : index
    %swap3A_4233 = tpu.vector_load %arg10[%swap3A_4232] {strides = array<i32>} : memref<4096xi32, #tpu.memory_space<vmem>>, vector<16xi32>,
    %swap3A_4234 = vector.shape_cast %swap3A_4233 : vector<16xi32> to vector<16xi32>
    %swap3A_4235 = vector.shape_cast %add3A_4231 : vector<16xi32> to vector<16xi32>
    tpu.vector_store %arg10[%swap3A_4232], %swap3A_4235 {strides = array<i32>} : memref<4096xi32, #tpu.memory_space<vmem>>, vector<16xi32>,
    %add3A_4236 = arith.constant 128 : i32
    %add3A_4237 = vector.broadcast %add3A_4236 : i32 to vector<16xi32>
    %add3A_4238 = arith.addi %add3A_4228, %add3A_4237 : vector<16xi32>
    %swap3A_4239 = arith.constant 976 : index
    %swap3A_4240 = tpu.vector_load %arg10[%swap3A_4239] {strides = array<i32>} : memref<4096xi32, #tpu.memory_space<vmem>>, vector<16xi32>,
    %swap3A_4241 = vector.shape_cast %swap3A_4240 : vector<16xi32> to vector<16xi32>
    %swap3A_4242 = vector.shape_cast %add3A_4238 : vector<16xi32> to vector<16xi32>
    tpu.vector_store %arg10[%swap3A_4239], %swap3A_4242 {strides = array<i32>} : memref<4096xi32, #tpu.memory_space<vmem>>, vector<16xi32>,
    %add3A_4243 = arith.constant 256 : i32
    %add3A_4244 = vector.broadcast %add3A_4243 : i32 to vector<16xi32>
    %add3A_4245 = arith.addi %add3A_4228, %add3A_4244 : vector<16xi32>
    %swap3A_4246 = arith.constant 1488 : index
    %swap3A_4247 = tpu.vector_load %arg10[%swap3A_4246] {strides = array<i32>} : memref<4096xi32, #tpu.memory_space<vmem>>, vector<16xi32>,
    %swap3A_4248 = vector.shape_cast %swap3A_4247 : vector<16xi32> to vector<16xi32>
    %swap3A_4249 = vector.shape_cast %add3A_4245 : vector<16xi32> to vector<16xi32>
    tpu.vector_store %arg10[%swap3A_4246], %swap3A_4249 {strides = array<i32>} : memref<4096xi32, #tpu.memory_space<vmem>>, vector<16xi32>,
    %add3A_4250 = arith.constant 384 : i32
    %add3A_4251 = vector.broadcast %add3A_4250 : i32 to vector<16xi32>
    %add3A_4252 = arith.addi %add3A_4228, %add3A_4251 : vector<16xi32>
    %swap3A_4253 = arith.constant 2000 : index
    %swap3A_4254 = tpu.vector_load %arg10[%swap3A_4253] {strides = array<i32>} : memref<4096xi32, #tpu.memory_space<vmem>>, vector<16xi32>,
    %swap3A_4255 = vector.shape_cast %swap3A_4254 : vector<16xi32> to vector<16xi32>
    %swap3A_4256 = vector.shape_cast %add3A_4252 : vector<16xi32> to vector<16xi32>
    tpu.vector_store %arg10[%swap3A_4253], %swap3A_4256 {strides = array<i32>} : memref<4096xi32, #tpu.memory_space<vmem>>, vector<16xi32>,
    %add3A_4257 = arith.constant 512 : i32
    %add3A_4258 = vector.broadcast %add3A_4257 : i32 to vector<16xi32>
    %add3A_4259 = arith.addi %add3A_4228, %add3A_4258 : vector<16xi32>
    %swap3A_4260 = arith.constant 2512 : index
    %swap3A_4261 = tpu.vector_load %arg10[%swap3A_4260] {strides = array<i32>} : memref<4096xi32, #tpu.memory_space<vmem>>, vector<16xi32>,
    %swap3A_4262 = vector.shape_cast %swap3A_4261 : vector<16xi32> to vector<16xi32>
    %swap3A_4263 = vector.shape_cast %add3A_4259 : vector<16xi32> to vector<16xi32>
    tpu.vector_store %arg10[%swap3A_4260], %swap3A_4263 {strides = array<i32>} : memref<4096xi32, #tpu.memory_space<vmem>>, vector<16xi32>,
    %add3A_4264 = arith.constant 640 : i32
    %add3A_4265 = vector.broadcast %add3A_4264 : i32 to vector<16xi32>
    %add3A_4266 = arith.addi %add3A_4228, %add3A_4265 : vector<16xi32>
    %swap3A_4267 = arith.constant 3024 : index
    %swap3A_4268 = tpu.vector_load %arg10[%swap3A_4267] {strides = array<i32>} : memref<4096xi32, #tpu.memory_space<vmem>>, vector<16xi32>,
    %swap3A_4269 = vector.shape_cast %swap3A_4268 : vector<16xi32> to vector<16xi32>
    %swap3A_4270 = vector.shape_cast %add3A_4266 : vector<16xi32> to vector<16xi32>
    tpu.vector_store %arg10[%swap3A_4267], %swap3A_4270 {strides = array<i32>} : memref<4096xi32, #tpu.memory_space<vmem>>, vector<16xi32>,
    %add3A_4271 = arith.constant 768 : i32
    %add3A_4272 = vector.broadcast %add3A_4271 : i32 to vector<16xi32>
    %add3A_4273 = arith.addi %add3A_4228, %add3A_4272 : vector<16xi32>
    %swap3A_4274 = arith.constant 3536 : index
    %swap3A_4275 = tpu.vector_load %arg10[%swap3A_4274] {strides = array<i32>} : memref<4096xi32, #tpu.memory_space<vmem>>, vector<16xi32>,
    %swap3A_4276 = vector.shape_cast %swap3A_4275 : vector<16xi32> to vector<16xi32>
    %swap3A_4277 = vector.shape_cast %add3A_4273 : vector<16xi32> to vector<16xi32>
    tpu.vector_store %arg10[%swap3A_4274], %swap3A_4277 {strides = array<i32>} : memref<4096xi32, #tpu.memory_space<vmem>>, vector<16xi32>,
    %add3A_4278 = arith.constant 896 : i32
    %add3A_4279 = vector.broadcast %add3A_4278 : i32 to vector<16xi32>
    %add3A_4280 = arith.addi %add3A_4228, %add3A_4279 : vector<16xi32>
    %swap3A_4281 = arith.constant 4048 : index
    %swap3A_4282 = tpu.vector_load %arg10[%swap3A_4281] {strides = array<i32>} : memref<4096xi32, #tpu.memory_space<vmem>>, vector<16xi32>,
    %swap3A_4283 = vector.shape_cast %swap3A_4282 : vector<16xi32> to vector<16xi32>
    %swap3A_4284 = vector.shape_cast %add3A_4280 : vector<16xi32> to vector<16xi32>
    tpu.vector_store %arg10[%swap3A_4281], %swap3A_4284 {strides = array<i32>} : memref<4096xi32, #tpu.memory_space<vmem>>, vector<16xi32>,
    %get3A_4285 = arith.constant 480 : index
    %get3A_4286 = tpu.vector_load %arg8[%get3A_4285] {strides = array<i32>} : memref<512xi32, #tpu.memory_space<vmem>>, vector<16xi32>,
    %get3A_4287 = vector.shape_cast %get3A_4286 : vector<16xi32> to vector<16xi32>
    %shift_right_logical3A_4288 = arith.constant 7 : i32
    %shift_right_logical3A_4289 = vector.broadcast %shift_right_logical3A_4288 : i32 to vector<16xi32>
    %shift_right_logical3A_4290 = arith.shrui %get3A_4287, %shift_right_logical3A_4289 : vector<16xi32>
    %mul3A_4291 = arith.constant 1024 : i32
    %mul3A_4292 = vector.broadcast %mul3A_4291 : i32 to vector<16xi32>
    %mul3A_4293 = arith.muli %shift_right_logical3A_4290, %mul3A_4292 : vector<16xi32>
    %and3A_4294 = arith.constant 127 : i32
    %and3A_4295 = vector.broadcast %and3A_4294 : i32 to vector<16xi32>
    %and3A_4296 = arith.andi %get3A_4287, %and3A_4295 : vector<16xi32>
    %add3A_4297 = arith.addi %mul3A_4293, %and3A_4296 : vector<16xi32>
    %add3A_4298 = arith.constant 0 : i32
    %add3A_4299 = vector.broadcast %add3A_4298 : i32 to vector<16xi32>
    %add3A_4300 = arith.addi %add3A_4297, %add3A_4299 : vector<16xi32>
    %swap3A_4301 = arith.constant 480 : index
    %swap3A_4302 = tpu.vector_load %arg10[%swap3A_4301] {strides = array<i32>} : memref<4096xi32, #tpu.memory_space<vmem>>, vector<16xi32>,
    %swap3A_4303 = vector.shape_cast %swap3A_4302 : vector<16xi32> to vector<16xi32>
    %swap3A_4304 = vector.shape_cast %add3A_4300 : vector<16xi32> to vector<16xi32>
    tpu.vector_store %arg10[%swap3A_4301], %swap3A_4304 {strides = array<i32>} : memref<4096xi32, #tpu.memory_space<vmem>>, vector<16xi32>,
    %add3A_4305 = arith.constant 128 : i32
    %add3A_4306 = vector.broadcast %add3A_4305 : i32 to vector<16xi32>
    %add3A_4307 = arith.addi %add3A_4297, %add3A_4306 : vector<16xi32>
    %swap3A_4308 = arith.constant 992 : index
    %swap3A_4309 = tpu.vector_load %arg10[%swap3A_4308] {strides = array<i32>} : memref<4096xi32, #tpu.memory_space<vmem>>, vector<16xi32>,
    %swap3A_4310 = vector.shape_cast %swap3A_4309 : vector<16xi32> to vector<16xi32>
    %swap3A_4311 = vector.shape_cast %add3A_4307 : vector<16xi32> to vector<16xi32>
    tpu.vector_store %arg10[%swap3A_4308], %swap3A_4311 {strides = array<i32>} : memref<4096xi32, #tpu.memory_space<vmem>>, vector<16xi32>,
    %add3A_4312 = arith.constant 256 : i32
    %add3A_4313 = vector.broadcast %add3A_4312 : i32 to vector<16xi32>
    %add3A_4314 = arith.addi %add3A_4297, %add3A_4313 : vector<16xi32>
    %swap3A_4315 = arith.constant 1504 : index
    %swap3A_4316 = tpu.vector_load %arg10[%swap3A_4315] {strides = array<i32>} : memref<4096xi32, #tpu.memory_space<vmem>>, vector<16xi32>,
    %swap3A_4317 = vector.shape_cast %swap3A_4316 : vector<16xi32> to vector<16xi32>
    %swap3A_4318 = vector.shape_cast %add3A_4314 : vector<16xi32> to vector<16xi32>
    tpu.vector_store %arg10[%swap3A_4315], %swap3A_4318 {strides = array<i32>} : memref<4096xi32, #tpu.memory_space<vmem>>, vector<16xi32>,
    %add3A_4319 = arith.constant 384 : i32
    %add3A_4320 = vector.broadcast %add3A_4319 : i32 to vector<16xi32>
    %add3A_4321 = arith.addi %add3A_4297, %add3A_4320 : vector<16xi32>
    %swap3A_4322 = arith.constant 2016 : index
    %swap3A_4323 = tpu.vector_load %arg10[%swap3A_4322] {strides = array<i32>} : memref<4096xi32, #tpu.memory_space<vmem>>, vector<16xi32>,
    %swap3A_4324 = vector.shape_cast %swap3A_4323 : vector<16xi32> to vector<16xi32>
    %swap3A_4325 = vector.shape_cast %add3A_4321 : vector<16xi32> to vector<16xi32>
    tpu.vector_store %arg10[%swap3A_4322], %swap3A_4325 {strides = array<i32>} : memref<4096xi32, #tpu.memory_space<vmem>>, vector<16xi32>,
    %add3A_4326 = arith.constant 512 : i32
    %add3A_4327 = vector.broadcast %add3A_4326 : i32 to vector<16xi32>
    %add3A_4328 = arith.addi %add3A_4297, %add3A_4327 : vector<16xi32>
    %swap3A_4329 = arith.constant 2528 : index
    %swap3A_4330 = tpu.vector_load %arg10[%swap3A_4329] {strides = array<i32>} : memref<4096xi32, #tpu.memory_space<vmem>>, vector<16xi32>,
    %swap3A_4331 = vector.shape_cast %swap3A_4330 : vector<16xi32> to vector<16xi32>
    %swap3A_4332 = vector.shape_cast %add3A_4328 : vector<16xi32> to vector<16xi32>
    tpu.vector_store %arg10[%swap3A_4329], %swap3A_4332 {strides = array<i32>} : memref<4096xi32, #tpu.memory_space<vmem>>, vector<16xi32>,
    %add3A_4333 = arith.constant 640 : i32
    %add3A_4334 = vector.broadcast %add3A_4333 : i32 to vector<16xi32>
    %add3A_4335 = arith.addi %add3A_4297, %add3A_4334 : vector<16xi32>
    %swap3A_4336 = arith.constant 3040 : index
    %swap3A_4337 = tpu.vector_load %arg10[%swap3A_4336] {strides = array<i32>} : memref<4096xi32, #tpu.memory_space<vmem>>, vector<16xi32>,
    %swap3A_4338 = vector.shape_cast %swap3A_4337 : vector<16xi32> to vector<16xi32>
    %swap3A_4339 = vector.shape_cast %add3A_4335 : vector<16xi32> to vector<16xi32>
    tpu.vector_store %arg10[%swap3A_4336], %swap3A_4339 {strides = array<i32>} : memref<4096xi32, #tpu.memory_space<vmem>>, vector<16xi32>,
    %add3A_4340 = arith.constant 768 : i32
    %add3A_4341 = vector.broadcast %add3A_4340 : i32 to vector<16xi32>
    %add3A_4342 = arith.addi %add3A_4297, %add3A_4341 : vector<16xi32>
    %swap3A_4343 = arith.constant 3552 : index
    %swap3A_4344 = tpu.vector_load %arg10[%swap3A_4343] {strides = array<i32>} : memref<4096xi32, #tpu.memory_space<vmem>>, vector<16xi32>,
    %swap3A_4345 = vector.shape_cast %swap3A_4344 : vector<16xi32> to vector<16xi32>
    %swap3A_4346 = vector.shape_cast %add3A_4342 : vector<16xi32> to vector<16xi32>
    tpu.vector_store %arg10[%swap3A_4343], %swap3A_4346 {strides = array<i32>} : memref<4096xi32, #tpu.memory_space<vmem>>, vector<16xi32>,
    %add3A_4347 = arith.constant 896 : i32
    %add3A_4348 = vector.broadcast %add3A_4347 : i32 to vector<16xi32>
    %add3A_4349 = arith.addi %add3A_4297, %add3A_4348 : vector<16xi32>
    %swap3A_4350 = arith.constant 4064 : index
    %swap3A_4351 = tpu.vector_load %arg10[%swap3A_4350] {strides = array<i32>} : memref<4096xi32, #tpu.memory_space<vmem>>, vector<16xi32>,
    %swap3A_4352 = vector.shape_cast %swap3A_4351 : vector<16xi32> to vector<16xi32>
    %swap3A_4353 = vector.shape_cast %add3A_4349 : vector<16xi32> to vector<16xi32>
    tpu.vector_store %arg10[%swap3A_4350], %swap3A_4353 {strides = array<i32>} : memref<4096xi32, #tpu.memory_space<vmem>>, vector<16xi32>,
    %get3A_4354 = arith.constant 496 : index
    %get3A_4355 = tpu.vector_load %arg8[%get3A_4354] {strides = array<i32>} : memref<512xi32, #tpu.memory_space<vmem>>, vector<16xi32>,
    %get3A_4356 = vector.shape_cast %get3A_4355 : vector<16xi32> to vector<16xi32>
    %shift_right_logical3A_4357 = arith.constant 7 : i32
    %shift_right_logical3A_4358 = vector.broadcast %shift_right_logical3A_4357 : i32 to vector<16xi32>
    %shift_right_logical3A_4359 = arith.shrui %get3A_4356, %shift_right_logical3A_4358 : vector<16xi32>
    %mul3A_4360 = arith.constant 1024 : i32
    %mul3A_4361 = vector.broadcast %mul3A_4360 : i32 to vector<16xi32>
    %mul3A_4362 = arith.muli %shift_right_logical3A_4359, %mul3A_4361 : vector<16xi32>
    %and3A_4363 = arith.constant 127 : i32
    %and3A_4364 = vector.broadcast %and3A_4363 : i32 to vector<16xi32>
    %and3A_4365 = arith.andi %get3A_4356, %and3A_4364 : vector<16xi32>
    %add3A_4366 = arith.addi %mul3A_4362, %and3A_4365 : vector<16xi32>
    %add3A_4367 = arith.constant 0 : i32
    %add3A_4368 = vector.broadcast %add3A_4367 : i32 to vector<16xi32>
    %add3A_4369 = arith.addi %add3A_4366, %add3A_4368 : vector<16xi32>
    %swap3A_4370 = arith.constant 496 : index
    %swap3A_4371 = tpu.vector_load %arg10[%swap3A_4370] {strides = array<i32>} : memref<4096xi32, #tpu.memory_space<vmem>>, vector<16xi32>,
    %swap3A_4372 = vector.shape_cast %swap3A_4371 : vector<16xi32> to vector<16xi32>
    %swap3A_4373 = vector.shape_cast %add3A_4369 : vector<16xi32> to vector<16xi32>
    tpu.vector_store %arg10[%swap3A_4370], %swap3A_4373 {strides = array<i32>} : memref<4096xi32, #tpu.memory_space<vmem>>, vector<16xi32>,
    %add3A_4374 = arith.constant 128 : i32
    %add3A_4375 = vector.broadcast %add3A_4374 : i32 to vector<16xi32>
    %add3A_4376 = arith.addi %add3A_4366, %add3A_4375 : vector<16xi32>
    %swap3A_4377 = arith.constant 1008 : index
    %swap3A_4378 = tpu.vector_load %arg10[%swap3A_4377] {strides = array<i32>} : memref<4096xi32, #tpu.memory_space<vmem>>, vector<16xi32>,
    %swap3A_4379 = vector.shape_cast %swap3A_4378 : vector<16xi32> to vector<16xi32>
    %swap3A_4380 = vector.shape_cast %add3A_4376 : vector<16xi32> to vector<16xi32>
    tpu.vector_store %arg10[%swap3A_4377], %swap3A_4380 {strides = array<i32>} : memref<4096xi32, #tpu.memory_space<vmem>>, vector<16xi32>,
    %add3A_4381 = arith.constant 256 : i32
    %add3A_4382 = vector.broadcast %add3A_4381 : i32 to vector<16xi32>
    %add3A_4383 = arith.addi %add3A_4366, %add3A_4382 : vector<16xi32>
    %swap3A_4384 = arith.constant 1520 : index
    %swap3A_4385 = tpu.vector_load %arg10[%swap3A_4384] {strides = array<i32>} : memref<4096xi32, #tpu.memory_space<vmem>>, vector<16xi32>,
    %swap3A_4386 = vector.shape_cast %swap3A_4385 : vector<16xi32> to vector<16xi32>
    %swap3A_4387 = vector.shape_cast %add3A_4383 : vector<16xi32> to vector<16xi32>
    tpu.vector_store %arg10[%swap3A_4384], %swap3A_4387 {strides = array<i32>} : memref<4096xi32, #tpu.memory_space<vmem>>, vector<16xi32>,
    %add3A_4388 = arith.constant 384 : i32
    %add3A_4389 = vector.broadcast %add3A_4388 : i32 to vector<16xi32>
    %add3A_4390 = arith.addi %add3A_4366, %add3A_4389 : vector<16xi32>
    %swap3A_4391 = arith.constant 2032 : index
    %swap3A_4392 = tpu.vector_load %arg10[%swap3A_4391] {strides = array<i32>} : memref<4096xi32, #tpu.memory_space<vmem>>, vector<16xi32>,
    %swap3A_4393 = vector.shape_cast %swap3A_4392 : vector<16xi32> to vector<16xi32>
    %swap3A_4394 = vector.shape_cast %add3A_4390 : vector<16xi32> to vector<16xi32>
    tpu.vector_store %arg10[%swap3A_4391], %swap3A_4394 {strides = array<i32>} : memref<4096xi32, #tpu.memory_space<vmem>>, vector<16xi32>,
    %add3A_4395 = arith.constant 512 : i32
    %add3A_4396 = vector.broadcast %add3A_4395 : i32 to vector<16xi32>
    %add3A_4397 = arith.addi %add3A_4366, %add3A_4396 : vector<16xi32>
    %swap3A_4398 = arith.constant 2544 : index
    %swap3A_4399 = tpu.vector_load %arg10[%swap3A_4398] {strides = array<i32>} : memref<4096xi32, #tpu.memory_space<vmem>>, vector<16xi32>,
    %swap3A_4400 = vector.shape_cast %swap3A_4399 : vector<16xi32> to vector<16xi32>
    %swap3A_4401 = vector.shape_cast %add3A_4397 : vector<16xi32> to vector<16xi32>
    tpu.vector_store %arg10[%swap3A_4398], %swap3A_4401 {strides = array<i32>} : memref<4096xi32, #tpu.memory_space<vmem>>, vector<16xi32>,
    %add3A_4402 = arith.constant 640 : i32
    %add3A_4403 = vector.broadcast %add3A_4402 : i32 to vector<16xi32>
    %add3A_4404 = arith.addi %add3A_4366, %add3A_4403 : vector<16xi32>
    %swap3A_4405 = arith.constant 3056 : index
    %swap3A_4406 = tpu.vector_load %arg10[%swap3A_4405] {strides = array<i32>} : memref<4096xi32, #tpu.memory_space<vmem>>, vector<16xi32>,
    %swap3A_4407 = vector.shape_cast %swap3A_4406 : vector<16xi32> to vector<16xi32>
    %swap3A_4408 = vector.shape_cast %add3A_4404 : vector<16xi32> to vector<16xi32>
    tpu.vector_store %arg10[%swap3A_4405], %swap3A_4408 {strides = array<i32>} : memref<4096xi32, #tpu.memory_space<vmem>>, vector<16xi32>,
    %add3A_4409 = arith.constant 768 : i32
    %add3A_4410 = vector.broadcast %add3A_4409 : i32 to vector<16xi32>
    %add3A_4411 = arith.addi %add3A_4366, %add3A_4410 : vector<16xi32>
    %swap3A_4412 = arith.constant 3568 : index
    %swap3A_4413 = tpu.vector_load %arg10[%swap3A_4412] {strides = array<i32>} : memref<4096xi32, #tpu.memory_space<vmem>>, vector<16xi32>,
    %swap3A_4414 = vector.shape_cast %swap3A_4413 : vector<16xi32> to vector<16xi32>
    %swap3A_4415 = vector.shape_cast %add3A_4411 : vector<16xi32> to vector<16xi32>
    tpu.vector_store %arg10[%swap3A_4412], %swap3A_4415 {strides = array<i32>} : memref<4096xi32, #tpu.memory_space<vmem>>, vector<16xi32>,
    %add3A_4416 = arith.constant 896 : i32
    %add3A_4417 = vector.broadcast %add3A_4416 : i32 to vector<16xi32>
    %add3A_4418 = arith.addi %add3A_4366, %add3A_4417 : vector<16xi32>
    %swap3A_4419 = arith.constant 4080 : index
    %swap3A_4420 = tpu.vector_load %arg10[%swap3A_4419] {strides = array<i32>} : memref<4096xi32, #tpu.memory_space<vmem>>, vector<16xi32>,
    %swap3A_4421 = vector.shape_cast %swap3A_4420 : vector<16xi32> to vector<16xi32>
    %swap3A_4422 = vector.shape_cast %add3A_4418 : vector<16xi32> to vector<16xi32>
    tpu.vector_store %arg10[%swap3A_4419], %swap3A_4422 {strides = array<i32>} : memref<4096xi32, #tpu.memory_space<vmem>>, vector<16xi32>,
    %dma_start3A_4423 = arith.constant 0 : i32
    %dma_start3A_4424 = tpu.memref_slice %arg5[%dma_start3A_4423] : memref<8000512xf32, #tpu.memory_space<hbm>> -> memref<8000512xf32, #tpu.memory_space<hbm>>
    tpu.enqueue_indirect_dma source(%dma_start3A_4424 : memref<8000512xf32, #tpu.memory_space<hbm>>) target(%arg12 : memref<4096xf32, #tpu.memory_space<vmem>>) offsets(%arg10 : memref<4096xi32, #tpu.memory_space<vmem>>) semaphore(%arg13 : memref<!tpu.dma_semaphore, #tpu.memory_space<semaphore_mem>>)
    %dma_wait3A_4425 = arith.constant 0 : i32
    %dma_wait3A_4426 = tpu.memref_slice %arg4[%dma_wait3A_4425] : memref<8000512xf32, #tpu.memory_space<hbm>> -> memref<8000512xf32, #tpu.memory_space<hbm>>
    tpu.wait_indirect_dma semaphore(%arg13 : memref<!tpu.dma_semaphore, #tpu.memory_space<semaphore_mem>>) src(%dma_wait3A_4426 : memref<8000512xf32, #tpu.memory_space<hbm>>) dst(%arg11 : memref<4096xf32, #tpu.memory_space<vmem>>)
    %dma_wait3A_4427 = arith.constant 0 : i32
    %dma_wait3A_4428 = tpu.memref_slice %arg5[%dma_wait3A_4427] : memref<8000512xf32, #tpu.memory_space<hbm>> -> memref<8000512xf32, #tpu.memory_space<hbm>>
    tpu.wait_indirect_dma semaphore(%arg13 : memref<!tpu.dma_semaphore, #tpu.memory_space<semaphore_mem>>) src(%dma_wait3A_4428 : memref<8000512xf32, #tpu.memory_space<hbm>>) dst(%arg12 : memref<4096xf32, #tpu.memory_space<vmem>>)
    %run_scoped3A = arith.constant 0 : i32
    "tpu.region"() ({
      %run_scoped3A_4444 = tpu.sem_alloc : memref<!tpu.dma_semaphore, #tpu.memory_space<semaphore_mem>>
      %dma_start3A_4445 = arith.constant 0 : i32
      %dma_start3A_4446 = tpu.memref_slice %arg11[%dma_start3A_4445] : memref<4096xf32, #tpu.memory_space<vmem>> -> memref<512xf32, #tpu.memory_space<vmem>>
      %dma_start3A_4447 = tpu.memref_slice %arg6[%run_scoped3A, %mul3A_2] : memref<16x16384xf32, #tpu.memory_space<hbm>> -> memref<1x512xf32, #tpu.memory_space<hbm>>
      %dma_start3A_4448 = tpu.memref_squeeze %dma_start3A_4447 : memref<1x512xf32, #tpu.memory_space<hbm>> -> memref<512xf32, #tpu.memory_space<hbm>>
      %dma_start3A_4449 = tpu.memref_slice %arg6[%run_scoped3A, %mul3A_2] : memref<16x16384xf32, #tpu.memory_space<hbm>> -> memref<1x512xf32, #tpu.memory_space<hbm>>
      %dma_start3A_4450 = tpu.memref_squeeze %dma_start3A_4449 : memref<1x512xf32, #tpu.memory_space<hbm>> -> memref<512xf32, #tpu.memory_space<hbm>>
      %dma_start3A_4451 = arith.constant 0 : i32
      %dma_start3A_4452 = tpu.memref_slice %arg11[%dma_start3A_4451] : memref<4096xf32, #tpu.memory_space<vmem>> -> memref<512xf32, #tpu.memory_space<vmem>>
      tpu.enqueue_dma source(%dma_start3A_4452 : memref<512xf32, #tpu.memory_space<vmem>>) target(%dma_start3A_4450 : memref<512xf32, #tpu.memory_space<hbm>>) target_semaphore(%run_scoped3A_4444 : memref<!tpu.dma_semaphore, #tpu.memory_space<semaphore_mem>>)
      %dma_wait3A_4453 = arith.constant 0 : i32
      %dma_wait3A_4454 = tpu.memref_slice %arg11[%dma_wait3A_4453] : memref<4096xf32, #tpu.memory_space<vmem>> -> memref<512xf32, #tpu.memory_space<vmem>>
      %dma_wait3A_4455 = tpu.memref_slice %arg6[%run_scoped3A, %mul3A_2] : memref<16x16384xf32, #tpu.memory_space<hbm>> -> memref<1x512xf32, #tpu.memory_space<hbm>>
      %dma_wait3A_4456 = tpu.memref_squeeze %dma_wait3A_4455 : memref<1x512xf32, #tpu.memory_space<hbm>> -> memref<512xf32, #tpu.memory_space<hbm>>
      %dma_wait3A_4457 = tpu.memref_slice %arg6[%run_scoped3A, %mul3A_2] : memref<16x16384xf32, #tpu.memory_space<hbm>> -> memref<1x512xf32, #tpu.memory_space<hbm>>
      %dma_wait3A_4458 = tpu.memref_squeeze %dma_wait3A_4457 : memref<1x512xf32, #tpu.memory_space<hbm>> -> memref<512xf32, #tpu.memory_space<hbm>>
      %dma_wait3A_4459 = arith.constant 0 : i32
      %dma_wait3A_4460 = tpu.memref_slice %arg11[%dma_wait3A_4459] : memref<4096xf32, #tpu.memory_space<vmem>> -> memref<512xf32, #tpu.memory_space<vmem>>
      tpu.wait_dma2 semaphore(%run_scoped3A_4444 : memref<!tpu.dma_semaphore, #tpu.memory_space<semaphore_mem>>) src(%dma_wait3A_4460 : memref<512xf32, #tpu.memory_space<vmem>>) dst(%dma_wait3A_4458 : memref<512xf32, #tpu.memory_space<hbm>>)
      tpu.yield
    }) : () -> ()
    %run_scoped3A_4429 = arith.constant 8 : i32
    "tpu.region"() ({
      %run_scoped3A_4444 = tpu.sem_alloc : memref<!tpu.dma_semaphore, #tpu.memory_space<semaphore_mem>>
      %dma_start3A_4445 = arith.constant 0 : i32
      %dma_start3A_4446 = tpu.memref_slice %arg12[%dma_start3A_4445] : memref<4096xf32, #tpu.memory_space<vmem>> -> memref<512xf32, #tpu.memory_space<vmem>>
      %dma_start3A_4447 = tpu.memref_slice %arg6[%run_scoped3A_4429, %mul3A_2] : memref<16x16384xf32, #tpu.memory_space<hbm>> -> memref<1x512xf32, #tpu.memory_space<hbm>>
      %dma_start3A_4448 = tpu.memref_squeeze %dma_start3A_4447 : memref<1x512xf32, #tpu.memory_space<hbm>> -> memref<512xf32, #tpu.memory_space<hbm>>
      %dma_start3A_4449 = tpu.memref_slice %arg6[%run_scoped3A_4429, %mul3A_2] : memref<16x16384xf32, #tpu.memory_space<hbm>> -> memref<1x512xf32, #tpu.memory_space<hbm>>
      %dma_start3A_4450 = tpu.memref_squeeze %dma_start3A_4449 : memref<1x512xf32, #tpu.memory_space<hbm>> -> memref<512xf32, #tpu.memory_space<hbm>>
      %dma_start3A_4451 = arith.constant 0 : i32
      %dma_start3A_4452 = tpu.memref_slice %arg12[%dma_start3A_4451] : memref<4096xf32, #tpu.memory_space<vmem>> -> memref<512xf32, #tpu.memory_space<vmem>>
      tpu.enqueue_dma source(%dma_start3A_4452 : memref<512xf32, #tpu.memory_space<vmem>>) target(%dma_start3A_4450 : memref<512xf32, #tpu.memory_space<hbm>>) target_semaphore(%run_scoped3A_4444 : memref<!tpu.dma_semaphore, #tpu.memory_space<semaphore_mem>>)
      %dma_wait3A_4453 = arith.constant 0 : i32
      %dma_wait3A_4454 = tpu.memref_slice %arg12[%dma_wait3A_4453] : memref<4096xf32, #tpu.memory_space<vmem>> -> memref<512xf32, #tpu.memory_space<vmem>>
      %dma_wait3A_4455 = tpu.memref_slice %arg6[%run_scoped3A_4429, %mul3A_2] : memref<16x16384xf32, #tpu.memory_space<hbm>> -> memref<1x512xf32, #tpu.memory_space<hbm>>
      %dma_wait3A_4456 = tpu.memref_squeeze %dma_wait3A_4455 : memref<1x512xf32, #tpu.memory_space<hbm>> -> memref<512xf32, #tpu.memory_space<hbm>>
      %dma_wait3A_4457 = tpu.memref_slice %arg6[%run_scoped3A_4429, %mul3A_2] : memref<16x16384xf32, #tpu.memory_space<hbm>> -> memref<1x512xf32, #tpu.memory_space<hbm>>
      %dma_wait3A_4458 = tpu.memref_squeeze %dma_wait3A_4457 : memref<1x512xf32, #tpu.memory_space<hbm>> -> memref<512xf32, #tpu.memory_space<hbm>>
      %dma_wait3A_4459 = arith.constant 0 : i32
      %dma_wait3A_4460 = tpu.memref_slice %arg12[%dma_wait3A_4459] : memref<4096xf32, #tpu.memory_space<vmem>> -> memref<512xf32, #tpu.memory_space<vmem>>
      tpu.wait_dma2 semaphore(%run_scoped3A_4444 : memref<!tpu.dma_semaphore, #tpu.memory_space<semaphore_mem>>) src(%dma_wait3A_4460 : memref<512xf32, #tpu.memory_space<vmem>>) dst(%dma_wait3A_4458 : memref<512xf32, #tpu.memory_space<hbm>>)
      tpu.yield
    }) : () -> ()
    %run_scoped3A_4430 = arith.constant 1 : i32
    "tpu.region"() ({
      %run_scoped3A_4444 = tpu.sem_alloc : memref<!tpu.dma_semaphore, #tpu.memory_space<semaphore_mem>>
      %dma_start3A_4445 = arith.constant 512 : i32
      %dma_start3A_4446 = tpu.memref_slice %arg11[%dma_start3A_4445] : memref<4096xf32, #tpu.memory_space<vmem>> -> memref<512xf32, #tpu.memory_space<vmem>>
      %dma_start3A_4447 = tpu.memref_slice %arg6[%run_scoped3A_4430, %mul3A_2] : memref<16x16384xf32, #tpu.memory_space<hbm>> -> memref<1x512xf32, #tpu.memory_space<hbm>>
      %dma_start3A_4448 = tpu.memref_squeeze %dma_start3A_4447 : memref<1x512xf32, #tpu.memory_space<hbm>> -> memref<512xf32, #tpu.memory_space<hbm>>
      %dma_start3A_4449 = tpu.memref_slice %arg6[%run_scoped3A_4430, %mul3A_2] : memref<16x16384xf32, #tpu.memory_space<hbm>> -> memref<1x512xf32, #tpu.memory_space<hbm>>
      %dma_start3A_4450 = tpu.memref_squeeze %dma_start3A_4449 : memref<1x512xf32, #tpu.memory_space<hbm>> -> memref<512xf32, #tpu.memory_space<hbm>>
      %dma_start3A_4451 = arith.constant 512 : i32
      %dma_start3A_4452 = tpu.memref_slice %arg11[%dma_start3A_4451] : memref<4096xf32, #tpu.memory_space<vmem>> -> memref<512xf32, #tpu.memory_space<vmem>>
      tpu.enqueue_dma source(%dma_start3A_4452 : memref<512xf32, #tpu.memory_space<vmem>>) target(%dma_start3A_4450 : memref<512xf32, #tpu.memory_space<hbm>>) target_semaphore(%run_scoped3A_4444 : memref<!tpu.dma_semaphore, #tpu.memory_space<semaphore_mem>>)
      %dma_wait3A_4453 = arith.constant 512 : i32
      %dma_wait3A_4454 = tpu.memref_slice %arg11[%dma_wait3A_4453] : memref<4096xf32, #tpu.memory_space<vmem>> -> memref<512xf32, #tpu.memory_space<vmem>>
      %dma_wait3A_4455 = tpu.memref_slice %arg6[%run_scoped3A_4430, %mul3A_2] : memref<16x16384xf32, #tpu.memory_space<hbm>> -> memref<1x512xf32, #tpu.memory_space<hbm>>
      %dma_wait3A_4456 = tpu.memref_squeeze %dma_wait3A_4455 : memref<1x512xf32, #tpu.memory_space<hbm>> -> memref<512xf32, #tpu.memory_space<hbm>>
      %dma_wait3A_4457 = tpu.memref_slice %arg6[%run_scoped3A_4430, %mul3A_2] : memref<16x16384xf32, #tpu.memory_space<hbm>> -> memref<1x512xf32, #tpu.memory_space<hbm>>
      %dma_wait3A_4458 = tpu.memref_squeeze %dma_wait3A_4457 : memref<1x512xf32, #tpu.memory_space<hbm>> -> memref<512xf32, #tpu.memory_space<hbm>>
      %dma_wait3A_4459 = arith.constant 512 : i32
      %dma_wait3A_4460 = tpu.memref_slice %arg11[%dma_wait3A_4459] : memref<4096xf32, #tpu.memory_space<vmem>> -> memref<512xf32, #tpu.memory_space<vmem>>
      tpu.wait_dma2 semaphore(%run_scoped3A_4444 : memref<!tpu.dma_semaphore, #tpu.memory_space<semaphore_mem>>) src(%dma_wait3A_4460 : memref<512xf32, #tpu.memory_space<vmem>>) dst(%dma_wait3A_4458 : memref<512xf32, #tpu.memory_space<hbm>>)
      tpu.yield
    }) : () -> ()
    %run_scoped3A_4431 = arith.constant 9 : i32
    "tpu.region"() ({
      %run_scoped3A_4444 = tpu.sem_alloc : memref<!tpu.dma_semaphore, #tpu.memory_space<semaphore_mem>>
      %dma_start3A_4445 = arith.constant 512 : i32
      %dma_start3A_4446 = tpu.memref_slice %arg12[%dma_start3A_4445] : memref<4096xf32, #tpu.memory_space<vmem>> -> memref<512xf32, #tpu.memory_space<vmem>>
      %dma_start3A_4447 = tpu.memref_slice %arg6[%run_scoped3A_4431, %mul3A_2] : memref<16x16384xf32, #tpu.memory_space<hbm>> -> memref<1x512xf32, #tpu.memory_space<hbm>>
      %dma_start3A_4448 = tpu.memref_squeeze %dma_start3A_4447 : memref<1x512xf32, #tpu.memory_space<hbm>> -> memref<512xf32, #tpu.memory_space<hbm>>
      %dma_start3A_4449 = tpu.memref_slice %arg6[%run_scoped3A_4431, %mul3A_2] : memref<16x16384xf32, #tpu.memory_space<hbm>> -> memref<1x512xf32, #tpu.memory_space<hbm>>
      %dma_start3A_4450 = tpu.memref_squeeze %dma_start3A_4449 : memref<1x512xf32, #tpu.memory_space<hbm>> -> memref<512xf32, #tpu.memory_space<hbm>>
      %dma_start3A_4451 = arith.constant 512 : i32
      %dma_start3A_4452 = tpu.memref_slice %arg12[%dma_start3A_4451] : memref<4096xf32, #tpu.memory_space<vmem>> -> memref<512xf32, #tpu.memory_space<vmem>>
      tpu.enqueue_dma source(%dma_start3A_4452 : memref<512xf32, #tpu.memory_space<vmem>>) target(%dma_start3A_4450 : memref<512xf32, #tpu.memory_space<hbm>>) target_semaphore(%run_scoped3A_4444 : memref<!tpu.dma_semaphore, #tpu.memory_space<semaphore_mem>>)
      %dma_wait3A_4453 = arith.constant 512 : i32
      %dma_wait3A_4454 = tpu.memref_slice %arg12[%dma_wait3A_4453] : memref<4096xf32, #tpu.memory_space<vmem>> -> memref<512xf32, #tpu.memory_space<vmem>>
      %dma_wait3A_4455 = tpu.memref_slice %arg6[%run_scoped3A_4431, %mul3A_2] : memref<16x16384xf32, #tpu.memory_space<hbm>> -> memref<1x512xf32, #tpu.memory_space<hbm>>
      %dma_wait3A_4456 = tpu.memref_squeeze %dma_wait3A_4455 : memref<1x512xf32, #tpu.memory_space<hbm>> -> memref<512xf32, #tpu.memory_space<hbm>>
      %dma_wait3A_4457 = tpu.memref_slice %arg6[%run_scoped3A_4431, %mul3A_2] : memref<16x16384xf32, #tpu.memory_space<hbm>> -> memref<1x512xf32, #tpu.memory_space<hbm>>
      %dma_wait3A_4458 = tpu.memref_squeeze %dma_wait3A_4457 : memref<1x512xf32, #tpu.memory_space<hbm>> -> memref<512xf32, #tpu.memory_space<hbm>>
      %dma_wait3A_4459 = arith.constant 512 : i32
      %dma_wait3A_4460 = tpu.memref_slice %arg12[%dma_wait3A_4459] : memref<4096xf32, #tpu.memory_space<vmem>> -> memref<512xf32, #tpu.memory_space<vmem>>
      tpu.wait_dma2 semaphore(%run_scoped3A_4444 : memref<!tpu.dma_semaphore, #tpu.memory_space<semaphore_mem>>) src(%dma_wait3A_4460 : memref<512xf32, #tpu.memory_space<vmem>>) dst(%dma_wait3A_4458 : memref<512xf32, #tpu.memory_space<hbm>>)
      tpu.yield
    }) : () -> ()
    %run_scoped3A_4432 = arith.constant 2 : i32
    "tpu.region"() ({
      %run_scoped3A_4444 = tpu.sem_alloc : memref<!tpu.dma_semaphore, #tpu.memory_space<semaphore_mem>>
      %dma_start3A_4445 = arith.constant 1024 : i32
      %dma_start3A_4446 = tpu.memref_slice %arg11[%dma_start3A_4445] : memref<4096xf32, #tpu.memory_space<vmem>> -> memref<512xf32, #tpu.memory_space<vmem>>
      %dma_start3A_4447 = tpu.memref_slice %arg6[%run_scoped3A_4432, %mul3A_2] : memref<16x16384xf32, #tpu.memory_space<hbm>> -> memref<1x512xf32, #tpu.memory_space<hbm>>
      %dma_start3A_4448 = tpu.memref_squeeze %dma_start3A_4447 : memref<1x512xf32, #tpu.memory_space<hbm>> -> memref<512xf32, #tpu.memory_space<hbm>>
      %dma_start3A_4449 = tpu.memref_slice %arg6[%run_scoped3A_4432, %mul3A_2] : memref<16x16384xf32, #tpu.memory_space<hbm>> -> memref<1x512xf32, #tpu.memory_space<hbm>>
      %dma_start3A_4450 = tpu.memref_squeeze %dma_start3A_4449 : memref<1x512xf32, #tpu.memory_space<hbm>> -> memref<512xf32, #tpu.memory_space<hbm>>
      %dma_start3A_4451 = arith.constant 1024 : i32
      %dma_start3A_4452 = tpu.memref_slice %arg11[%dma_start3A_4451] : memref<4096xf32, #tpu.memory_space<vmem>> -> memref<512xf32, #tpu.memory_space<vmem>>
      tpu.enqueue_dma source(%dma_start3A_4452 : memref<512xf32, #tpu.memory_space<vmem>>) target(%dma_start3A_4450 : memref<512xf32, #tpu.memory_space<hbm>>) target_semaphore(%run_scoped3A_4444 : memref<!tpu.dma_semaphore, #tpu.memory_space<semaphore_mem>>)
      %dma_wait3A_4453 = arith.constant 1024 : i32
      %dma_wait3A_4454 = tpu.memref_slice %arg11[%dma_wait3A_4453] : memref<4096xf32, #tpu.memory_space<vmem>> -> memref<512xf32, #tpu.memory_space<vmem>>
      %dma_wait3A_4455 = tpu.memref_slice %arg6[%run_scoped3A_4432, %mul3A_2] : memref<16x16384xf32, #tpu.memory_space<hbm>> -> memref<1x512xf32, #tpu.memory_space<hbm>>
      %dma_wait3A_4456 = tpu.memref_squeeze %dma_wait3A_4455 : memref<1x512xf32, #tpu.memory_space<hbm>> -> memref<512xf32, #tpu.memory_space<hbm>>
      %dma_wait3A_4457 = tpu.memref_slice %arg6[%run_scoped3A_4432, %mul3A_2] : memref<16x16384xf32, #tpu.memory_space<hbm>> -> memref<1x512xf32, #tpu.memory_space<hbm>>
      %dma_wait3A_4458 = tpu.memref_squeeze %dma_wait3A_4457 : memref<1x512xf32, #tpu.memory_space<hbm>> -> memref<512xf32, #tpu.memory_space<hbm>>
      %dma_wait3A_4459 = arith.constant 1024 : i32
      %dma_wait3A_4460 = tpu.memref_slice %arg11[%dma_wait3A_4459] : memref<4096xf32, #tpu.memory_space<vmem>> -> memref<512xf32, #tpu.memory_space<vmem>>
      tpu.wait_dma2 semaphore(%run_scoped3A_4444 : memref<!tpu.dma_semaphore, #tpu.memory_space<semaphore_mem>>) src(%dma_wait3A_4460 : memref<512xf32, #tpu.memory_space<vmem>>) dst(%dma_wait3A_4458 : memref<512xf32, #tpu.memory_space<hbm>>)
      tpu.yield
    }) : () -> ()
    %run_scoped3A_4433 = arith.constant 10 : i32
    "tpu.region"() ({
      %run_scoped3A_4444 = tpu.sem_alloc : memref<!tpu.dma_semaphore, #tpu.memory_space<semaphore_mem>>
      %dma_start3A_4445 = arith.constant 1024 : i32
      %dma_start3A_4446 = tpu.memref_slice %arg12[%dma_start3A_4445] : memref<4096xf32, #tpu.memory_space<vmem>> -> memref<512xf32, #tpu.memory_space<vmem>>
      %dma_start3A_4447 = tpu.memref_slice %arg6[%run_scoped3A_4433, %mul3A_2] : memref<16x16384xf32, #tpu.memory_space<hbm>> -> memref<1x512xf32, #tpu.memory_space<hbm>>
      %dma_start3A_4448 = tpu.memref_squeeze %dma_start3A_4447 : memref<1x512xf32, #tpu.memory_space<hbm>> -> memref<512xf32, #tpu.memory_space<hbm>>
      %dma_start3A_4449 = tpu.memref_slice %arg6[%run_scoped3A_4433, %mul3A_2] : memref<16x16384xf32, #tpu.memory_space<hbm>> -> memref<1x512xf32, #tpu.memory_space<hbm>>
      %dma_start3A_4450 = tpu.memref_squeeze %dma_start3A_4449 : memref<1x512xf32, #tpu.memory_space<hbm>> -> memref<512xf32, #tpu.memory_space<hbm>>
      %dma_start3A_4451 = arith.constant 1024 : i32
      %dma_start3A_4452 = tpu.memref_slice %arg12[%dma_start3A_4451] : memref<4096xf32, #tpu.memory_space<vmem>> -> memref<512xf32, #tpu.memory_space<vmem>>
      tpu.enqueue_dma source(%dma_start3A_4452 : memref<512xf32, #tpu.memory_space<vmem>>) target(%dma_start3A_4450 : memref<512xf32, #tpu.memory_space<hbm>>) target_semaphore(%run_scoped3A_4444 : memref<!tpu.dma_semaphore, #tpu.memory_space<semaphore_mem>>)
      %dma_wait3A_4453 = arith.constant 1024 : i32
      %dma_wait3A_4454 = tpu.memref_slice %arg12[%dma_wait3A_4453] : memref<4096xf32, #tpu.memory_space<vmem>> -> memref<512xf32, #tpu.memory_space<vmem>>
      %dma_wait3A_4455 = tpu.memref_slice %arg6[%run_scoped3A_4433, %mul3A_2] : memref<16x16384xf32, #tpu.memory_space<hbm>> -> memref<1x512xf32, #tpu.memory_space<hbm>>
      %dma_wait3A_4456 = tpu.memref_squeeze %dma_wait3A_4455 : memref<1x512xf32, #tpu.memory_space<hbm>> -> memref<512xf32, #tpu.memory_space<hbm>>
      %dma_wait3A_4457 = tpu.memref_slice %arg6[%run_scoped3A_4433, %mul3A_2] : memref<16x16384xf32, #tpu.memory_space<hbm>> -> memref<1x512xf32, #tpu.memory_space<hbm>>
      %dma_wait3A_4458 = tpu.memref_squeeze %dma_wait3A_4457 : memref<1x512xf32, #tpu.memory_space<hbm>> -> memref<512xf32, #tpu.memory_space<hbm>>
      %dma_wait3A_4459 = arith.constant 1024 : i32
      %dma_wait3A_4460 = tpu.memref_slice %arg12[%dma_wait3A_4459] : memref<4096xf32, #tpu.memory_space<vmem>> -> memref<512xf32, #tpu.memory_space<vmem>>
      tpu.wait_dma2 semaphore(%run_scoped3A_4444 : memref<!tpu.dma_semaphore, #tpu.memory_space<semaphore_mem>>) src(%dma_wait3A_4460 : memref<512xf32, #tpu.memory_space<vmem>>) dst(%dma_wait3A_4458 : memref<512xf32, #tpu.memory_space<hbm>>)
      tpu.yield
    }) : () -> ()
    %run_scoped3A_4434 = arith.constant 3 : i32
    "tpu.region"() ({
      %run_scoped3A_4444 = tpu.sem_alloc : memref<!tpu.dma_semaphore, #tpu.memory_space<semaphore_mem>>
      %dma_start3A_4445 = arith.constant 1536 : i32
      %dma_start3A_4446 = tpu.memref_slice %arg11[%dma_start3A_4445] : memref<4096xf32, #tpu.memory_space<vmem>> -> memref<512xf32, #tpu.memory_space<vmem>>
      %dma_start3A_4447 = tpu.memref_slice %arg6[%run_scoped3A_4434, %mul3A_2] : memref<16x16384xf32, #tpu.memory_space<hbm>> -> memref<1x512xf32, #tpu.memory_space<hbm>>
      %dma_start3A_4448 = tpu.memref_squeeze %dma_start3A_4447 : memref<1x512xf32, #tpu.memory_space<hbm>> -> memref<512xf32, #tpu.memory_space<hbm>>
      %dma_start3A_4449 = tpu.memref_slice %arg6[%run_scoped3A_4434, %mul3A_2] : memref<16x16384xf32, #tpu.memory_space<hbm>> -> memref<1x512xf32, #tpu.memory_space<hbm>>
      %dma_start3A_4450 = tpu.memref_squeeze %dma_start3A_4449 : memref<1x512xf32, #tpu.memory_space<hbm>> -> memref<512xf32, #tpu.memory_space<hbm>>
      %dma_start3A_4451 = arith.constant 1536 : i32
      %dma_start3A_4452 = tpu.memref_slice %arg11[%dma_start3A_4451] : memref<4096xf32, #tpu.memory_space<vmem>> -> memref<512xf32, #tpu.memory_space<vmem>>
      tpu.enqueue_dma source(%dma_start3A_4452 : memref<512xf32, #tpu.memory_space<vmem>>) target(%dma_start3A_4450 : memref<512xf32, #tpu.memory_space<hbm>>) target_semaphore(%run_scoped3A_4444 : memref<!tpu.dma_semaphore, #tpu.memory_space<semaphore_mem>>)
      %dma_wait3A_4453 = arith.constant 1536 : i32
      %dma_wait3A_4454 = tpu.memref_slice %arg11[%dma_wait3A_4453] : memref<4096xf32, #tpu.memory_space<vmem>> -> memref<512xf32, #tpu.memory_space<vmem>>
      %dma_wait3A_4455 = tpu.memref_slice %arg6[%run_scoped3A_4434, %mul3A_2] : memref<16x16384xf32, #tpu.memory_space<hbm>> -> memref<1x512xf32, #tpu.memory_space<hbm>>
      %dma_wait3A_4456 = tpu.memref_squeeze %dma_wait3A_4455 : memref<1x512xf32, #tpu.memory_space<hbm>> -> memref<512xf32, #tpu.memory_space<hbm>>
      %dma_wait3A_4457 = tpu.memref_slice %arg6[%run_scoped3A_4434, %mul3A_2] : memref<16x16384xf32, #tpu.memory_space<hbm>> -> memref<1x512xf32, #tpu.memory_space<hbm>>
      %dma_wait3A_4458 = tpu.memref_squeeze %dma_wait3A_4457 : memref<1x512xf32, #tpu.memory_space<hbm>> -> memref<512xf32, #tpu.memory_space<hbm>>
      %dma_wait3A_4459 = arith.constant 1536 : i32
      %dma_wait3A_4460 = tpu.memref_slice %arg11[%dma_wait3A_4459] : memref<4096xf32, #tpu.memory_space<vmem>> -> memref<512xf32, #tpu.memory_space<vmem>>
      tpu.wait_dma2 semaphore(%run_scoped3A_4444 : memref<!tpu.dma_semaphore, #tpu.memory_space<semaphore_mem>>) src(%dma_wait3A_4460 : memref<512xf32, #tpu.memory_space<vmem>>) dst(%dma_wait3A_4458 : memref<512xf32, #tpu.memory_space<hbm>>)
      tpu.yield
    }) : () -> ()
    %run_scoped3A_4435 = arith.constant 11 : i32
    "tpu.region"() ({
      %run_scoped3A_4444 = tpu.sem_alloc : memref<!tpu.dma_semaphore, #tpu.memory_space<semaphore_mem>>
      %dma_start3A_4445 = arith.constant 1536 : i32
      %dma_start3A_4446 = tpu.memref_slice %arg12[%dma_start3A_4445] : memref<4096xf32, #tpu.memory_space<vmem>> -> memref<512xf32, #tpu.memory_space<vmem>>
      %dma_start3A_4447 = tpu.memref_slice %arg6[%run_scoped3A_4435, %mul3A_2] : memref<16x16384xf32, #tpu.memory_space<hbm>> -> memref<1x512xf32, #tpu.memory_space<hbm>>
      %dma_start3A_4448 = tpu.memref_squeeze %dma_start3A_4447 : memref<1x512xf32, #tpu.memory_space<hbm>> -> memref<512xf32, #tpu.memory_space<hbm>>
      %dma_start3A_4449 = tpu.memref_slice %arg6[%run_scoped3A_4435, %mul3A_2] : memref<16x16384xf32, #tpu.memory_space<hbm>> -> memref<1x512xf32, #tpu.memory_space<hbm>>
      %dma_start3A_4450 = tpu.memref_squeeze %dma_start3A_4449 : memref<1x512xf32, #tpu.memory_space<hbm>> -> memref<512xf32, #tpu.memory_space<hbm>>
      %dma_start3A_4451 = arith.constant 1536 : i32
      %dma_start3A_4452 = tpu.memref_slice %arg12[%dma_start3A_4451] : memref<4096xf32, #tpu.memory_space<vmem>> -> memref<512xf32, #tpu.memory_space<vmem>>
      tpu.enqueue_dma source(%dma_start3A_4452 : memref<512xf32, #tpu.memory_space<vmem>>) target(%dma_start3A_4450 : memref<512xf32, #tpu.memory_space<hbm>>) target_semaphore(%run_scoped3A_4444 : memref<!tpu.dma_semaphore, #tpu.memory_space<semaphore_mem>>)
      %dma_wait3A_4453 = arith.constant 1536 : i32
      %dma_wait3A_4454 = tpu.memref_slice %arg12[%dma_wait3A_4453] : memref<4096xf32, #tpu.memory_space<vmem>> -> memref<512xf32, #tpu.memory_space<vmem>>
      %dma_wait3A_4455 = tpu.memref_slice %arg6[%run_scoped3A_4435, %mul3A_2] : memref<16x16384xf32, #tpu.memory_space<hbm>> -> memref<1x512xf32, #tpu.memory_space<hbm>>
      %dma_wait3A_4456 = tpu.memref_squeeze %dma_wait3A_4455 : memref<1x512xf32, #tpu.memory_space<hbm>> -> memref<512xf32, #tpu.memory_space<hbm>>
      %dma_wait3A_4457 = tpu.memref_slice %arg6[%run_scoped3A_4435, %mul3A_2] : memref<16x16384xf32, #tpu.memory_space<hbm>> -> memref<1x512xf32, #tpu.memory_space<hbm>>
      %dma_wait3A_4458 = tpu.memref_squeeze %dma_wait3A_4457 : memref<1x512xf32, #tpu.memory_space<hbm>> -> memref<512xf32, #tpu.memory_space<hbm>>
      %dma_wait3A_4459 = arith.constant 1536 : i32
      %dma_wait3A_4460 = tpu.memref_slice %arg12[%dma_wait3A_4459] : memref<4096xf32, #tpu.memory_space<vmem>> -> memref<512xf32, #tpu.memory_space<vmem>>
      tpu.wait_dma2 semaphore(%run_scoped3A_4444 : memref<!tpu.dma_semaphore, #tpu.memory_space<semaphore_mem>>) src(%dma_wait3A_4460 : memref<512xf32, #tpu.memory_space<vmem>>) dst(%dma_wait3A_4458 : memref<512xf32, #tpu.memory_space<hbm>>)
      tpu.yield
    }) : () -> ()
    %run_scoped3A_4436 = arith.constant 4 : i32
    "tpu.region"() ({
      %run_scoped3A_4444 = tpu.sem_alloc : memref<!tpu.dma_semaphore, #tpu.memory_space<semaphore_mem>>
      %dma_start3A_4445 = arith.constant 2048 : i32
      %dma_start3A_4446 = tpu.memref_slice %arg11[%dma_start3A_4445] : memref<4096xf32, #tpu.memory_space<vmem>> -> memref<512xf32, #tpu.memory_space<vmem>>
      %dma_start3A_4447 = tpu.memref_slice %arg6[%run_scoped3A_4436, %mul3A_2] : memref<16x16384xf32, #tpu.memory_space<hbm>> -> memref<1x512xf32, #tpu.memory_space<hbm>>
      %dma_start3A_4448 = tpu.memref_squeeze %dma_start3A_4447 : memref<1x512xf32, #tpu.memory_space<hbm>> -> memref<512xf32, #tpu.memory_space<hbm>>
      %dma_start3A_4449 = tpu.memref_slice %arg6[%run_scoped3A_4436, %mul3A_2] : memref<16x16384xf32, #tpu.memory_space<hbm>> -> memref<1x512xf32, #tpu.memory_space<hbm>>
      %dma_start3A_4450 = tpu.memref_squeeze %dma_start3A_4449 : memref<1x512xf32, #tpu.memory_space<hbm>> -> memref<512xf32, #tpu.memory_space<hbm>>
      %dma_start3A_4451 = arith.constant 2048 : i32
      %dma_start3A_4452 = tpu.memref_slice %arg11[%dma_start3A_4451] : memref<4096xf32, #tpu.memory_space<vmem>> -> memref<512xf32, #tpu.memory_space<vmem>>
      tpu.enqueue_dma source(%dma_start3A_4452 : memref<512xf32, #tpu.memory_space<vmem>>) target(%dma_start3A_4450 : memref<512xf32, #tpu.memory_space<hbm>>) target_semaphore(%run_scoped3A_4444 : memref<!tpu.dma_semaphore, #tpu.memory_space<semaphore_mem>>)
      %dma_wait3A_4453 = arith.constant 2048 : i32
      %dma_wait3A_4454 = tpu.memref_slice %arg11[%dma_wait3A_4453] : memref<4096xf32, #tpu.memory_space<vmem>> -> memref<512xf32, #tpu.memory_space<vmem>>
      %dma_wait3A_4455 = tpu.memref_slice %arg6[%run_scoped3A_4436, %mul3A_2] : memref<16x16384xf32, #tpu.memory_space<hbm>> -> memref<1x512xf32, #tpu.memory_space<hbm>>
      %dma_wait3A_4456 = tpu.memref_squeeze %dma_wait3A_4455 : memref<1x512xf32, #tpu.memory_space<hbm>> -> memref<512xf32, #tpu.memory_space<hbm>>
      %dma_wait3A_4457 = tpu.memref_slice %arg6[%run_scoped3A_4436, %mul3A_2] : memref<16x16384xf32, #tpu.memory_space<hbm>> -> memref<1x512xf32, #tpu.memory_space<hbm>>
      %dma_wait3A_4458 = tpu.memref_squeeze %dma_wait3A_4457 : memref<1x512xf32, #tpu.memory_space<hbm>> -> memref<512xf32, #tpu.memory_space<hbm>>
      %dma_wait3A_4459 = arith.constant 2048 : i32
      %dma_wait3A_4460 = tpu.memref_slice %arg11[%dma_wait3A_4459] : memref<4096xf32, #tpu.memory_space<vmem>> -> memref<512xf32, #tpu.memory_space<vmem>>
      tpu.wait_dma2 semaphore(%run_scoped3A_4444 : memref<!tpu.dma_semaphore, #tpu.memory_space<semaphore_mem>>) src(%dma_wait3A_4460 : memref<512xf32, #tpu.memory_space<vmem>>) dst(%dma_wait3A_4458 : memref<512xf32, #tpu.memory_space<hbm>>)
      tpu.yield
    }) : () -> ()
    %run_scoped3A_4437 = arith.constant 12 : i32
    "tpu.region"() ({
      %run_scoped3A_4444 = tpu.sem_alloc : memref<!tpu.dma_semaphore, #tpu.memory_space<semaphore_mem>>
      %dma_start3A_4445 = arith.constant 2048 : i32
      %dma_start3A_4446 = tpu.memref_slice %arg12[%dma_start3A_4445] : memref<4096xf32, #tpu.memory_space<vmem>> -> memref<512xf32, #tpu.memory_space<vmem>>
      %dma_start3A_4447 = tpu.memref_slice %arg6[%run_scoped3A_4437, %mul3A_2] : memref<16x16384xf32, #tpu.memory_space<hbm>> -> memref<1x512xf32, #tpu.memory_space<hbm>>
      %dma_start3A_4448 = tpu.memref_squeeze %dma_start3A_4447 : memref<1x512xf32, #tpu.memory_space<hbm>> -> memref<512xf32, #tpu.memory_space<hbm>>
      %dma_start3A_4449 = tpu.memref_slice %arg6[%run_scoped3A_4437, %mul3A_2] : memref<16x16384xf32, #tpu.memory_space<hbm>> -> memref<1x512xf32, #tpu.memory_space<hbm>>
      %dma_start3A_4450 = tpu.memref_squeeze %dma_start3A_4449 : memref<1x512xf32, #tpu.memory_space<hbm>> -> memref<512xf32, #tpu.memory_space<hbm>>
      %dma_start3A_4451 = arith.constant 2048 : i32
      %dma_start3A_4452 = tpu.memref_slice %arg12[%dma_start3A_4451] : memref<4096xf32, #tpu.memory_space<vmem>> -> memref<512xf32, #tpu.memory_space<vmem>>
      tpu.enqueue_dma source(%dma_start3A_4452 : memref<512xf32, #tpu.memory_space<vmem>>) target(%dma_start3A_4450 : memref<512xf32, #tpu.memory_space<hbm>>) target_semaphore(%run_scoped3A_4444 : memref<!tpu.dma_semaphore, #tpu.memory_space<semaphore_mem>>)
      %dma_wait3A_4453 = arith.constant 2048 : i32
      %dma_wait3A_4454 = tpu.memref_slice %arg12[%dma_wait3A_4453] : memref<4096xf32, #tpu.memory_space<vmem>> -> memref<512xf32, #tpu.memory_space<vmem>>
      %dma_wait3A_4455 = tpu.memref_slice %arg6[%run_scoped3A_4437, %mul3A_2] : memref<16x16384xf32, #tpu.memory_space<hbm>> -> memref<1x512xf32, #tpu.memory_space<hbm>>
      %dma_wait3A_4456 = tpu.memref_squeeze %dma_wait3A_4455 : memref<1x512xf32, #tpu.memory_space<hbm>> -> memref<512xf32, #tpu.memory_space<hbm>>
      %dma_wait3A_4457 = tpu.memref_slice %arg6[%run_scoped3A_4437, %mul3A_2] : memref<16x16384xf32, #tpu.memory_space<hbm>> -> memref<1x512xf32, #tpu.memory_space<hbm>>
      %dma_wait3A_4458 = tpu.memref_squeeze %dma_wait3A_4457 : memref<1x512xf32, #tpu.memory_space<hbm>> -> memref<512xf32, #tpu.memory_space<hbm>>
      %dma_wait3A_4459 = arith.constant 2048 : i32
      %dma_wait3A_4460 = tpu.memref_slice %arg12[%dma_wait3A_4459] : memref<4096xf32, #tpu.memory_space<vmem>> -> memref<512xf32, #tpu.memory_space<vmem>>
      tpu.wait_dma2 semaphore(%run_scoped3A_4444 : memref<!tpu.dma_semaphore, #tpu.memory_space<semaphore_mem>>) src(%dma_wait3A_4460 : memref<512xf32, #tpu.memory_space<vmem>>) dst(%dma_wait3A_4458 : memref<512xf32, #tpu.memory_space<hbm>>)
      tpu.yield
    }) : () -> ()
    %run_scoped3A_4438 = arith.constant 5 : i32
    "tpu.region"() ({
      %run_scoped3A_4444 = tpu.sem_alloc : memref<!tpu.dma_semaphore, #tpu.memory_space<semaphore_mem>>
      %dma_start3A_4445 = arith.constant 2560 : i32
      %dma_start3A_4446 = tpu.memref_slice %arg11[%dma_start3A_4445] : memref<4096xf32, #tpu.memory_space<vmem>> -> memref<512xf32, #tpu.memory_space<vmem>>
      %dma_start3A_4447 = tpu.memref_slice %arg6[%run_scoped3A_4438, %mul3A_2] : memref<16x16384xf32, #tpu.memory_space<hbm>> -> memref<1x512xf32, #tpu.memory_space<hbm>>
      %dma_start3A_4448 = tpu.memref_squeeze %dma_start3A_4447 : memref<1x512xf32, #tpu.memory_space<hbm>> -> memref<512xf32, #tpu.memory_space<hbm>>
      %dma_start3A_4449 = tpu.memref_slice %arg6[%run_scoped3A_4438, %mul3A_2] : memref<16x16384xf32, #tpu.memory_space<hbm>> -> memref<1x512xf32, #tpu.memory_space<hbm>>
      %dma_start3A_4450 = tpu.memref_squeeze %dma_start3A_4449 : memref<1x512xf32, #tpu.memory_space<hbm>> -> memref<512xf32, #tpu.memory_space<hbm>>
      %dma_start3A_4451 = arith.constant 2560 : i32
      %dma_start3A_4452 = tpu.memref_slice %arg11[%dma_start3A_4451] : memref<4096xf32, #tpu.memory_space<vmem>> -> memref<512xf32, #tpu.memory_space<vmem>>
      tpu.enqueue_dma source(%dma_start3A_4452 : memref<512xf32, #tpu.memory_space<vmem>>) target(%dma_start3A_4450 : memref<512xf32, #tpu.memory_space<hbm>>) target_semaphore(%run_scoped3A_4444 : memref<!tpu.dma_semaphore, #tpu.memory_space<semaphore_mem>>)
      %dma_wait3A_4453 = arith.constant 2560 : i32
      %dma_wait3A_4454 = tpu.memref_slice %arg11[%dma_wait3A_4453] : memref<4096xf32, #tpu.memory_space<vmem>> -> memref<512xf32, #tpu.memory_space<vmem>>
      %dma_wait3A_4455 = tpu.memref_slice %arg6[%run_scoped3A_4438, %mul3A_2] : memref<16x16384xf32, #tpu.memory_space<hbm>> -> memref<1x512xf32, #tpu.memory_space<hbm>>
      %dma_wait3A_4456 = tpu.memref_squeeze %dma_wait3A_4455 : memref<1x512xf32, #tpu.memory_space<hbm>> -> memref<512xf32, #tpu.memory_space<hbm>>
      %dma_wait3A_4457 = tpu.memref_slice %arg6[%run_scoped3A_4438, %mul3A_2] : memref<16x16384xf32, #tpu.memory_space<hbm>> -> memref<1x512xf32, #tpu.memory_space<hbm>>
      %dma_wait3A_4458 = tpu.memref_squeeze %dma_wait3A_4457 : memref<1x512xf32, #tpu.memory_space<hbm>> -> memref<512xf32, #tpu.memory_space<hbm>>
      %dma_wait3A_4459 = arith.constant 2560 : i32
      %dma_wait3A_4460 = tpu.memref_slice %arg11[%dma_wait3A_4459] : memref<4096xf32, #tpu.memory_space<vmem>> -> memref<512xf32, #tpu.memory_space<vmem>>
      tpu.wait_dma2 semaphore(%run_scoped3A_4444 : memref<!tpu.dma_semaphore, #tpu.memory_space<semaphore_mem>>) src(%dma_wait3A_4460 : memref<512xf32, #tpu.memory_space<vmem>>) dst(%dma_wait3A_4458 : memref<512xf32, #tpu.memory_space<hbm>>)
      tpu.yield
    }) : () -> ()
    %run_scoped3A_4439 = arith.constant 13 : i32
    "tpu.region"() ({
      %run_scoped3A_4444 = tpu.sem_alloc : memref<!tpu.dma_semaphore, #tpu.memory_space<semaphore_mem>>
      %dma_start3A_4445 = arith.constant 2560 : i32
      %dma_start3A_4446 = tpu.memref_slice %arg12[%dma_start3A_4445] : memref<4096xf32, #tpu.memory_space<vmem>> -> memref<512xf32, #tpu.memory_space<vmem>>
      %dma_start3A_4447 = tpu.memref_slice %arg6[%run_scoped3A_4439, %mul3A_2] : memref<16x16384xf32, #tpu.memory_space<hbm>> -> memref<1x512xf32, #tpu.memory_space<hbm>>
      %dma_start3A_4448 = tpu.memref_squeeze %dma_start3A_4447 : memref<1x512xf32, #tpu.memory_space<hbm>> -> memref<512xf32, #tpu.memory_space<hbm>>
      %dma_start3A_4449 = tpu.memref_slice %arg6[%run_scoped3A_4439, %mul3A_2] : memref<16x16384xf32, #tpu.memory_space<hbm>> -> memref<1x512xf32, #tpu.memory_space<hbm>>
      %dma_start3A_4450 = tpu.memref_squeeze %dma_start3A_4449 : memref<1x512xf32, #tpu.memory_space<hbm>> -> memref<512xf32, #tpu.memory_space<hbm>>
      %dma_start3A_4451 = arith.constant 2560 : i32
      %dma_start3A_4452 = tpu.memref_slice %arg12[%dma_start3A_4451] : memref<4096xf32, #tpu.memory_space<vmem>> -> memref<512xf32, #tpu.memory_space<vmem>>
      tpu.enqueue_dma source(%dma_start3A_4452 : memref<512xf32, #tpu.memory_space<vmem>>) target(%dma_start3A_4450 : memref<512xf32, #tpu.memory_space<hbm>>) target_semaphore(%run_scoped3A_4444 : memref<!tpu.dma_semaphore, #tpu.memory_space<semaphore_mem>>)
      %dma_wait3A_4453 = arith.constant 2560 : i32
      %dma_wait3A_4454 = tpu.memref_slice %arg12[%dma_wait3A_4453] : memref<4096xf32, #tpu.memory_space<vmem>> -> memref<512xf32, #tpu.memory_space<vmem>>
      %dma_wait3A_4455 = tpu.memref_slice %arg6[%run_scoped3A_4439, %mul3A_2] : memref<16x16384xf32, #tpu.memory_space<hbm>> -> memref<1x512xf32, #tpu.memory_space<hbm>>
      %dma_wait3A_4456 = tpu.memref_squeeze %dma_wait3A_4455 : memref<1x512xf32, #tpu.memory_space<hbm>> -> memref<512xf32, #tpu.memory_space<hbm>>
      %dma_wait3A_4457 = tpu.memref_slice %arg6[%run_scoped3A_4439, %mul3A_2] : memref<16x16384xf32, #tpu.memory_space<hbm>> -> memref<1x512xf32, #tpu.memory_space<hbm>>
      %dma_wait3A_4458 = tpu.memref_squeeze %dma_wait3A_4457 : memref<1x512xf32, #tpu.memory_space<hbm>> -> memref<512xf32, #tpu.memory_space<hbm>>
      %dma_wait3A_4459 = arith.constant 2560 : i32
      %dma_wait3A_4460 = tpu.memref_slice %arg12[%dma_wait3A_4459] : memref<4096xf32, #tpu.memory_space<vmem>> -> memref<512xf32, #tpu.memory_space<vmem>>
      tpu.wait_dma2 semaphore(%run_scoped3A_4444 : memref<!tpu.dma_semaphore, #tpu.memory_space<semaphore_mem>>) src(%dma_wait3A_4460 : memref<512xf32, #tpu.memory_space<vmem>>) dst(%dma_wait3A_4458 : memref<512xf32, #tpu.memory_space<hbm>>)
      tpu.yield
    }) : () -> ()
    %run_scoped3A_4440 = arith.constant 6 : i32
    "tpu.region"() ({
      %run_scoped3A_4444 = tpu.sem_alloc : memref<!tpu.dma_semaphore, #tpu.memory_space<semaphore_mem>>
      %dma_start3A_4445 = arith.constant 3072 : i32
      %dma_start3A_4446 = tpu.memref_slice %arg11[%dma_start3A_4445] : memref<4096xf32, #tpu.memory_space<vmem>> -> memref<512xf32, #tpu.memory_space<vmem>>
      %dma_start3A_4447 = tpu.memref_slice %arg6[%run_scoped3A_4440, %mul3A_2] : memref<16x16384xf32, #tpu.memory_space<hbm>> -> memref<1x512xf32, #tpu.memory_space<hbm>>
      %dma_start3A_4448 = tpu.memref_squeeze %dma_start3A_4447 : memref<1x512xf32, #tpu.memory_space<hbm>> -> memref<512xf32, #tpu.memory_space<hbm>>
      %dma_start3A_4449 = tpu.memref_slice %arg6[%run_scoped3A_4440, %mul3A_2] : memref<16x16384xf32, #tpu.memory_space<hbm>> -> memref<1x512xf32, #tpu.memory_space<hbm>>
      %dma_start3A_4450 = tpu.memref_squeeze %dma_start3A_4449 : memref<1x512xf32, #tpu.memory_space<hbm>> -> memref<512xf32, #tpu.memory_space<hbm>>
      %dma_start3A_4451 = arith.constant 3072 : i32
      %dma_start3A_4452 = tpu.memref_slice %arg11[%dma_start3A_4451] : memref<4096xf32, #tpu.memory_space<vmem>> -> memref<512xf32, #tpu.memory_space<vmem>>
      tpu.enqueue_dma source(%dma_start3A_4452 : memref<512xf32, #tpu.memory_space<vmem>>) target(%dma_start3A_4450 : memref<512xf32, #tpu.memory_space<hbm>>) target_semaphore(%run_scoped3A_4444 : memref<!tpu.dma_semaphore, #tpu.memory_space<semaphore_mem>>)
      %dma_wait3A_4453 = arith.constant 3072 : i32
      %dma_wait3A_4454 = tpu.memref_slice %arg11[%dma_wait3A_4453] : memref<4096xf32, #tpu.memory_space<vmem>> -> memref<512xf32, #tpu.memory_space<vmem>>
      %dma_wait3A_4455 = tpu.memref_slice %arg6[%run_scoped3A_4440, %mul3A_2] : memref<16x16384xf32, #tpu.memory_space<hbm>> -> memref<1x512xf32, #tpu.memory_space<hbm>>
      %dma_wait3A_4456 = tpu.memref_squeeze %dma_wait3A_4455 : memref<1x512xf32, #tpu.memory_space<hbm>> -> memref<512xf32, #tpu.memory_space<hbm>>
      %dma_wait3A_4457 = tpu.memref_slice %arg6[%run_scoped3A_4440, %mul3A_2] : memref<16x16384xf32, #tpu.memory_space<hbm>> -> memref<1x512xf32, #tpu.memory_space<hbm>>
      %dma_wait3A_4458 = tpu.memref_squeeze %dma_wait3A_4457 : memref<1x512xf32, #tpu.memory_space<hbm>> -> memref<512xf32, #tpu.memory_space<hbm>>
      %dma_wait3A_4459 = arith.constant 3072 : i32
      %dma_wait3A_4460 = tpu.memref_slice %arg11[%dma_wait3A_4459] : memref<4096xf32, #tpu.memory_space<vmem>> -> memref<512xf32, #tpu.memory_space<vmem>>
      tpu.wait_dma2 semaphore(%run_scoped3A_4444 : memref<!tpu.dma_semaphore, #tpu.memory_space<semaphore_mem>>) src(%dma_wait3A_4460 : memref<512xf32, #tpu.memory_space<vmem>>) dst(%dma_wait3A_4458 : memref<512xf32, #tpu.memory_space<hbm>>)
      tpu.yield
    }) : () -> ()
    %run_scoped3A_4441 = arith.constant 14 : i32
    "tpu.region"() ({
      %run_scoped3A_4444 = tpu.sem_alloc : memref<!tpu.dma_semaphore, #tpu.memory_space<semaphore_mem>>
      %dma_start3A_4445 = arith.constant 3072 : i32
      %dma_start3A_4446 = tpu.memref_slice %arg12[%dma_start3A_4445] : memref<4096xf32, #tpu.memory_space<vmem>> -> memref<512xf32, #tpu.memory_space<vmem>>
      %dma_start3A_4447 = tpu.memref_slice %arg6[%run_scoped3A_4441, %mul3A_2] : memref<16x16384xf32, #tpu.memory_space<hbm>> -> memref<1x512xf32, #tpu.memory_space<hbm>>
      %dma_start3A_4448 = tpu.memref_squeeze %dma_start3A_4447 : memref<1x512xf32, #tpu.memory_space<hbm>> -> memref<512xf32, #tpu.memory_space<hbm>>
      %dma_start3A_4449 = tpu.memref_slice %arg6[%run_scoped3A_4441, %mul3A_2] : memref<16x16384xf32, #tpu.memory_space<hbm>> -> memref<1x512xf32, #tpu.memory_space<hbm>>
      %dma_start3A_4450 = tpu.memref_squeeze %dma_start3A_4449 : memref<1x512xf32, #tpu.memory_space<hbm>> -> memref<512xf32, #tpu.memory_space<hbm>>
      %dma_start3A_4451 = arith.constant 3072 : i32
      %dma_start3A_4452 = tpu.memref_slice %arg12[%dma_start3A_4451] : memref<4096xf32, #tpu.memory_space<vmem>> -> memref<512xf32, #tpu.memory_space<vmem>>
      tpu.enqueue_dma source(%dma_start3A_4452 : memref<512xf32, #tpu.memory_space<vmem>>) target(%dma_start3A_4450 : memref<512xf32, #tpu.memory_space<hbm>>) target_semaphore(%run_scoped3A_4444 : memref<!tpu.dma_semaphore, #tpu.memory_space<semaphore_mem>>)
      %dma_wait3A_4453 = arith.constant 3072 : i32
      %dma_wait3A_4454 = tpu.memref_slice %arg12[%dma_wait3A_4453] : memref<4096xf32, #tpu.memory_space<vmem>> -> memref<512xf32, #tpu.memory_space<vmem>>
      %dma_wait3A_4455 = tpu.memref_slice %arg6[%run_scoped3A_4441, %mul3A_2] : memref<16x16384xf32, #tpu.memory_space<hbm>> -> memref<1x512xf32, #tpu.memory_space<hbm>>
      %dma_wait3A_4456 = tpu.memref_squeeze %dma_wait3A_4455 : memref<1x512xf32, #tpu.memory_space<hbm>> -> memref<512xf32, #tpu.memory_space<hbm>>
      %dma_wait3A_4457 = tpu.memref_slice %arg6[%run_scoped3A_4441, %mul3A_2] : memref<16x16384xf32, #tpu.memory_space<hbm>> -> memref<1x512xf32, #tpu.memory_space<hbm>>
      %dma_wait3A_4458 = tpu.memref_squeeze %dma_wait3A_4457 : memref<1x512xf32, #tpu.memory_space<hbm>> -> memref<512xf32, #tpu.memory_space<hbm>>
      %dma_wait3A_4459 = arith.constant 3072 : i32
      %dma_wait3A_4460 = tpu.memref_slice %arg12[%dma_wait3A_4459] : memref<4096xf32, #tpu.memory_space<vmem>> -> memref<512xf32, #tpu.memory_space<vmem>>
      tpu.wait_dma2 semaphore(%run_scoped3A_4444 : memref<!tpu.dma_semaphore, #tpu.memory_space<semaphore_mem>>) src(%dma_wait3A_4460 : memref<512xf32, #tpu.memory_space<vmem>>) dst(%dma_wait3A_4458 : memref<512xf32, #tpu.memory_space<hbm>>)
      tpu.yield
    }) : () -> ()
    %run_scoped3A_4442 = arith.constant 7 : i32
    "tpu.region"() ({
      %run_scoped3A_4444 = tpu.sem_alloc : memref<!tpu.dma_semaphore, #tpu.memory_space<semaphore_mem>>
      %dma_start3A_4445 = arith.constant 3584 : i32
      %dma_start3A_4446 = tpu.memref_slice %arg11[%dma_start3A_4445] : memref<4096xf32, #tpu.memory_space<vmem>> -> memref<512xf32, #tpu.memory_space<vmem>>
      %dma_start3A_4447 = tpu.memref_slice %arg6[%run_scoped3A_4442, %mul3A_2] : memref<16x16384xf32, #tpu.memory_space<hbm>> -> memref<1x512xf32, #tpu.memory_space<hbm>>
      %dma_start3A_4448 = tpu.memref_squeeze %dma_start3A_4447 : memref<1x512xf32, #tpu.memory_space<hbm>> -> memref<512xf32, #tpu.memory_space<hbm>>
      %dma_start3A_4449 = tpu.memref_slice %arg6[%run_scoped3A_4442, %mul3A_2] : memref<16x16384xf32, #tpu.memory_space<hbm>> -> memref<1x512xf32, #tpu.memory_space<hbm>>
      %dma_start3A_4450 = tpu.memref_squeeze %dma_start3A_4449 : memref<1x512xf32, #tpu.memory_space<hbm>> -> memref<512xf32, #tpu.memory_space<hbm>>
      %dma_start3A_4451 = arith.constant 3584 : i32
      %dma_start3A_4452 = tpu.memref_slice %arg11[%dma_start3A_4451] : memref<4096xf32, #tpu.memory_space<vmem>> -> memref<512xf32, #tpu.memory_space<vmem>>
      tpu.enqueue_dma source(%dma_start3A_4452 : memref<512xf32, #tpu.memory_space<vmem>>) target(%dma_start3A_4450 : memref<512xf32, #tpu.memory_space<hbm>>) target_semaphore(%run_scoped3A_4444 : memref<!tpu.dma_semaphore, #tpu.memory_space<semaphore_mem>>)
      %dma_wait3A_4453 = arith.constant 3584 : i32
      %dma_wait3A_4454 = tpu.memref_slice %arg11[%dma_wait3A_4453] : memref<4096xf32, #tpu.memory_space<vmem>> -> memref<512xf32, #tpu.memory_space<vmem>>
      %dma_wait3A_4455 = tpu.memref_slice %arg6[%run_scoped3A_4442, %mul3A_2] : memref<16x16384xf32, #tpu.memory_space<hbm>> -> memref<1x512xf32, #tpu.memory_space<hbm>>
      %dma_wait3A_4456 = tpu.memref_squeeze %dma_wait3A_4455 : memref<1x512xf32, #tpu.memory_space<hbm>> -> memref<512xf32, #tpu.memory_space<hbm>>
      %dma_wait3A_4457 = tpu.memref_slice %arg6[%run_scoped3A_4442, %mul3A_2] : memref<16x16384xf32, #tpu.memory_space<hbm>> -> memref<1x512xf32, #tpu.memory_space<hbm>>
      %dma_wait3A_4458 = tpu.memref_squeeze %dma_wait3A_4457 : memref<1x512xf32, #tpu.memory_space<hbm>> -> memref<512xf32, #tpu.memory_space<hbm>>
      %dma_wait3A_4459 = arith.constant 3584 : i32
      %dma_wait3A_4460 = tpu.memref_slice %arg11[%dma_wait3A_4459] : memref<4096xf32, #tpu.memory_space<vmem>> -> memref<512xf32, #tpu.memory_space<vmem>>
      tpu.wait_dma2 semaphore(%run_scoped3A_4444 : memref<!tpu.dma_semaphore, #tpu.memory_space<semaphore_mem>>) src(%dma_wait3A_4460 : memref<512xf32, #tpu.memory_space<vmem>>) dst(%dma_wait3A_4458 : memref<512xf32, #tpu.memory_space<hbm>>)
      tpu.yield
    }) : () -> ()
    %run_scoped3A_4443 = arith.constant 15 : i32
    "tpu.region"() ({
      %run_scoped3A_4444 = tpu.sem_alloc : memref<!tpu.dma_semaphore, #tpu.memory_space<semaphore_mem>>
      %dma_start3A_4445 = arith.constant 3584 : i32
      %dma_start3A_4446 = tpu.memref_slice %arg12[%dma_start3A_4445] : memref<4096xf32, #tpu.memory_space<vmem>> -> memref<512xf32, #tpu.memory_space<vmem>>
      %dma_start3A_4447 = tpu.memref_slice %arg6[%run_scoped3A_4443, %mul3A_2] : memref<16x16384xf32, #tpu.memory_space<hbm>> -> memref<1x512xf32, #tpu.memory_space<hbm>>
      %dma_start3A_4448 = tpu.memref_squeeze %dma_start3A_4447 : memref<1x512xf32, #tpu.memory_space<hbm>> -> memref<512xf32, #tpu.memory_space<hbm>>
      %dma_start3A_4449 = tpu.memref_slice %arg6[%run_scoped3A_4443, %mul3A_2] : memref<16x16384xf32, #tpu.memory_space<hbm>> -> memref<1x512xf32, #tpu.memory_space<hbm>>
      %dma_start3A_4450 = tpu.memref_squeeze %dma_start3A_4449 : memref<1x512xf32, #tpu.memory_space<hbm>> -> memref<512xf32, #tpu.memory_space<hbm>>
      %dma_start3A_4451 = arith.constant 3584 : i32
      %dma_start3A_4452 = tpu.memref_slice %arg12[%dma_start3A_4451] : memref<4096xf32, #tpu.memory_space<vmem>> -> memref<512xf32, #tpu.memory_space<vmem>>
      tpu.enqueue_dma source(%dma_start3A_4452 : memref<512xf32, #tpu.memory_space<vmem>>) target(%dma_start3A_4450 : memref<512xf32, #tpu.memory_space<hbm>>) target_semaphore(%run_scoped3A_4444 : memref<!tpu.dma_semaphore, #tpu.memory_space<semaphore_mem>>)
      %dma_wait3A_4453 = arith.constant 3584 : i32
      %dma_wait3A_4454 = tpu.memref_slice %arg12[%dma_wait3A_4453] : memref<4096xf32, #tpu.memory_space<vmem>> -> memref<512xf32, #tpu.memory_space<vmem>>
      %dma_wait3A_4455 = tpu.memref_slice %arg6[%run_scoped3A_4443, %mul3A_2] : memref<16x16384xf32, #tpu.memory_space<hbm>> -> memref<1x512xf32, #tpu.memory_space<hbm>>
      %dma_wait3A_4456 = tpu.memref_squeeze %dma_wait3A_4455 : memref<1x512xf32, #tpu.memory_space<hbm>> -> memref<512xf32, #tpu.memory_space<hbm>>
      %dma_wait3A_4457 = tpu.memref_slice %arg6[%run_scoped3A_4443, %mul3A_2] : memref<16x16384xf32, #tpu.memory_space<hbm>> -> memref<1x512xf32, #tpu.memory_space<hbm>>
      %dma_wait3A_4458 = tpu.memref_squeeze %dma_wait3A_4457 : memref<1x512xf32, #tpu.memory_space<hbm>> -> memref<512xf32, #tpu.memory_space<hbm>>
      %dma_wait3A_4459 = arith.constant 3584 : i32
      %dma_wait3A_4460 = tpu.memref_slice %arg12[%dma_wait3A_4459] : memref<4096xf32, #tpu.memory_space<vmem>> -> memref<512xf32, #tpu.memory_space<vmem>>
      tpu.wait_dma2 semaphore(%run_scoped3A_4444 : memref<!tpu.dma_semaphore, #tpu.memory_space<semaphore_mem>>) src(%dma_wait3A_4460 : memref<512xf32, #tpu.memory_space<vmem>>) dst(%dma_wait3A_4458 : memref<512xf32, #tpu.memory_space<hbm>>)
      tpu.yield
    }) : () -> ()
    return
  }
}

module attributes {stable_mosaic.version = 14 : i64} {
  func.func @_mlp_body(%arg0: i32, %arg1: memref<16x16384xf32, #tpu.memory_space<vmem>>, %arg2: memref<64x16xf32, #tpu.memory_space<vmem>>, %arg3: memref<64x1xf32, #tpu.memory_space<vmem>>, %arg4: memref<32x64xf32, #tpu.memory_space<vmem>>, %arg5: memref<32x1xf32, #tpu.memory_space<vmem>>, %arg6: memref<1x32xf32, #tpu.memory_space<vmem>>, %arg7: memref<1x1xf32, #tpu.memory_space<vmem>>, %arg8: memref<1x16384xf32, #tpu.memory_space<vmem>>) attributes {dimension_semantics = [#tpu.dimension_semantics<arbitrary>], iteration_bounds = array<i64: 1>, scalar_prefetch = 0 : i64, scratch_operands = 0 : i64, tpu.core_type = #tpu.core_type<tc>, window_params = [{transform_indices = @transform_0, window_bounds = array<i64: 16, 16384>}, {pipeline_mode = #tpu.pipeline_mode<synchronous>, transform_indices = @transform_1, window_bounds = array<i64: 64, 16>}, {pipeline_mode = #tpu.pipeline_mode<synchronous>, transform_indices = @transform_2, window_bounds = array<i64: 64, 1>}, {pipeline_mode = #tpu.pipeline_mode<synchronous>, transform_indices = @transform_3, window_bounds = array<i64: 32, 64>}, {pipeline_mode = #tpu.pipeline_mode<synchronous>, transform_indices = @transform_4, window_bounds = array<i64: 32, 1>}, {pipeline_mode = #tpu.pipeline_mode<synchronous>, transform_indices = @transform_5, window_bounds = array<i64: 1, 32>}, {pipeline_mode = #tpu.pipeline_mode<synchronous>, transform_indices = @transform_6, window_bounds = array<i64: 1, 1>}, {transform_indices = @transform_7, window_bounds = array<i64: 1, 16384>}]} {
    %get3A = arith.constant 0 : index
    %get3A_0 = arith.constant 0 : index
    %get3A_1 = vector.load %arg2[%get3A, %get3A_0] : memref<64x16xf32, #tpu.memory_space<vmem>>, vector<64x16xf32>
    %get3A_2 = arith.constant 0 : index
    %get3A_3 = arith.constant 0 : index
    %get3A_4 = vector.load %arg1[%get3A_2, %get3A_3] : memref<16x16384xf32, #tpu.memory_space<vmem>>, vector<16x16384xf32>
    %dot_general3A = arith.constant dense<0.000000e+00> : vector<64x16384xf32>
    %dot_general3A_5 = tpu.matmul %get3A_1, %get3A_4, %dot_general3A {dimension_numbers = #tpu.dot_dimension_numbers<[1], [0], [0], [1], [0, 0, 1, 1], [], []>, transpose_lhs_hint = false} : vector<64x16xf32>, vector<16x16384xf32>, vector<64x16384xf32> -> vector<64x16384xf32>
    %get3A_6 = arith.constant 0 : index
    %get3A_7 = arith.constant 0 : index
    %get3A_8 = vector.load %arg3[%get3A_6, %get3A_7] : memref<64x1xf32, #tpu.memory_space<vmem>>, vector<64x1xf32>
    %add3A = vector.broadcast %get3A_8 : vector<64x1xf32> to vector<64x16384xf32>
    %add3A_9 = arith.addf %dot_general3A_5, %add3A : vector<64x16384xf32>
    %max3A = arith.constant 0.000000e+00 : f32
    %max3A_10 = vector.broadcast %max3A : f32 to vector<64x16384xf32>
    %max3A_11 = arith.maximumf %add3A_9, %max3A_10 : vector<64x16384xf32>
    %get3A_12 = arith.constant 0 : index
    %get3A_13 = arith.constant 0 : index
    %get3A_14 = vector.load %arg4[%get3A_12, %get3A_13] : memref<32x64xf32, #tpu.memory_space<vmem>>, vector<32x64xf32>
    %dot_general3A_15 = arith.constant dense<0.000000e+00> : vector<32x16384xf32>
    %dot_general3A_16 = tpu.matmul %get3A_14, %max3A_11, %dot_general3A_15 {dimension_numbers = #tpu.dot_dimension_numbers<[1], [0], [0], [1], [0, 0, 1, 1], [], []>, transpose_lhs_hint = false} : vector<32x64xf32>, vector<64x16384xf32>, vector<32x16384xf32> -> vector<32x16384xf32>
    %get3A_17 = arith.constant 0 : index
    %get3A_18 = arith.constant 0 : index
    %get3A_19 = vector.load %arg5[%get3A_17, %get3A_18] : memref<32x1xf32, #tpu.memory_space<vmem>>, vector<32x1xf32>
    %add3A_20 = vector.broadcast %get3A_19 : vector<32x1xf32> to vector<32x16384xf32>
    %add3A_21 = arith.addf %dot_general3A_16, %add3A_20 : vector<32x16384xf32>
    %max3A_22 = arith.constant 0.000000e+00 : f32
    %max3A_23 = vector.broadcast %max3A_22 : f32 to vector<32x16384xf32>
    %max3A_24 = arith.maximumf %add3A_21, %max3A_23 : vector<32x16384xf32>
    %get3A_25 = arith.constant 0 : index
    %get3A_26 = arith.constant 0 : index
    %get3A_27 = vector.load %arg6[%get3A_25, %get3A_26] : memref<1x32xf32, #tpu.memory_space<vmem>>, vector<1x32xf32>
    %dot_general3A_28 = arith.constant dense<0.000000e+00> : vector<1x16384xf32>
    %dot_general3A_29 = tpu.matmul %get3A_27, %max3A_24, %dot_general3A_28 {dimension_numbers = #tpu.dot_dimension_numbers<[1], [0], [0], [1], [0, 0, 1, 1], [], []>, transpose_lhs_hint = false} : vector<1x32xf32>, vector<32x16384xf32>, vector<1x16384xf32> -> vector<1x16384xf32>
    %get3A_30 = arith.constant 0 : index
    %get3A_31 = arith.constant 0 : index
    %get3A_32 = vector.load %arg7[%get3A_30, %get3A_31] : memref<1x1xf32, #tpu.memory_space<vmem>>, vector<1x1xf32>
    %add3A_33 = vector.broadcast %get3A_32 : vector<1x1xf32> to vector<1x16384xf32>
    %add3A_34 = arith.addf %dot_general3A_29, %add3A_33 : vector<1x16384xf32>
    %logistic3A = arith.negf %add3A_34 : vector<1x16384xf32>
    %logistic3A_35 = math.exp %logistic3A : vector<1x16384xf32>
    %logistic3A_36 = arith.constant 1.000000e+00 : f32
    %logistic3A_37 = vector.broadcast %logistic3A_36 : f32 to vector<1x16384xf32>
    %logistic3A_38 = arith.addf %logistic3A_37, %logistic3A_35 : vector<1x16384xf32>
    %logistic3A_39 = arith.divf %logistic3A_37, %logistic3A_38 : vector<1x16384xf32>
    %swap3A = arith.constant 0 : index
    %swap3A_40 = arith.constant 0 : index
    %swap3A_41 = vector.load %arg8[%swap3A, %swap3A_40] : memref<1x16384xf32, #tpu.memory_space<vmem>>, vector<1x16384xf32>
    tpu.vector_store %arg8[%swap3A, %swap3A_40], %logistic3A_39 {strides = array<i32>} : memref<1x16384xf32, #tpu.memory_space<vmem>>, vector<1x16384xf32>,
    return
  }
  func.func @transform_0(%arg0: i32) -> (i32, i32) {
    %c0_i32 = arith.constant 0 : i32
    %c0_i32_0 = arith.constant 0 : i32
    return %c0_i32, %arg0 : i32, i32
  }
  func.func @transform_1(%arg0: i32) -> (i32, i32) {
    %c0_i32 = arith.constant 0 : i32
    %c0_i32_0 = arith.constant 0 : i32
    %c0_i32_1 = arith.constant 0 : i32
    return %c0_i32, %c0_i32_0 : i32, i32
  }
  func.func @transform_2(%arg0: i32) -> (i32, i32) {
    %c0_i32 = arith.constant 0 : i32
    %c0_i32_0 = arith.constant 0 : i32
    %c0_i32_1 = arith.constant 0 : i32
    return %c0_i32, %c0_i32_0 : i32, i32
  }
  func.func @transform_3(%arg0: i32) -> (i32, i32) {
    %c0_i32 = arith.constant 0 : i32
    %c0_i32_0 = arith.constant 0 : i32
    %c0_i32_1 = arith.constant 0 : i32
    return %c0_i32, %c0_i32_0 : i32, i32
  }
  func.func @transform_4(%arg0: i32) -> (i32, i32) {
    %c0_i32 = arith.constant 0 : i32
    %c0_i32_0 = arith.constant 0 : i32
    %c0_i32_1 = arith.constant 0 : i32
    return %c0_i32, %c0_i32_0 : i32, i32
  }
  func.func @transform_5(%arg0: i32) -> (i32, i32) {
    %c0_i32 = arith.constant 0 : i32
    %c0_i32_0 = arith.constant 0 : i32
    %c0_i32_1 = arith.constant 0 : i32
    return %c0_i32, %c0_i32_0 : i32, i32
  }
  func.func @transform_6(%arg0: i32) -> (i32, i32) {
    %c0_i32 = arith.constant 0 : i32
    %c0_i32_0 = arith.constant 0 : i32
    %c0_i32_1 = arith.constant 0 : i32
    return %c0_i32, %c0_i32_0 : i32, i32
  }
  func.func @transform_7(%arg0: i32) -> (i32, i32) {
    %c0_i32 = arith.constant 0 : i32
    %c0_i32_0 = arith.constant 0 : i32
    return %c0_i32, %arg0 : i32, i32
  }
}

</mosaic_0001>

<sc_bundles>
// kernel: kernel.4.cloned.1.call-start
scs
__scs_entry_jumppad:
0x0: {  	(pc) =	sbr.rel $0x88, $3  }
0x1: {  	(tag) =	ssettag $0x0;
	lr =	simm.s32 $0x1  }
0x2: {  	[smem:$0x3F97] =	sst lr;
	_ =	strace $0xD0000000  }
0x3: {  	_ = 	snop  }
0x4: {  	_ = 	snop  }
0x5: {  	_ = 	snop  }
0x6: {  	_ = 	snop  }
0x7: {  	_ = 	snop  }
__scs_overlays_trampoline_lowered:
0x8: {  	[smem:$0x3FA6] =	sst s0  }
0x9: {  	[smem:$0x3FA7] =	sst s1  }
0xa: {  	[smem:$0x3FA8] =	sst s2  }
0xb: {  	[smem:$0x3FA9] =	sst s3  }
0xc: {  	[smem:$0x3FAA] =	sst s4  }
0xd: {  	[smem:$0x3FAB] =	sst s5  }
0xe: {  	[smem:$0x3FAC] =	sst s6  }
0xf: {  	[smem:$0x3FAD] =	sst s7  }
0x10: {  	[smem:$0x3FAE] =	sst s8  }
0x11: {  	[smem:$0x3FAF] =	sst s9;
	s0 =	simm.s32 @!p0 $0x0  }
0x12: {  	s1 =	sld [smem:$0x3F95];
	s0 =	simm.s32 @p0 $0x1  }
0x13: {  	[smem:$0x3FB0] =	sst s0;
	s0 =	simm.s32 @!p1 $0x0  }
0x14: {  	s2 =	sld [smem:$0x3F94];
	s0 =	simm.s32 @p1 $0x1  }
0x15: {  	[smem:$0x3FB1] =	sst s0;
	s0 =	simm.s32 @!p2 $0x0  }
0x16: {  	s3 =	sld [smem:$0x3FDB];
	s0 =	simm.s32 @p2 $0x1  }
0x17: {  	s4 =	simm.s32 $0x1BF5;
	[smem:$0x3FB3] =	sst s0  }
0x18: {  	s0 =	sld [smem:$0x3F96];
	_ =	swait.ge [sflag:s4], $0x0  }
0x19: {  	s7 =	sld [smem:$0x3F97]  }
0x1a: {  	s8 =	sadd.s32 $0xFFFFE003, lr  }
0x1b: {  	s9 =	sadd.s32 $0xFFFFFEF7, lr;
	s5 =	simm.s32 $0xFFFFFFFF;
	p2 =	slt.u32 s8, $0xFFFFF086  }
0x1c: {  	p1 =	slt.u32 s9, $0xF7A;
	s5 =	simm.s32 @!p2 $0x0  }
0x1d: {  	s5 =	simm.s32 @p1 $0x1;
	p0 =	seq.s32 s7, s2  }
0x1e: {  	s7 =	smul.u32 @!p0 $0xF7A, s2;
	p2 =	seq.s32 @!p0 s5, $0x0  }
0x1f: {  	s9 =	smul.u32 $0xF7A, s1;
	s8 =	simm.s32 @!p0 $0x1BF5;
	p2 =	por !p2, p0  }
0x20: {  	[sflag:s8] =	ssyncset.s32 @!p0 $0xFFFFF086;
	s6 =	sadd.s32 @!p0 s3, s7;
	s7 =	simm.s32 @!p0 $0x108  }
0x21: {  	s3 =	sadd.s32 s3, s9;
	s6 =	sadd.s32 @!p0 $0x88, s6;
	s7 =	simm.s32 @p2 $0x1082  }
0x22: {  	[simem:s7], [sflag:s8] =	dma.local @!p0 [hbm:s6], $0xF7A  }
0x23: {  	s9 =	sor.u32 $0xD0000000, s2;
	s6 =	simm.s32 $0x108;
	_ =	swait.ge @!p0 [sflag:s8], $0x0  }
0x24: {  	s3 =	sadd.s32 $0x88, s3;
	s6 =	simm.s32 @!p1 $0x1082;
	[sflag:s4] =	ssyncset.s32 $0xFFFFF086  }
0x25: {  	[simem:s6], [sflag:s4] =	dma.local [hbm:s3], $0xF7A  }
0x26: {  	[smem:$0x3F97] =	sst s1;
	(tag) =	ssettag s2;
	_ =	strace s9  }
0x27: {  	s1 =	sld [smem:$0x3FA7]  }
0x28: {  	s2 =	sld [smem:$0x3FA8]  }
0x29: {  	s4 =	sld [smem:$0x3FAA]  }
0x2a: {  	p0 =	seq.s32 s5, $0x0;
	s5 =	sld [smem:$0x3FAB]  }
0x2b: {  	s6 =	sld [smem:$0x3FAC]  }
0x2c: {  	s7 =	sld [smem:$0x3FAD]  }
0x2d: {  	s3 =	simm.s32 $0x108;
	s8 =	sld [smem:$0x3FAE]  }
0x2e: {  	s3 =	simm.s32 @!p0 $0x1082;
	s9 =	sld [smem:$0x3FAF]  }
0x2f: {  	lr =	sadd.s32 s0, s3;
	s0 =	sld [smem:$0x3FA6]  }
0x30: {  	s3 =	sld [smem:$0x3FA9]  }
0x31: {  	[smem:$0x3FB2] =	sst s10  }
0x32: {  	s10 =	sld [smem:$0x3FB0];
	_ =	sdelay $0x3  }
0x33: {  	p0 =	seq.s32 s10, $0x1;
	s10 =	sld [smem:$0x3FB2];
	_ =	sdelay $0x3  }
0x34: {  	[smem:$0x3FB2] =	sst s10  }
0x35: {  	s10 =	sld [smem:$0x3FB1];
	_ =	sdelay $0x3  }
0x36: {  	p1 =	seq.s32 s10, $0x1;
	s10 =	sld [smem:$0x3FB2];
	_ =	sdelay $0x3  }
0x37: {  	[smem:$0x3FB2] =	sst s10  }
0x38: {  	s10 =	sld [smem:$0x3FB3]  }
0x39: {  	_ = 	snop;
	(pc) =	sbr.ind lr, $3  }
0x3a: {  	_ = 	snop  }
0x3b: {  	_ = 	snop  }
0x3c: {  	p2 =	seq.s32 s10, $0x1;
	s10 =	sld [smem:$0x3FB2]  }
0x3d: {  	_ =	shalt  }
0x3e: {  	_ =	shalt  }
0x3f: {  	_ =	shalt  }
0x40: {  	_ =	shalt  }
0x41: {  	_ =	shalt  }
0x42: {  	_ =	shalt  }
0x43: {  	_ =	shalt  }
0x44: {  	_ =	shalt  }
0x45: {  	_ =	shalt  }
0x46: {  	_ =	shalt  }
0x47: {  	_ =	shalt  }
0x48: {  	_ =	shalt  }
0x49: {  	_ =	shalt  }
0x4a: {  	_ =	shalt  }
0x4b: {  	_ =	shalt  }
0x4c: {  	_ =	shalt  }
0x4d: {  	_ =	shalt  }
0x4e: {  	_ =	shalt  }
0x4f: {  	_ =	shalt  }
0x50: {  	_ =	shalt  }
0x51: {  	_ =	shalt  }
0x52: {  	_ =	shalt  }
0x53: {  	_ =	shalt  }
0x54: {  	_ =	shalt  }
0x55: {  	_ =	shalt  }
0x56: {  	_ =	shalt  }
0x57: {  	_ =	shalt  }
0x58: {  	_ =	shalt  }
0x59: {  	_ =	shalt  }
0x5a: {  	_ =	shalt  }
0x5b: {  	_ =	shalt  }
0x5c: {  	_ =	shalt  }
0x5d: {  	_ =	shalt  }
0x5e: {  	_ =	shalt  }
0x5f: {  	_ =	shalt  }
0x60: {  	_ =	shalt  }
0x61: {  	_ =	shalt  }
0x62: {  	_ =	shalt  }
0x63: {  	_ =	shalt  }
0x64: {  	_ =	shalt  }
0x65: {  	_ =	shalt  }
0x66: {  	_ =	shalt  }
0x67: {  	_ =	shalt  }
0x68: {  	_ =	shalt  }
0x69: {  	_ =	shalt  }
0x6a: {  	_ =	shalt  }
0x6b: {  	_ =	shalt  }
0x6c: {  	_ =	shalt  }
0x6d: {  	_ =	shalt  }
0x6e: {  	_ =	shalt  }
0x6f: {  	_ =	shalt  }
0x70: {  	_ =	shalt  }
0x71: {  	_ =	shalt  }
0x72: {  	_ =	shalt  }
0x73: {  	_ =	shalt  }
0x74: {  	_ =	shalt  }
0x75: {  	_ =	shalt  }
0x76: {  	_ =	shalt  }
0x77: {  	_ =	shalt  }
0x78: {  	_ =	shalt  }
0x79: {  	_ =	shalt  }
0x7a: {  	_ =	shalt  }
0x7b: {  	_ =	shalt  }
0x7c: {  	_ =	shalt  }
0x7d: {  	_ =	shalt  }
0x7e: {  	_ =	shalt  }
0x7f: {  	_ =	shalt  }
0x80: {  	_ =	shalt  }
0x81: {  	_ =	shalt  }
0x82: {  	_ =	shalt  }
0x83: {  	_ =	shalt  }
0x84: {  	_ =	shalt  }
0x85: {  	_ =	shalt  }
0x86: {  	_ =	shalt  }
0x87: {  	_ =	shalt  }
.Lfunc_end0:
.L_simem_size_0:
called_computation_lowered:
.L_overlay_start_0:
0x88: {  	s2 =	sld [smem:$0x3FD9]  }
0x89: {  	s3 =	sld [smem:$0x3FFE];
	_ =	sdelay $0x1  }
0x8a: {  	s1 =	srdreg.scid  }
0x8b: {  	s0 =	sand.u32 $0x1, s1  }
0x8c: {  	s17 =	sshll.u32 s0, $0xA;
	s2 =	sadd.s32 s3, s2  }
0x8d: {  	s2 =	sadd.s32 s2, s17  }
0x8e: {  	[smem:$0x3FBE] =	sst s2  }
0x8f: {  	_ = 	snop  }
0x90: {  	s2 =	sld [smem:$0x3FC9]  }
0x91: {  	s18 =	sld [smem:$0x3FC8];
	(tm) =	ssettm $0x1  }
0x92: {  	s4 =	sld [smem:$0x3FFB];
	_ =	sdelay $0x3  }
0x93: {  	_ =	strace s4  }
0x94: {  	s4 =	sld [smem:$0x3FFC];
	_ =	sdelay $0x3  }
0x95: {  	_ =	strace s4  }
0x96: {  	s4 =	sld [smem:$0x3FFD];
	_ =	sdelay $0x3  }
0x97: {  	_ =	strace s4  }
0x98: {  	_ =	strace $0x8FFFFFFF  }
0x99: {  	s19 =	sld [smem:$0x3FDB];
	_ =	sdelay $0x1  }
0x9a: {  	s5 =	simm.s32 $_scs_section_size  }
0x9b: {  	s6 =	simm.s32 $_size__tile_overlayer_lowered;
	s7 =	simm.s32 $_tile_overlayer_lowered  }
0x9c: {  	s22 =	simm.s32 $0x1BFF;
	s21 =	sshll.u32 s7, $0x1;
	s4 =	sadd.s32 s5, s19  }
0x9d: {  	s8 =	simm.s32 $0x0;
	s20 =	sshll.u32 s6, $0x1;
	s6 =	sadd.s32 s21, s4  }
0x9e: {  	[timem:s8], [sflag:s22] =	dma.local [hbm:s6], s20  }
0x9f: {  	_ =	swait.ge [sflag:s22], s20  }
0xa0: {  	s5 =	ssub.s32 $0x0, s20;
	[sflag:s22] =	ssyncset.done $0x0  }
0xa1: {  	[sflag:s22] =	ssyncadd.s32 s5;
	_ =	sdelay $0x1  }
0xa2: {  	s23 =	simm.s32 $0x1B8B  }
0xa3: {  	_ =	swait.ge [sflag:s23], $0x1  }
0xa4: {  	[sflag:s23] =	ssyncset.done $0x0  }
0xa5: {  	s25 =	simm.s32 $0x1B8E;
	s24 =	sld [smem:$0x3FFE];
	[sflag:s23] =	ssyncadd.s32 $0xFFFFFFFF  }
0xa6: {  	s26 =	simm.s32 $execute0_lowered;
	[smem:$0x3FD2] =	sst s25  }
0xa7: {  	s6 =	sshll.u32 s26, $0x1;
	_ =	strace $0x80000046;
	[dreg:$0x1] =	wrdreg $0xFFFFFFFF  }
0xa8: {  	s28 =	simm.s32 $_size_execute0_lowered;
	s4 =	sadd.s32 s4, s6;
	[dreg:$0x0] =	wrdreg $0x0  }
0xa9: {  	s6 =	sshll.u32 s28, $0x1;
	[dreg:$0x2] =	wrdreg s4  }
0xaa: {  	[dreg:$0x3] =	wrdreg s6  }
0xab: {  	[dreg:$0x4] =	wrdreg $0xC0  }
0xac: {  	_ =	task [dreg:s8], $0x5FFFF  }
0xad: {  	[dreg:$0x1] =	wrdreg $0xFFFFFFFF  }
0xae: {  	[dreg:$0x0] =	wrdreg $0x60  }
0xaf: {  	[dreg:$0x2] =	wrdreg s2  }
0xb0: {  	[dreg:$0x3] =	wrdreg s18  }
0xb1: {  	[dreg:$0x4] =	wrdreg s24  }
0xb2: {  	[dreg:$0x5] =	wrdreg $0x9  }
0xb3: {  	_ =	task.clear_ibuf [dreg:s8], $0x6FFFF;
	_ =	strace $0x90000046  }
0xb4: {  	s29 =	simm.s32 $0x9;
	_ =	strace $0x80000048  }
0xb5: {  	_ =	swait.ge [sflag:s29], $0x1  }
0xb6: {  	[sflag:s29] =	ssyncadd.s32 $0xFFFFFFFF  }
0xb7: {  	_ =	strace $0x90000048  }
0xb8: {  	_ =	sfence  }
0xb9: {  	s30 =	sld [smem:$0x0];
	_ =	sdelay $0x2  }
0xba: {  	s31 =	sshll.u32 s1, $0xD;
	s1 =	sshrl.u32 s1, $0x2  }
0xbb: {  	s3 =	sand.u32 $0x4000, s31;
	s1 =	sadd.s32 s1, s30  }
0xbc: {  	s0 =	sor.u32 s3, s0;
	s1 =	sshll.u32 s1, $0x11  }
0xbd: {  	s0 =	sor.u32 s1, s0  }
0xbe: {  	s0 =	sadd.s32 $0x8F2B, s0  }
0xbf: {  	[sflag:s0] =	ssyncadd.remote.s32 $0x1  }
0xc0: {  	_ =	sfence.sel $0xFFFF  }
0xc1: {  	[dreg:$0x0] =	wrdreg $0xFFFFFFFF;
	(pc) =	sbr.abs _section_cstart, $3  }
0xc2: {  	[dreg:$0x1] =	wrdreg $0xFFFFFFFF  }
0xc3: {  	_ =	task.clear_ibuf [dreg:s8], $0x2FFFF;
	_ =	strace $0x9FFFFFFF  }
0xc4: {  	(tm) =	ssettm $0x7FFFFFFF  }
0xc5: {  	_ =	shalt  }
tec
execute0_lowered:
.L_overlay_start_1:
0x0: {  	(tag) =	ssettag $0x1  }
0x1: {  	s0 =	rddreg [dreg:$0x0]  }
0x2: {  	s3 =	rddreg [dreg:$0x1]  }
0x3: {  	s4 =	rddreg [dreg:$0x2]  }
0x4: {  	s2 =	simm.s32 $0x0;
	s5 =	srdreg.scid;
	s1 =	stileid.u32  }
0x5: {  	s11 =	simm.s32 $0x1;
	s12 =	simm.s32 $0x1000;
	s28 =	simm.s32 $0x3E00  }
0x6: {  	s29 =	simm.s32 $0x3000;
	s30 =	simm.s32 $0x4000;
	s31 =	simm.s32 $0x3200  }
0x7: {  	[smem:$0x7FF] =	sst s2;
	s5 =	sand.u32 $0x1, s5;
	s6 =	sadd.s32 $0xF5400, s4  }
0x8: {  	s13 =	sadd.s32 $0x1000, s4;
	_ =	strace $0x80000047;
	[dreg:$0x4] =	wrdreg s6  }
0x9: {  	s7 =	sshll.u32 s1, $0x7;
	s8 =	sshll.u32 s5, $0x6;
	[dreg:$0x5] =	wrdreg s13  }
0xa: {  	s22 =	ssub.s32 $0x2, s5;
	s13 =	simm.s32 $0x400;
	s7 =	sor.u32 s8, s7  }
0xb: {  	s24 =	sshrl.u32 s22, $0x1;
	s0 =	sadd.s32 s0, s7;
	s8 =	sadd.s32 s7, s4  }
0xc: {  	s14 =	sadd.s32 s3, s7;
	s9 =	ssub.s32 s22, s24;
	[dreg:$0x6] =	wrdreg s0  }
0xd: {  	s22 =	simm.s32 $0x2A00;
	[dreg:$0x7] =	wrdreg s14;
	s15 =	sadd.s32 $0x1E9800, s8  }
0xe: {  	s24 =	simm.s32 $0x2C00;
	s16 =	sadd.s32 $0x1ED800, s8;
	[dreg:$0x8] =	wrdreg s15  }
0xf: {  	s17 =	sadd.s32 $0x1EA000, s8;
	s18 =	sadd.s32 $0x1EE000, s8;
	[dreg:$0x9] =	wrdreg s16  }
0x10: {  	s19 =	sadd.s32 $0x1EA800, s8;
	s20 =	sadd.s32 $0x1EE800, s8;
	[dreg:$0xa] =	wrdreg s17  }
0x11: {  	s21 =	sadd.s32 $0x1EB000, s8;
	s23 =	sadd.s32 $0x1EF000, s8;
	[dreg:$0xb] =	wrdreg s18  }
0x12: {  	s25 =	sadd.s32 $0x1EB800, s8;
	s26 =	sadd.s32 $0x1EF800, s8;
	[dreg:$0xc] =	wrdreg s19  }
0x13: {  	s3 =	sadd.s32 $0x1EC000, s8;
	s4 =	sadd.s32 $0x1EC800, s8;
	[dreg:$0xd] =	wrdreg s20  }
0x14: {  	s5 =	sadd.s32 $0x1F0000, s8;
	s6 =	sadd.s32 $0x1F0800, s8;
	[dreg:$0xe] =	wrdreg s21  }
0x15: {  	s7 =	sadd.s32 $0x1ED000, s8;
	s8 =	sadd.s32 $0x1F1000, s8;
	[dreg:$0xf] =	wrdreg s23  }
0x16: {  	s9 =	smax.u32 s9, $0x1;
	s14 =	simm.s32 $0x2400;
	[dreg:$0x10] =	wrdreg s25  }
0x17: {  	s0 =	simm.s32 $0x4200;
	[dreg:$0x11] =	wrdreg s26;
	s15 =	simm.s32 $0x1400  }
0x18: {  	s16 =	simm.s32 $0x3400;
	s17 =	simm.s32 $0x2;
	s18 =	simm.s32 $0x2600  }
0x19: {  	s19 =	simm.s32 $0x3600;
	s20 =	simm.s32 $0x2800;
	s21 =	simm.s32 $0x3800  }
0x1a: {  	s23 =	simm.s32 $0x3A00;
	s25 =	simm.s32 $0x3C00;
	s26 =	simm.s32 $0x2E00  }
.LBB2_1:
0x1b: {  	s1 =	rddreg [dreg:$0x6]  }
0x1c: {  	[tilespmem:s2], [sflag:$0x1] =	stream.linear.gather [hbm4b:s1+s2], $0x200, $0x38;
	[tilespmem:$0x4400] =	vst v63  }
0x1d: {  	s10 =	rddreg [dreg:$0x7];
	s1 =	simm.s32 $0x200  }
0x1e: {  	[tilespmem:s1], [sflag:$0x1] =	stream.linear.gather [hbm4b:s10+s2], $0x200, $0x38;
	[tilespmem:$0x4400] =	vst v63  }
0x1f: {  	_ =	swait.ge [sflag:s11], $0x200  }
0x20: {  	[sflag:s11] =	ssyncset.done $0x0  }
0x21: {  	[sflag:s11] =	ssyncadd.s32 $0xFFFFFE00  }
0x22: {  	_ =	swait.ge [sflag:s11], $0x200  }
0x23: {  	[sflag:s11] =	ssyncset.done $0x0  }
0x24: {  	[sflag:s11] =	ssyncadd.s32 $0xFFFFFE00  }
0x25: {  	v0 =	vld [tilespmem:$0x0]  }
0x26: {  	v2 =	vld [tilespmem:$0x10];
	_ =	sdelay $0x3  }
0x27: {  	v1 =	vshll.u32 v0, $0x3  }
0x28: {  	v0 =	vand.u32 $0x7F, v0;
	v3 =	vshll.u32 v2, $0x3;
	v1 =	vand.u32 $0xFFFFFC00, v1  }
0x29: {  	v2 =	vand.u32 $0x7F, v2;
	v37 =	vand.u32 $0xFFFFFC00, v3;
	v0 =	vor.u32 v0, v1  }
0x2a: {  	v38 =	vor.u32 v2, v37;
	[tilespmem:$0x400] =	vst v0  }
0x2b: {  	v1 =	vor.u32 $0x80, v0;
	[tilespmem:$0x410] =	vst v38  }
0x2c: {  	v32 =	vor.u32 $0x100, v0;
	[tilespmem:$0x600] =	vst v1  }
0x2d: {  	v33 =	vor.u32 $0x180, v0;
	[tilespmem:$0x800] =	vst v32  }
0x2e: {  	v34 =	vor.u32 $0x200, v0;
	[tilespmem:$0xA00] =	vst v33  }
0x2f: {  	v35 =	vor.u32 $0x280, v0;
	[tilespmem:$0xC00] =	vst v34  }
0x30: {  	v39 =	vld [tilespmem:$0x20];
	v36 =	vor.u32 $0x300, v0;
	[tilespmem:$0xE00] =	vst v35  }
0x31: {  	v0 =	vor.u32 $0x380, v0;
	[tilespmem:$0x1000] =	vst v36  }
0x32: {  	v40 =	vor.u32 $0x100, v38;
	[tilespmem:$0x1200] =	vst v0  }
0x33: {  	v41 =	vor.u32 $0x180, v38;
	[tilespmem:$0x810] =	vst v40  }
0x34: {  	v42 =	vor.u32 $0x200, v38;
	[tilespmem:$0xA10] =	vst v41  }
0x35: {  	v45 =	vshll.u32 v39, $0x3;
	v43 =	vor.u32 $0x280, v38;
	[tilespmem:$0xC10] =	vst v42  }
0x36: {  	v46 =	vand.u32 $0xFFFFFC00, v45;
	v2 =	vand.u32 $0x7F, v39;
	v44 =	vor.u32 $0x300, v38;
	[tilespmem:$0xE10] =	vst v43  }
0x37: {  	v47 =	vor.u32 v2, v46;
	[tilespmem:$0x1010] =	vst v44  }
0x38: {  	v48 =	vld [tilespmem:$0x30];
	v1 =	vor.u32 $0x80, v38;
	[tilespmem:$0x420] =	vst v47  }
0x39: {  	v0 =	vor.u32 $0x380, v38;
	[tilespmem:$0x610] =	vst v1  }
0x3a: {  	v49 =	vor.u32 $0x100, v47;
	[tilespmem:$0x1210] =	vst v0  }
0x3b: {  	v50 =	vor.u32 $0x180, v47;
	[tilespmem:$0x820] =	vst v49  }
0x3c: {  	v51 =	vor.u32 $0x200, v47;
	[tilespmem:$0xA20] =	vst v50  }
0x3d: {  	v54 =	vshll.u32 v48, $0x3;
	v52 =	vor.u32 $0x280, v47;
	[tilespmem:$0xC20] =	vst v51  }
0x3e: {  	v55 =	vand.u32 $0xFFFFFC00, v54;
	v2 =	vand.u32 $0x7F, v48;
	v53 =	vor.u32 $0x300, v47;
	[tilespmem:$0xE20] =	vst v52  }
0x3f: {  	v56 =	vor.u32 v2, v55;
	[tilespmem:$0x1020] =	vst v53  }
0x40: {  	v57 =	vld [tilespmem:$0x40];
	v1 =	vor.u32 $0x80, v47;
	[tilespmem:$0x430] =	vst v56  }
0x41: {  	v0 =	vor.u32 $0x380, v47;
	[tilespmem:$0x620] =	vst v1  }
0x42: {  	v58 =	vor.u32 $0x100, v56;
	[tilespmem:$0x1220] =	vst v0  }
0x43: {  	v59 =	vor.u32 $0x180, v56;
	[tilespmem:$0x830] =	vst v58  }
0x44: {  	v60 =	vor.u32 $0x200, v56;
	[tilespmem:$0xA30] =	vst v59  }
0x45: {  	v63 =	vshll.u32 v57, $0x3;
	v61 =	vor.u32 $0x280, v56;
	[tilespmem:$0xC30] =	vst v60  }
0x46: {  	v6 =	vand.u32 $0xFFFFFC00, v63;
	v2 =	vand.u32 $0x7F, v57;
	v62 =	vor.u32 $0x300, v56;
	[tilespmem:$0xE30] =	vst v61  }
0x47: {  	v7 =	vor.u32 v2, v6;
	[tilespmem:$0x1030] =	vst v62  }
0x48: {  	v8 =	vld [tilespmem:$0x50];
	v1 =	vor.u32 $0x80, v56;
	[tilespmem:$0x440] =	vst v7  }
0x49: {  	v0 =	vor.u32 $0x380, v56;
	[tilespmem:$0x630] =	vst v1  }
0x4a: {  	v9 =	vor.u32 $0x100, v7;
	[tilespmem:$0x1230] =	vst v0  }
0x4b: {  	v10 =	vor.u32 $0x180, v7;
	[tilespmem:$0x840] =	vst v9  }
0x4c: {  	v11 =	vor.u32 $0x200, v7;
	[tilespmem:$0xA40] =	vst v10  }
0x4d: {  	v14 =	vshll.u32 v8, $0x3;
	v12 =	vor.u32 $0x280, v7;
	[tilespmem:$0xC40] =	vst v11  }
0x4e: {  	v15 =	vand.u32 $0xFFFFFC00, v14;
	v2 =	vand.u32 $0x7F, v8;
	v13 =	vor.u32 $0x300, v7;
	[tilespmem:$0xE40] =	vst v12  }
0x4f: {  	v16 =	vor.u32 v2, v15;
	[tilespmem:$0x1040] =	vst v13  }
0x50: {  	v17 =	vld [tilespmem:$0x60];
	v1 =	vor.u32 $0x80, v7;
	[tilespmem:$0x450] =	vst v16  }
0x51: {  	v0 =	vor.u32 $0x380, v7;
	[tilespmem:$0x640] =	vst v1  }
0x52: {  	v18 =	vor.u32 $0x100, v16;
	[tilespmem:$0x1240] =	vst v0  }
0x53: {  	v19 =	vor.u32 $0x180, v16;
	[tilespmem:$0x850] =	vst v18  }
0x54: {  	v20 =	vor.u32 $0x200, v16;
	[tilespmem:$0xA50] =	vst v19  }
0x55: {  	v23 =	vshll.u32 v17, $0x3;
	v21 =	vor.u32 $0x280, v16;
	[tilespmem:$0xC50] =	vst v20  }
0x56: {  	v24 =	vand.u32 $0xFFFFFC00, v23;
	v2 =	vand.u32 $0x7F, v17;
	v22 =	vor.u32 $0x300, v16;
	[tilespmem:$0xE50] =	vst v21  }
0x57: {  	v25 =	vor.u32 v2, v24;
	[tilespmem:$0x1050] =	vst v22  }
0x58: {  	v26 =	vld [tilespmem:$0x70];
	v1 =	vor.u32 $0x80, v16;
	[tilespmem:$0x460] =	vst v25  }
0x59: {  	v0 =	vor.u32 $0x380, v16;
	[tilespmem:$0x650] =	vst v1  }
0x5a: {  	v27 =	vor.u32 $0x100, v25;
	[tilespmem:$0x1250] =	vst v0  }
0x5b: {  	v28 =	vor.u32 $0x180, v25;
	[tilespmem:$0x860] =	vst v27  }
0x5c: {  	v29 =	vor.u32 $0x200, v25;
	[tilespmem:$0xA60] =	vst v28  }
0x5d: {  	v32 =	vshll.u32 v26, $0x3;
	v30 =	vor.u32 $0x280, v25;
	[tilespmem:$0xC60] =	vst v29  }
0x5e: {  	v33 =	vand.u32 $0xFFFFFC00, v32;
	v2 =	vand.u32 $0x7F, v26;
	v31 =	vor.u32 $0x300, v25;
	[tilespmem:$0xE60] =	vst v30  }
0x5f: {  	v34 =	vor.u32 v2, v33;
	[tilespmem:$0x1060] =	vst v31  }
0x60: {  	v1 =	vor.u32 $0x80, v25;
	[tilespmem:$0x470] =	vst v34  }
0x61: {  	v0 =	vor.u32 $0x380, v25;
	[tilespmem:$0x660] =	vst v1  }
0x62: {  	v35 =	vld [tilespmem:$0x80];
	v36 =	vor.u32 $0x100, v34;
	[tilespmem:$0x1260] =	vst v0  }
0x63: {  	v37 =	vor.u32 $0x180, v34;
	[tilespmem:$0x870] =	vst v36  }
0x64: {  	v38 =	vor.u32 $0x200, v34;
	[tilespmem:$0xA70] =	vst v37  }
0x65: {  	v39 =	vor.u32 $0x280, v34;
	[tilespmem:$0xC70] =	vst v38  }
0x66: {  	v40 =	vor.u32 $0x300, v34;
	[tilespmem:$0xE70] =	vst v39  }
0x67: {  	v41 =	vshll.u32 v35, $0x3;
	v1 =	vor.u32 $0x80, v34;
	[tilespmem:$0x1070] =	vst v40  }
0x68: {  	v2 =	vand.u32 $0x7F, v35;
	v0 =	vor.u32 $0x380, v34;
	v42 =	vand.u32 $0xFFFFFC00, v41;
	[tilespmem:$0x670] =	vst v1  }
0x69: {  	[tilespmem:$0x1270] =	vst v0;
	v43 =	vor.u32 v2, v42  }
0x6a: {  	v44 =	vld [tilespmem:$0x90];
	[tilespmem:$0x480] =	vst v43;
	v1 =	vor.u32 $0x80, v43  }
0x6b: {  	v45 =	vor.u32 $0x100, v43;
	[tilespmem:$0x680] =	vst v1  }
0x6c: {  	v46 =	vor.u32 $0x180, v43;
	[tilespmem:$0x880] =	vst v45  }
0x6d: {  	v47 =	vor.u32 $0x200, v43;
	[tilespmem:$0xA80] =	vst v46  }
0x6e: {  	v48 =	vor.u32 $0x280, v43;
	[tilespmem:$0xC80] =	vst v47  }
0x6f: {  	v50 =	vshll.u32 v44, $0x3;
	v49 =	vor.u32 $0x300, v43;
	[tilespmem:$0xE80] =	vst v48  }
0x70: {  	v51 =	vand.u32 $0xFFFFFC00, v50;
	v2 =	vand.u32 $0x7F, v44;
	v0 =	vor.u32 $0x380, v43;
	[tilespmem:$0x1080] =	vst v49  }
0x71: {  	v52 =	vor.u32 v2, v51;
	[tilespmem:$0x1280] =	vst v0  }
0x72: {  	v53 =	vld [tilespmem:$0xA0];
	[tilespmem:$0x490] =	vst v52;
	v1 =	vor.u32 $0x80, v52  }
0x73: {  	v54 =	vor.u32 $0x100, v52;
	[tilespmem:$0x690] =	vst v1  }
0x74: {  	v55 =	vor.u32 $0x180, v52;
	[tilespmem:$0x890] =	vst v54  }
0x75: {  	v56 =	vor.u32 $0x200, v52;
	[tilespmem:$0xA90] =	vst v55  }
0x76: {  	v57 =	vor.u32 $0x280, v52;
	[tilespmem:$0xC90] =	vst v56  }
0x77: {  	v59 =	vshll.u32 v53, $0x3;
	v58 =	vor.u32 $0x300, v52;
	[tilespmem:$0xE90] =	vst v57  }
0x78: {  	v60 =	vand.u32 $0xFFFFFC00, v59;
	v2 =	vand.u32 $0x7F, v53;
	v0 =	vor.u32 $0x380, v52;
	[tilespmem:$0x1090] =	vst v58  }
0x79: {  	v61 =	vor.u32 v2, v60;
	[tilespmem:$0x1290] =	vst v0  }
0x7a: {  	v62 =	vld [tilespmem:$0xB0];
	[tilespmem:$0x4A0] =	vst v61;
	v1 =	vor.u32 $0x80, v61  }
0x7b: {  	v63 =	vor.u32 $0x100, v61;
	[tilespmem:$0x6A0] =	vst v1  }
0x7c: {  	v4 =	vor.u32 $0x180, v61;
	[tilespmem:$0x8A0] =	vst v63  }
0x7d: {  	v5 =	vor.u32 $0x200, v61;
	[tilespmem:$0xAA0] =	vst v4  }
0x7e: {  	v6 =	vor.u32 $0x280, v61;
	[tilespmem:$0xCA0] =	vst v5  }
0x7f: {  	v8 =	vshll.u32 v62, $0x3;
	v7 =	vor.u32 $0x300, v61;
	[tilespmem:$0xEA0] =	vst v6  }
0x80: {  	v9 =	vand.u32 $0xFFFFFC00, v8;
	v2 =	vand.u32 $0x7F, v62;
	v0 =	vor.u32 $0x380, v61;
	[tilespmem:$0x10A0] =	vst v7  }
0x81: {  	v10 =	vor.u32 v2, v9;
	[tilespmem:$0x12A0] =	vst v0  }
0x82: {  	v11 =	vld [tilespmem:$0xC0];
	[tilespmem:$0x4B0] =	vst v10;
	v1 =	vor.u32 $0x80, v10  }
0x83: {  	v12 =	vor.u32 $0x100, v10;
	[tilespmem:$0x6B0] =	vst v1  }
0x84: {  	v13 =	vor.u32 $0x180, v10;
	[tilespmem:$0x8B0] =	vst v12  }
0x85: {  	v14 =	vor.u32 $0x200, v10;
	[tilespmem:$0xAB0] =	vst v13  }
0x86: {  	v15 =	vor.u32 $0x280, v10;
	[tilespmem:$0xCB0] =	vst v14  }
0x87: {  	v17 =	vshll.u32 v11, $0x3;
	v16 =	vor.u32 $0x300, v10;
	[tilespmem:$0xEB0] =	vst v15  }
0x88: {  	v18 =	vand.u32 $0xFFFFFC00, v17;
	v2 =	vand.u32 $0x7F, v11;
	v0 =	vor.u32 $0x380, v10;
	[tilespmem:$0x10B0] =	vst v16  }
0x89: {  	v19 =	vor.u32 v2, v18;
	[tilespmem:$0x12B0] =	vst v0  }
0x8a: {  	v20 =	vld [tilespmem:$0xD0];
	[tilespmem:$0x4C0] =	vst v19;
	v1 =	vor.u32 $0x80, v19  }
0x8b: {  	v21 =	vor.u32 $0x100, v19;
	[tilespmem:$0x6C0] =	vst v1  }
0x8c: {  	v22 =	vor.u32 $0x180, v19;
	[tilespmem:$0x8C0] =	vst v21  }
0x8d: {  	v23 =	vor.u32 $0x200, v19;
	[tilespmem:$0xAC0] =	vst v22  }
0x8e: {  	v24 =	vor.u32 $0x280, v19;
	[tilespmem:$0xCC0] =	vst v23  }
0x8f: {  	v26 =	vshll.u32 v20, $0x3;
	v25 =	vor.u32 $0x300, v19;
	[tilespmem:$0xEC0] =	vst v24  }
0x90: {  	v27 =	vand.u32 $0xFFFFFC00, v26;
	v2 =	vand.u32 $0x7F, v20;
	v0 =	vor.u32 $0x380, v19;
	[tilespmem:$0x10C0] =	vst v25  }
0x91: {  	v28 =	vor.u32 v2, v27;
	[tilespmem:$0x12C0] =	vst v0  }
0x92: {  	v29 =	vld [tilespmem:$0xE0];
	[tilespmem:$0x4D0] =	vst v28;
	v1 =	vor.u32 $0x80, v28  }
0x93: {  	v30 =	vor.u32 $0x100, v28;
	[tilespmem:$0x6D0] =	vst v1  }
0x94: {  	v31 =	vor.u32 $0x180, v28;
	[tilespmem:$0x8D0] =	vst v30  }
0x95: {  	v32 =	vor.u32 $0x200, v28;
	[tilespmem:$0xAD0] =	vst v31  }
0x96: {  	v33 =	vor.u32 $0x280, v28;
	[tilespmem:$0xCD0] =	vst v32  }
0x97: {  	v35 =	vshll.u32 v29, $0x3;
	v34 =	vor.u32 $0x300, v28;
	[tilespmem:$0xED0] =	vst v33  }
0x98: {  	v36 =	vand.u32 $0xFFFFFC00, v35;
	v2 =	vand.u32 $0x7F, v29;
	v0 =	vor.u32 $0x380, v28;
	[tilespmem:$0x10D0] =	vst v34  }
0x99: {  	v37 =	vor.u32 v2, v36;
	[tilespmem:$0x12D0] =	vst v0  }
0x9a: {  	v38 =	vld [tilespmem:$0xF0];
	[tilespmem:$0x4E0] =	vst v37;
	v1 =	vor.u32 $0x80, v37  }
0x9b: {  	v39 =	vor.u32 $0x100, v37;
	[tilespmem:$0x6E0] =	vst v1  }
0x9c: {  	v40 =	vor.u32 $0x180, v37;
	[tilespmem:$0x8E0] =	vst v39  }
0x9d: {  	v41 =	vor.u32 $0x200, v37;
	[tilespmem:$0xAE0] =	vst v40  }
0x9e: {  	v42 =	vor.u32 $0x280, v37;
	[tilespmem:$0xCE0] =	vst v41  }
0x9f: {  	v44 =	vshll.u32 v38, $0x3;
	v43 =	vor.u32 $0x300, v37;
	[tilespmem:$0xEE0] =	vst v42  }
0xa0: {  	v45 =	vand.u32 $0xFFFFFC00, v44;
	v2 =	vand.u32 $0x7F, v38;
	v0 =	vor.u32 $0x380, v37;
	[tilespmem:$0x10E0] =	vst v43  }
0xa1: {  	v46 =	vor.u32 v2, v45;
	[tilespmem:$0x12E0] =	vst v0  }
0xa2: {  	[tilespmem:$0x4F0] =	vst v46;
	v1 =	vor.u32 $0x80, v46  }
0xa3: {  	v47 =	vor.u32 $0x100, v46;
	[tilespmem:$0x6F0] =	vst v1  }
0xa4: {  	v48 =	vor.u32 $0x180, v46;
	[tilespmem:$0x8F0] =	vst v47  }
0xa5: {  	v49 =	vor.u32 $0x200, v46;
	[tilespmem:$0xAF0] =	vst v48  }
0xa6: {  	v50 =	vor.u32 $0x280, v46;
	[tilespmem:$0xCF0] =	vst v49  }
0xa7: {  	v51 =	vor.u32 $0x300, v46;
	[tilespmem:$0xEF0] =	vst v50  }
0xa8: {  	[tilespmem:$0x10F0] =	vst v51  }
0xa9: {  	v1 =	vld [tilespmem:$0x100];
	_ =	sdelay $0x4  }
0xaa: {  	v52 =	vshll.u32 v1, $0x3  }
0xab: {  	v0 =	vor.u32 $0x380, v46;
	v1 =	vand.u32 $0x7F, v1;
	v2 =	vand.u32 $0xFFFFFC00, v52  }
0xac: {  	[tilespmem:$0x12F0] =	vst v0;
	v53 =	vor.u32 v1, v2  }
0xad: {  	v54 =	vld [tilespmem:$0x110];
	[tilespmem:$0x500] =	vst v53;
	v1 =	vor.u32 $0x80, v53  }
0xae: {  	v55 =	vor.u32 $0x100, v53;
	[tilespmem:$0x700] =	vst v1  }
0xaf: {  	v56 =	vor.u32 $0x180, v53;
	[tilespmem:$0x900] =	vst v55  }
0xb0: {  	v57 =	vor.u32 $0x200, v53;
	[tilespmem:$0xB00] =	vst v56  }
0xb1: {  	v58 =	vor.u32 $0x280, v53;
	[tilespmem:$0xD00] =	vst v57  }
0xb2: {  	v60 =	vshll.u32 v54, $0x3;
	v59 =	vor.u32 $0x300, v53;
	[tilespmem:$0xF00] =	vst v58  }
0xb3: {  	v61 =	vand.u32 $0xFFFFFC00, v60;
	v2 =	vand.u32 $0x7F, v54;
	v0 =	vor.u32 $0x380, v53;
	[tilespmem:$0x1100] =	vst v59  }
0xb4: {  	v62 =	vor.u32 v2, v61;
	[tilespmem:$0x1300] =	vst v0  }
0xb5: {  	v63 =	vld [tilespmem:$0x120];
	[tilespmem:$0x510] =	vst v62;
	v1 =	vor.u32 $0x80, v62  }
0xb6: {  	v4 =	vor.u32 $0x100, v62;
	[tilespmem:$0x710] =	vst v1  }
0xb7: {  	v5 =	vor.u32 $0x180, v62;
	[tilespmem:$0x910] =	vst v4  }
0xb8: {  	v6 =	vor.u32 $0x200, v62;
	[tilespmem:$0xB10] =	vst v5  }
0xb9: {  	v7 =	vor.u32 $0x280, v62;
	[tilespmem:$0xD10] =	vst v6  }
0xba: {  	v9 =	vshll.u32 v63, $0x3;
	v8 =	vor.u32 $0x300, v62;
	[tilespmem:$0xF10] =	vst v7  }
0xbb: {  	v10 =	vand.u32 $0xFFFFFC00, v9;
	v2 =	vand.u32 $0x7F, v63;
	v0 =	vor.u32 $0x380, v62;
	[tilespmem:$0x1110] =	vst v8  }
0xbc: {  	v11 =	vor.u32 v2, v10;
	[tilespmem:$0x1310] =	vst v0  }
0xbd: {  	v12 =	vld [tilespmem:$0x130];
	[tilespmem:$0x520] =	vst v11;
	v1 =	vor.u32 $0x80, v11  }
0xbe: {  	v13 =	vor.u32 $0x100, v11;
	[tilespmem:$0x720] =	vst v1  }
0xbf: {  	v14 =	vor.u32 $0x180, v11;
	[tilespmem:$0x920] =	vst v13  }
0xc0: {  	v15 =	vor.u32 $0x200, v11;
	[tilespmem:$0xB20] =	vst v14  }
0xc1: {  	v16 =	vor.u32 $0x280, v11;
	[tilespmem:$0xD20] =	vst v15  }
0xc2: {  	v18 =	vshll.u32 v12, $0x3;
	v17 =	vor.u32 $0x300, v11;
	[tilespmem:$0xF20] =	vst v16  }
0xc3: {  	v19 =	vand.u32 $0xFFFFFC00, v18;
	v2 =	vand.u32 $0x7F, v12;
	v0 =	vor.u32 $0x380, v11;
	[tilespmem:$0x1120] =	vst v17  }
0xc4: {  	v20 =	vor.u32 v2, v19;
	[tilespmem:$0x1320] =	vst v0  }
0xc5: {  	v21 =	vld [tilespmem:$0x140];
	[tilespmem:$0x530] =	vst v20;
	v1 =	vor.u32 $0x80, v20  }
0xc6: {  	v22 =	vor.u32 $0x100, v20;
	[tilespmem:$0x730] =	vst v1  }
0xc7: {  	v23 =	vor.u32 $0x180, v20;
	[tilespmem:$0x930] =	vst v22  }
0xc8: {  	v24 =	vor.u32 $0x200, v20;
	[tilespmem:$0xB30] =	vst v23  }
0xc9: {  	v25 =	vor.u32 $0x280, v20;
	[tilespmem:$0xD30] =	vst v24  }
0xca: {  	v27 =	vshll.u32 v21, $0x3;
	v26 =	vor.u32 $0x300, v20;
	[tilespmem:$0xF30] =	vst v25  }
0xcb: {  	v28 =	vand.u32 $0xFFFFFC00, v27;
	v2 =	vand.u32 $0x7F, v21;
	v0 =	vor.u32 $0x380, v20;
	[tilespmem:$0x1130] =	vst v26  }
0xcc: {  	v29 =	vor.u32 v2, v28;
	[tilespmem:$0x1330] =	vst v0  }
0xcd: {  	v30 =	vld [tilespmem:$0x150];
	[tilespmem:$0x540] =	vst v29;
	v1 =	vor.u32 $0x80, v29  }
0xce: {  	v31 =	vor.u32 $0x100, v29;
	[tilespmem:$0x740] =	vst v1  }
0xcf: {  	v32 =	vor.u32 $0x180, v29;
	[tilespmem:$0x940] =	vst v31  }
0xd0: {  	v33 =	vor.u32 $0x200, v29;
	[tilespmem:$0xB40] =	vst v32  }
0xd1: {  	v34 =	vor.u32 $0x280, v29;
	[tilespmem:$0xD40] =	vst v33  }
0xd2: {  	v36 =	vshll.u32 v30, $0x3;
	v35 =	vor.u32 $0x300, v29;
	[tilespmem:$0xF40] =	vst v34  }
0xd3: {  	v37 =	vand.u32 $0xFFFFFC00, v36;
	v2 =	vand.u32 $0x7F, v30;
	v0 =	vor.u32 $0x380, v29;
	[tilespmem:$0x1140] =	vst v35  }
0xd4: {  	v38 =	vor.u32 v2, v37;
	[tilespmem:$0x1340] =	vst v0  }
0xd5: {  	v39 =	vld [tilespmem:$0x160];
	[tilespmem:$0x550] =	vst v38;
	v1 =	vor.u32 $0x80, v38  }
0xd6: {  	v40 =	vor.u32 $0x100, v38;
	[tilespmem:$0x750] =	vst v1  }
0xd7: {  	v41 =	vor.u32 $0x180, v38;
	[tilespmem:$0x950] =	vst v40  }
0xd8: {  	v42 =	vor.u32 $0x200, v38;
	[tilespmem:$0xB50] =	vst v41  }
0xd9: {  	v43 =	vor.u32 $0x280, v38;
	[tilespmem:$0xD50] =	vst v42  }
0xda: {  	v45 =	vshll.u32 v39, $0x3;
	v44 =	vor.u32 $0x300, v38;
	[tilespmem:$0xF50] =	vst v43  }
0xdb: {  	v46 =	vand.u32 $0xFFFFFC00, v45;
	v2 =	vand.u32 $0x7F, v39;
	v0 =	vor.u32 $0x380, v38;
	[tilespmem:$0x1150] =	vst v44  }
0xdc: {  	v47 =	vor.u32 v2, v46;
	[tilespmem:$0x1350] =	vst v0  }
0xdd: {  	v48 =	vld [tilespmem:$0x170];
	[tilespmem:$0x560] =	vst v47;
	v1 =	vor.u32 $0x80, v47  }
0xde: {  	v49 =	vor.u32 $0x100, v47;
	[tilespmem:$0x760] =	vst v1  }
0xdf: {  	v50 =	vor.u32 $0x180, v47;
	[tilespmem:$0x960] =	vst v49  }
0xe0: {  	v51 =	vor.u32 $0x200, v47;
	[tilespmem:$0xB60] =	vst v50  }
0xe1: {  	v52 =	vor.u32 $0x280, v47;
	[tilespmem:$0xD60] =	vst v51  }
0xe2: {  	v54 =	vshll.u32 v48, $0x3;
	v53 =	vor.u32 $0x300, v47;
	[tilespmem:$0xF60] =	vst v52  }
0xe3: {  	v55 =	vand.u32 $0xFFFFFC00, v54;
	v2 =	vand.u32 $0x7F, v48;
	v0 =	vor.u32 $0x380, v47;
	[tilespmem:$0x1160] =	vst v53  }
0xe4: {  	v56 =	vor.u32 v2, v55;
	[tilespmem:$0x1360] =	vst v0  }
0xe5: {  	v57 =	vld [tilespmem:$0x180];
	[tilespmem:$0x570] =	vst v56;
	v1 =	vor.u32 $0x80, v56  }
0xe6: {  	v58 =	vor.u32 $0x100, v56;
	[tilespmem:$0x770] =	vst v1  }
0xe7: {  	v59 =	vor.u32 $0x180, v56;
	[tilespmem:$0x970] =	vst v58  }
0xe8: {  	v60 =	vor.u32 $0x200, v56;
	[tilespmem:$0xB70] =	vst v59  }
0xe9: {  	v61 =	vor.u32 $0x280, v56;
	[tilespmem:$0xD70] =	vst v60  }
0xea: {  	v63 =	vshll.u32 v57, $0x3;
	v62 =	vor.u32 $0x300, v56;
	[tilespmem:$0xF70] =	vst v61  }
0xeb: {  	v2 =	vand.u32 $0x7F, v57;
	v0 =	vor.u32 $0x380, v56;
	v6 =	vand.u32 $0xFFFFFC00, v63;
	[tilespmem:$0x1170] =	vst v62  }
0xec: {  	[tilespmem:$0x1370] =	vst v0;
	v7 =	vor.u32 v2, v6  }
0xed: {  	v8 =	vld [tilespmem:$0x190];
	[tilespmem:$0x580] =	vst v7;
	v1 =	vor.u32 $0x80, v7  }
0xee: {  	v9 =	vor.u32 $0x100, v7;
	[tilespmem:$0x780] =	vst v1  }
0xef: {  	v10 =	vor.u32 $0x180, v7;
	[tilespmem:$0x980] =	vst v9  }
0xf0: {  	v11 =	vor.u32 $0x200, v7;
	[tilespmem:$0xB80] =	vst v10  }
0xf1: {  	v12 =	vor.u32 $0x280, v7;
	[tilespmem:$0xD80] =	vst v11  }
0xf2: {  	v14 =	vshll.u32 v8, $0x3;
	v13 =	vor.u32 $0x300, v7;
	[tilespmem:$0xF80] =	vst v12  }
0xf3: {  	v15 =	vand.u32 $0xFFFFFC00, v14;
	v2 =	vand.u32 $0x7F, v8;
	v0 =	vor.u32 $0x380, v7;
	[tilespmem:$0x1180] =	vst v13  }
0xf4: {  	v16 =	vor.u32 v2, v15;
	[tilespmem:$0x1380] =	vst v0  }
0xf5: {  	v17 =	vld [tilespmem:$0x1A0];
	[tilespmem:$0x590] =	vst v16;
	v1 =	vor.u32 $0x80, v16  }
0xf6: {  	v18 =	vor.u32 $0x100, v16;
	[tilespmem:$0x790] =	vst v1  }
0xf7: {  	v19 =	vor.u32 $0x180, v16;
	[tilespmem:$0x990] =	vst v18  }
0xf8: {  	v20 =	vor.u32 $0x200, v16;
	[tilespmem:$0xB90] =	vst v19  }
0xf9: {  	v21 =	vor.u32 $0x280, v16;
	[tilespmem:$0xD90] =	vst v20  }
0xfa: {  	v23 =	vshll.u32 v17, $0x3;
	v22 =	vor.u32 $0x300, v16;
	[tilespmem:$0xF90] =	vst v21  }
0xfb: {  	v24 =	vand.u32 $0xFFFFFC00, v23;
	v2 =	vand.u32 $0x7F, v17;
	v0 =	vor.u32 $0x380, v16;
	[tilespmem:$0x1190] =	vst v22  }
0xfc: {  	v25 =	vor.u32 v2, v24;
	[tilespmem:$0x1390] =	vst v0  }
0xfd: {  	v26 =	vld [tilespmem:$0x1B0];
	[tilespmem:$0x5A0] =	vst v25;
	v1 =	vor.u32 $0x80, v25  }
0xfe: {  	v27 =	vor.u32 $0x100, v25;
	[tilespmem:$0x7A0] =	vst v1  }
0xff: {  	v28 =	vor.u32 $0x180, v25;
	[tilespmem:$0x9A0] =	vst v27  }
0x100: {  	v29 =	vor.u32 $0x200, v25;
	[tilespmem:$0xBA0] =	vst v28  }
0x101: {  	v30 =	vor.u32 $0x280, v25;
	[tilespmem:$0xDA0] =	vst v29  }
0x102: {  	v32 =	vshll.u32 v26, $0x3;
	v31 =	vor.u32 $0x300, v25;
	[tilespmem:$0xFA0] =	vst v30  }
0x103: {  	v33 =	vand.u32 $0xFFFFFC00, v32;
	v2 =	vand.u32 $0x7F, v26;
	v0 =	vor.u32 $0x380, v25;
	[tilespmem:$0x11A0] =	vst v31  }
0x104: {  	v34 =	vor.u32 v2, v33;
	[tilespmem:$0x13A0] =	vst v0  }
0x105: {  	v35 =	vld [tilespmem:$0x1C0];
	[tilespmem:$0x5B0] =	vst v34;
	v1 =	vor.u32 $0x80, v34  }
0x106: {  	v36 =	vor.u32 $0x100, v34;
	[tilespmem:$0x7B0] =	vst v1  }
0x107: {  	v37 =	vor.u32 $0x180, v34;
	[tilespmem:$0x9B0] =	vst v36  }
0x108: {  	v38 =	vor.u32 $0x200, v34;
	[tilespmem:$0xBB0] =	vst v37  }
0x109: {  	v39 =	vor.u32 $0x280, v34;
	[tilespmem:$0xDB0] =	vst v38  }
0x10a: {  	v41 =	vshll.u32 v35, $0x3;
	v40 =	vor.u32 $0x300, v34;
	[tilespmem:$0xFB0] =	vst v39  }
0x10b: {  	v42 =	vand.u32 $0xFFFFFC00, v41;
	v2 =	vand.u32 $0x7F, v35;
	v0 =	vor.u32 $0x380, v34;
	[tilespmem:$0x11B0] =	vst v40  }
0x10c: {  	v43 =	vor.u32 v2, v42;
	[tilespmem:$0x13B0] =	vst v0  }
0x10d: {  	v44 =	vld [tilespmem:$0x1D0];
	[tilespmem:$0x5C0] =	vst v43;
	v1 =	vor.u32 $0x80, v43  }
0x10e: {  	v45 =	vor.u32 $0x100, v43;
	[tilespmem:$0x7C0] =	vst v1  }
0x10f: {  	v46 =	vor.u32 $0x180, v43;
	[tilespmem:$0x9C0] =	vst v45  }
0x110: {  	v47 =	vor.u32 $0x200, v43;
	[tilespmem:$0xBC0] =	vst v46  }
0x111: {  	v48 =	vor.u32 $0x280, v43;
	[tilespmem:$0xDC0] =	vst v47  }
0x112: {  	v50 =	vshll.u32 v44, $0x3;
	v49 =	vor.u32 $0x300, v43;
	[tilespmem:$0xFC0] =	vst v48  }
0x113: {  	v51 =	vand.u32 $0xFFFFFC00, v50;
	v2 =	vand.u32 $0x7F, v44;
	v0 =	vor.u32 $0x380, v43;
	[tilespmem:$0x11C0] =	vst v49  }
0x114: {  	v52 =	vor.u32 v2, v51;
	[tilespmem:$0x13C0] =	vst v0  }
0x115: {  	v53 =	vld [tilespmem:$0x1E0];
	[tilespmem:$0x5D0] =	vst v52;
	v1 =	vor.u32 $0x80, v52  }
0x116: {  	v54 =	vor.u32 $0x100, v52;
	[tilespmem:$0x7D0] =	vst v1  }
0x117: {  	v55 =	vor.u32 $0x180, v52;
	[tilespmem:$0x9D0] =	vst v54  }
0x118: {  	v56 =	vor.u32 $0x200, v52;
	[tilespmem:$0xBD0] =	vst v55  }
0x119: {  	v57 =	vor.u32 $0x280, v52;
	[tilespmem:$0xDD0] =	vst v56  }
0x11a: {  	v59 =	vshll.u32 v53, $0x3;
	v58 =	vor.u32 $0x300, v52;
	[tilespmem:$0xFD0] =	vst v57  }
0x11b: {  	v60 =	vand.u32 $0xFFFFFC00, v59;
	v2 =	vand.u32 $0x7F, v53;
	v0 =	vor.u32 $0x380, v52;
	[tilespmem:$0x11D0] =	vst v58  }
0x11c: {  	v61 =	vor.u32 v2, v60;
	[tilespmem:$0x13D0] =	vst v0  }
0x11d: {  	v62 =	vld [tilespmem:$0x1F0];
	[tilespmem:$0x5E0] =	vst v61;
	v1 =	vor.u32 $0x80, v61  }
0x11e: {  	v63 =	vor.u32 $0x100, v61;
	[tilespmem:$0x7E0] =	vst v1  }
0x11f: {  	v4 =	vor.u32 $0x180, v61;
	[tilespmem:$0x9E0] =	vst v63  }
0x120: {  	v5 =	vor.u32 $0x200, v61;
	[tilespmem:$0xBE0] =	vst v4  }
0x121: {  	v6 =	vor.u32 $0x280, v61;
	[tilespmem:$0xDE0] =	vst v5  }
0x122: {  	v8 =	vshll.u32 v62, $0x3;
	v7 =	vor.u32 $0x300, v61;
	[tilespmem:$0xFE0] =	vst v6  }
0x123: {  	v9 =	vand.u32 $0xFFFFFC00, v8;
	v2 =	vand.u32 $0x7F, v62;
	v0 =	vor.u32 $0x380, v61;
	[tilespmem:$0x11E0] =	vst v7  }
0x124: {  	v10 =	vor.u32 v2, v9;
	[tilespmem:$0x13E0] =	vst v0  }
0x125: {  	[tilespmem:$0x5F0] =	vst v10;
	v1 =	vor.u32 $0x80, v10  }
0x126: {  	v11 =	vor.u32 $0x100, v10;
	[tilespmem:$0x7F0] =	vst v1  }
0x127: {  	v12 =	vor.u32 $0x180, v10;
	[tilespmem:$0x9F0] =	vst v11  }
0x128: {  	v13 =	vor.u32 $0x200, v10;
	[tilespmem:$0xBF0] =	vst v12  }
0x129: {  	v14 =	vor.u32 $0x280, v10;
	[tilespmem:$0xDF0] =	vst v13  }
0x12a: {  	v15 =	vor.u32 $0x300, v10;
	[tilespmem:$0xFF0] =	vst v14  }
0x12b: {  	v0 =	vor.u32 $0x380, v10;
	[tilespmem:$0x11F0] =	vst v15  }
0x12c: {  	s10 =	rddreg [dreg:$0x4];
	[tilespmem:$0x13F0] =	vst v0  }
0x12d: {  	[tilespmem:s14], [sflag:$0x1] =	stream.indirect.gather [hbm4b:s10+s12], $0x1, s13, s12, $0xb8;
	[tilespmem:$0x4400] =	vst v63  }
0x12e: {  	v16 =	vld [tilespmem:$0x200]  }
0x12f: {  	v18 =	vld [tilespmem:$0x210];
	_ =	sdelay $0x3  }
0x130: {  	v17 =	vshll.u32 v16, $0x3  }
0x131: {  	v0 =	vand.u32 $0x7F, v16;
	v24 =	vshll.u32 v18, $0x3;
	v1 =	vand.u32 $0xFFFFFC00, v17  }
0x132: {  	v2 =	vand.u32 $0x7F, v18;
	v25 =	vand.u32 $0xFFFFFC00, v24;
	v0 =	vor.u32 v0, v1  }
0x133: {  	v26 =	vor.u32 v2, v25;
	[tilespmem:$0x1400] =	vst v0  }
0x134: {  	v1 =	vor.u32 $0x80, v0;
	[tilespmem:$0x1410] =	vst v26  }
0x135: {  	v19 =	vor.u32 $0x100, v0;
	[tilespmem:$0x1600] =	vst v1  }
0x136: {  	v20 =	vor.u32 $0x180, v0;
	[tilespmem:$0x1800] =	vst v19  }
0x137: {  	v21 =	vor.u32 $0x200, v0;
	[tilespmem:$0x1A00] =	vst v20  }
0x138: {  	v22 =	vor.u32 $0x280, v0;
	[tilespmem:$0x1C00] =	vst v21  }
0x139: {  	v27 =	vld [tilespmem:$0x220];
	v23 =	vor.u32 $0x300, v0;
	[tilespmem:$0x1E00] =	vst v22  }
0x13a: {  	v0 =	vor.u32 $0x380, v0;
	[tilespmem:$0x2000] =	vst v23  }
0x13b: {  	v28 =	vor.u32 $0x100, v26;
	[tilespmem:$0x2200] =	vst v0  }
0x13c: {  	v29 =	vor.u32 $0x180, v26;
	[tilespmem:$0x1810] =	vst v28  }
0x13d: {  	v30 =	vor.u32 $0x200, v26;
	[tilespmem:$0x1A10] =	vst v29  }
0x13e: {  	v33 =	vshll.u32 v27, $0x3;
	v31 =	vor.u32 $0x280, v26;
	[tilespmem:$0x1C10] =	vst v30  }
0x13f: {  	v34 =	vand.u32 $0xFFFFFC00, v33;
	v2 =	vand.u32 $0x7F, v27;
	v32 =	vor.u32 $0x300, v26;
	[tilespmem:$0x1E10] =	vst v31  }
0x140: {  	v35 =	vor.u32 v2, v34;
	[tilespmem:$0x2010] =	vst v32  }
0x141: {  	v36 =	vld [tilespmem:$0x230];
	v1 =	vor.u32 $0x80, v26;
	[tilespmem:$0x1420] =	vst v35  }
0x142: {  	v0 =	vor.u32 $0x380, v26;
	[tilespmem:$0x1610] =	vst v1  }
0x143: {  	v37 =	vor.u32 $0x100, v35;
	[tilespmem:$0x2210] =	vst v0  }
0x144: {  	v38 =	vor.u32 $0x180, v35;
	[tilespmem:$0x1820] =	vst v37  }
0x145: {  	v39 =	vor.u32 $0x200, v35;
	[tilespmem:$0x1A20] =	vst v38  }
0x146: {  	v42 =	vshll.u32 v36, $0x3;
	v40 =	vor.u32 $0x280, v35;
	[tilespmem:$0x1C20] =	vst v39  }
0x147: {  	v43 =	vand.u32 $0xFFFFFC00, v42;
	v2 =	vand.u32 $0x7F, v36;
	v41 =	vor.u32 $0x300, v35;
	[tilespmem:$0x1E20] =	vst v40  }
0x148: {  	v44 =	vor.u32 v2, v43;
	[tilespmem:$0x2020] =	vst v41  }
0x149: {  	v45 =	vld [tilespmem:$0x240];
	v1 =	vor.u32 $0x80, v35;
	[tilespmem:$0x1430] =	vst v44  }
0x14a: {  	v0 =	vor.u32 $0x380, v35;
	[tilespmem:$0x1620] =	vst v1  }
0x14b: {  	v46 =	vor.u32 $0x100, v44;
	[tilespmem:$0x2220] =	vst v0  }
0x14c: {  	v47 =	vor.u32 $0x180, v44;
	[tilespmem:$0x1830] =	vst v46  }
0x14d: {  	v48 =	vor.u32 $0x200, v44;
	[tilespmem:$0x1A30] =	vst v47  }
0x14e: {  	v51 =	vshll.u32 v45, $0x3;
	v49 =	vor.u32 $0x280, v44;
	[tilespmem:$0x1C30] =	vst v48  }
0x14f: {  	v52 =	vand.u32 $0xFFFFFC00, v51;
	v2 =	vand.u32 $0x7F, v45;
	v50 =	vor.u32 $0x300, v44;
	[tilespmem:$0x1E30] =	vst v49  }
0x150: {  	v53 =	vor.u32 v2, v52;
	[tilespmem:$0x2030] =	vst v50  }
0x151: {  	v54 =	vld [tilespmem:$0x250];
	v1 =	vor.u32 $0x80, v44;
	[tilespmem:$0x1440] =	vst v53  }
0x152: {  	v0 =	vor.u32 $0x380, v44;
	[tilespmem:$0x1630] =	vst v1  }
0x153: {  	v55 =	vor.u32 $0x100, v53;
	[tilespmem:$0x2230] =	vst v0  }
0x154: {  	v56 =	vor.u32 $0x180, v53;
	[tilespmem:$0x1840] =	vst v55  }
0x155: {  	v57 =	vor.u32 $0x200, v53;
	[tilespmem:$0x1A40] =	vst v56  }
0x156: {  	v60 =	vshll.u32 v54, $0x3;
	v58 =	vor.u32 $0x280, v53;
	[tilespmem:$0x1C40] =	vst v57  }
0x157: {  	v61 =	vand.u32 $0xFFFFFC00, v60;
	v2 =	vand.u32 $0x7F, v54;
	v59 =	vor.u32 $0x300, v53;
	[tilespmem:$0x1E40] =	vst v58  }
0x158: {  	v62 =	vor.u32 v2, v61;
	[tilespmem:$0x2040] =	vst v59  }
0x159: {  	v63 =	vld [tilespmem:$0x260];
	v1 =	vor.u32 $0x80, v53;
	[tilespmem:$0x1450] =	vst v62  }
0x15a: {  	v0 =	vor.u32 $0x380, v53;
	[tilespmem:$0x1640] =	vst v1  }
0x15b: {  	v5 =	vor.u32 $0x100, v62;
	[tilespmem:$0x2240] =	vst v0  }
0x15c: {  	v6 =	vor.u32 $0x180, v62;
	[tilespmem:$0x1850] =	vst v5  }
0x15d: {  	v7 =	vor.u32 $0x200, v62;
	[tilespmem:$0x1A50] =	vst v6  }
0x15e: {  	v10 =	vshll.u32 v63, $0x3;
	v8 =	vor.u32 $0x280, v62;
	[tilespmem:$0x1C50] =	vst v7  }
0x15f: {  	v11 =	vand.u32 $0xFFFFFC00, v10;
	v2 =	vand.u32 $0x7F, v63;
	v9 =	vor.u32 $0x300, v62;
	[tilespmem:$0x1E50] =	vst v8  }
0x160: {  	v12 =	vor.u32 v2, v11;
	[tilespmem:$0x2050] =	vst v9  }
0x161: {  	v13 =	vld [tilespmem:$0x270];
	v1 =	vor.u32 $0x80, v62;
	[tilespmem:$0x1460] =	vst v12  }
0x162: {  	v0 =	vor.u32 $0x380, v62;
	[tilespmem:$0x1650] =	vst v1  }
0x163: {  	v14 =	vor.u32 $0x100, v12;
	[tilespmem:$0x2250] =	vst v0  }
0x164: {  	v15 =	vor.u32 $0x180, v12;
	[tilespmem:$0x1860] =	vst v14  }
0x165: {  	v16 =	vor.u32 $0x200, v12;
	[tilespmem:$0x1A60] =	vst v15  }
0x166: {  	v19 =	vshll.u32 v13, $0x3;
	v17 =	vor.u32 $0x280, v12;
	[tilespmem:$0x1C60] =	vst v16  }
0x167: {  	v20 =	vand.u32 $0xFFFFFC00, v19;
	v2 =	vand.u32 $0x7F, v13;
	v18 =	vor.u32 $0x300, v12;
	[tilespmem:$0x1E60] =	vst v17  }
0x168: {  	v21 =	vor.u32 v2, v20;
	[tilespmem:$0x2060] =	vst v18  }
0x169: {  	v1 =	vor.u32 $0x80, v12;
	[tilespmem:$0x1470] =	vst v21  }
0x16a: {  	v0 =	vor.u32 $0x380, v12;
	[tilespmem:$0x1660] =	vst v1  }
0x16b: {  	v22 =	vld [tilespmem:$0x280];
	v23 =	vor.u32 $0x100, v21;
	[tilespmem:$0x2260] =	vst v0  }
0x16c: {  	v24 =	vor.u32 $0x180, v21;
	[tilespmem:$0x1870] =	vst v23  }
0x16d: {  	v25 =	vor.u32 $0x200, v21;
	[tilespmem:$0x1A70] =	vst v24  }
0x16e: {  	v26 =	vor.u32 $0x280, v21;
	[tilespmem:$0x1C70] =	vst v25  }
0x16f: {  	v27 =	vor.u32 $0x300, v21;
	[tilespmem:$0x1E70] =	vst v26  }
0x170: {  	v28 =	vshll.u32 v22, $0x3;
	v1 =	vor.u32 $0x80, v21;
	[tilespmem:$0x2070] =	vst v27  }
0x171: {  	v2 =	vand.u32 $0x7F, v22;
	v0 =	vor.u32 $0x380, v21;
	v29 =	vand.u32 $0xFFFFFC00, v28;
	[tilespmem:$0x1670] =	vst v1  }
0x172: {  	[tilespmem:$0x2270] =	vst v0;
	v30 =	vor.u32 v2, v29  }
0x173: {  	v31 =	vld [tilespmem:$0x290];
	[tilespmem:$0x1480] =	vst v30;
	v1 =	vor.u32 $0x80, v30  }
0x174: {  	v32 =	vor.u32 $0x100, v30;
	[tilespmem:$0x1680] =	vst v1  }
0x175: {  	v33 =	vor.u32 $0x180, v30;
	[tilespmem:$0x1880] =	vst v32  }
0x176: {  	v34 =	vor.u32 $0x200, v30;
	[tilespmem:$0x1A80] =	vst v33  }
0x177: {  	v35 =	vor.u32 $0x280, v30;
	[tilespmem:$0x1C80] =	vst v34  }
0x178: {  	v37 =	vshll.u32 v31, $0x3;
	v36 =	vor.u32 $0x300, v30;
	[tilespmem:$0x1E80] =	vst v35  }
0x179: {  	v38 =	vand.u32 $0xFFFFFC00, v37;
	v2 =	vand.u32 $0x7F, v31;
	v0 =	vor.u32 $0x380, v30;
	[tilespmem:$0x2080] =	vst v36  }
0x17a: {  	v39 =	vor.u32 v2, v38;
	[tilespmem:$0x2280] =	vst v0  }
0x17b: {  	v40 =	vld [tilespmem:$0x2A0];
	[tilespmem:$0x1490] =	vst v39;
	v1 =	vor.u32 $0x80, v39  }
0x17c: {  	v41 =	vor.u32 $0x100, v39;
	[tilespmem:$0x1690] =	vst v1  }
0x17d: {  	v42 =	vor.u32 $0x180, v39;
	[tilespmem:$0x1890] =	vst v41  }
0x17e: {  	v43 =	vor.u32 $0x200, v39;
	[tilespmem:$0x1A90] =	vst v42  }
0x17f: {  	v44 =	vor.u32 $0x280, v39;
	[tilespmem:$0x1C90] =	vst v43  }
0x180: {  	v46 =	vshll.u32 v40, $0x3;
	v45 =	vor.u32 $0x300, v39;
	[tilespmem:$0x1E90] =	vst v44  }
0x181: {  	v47 =	vand.u32 $0xFFFFFC00, v46;
	v2 =	vand.u32 $0x7F, v40;
	v0 =	vor.u32 $0x380, v39;
	[tilespmem:$0x2090] =	vst v45  }
0x182: {  	v48 =	vor.u32 v2, v47;
	[tilespmem:$0x2290] =	vst v0  }
0x183: {  	v49 =	vld [tilespmem:$0x2B0];
	[tilespmem:$0x14A0] =	vst v48;
	v1 =	vor.u32 $0x80, v48  }
0x184: {  	v50 =	vor.u32 $0x100, v48;
	[tilespmem:$0x16A0] =	vst v1  }
0x185: {  	v51 =	vor.u32 $0x180, v48;
	[tilespmem:$0x18A0] =	vst v50  }
0x186: {  	v52 =	vor.u32 $0x200, v48;
	[tilespmem:$0x1AA0] =	vst v51  }
0x187: {  	v53 =	vor.u32 $0x280, v48;
	[tilespmem:$0x1CA0] =	vst v52  }
0x188: {  	v55 =	vshll.u32 v49, $0x3;
	v54 =	vor.u32 $0x300, v48;
	[tilespmem:$0x1EA0] =	vst v53  }
0x189: {  	v56 =	vand.u32 $0xFFFFFC00, v55;
	v2 =	vand.u32 $0x7F, v49;
	v0 =	vor.u32 $0x380, v48;
	[tilespmem:$0x20A0] =	vst v54  }
0x18a: {  	v57 =	vor.u32 v2, v56;
	[tilespmem:$0x22A0] =	vst v0  }
0x18b: {  	v58 =	vld [tilespmem:$0x2C0];
	[tilespmem:$0x14B0] =	vst v57;
	v1 =	vor.u32 $0x80, v57  }
0x18c: {  	v59 =	vor.u32 $0x100, v57;
	[tilespmem:$0x16B0] =	vst v1  }
0x18d: {  	v60 =	vor.u32 $0x180, v57;
	[tilespmem:$0x18B0] =	vst v59  }
0x18e: {  	v61 =	vor.u32 $0x200, v57;
	[tilespmem:$0x1AB0] =	vst v60  }
0x18f: {  	v62 =	vor.u32 $0x280, v57;
	[tilespmem:$0x1CB0] =	vst v61  }
0x190: {  	v6 =	vshll.u32 v58, $0x3;
	v63 =	vor.u32 $0x300, v57;
	[tilespmem:$0x1EB0] =	vst v62  }
0x191: {  	v7 =	vand.u32 $0xFFFFFC00, v6;
	v2 =	vand.u32 $0x7F, v58;
	v0 =	vor.u32 $0x380, v57;
	[tilespmem:$0x20B0] =	vst v63  }
0x192: {  	v8 =	vor.u32 v2, v7;
	[tilespmem:$0x22B0] =	vst v0  }
0x193: {  	v9 =	vld [tilespmem:$0x2D0];
	[tilespmem:$0x14C0] =	vst v8;
	v1 =	vor.u32 $0x80, v8  }
0x194: {  	v10 =	vor.u32 $0x100, v8;
	[tilespmem:$0x16C0] =	vst v1  }
0x195: {  	v11 =	vor.u32 $0x180, v8;
	[tilespmem:$0x18C0] =	vst v10  }
0x196: {  	v12 =	vor.u32 $0x200, v8;
	[tilespmem:$0x1AC0] =	vst v11  }
0x197: {  	v13 =	vor.u32 $0x280, v8;
	[tilespmem:$0x1CC0] =	vst v12  }
0x198: {  	v15 =	vshll.u32 v9, $0x3;
	v14 =	vor.u32 $0x300, v8;
	[tilespmem:$0x1EC0] =	vst v13  }
0x199: {  	v16 =	vand.u32 $0xFFFFFC00, v15;
	v2 =	vand.u32 $0x7F, v9;
	v0 =	vor.u32 $0x380, v8;
	[tilespmem:$0x20C0] =	vst v14  }
0x19a: {  	v17 =	vor.u32 v2, v16;
	[tilespmem:$0x22C0] =	vst v0  }
0x19b: {  	v18 =	vld [tilespmem:$0x2E0];
	[tilespmem:$0x14D0] =	vst v17;
	v1 =	vor.u32 $0x80, v17  }
0x19c: {  	v19 =	vor.u32 $0x100, v17;
	[tilespmem:$0x16D0] =	vst v1  }
0x19d: {  	v20 =	vor.u32 $0x180, v17;
	[tilespmem:$0x18D0] =	vst v19  }
0x19e: {  	v21 =	vor.u32 $0x200, v17;
	[tilespmem:$0x1AD0] =	vst v20  }
0x19f: {  	v22 =	vor.u32 $0x280, v17;
	[tilespmem:$0x1CD0] =	vst v21  }
0x1a0: {  	v24 =	vshll.u32 v18, $0x3;
	v23 =	vor.u32 $0x300, v17;
	[tilespmem:$0x1ED0] =	vst v22  }
0x1a1: {  	v25 =	vand.u32 $0xFFFFFC00, v24;
	v2 =	vand.u32 $0x7F, v18;
	v0 =	vor.u32 $0x380, v17;
	[tilespmem:$0x20D0] =	vst v23  }
0x1a2: {  	v26 =	vor.u32 v2, v25;
	[tilespmem:$0x22D0] =	vst v0  }
0x1a3: {  	v27 =	vld [tilespmem:$0x2F0];
	[tilespmem:$0x14E0] =	vst v26;
	v1 =	vor.u32 $0x80, v26  }
0x1a4: {  	v28 =	vor.u32 $0x100, v26;
	[tilespmem:$0x16E0] =	vst v1  }
0x1a5: {  	v29 =	vor.u32 $0x180, v26;
	[tilespmem:$0x18E0] =	vst v28  }
0x1a6: {  	v30 =	vor.u32 $0x200, v26;
	[tilespmem:$0x1AE0] =	vst v29  }
0x1a7: {  	v31 =	vor.u32 $0x280, v26;
	[tilespmem:$0x1CE0] =	vst v30  }
0x1a8: {  	v33 =	vshll.u32 v27, $0x3;
	v32 =	vor.u32 $0x300, v26;
	[tilespmem:$0x1EE0] =	vst v31  }
0x1a9: {  	v34 =	vand.u32 $0xFFFFFC00, v33;
	v2 =	vand.u32 $0x7F, v27;
	v0 =	vor.u32 $0x380, v26;
	[tilespmem:$0x20E0] =	vst v32  }
0x1aa: {  	v35 =	vor.u32 v2, v34;
	[tilespmem:$0x22E0] =	vst v0  }
0x1ab: {  	v36 =	vld [tilespmem:$0x300];
	[tilespmem:$0x14F0] =	vst v35;
	v1 =	vor.u32 $0x80, v35  }
0x1ac: {  	v37 =	vor.u32 $0x100, v35;
	[tilespmem:$0x16F0] =	vst v1  }
0x1ad: {  	v38 =	vor.u32 $0x180, v35;
	[tilespmem:$0x18F0] =	vst v37  }
0x1ae: {  	v39 =	vor.u32 $0x200, v35;
	[tilespmem:$0x1AF0] =	vst v38  }
0x1af: {  	v40 =	vor.u32 $0x280, v35;
	[tilespmem:$0x1CF0] =	vst v39  }
0x1b0: {  	v42 =	vshll.u32 v36, $0x3;
	v41 =	vor.u32 $0x300, v35;
	[tilespmem:$0x1EF0] =	vst v40  }
0x1b1: {  	v2 =	vand.u32 $0x7F, v36;
	v0 =	vor.u32 $0x380, v35;
	v43 =	vand.u32 $0xFFFFFC00, v42;
	[tilespmem:$0x20F0] =	vst v41  }
0x1b2: {  	[tilespmem:$0x22F0] =	vst v0;
	v44 =	vor.u32 v2, v43  }
0x1b3: {  	v45 =	vld [tilespmem:$0x310];
	[tilespmem:$0x1500] =	vst v44;
	v1 =	vor.u32 $0x80, v44  }
0x1b4: {  	v46 =	vor.u32 $0x100, v44;
	[tilespmem:$0x1700] =	vst v1  }
0x1b5: {  	v47 =	vor.u32 $0x180, v44;
	[tilespmem:$0x1900] =	vst v46  }
0x1b6: {  	v48 =	vor.u32 $0x200, v44;
	[tilespmem:$0x1B00] =	vst v47  }
0x1b7: {  	v49 =	vor.u32 $0x280, v44;
	[tilespmem:$0x1D00] =	vst v48  }
0x1b8: {  	v51 =	vshll.u32 v45, $0x3;
	v50 =	vor.u32 $0x300, v44;
	[tilespmem:$0x1F00] =	vst v49  }
0x1b9: {  	v52 =	vand.u32 $0xFFFFFC00, v51;
	v2 =	vand.u32 $0x7F, v45;
	v0 =	vor.u32 $0x380, v44;
	[tilespmem:$0x2100] =	vst v50  }
0x1ba: {  	v53 =	vor.u32 v2, v52;
	[tilespmem:$0x2300] =	vst v0  }
0x1bb: {  	v54 =	vld [tilespmem:$0x320];
	[tilespmem:$0x1510] =	vst v53;
	v1 =	vor.u32 $0x80, v53  }
0x1bc: {  	v55 =	vor.u32 $0x100, v53;
	[tilespmem:$0x1710] =	vst v1  }
0x1bd: {  	v56 =	vor.u32 $0x180, v53;
	[tilespmem:$0x1910] =	vst v55  }
0x1be: {  	v57 =	vor.u32 $0x200, v53;
	[tilespmem:$0x1B10] =	vst v56  }
0x1bf: {  	v58 =	vor.u32 $0x280, v53;
	[tilespmem:$0x1D10] =	vst v57  }
0x1c0: {  	v60 =	vshll.u32 v54, $0x3;
	v59 =	vor.u32 $0x300, v53;
	[tilespmem:$0x1F10] =	vst v58  }
0x1c1: {  	v61 =	vand.u32 $0xFFFFFC00, v60;
	v2 =	vand.u32 $0x7F, v54;
	v0 =	vor.u32 $0x380, v53;
	[tilespmem:$0x2110] =	vst v59  }
0x1c2: {  	v62 =	vor.u32 v2, v61;
	[tilespmem:$0x2310] =	vst v0  }
0x1c3: {  	v63 =	vld [tilespmem:$0x330];
	[tilespmem:$0x1520] =	vst v62;
	v1 =	vor.u32 $0x80, v62  }
0x1c4: {  	v4 =	vor.u32 $0x100, v62;
	[tilespmem:$0x1720] =	vst v1  }
0x1c5: {  	v5 =	vor.u32 $0x180, v62;
	[tilespmem:$0x1920] =	vst v4  }
0x1c6: {  	v6 =	vor.u32 $0x200, v62;
	[tilespmem:$0x1B20] =	vst v5  }
0x1c7: {  	v7 =	vor.u32 $0x280, v62;
	[tilespmem:$0x1D20] =	vst v6  }
0x1c8: {  	v9 =	vshll.u32 v63, $0x3;
	v8 =	vor.u32 $0x300, v62;
	[tilespmem:$0x1F20] =	vst v7  }
0x1c9: {  	v10 =	vand.u32 $0xFFFFFC00, v9;
	v2 =	vand.u32 $0x7F, v63;
	v0 =	vor.u32 $0x380, v62;
	[tilespmem:$0x2120] =	vst v8  }
0x1ca: {  	v11 =	vor.u32 v2, v10;
	[tilespmem:$0x2320] =	vst v0  }
0x1cb: {  	v12 =	vld [tilespmem:$0x340];
	[tilespmem:$0x1530] =	vst v11;
	v1 =	vor.u32 $0x80, v11  }
0x1cc: {  	v13 =	vor.u32 $0x100, v11;
	[tilespmem:$0x1730] =	vst v1  }
0x1cd: {  	v14 =	vor.u32 $0x180, v11;
	[tilespmem:$0x1930] =	vst v13  }
0x1ce: {  	v15 =	vor.u32 $0x200, v11;
	[tilespmem:$0x1B30] =	vst v14  }
0x1cf: {  	v16 =	vor.u32 $0x280, v11;
	[tilespmem:$0x1D30] =	vst v15  }
0x1d0: {  	v18 =	vshll.u32 v12, $0x3;
	v17 =	vor.u32 $0x300, v11;
	[tilespmem:$0x1F30] =	vst v16  }
0x1d1: {  	v19 =	vand.u32 $0xFFFFFC00, v18;
	v2 =	vand.u32 $0x7F, v12;
	v0 =	vor.u32 $0x380, v11;
	[tilespmem:$0x2130] =	vst v17  }
0x1d2: {  	v20 =	vor.u32 v2, v19;
	[tilespmem:$0x2330] =	vst v0  }
0x1d3: {  	v21 =	vld [tilespmem:$0x350];
	[tilespmem:$0x1540] =	vst v20;
	v1 =	vor.u32 $0x80, v20  }
0x1d4: {  	v22 =	vor.u32 $0x100, v20;
	[tilespmem:$0x1740] =	vst v1  }
0x1d5: {  	v23 =	vor.u32 $0x180, v20;
	[tilespmem:$0x1940] =	vst v22  }
0x1d6: {  	v24 =	vor.u32 $0x200, v20;
	[tilespmem:$0x1B40] =	vst v23  }
0x1d7: {  	v25 =	vor.u32 $0x280, v20;
	[tilespmem:$0x1D40] =	vst v24  }
0x1d8: {  	v27 =	vshll.u32 v21, $0x3;
	v26 =	vor.u32 $0x300, v20;
	[tilespmem:$0x1F40] =	vst v25  }
0x1d9: {  	v28 =	vand.u32 $0xFFFFFC00, v27;
	v2 =	vand.u32 $0x7F, v21;
	v0 =	vor.u32 $0x380, v20;
	[tilespmem:$0x2140] =	vst v26  }
0x1da: {  	v29 =	vor.u32 v2, v28;
	[tilespmem:$0x2340] =	vst v0  }
0x1db: {  	v30 =	vld [tilespmem:$0x360];
	[tilespmem:$0x1550] =	vst v29;
	v1 =	vor.u32 $0x80, v29  }
0x1dc: {  	v31 =	vor.u32 $0x100, v29;
	[tilespmem:$0x1750] =	vst v1  }
0x1dd: {  	v32 =	vor.u32 $0x180, v29;
	[tilespmem:$0x1950] =	vst v31  }
0x1de: {  	v33 =	vor.u32 $0x200, v29;
	[tilespmem:$0x1B50] =	vst v32  }
0x1df: {  	v34 =	vor.u32 $0x280, v29;
	[tilespmem:$0x1D50] =	vst v33  }
0x1e0: {  	v36 =	vshll.u32 v30, $0x3;
	v35 =	vor.u32 $0x300, v29;
	[tilespmem:$0x1F50] =	vst v34  }
0x1e1: {  	v37 =	vand.u32 $0xFFFFFC00, v36;
	v2 =	vand.u32 $0x7F, v30;
	v0 =	vor.u32 $0x380, v29;
	[tilespmem:$0x2150] =	vst v35  }
0x1e2: {  	v38 =	vor.u32 v2, v37;
	[tilespmem:$0x2350] =	vst v0  }
0x1e3: {  	v39 =	vld [tilespmem:$0x370];
	[tilespmem:$0x1560] =	vst v38;
	v1 =	vor.u32 $0x80, v38  }
0x1e4: {  	v40 =	vor.u32 $0x100, v38;
	[tilespmem:$0x1760] =	vst v1  }
0x1e5: {  	v41 =	vor.u32 $0x180, v38;
	[tilespmem:$0x1960] =	vst v40  }
0x1e6: {  	v42 =	vor.u32 $0x200, v38;
	[tilespmem:$0x1B60] =	vst v41  }
0x1e7: {  	v43 =	vor.u32 $0x280, v38;
	[tilespmem:$0x1D60] =	vst v42  }
0x1e8: {  	v45 =	vshll.u32 v39, $0x3;
	v44 =	vor.u32 $0x300, v38;
	[tilespmem:$0x1F60] =	vst v43  }
0x1e9: {  	v46 =	vand.u32 $0xFFFFFC00, v45;
	v2 =	vand.u32 $0x7F, v39;
	v0 =	vor.u32 $0x380, v38;
	[tilespmem:$0x2160] =	vst v44  }
0x1ea: {  	v47 =	vor.u32 v2, v46;
	[tilespmem:$0x2360] =	vst v0  }
0x1eb: {  	v48 =	vld [tilespmem:$0x380];
	[tilespmem:$0x1570] =	vst v47;
	v1 =	vor.u32 $0x80, v47  }
0x1ec: {  	v49 =	vor.u32 $0x100, v47;
	[tilespmem:$0x1770] =	vst v1  }
0x1ed: {  	v50 =	vor.u32 $0x180, v47;
	[tilespmem:$0x1970] =	vst v49  }
0x1ee: {  	v51 =	vor.u32 $0x200, v47;
	[tilespmem:$0x1B70] =	vst v50  }
0x1ef: {  	v52 =	vor.u32 $0x280, v47;
	[tilespmem:$0x1D70] =	vst v51  }
0x1f0: {  	v54 =	vshll.u32 v48, $0x3;
	v53 =	vor.u32 $0x300, v47;
	[tilespmem:$0x1F70] =	vst v52  }
0x1f1: {  	v2 =	vand.u32 $0x7F, v48;
	v0 =	vor.u32 $0x380, v47;
	v55 =	vand.u32 $0xFFFFFC00, v54;
	[tilespmem:$0x2170] =	vst v53  }
0x1f2: {  	[tilespmem:$0x2370] =	vst v0;
	v56 =	vor.u32 v2, v55  }
0x1f3: {  	v57 =	vld [tilespmem:$0x390];
	[tilespmem:$0x1580] =	vst v56;
	v1 =	vor.u32 $0x80, v56  }
0x1f4: {  	v58 =	vor.u32 $0x100, v56;
	[tilespmem:$0x1780] =	vst v1  }
0x1f5: {  	v59 =	vor.u32 $0x180, v56;
	[tilespmem:$0x1980] =	vst v58  }
0x1f6: {  	v60 =	vor.u32 $0x200, v56;
	[tilespmem:$0x1B80] =	vst v59  }
0x1f7: {  	v61 =	vor.u32 $0x280, v56;
	[tilespmem:$0x1D80] =	vst v60  }
0x1f8: {  	v63 =	vshll.u32 v57, $0x3;
	v62 =	vor.u32 $0x300, v56;
	[tilespmem:$0x1F80] =	vst v61  }
0x1f9: {  	v5 =	vand.u32 $0xFFFFFC00, v63;
	v2 =	vand.u32 $0x7F, v57;
	v0 =	vor.u32 $0x380, v56;
	[tilespmem:$0x2180] =	vst v62  }
0x1fa: {  	v6 =	vor.u32 v2, v5;
	[tilespmem:$0x2380] =	vst v0  }
0x1fb: {  	v7 =	vld [tilespmem:$0x3A0];
	[tilespmem:$0x1590] =	vst v6;
	v1 =	vor.u32 $0x80, v6  }
0x1fc: {  	v8 =	vor.u32 $0x100, v6;
	[tilespmem:$0x1790] =	vst v1  }
0x1fd: {  	v9 =	vor.u32 $0x180, v6;
	[tilespmem:$0x1990] =	vst v8  }
0x1fe: {  	v10 =	vor.u32 $0x200, v6;
	[tilespmem:$0x1B90] =	vst v9  }
0x1ff: {  	v11 =	vor.u32 $0x280, v6;
	[tilespmem:$0x1D90] =	vst v10  }
0x200: {  	v13 =	vshll.u32 v7, $0x3;
	v12 =	vor.u32 $0x300, v6;
	[tilespmem:$0x1F90] =	vst v11  }
0x201: {  	v14 =	vand.u32 $0xFFFFFC00, v13;
	v2 =	vand.u32 $0x7F, v7;
	v0 =	vor.u32 $0x380, v6;
	[tilespmem:$0x2190] =	vst v12  }
0x202: {  	v15 =	vor.u32 v2, v14;
	[tilespmem:$0x2390] =	vst v0  }
0x203: {  	v16 =	vld [tilespmem:$0x3B0];
	[tilespmem:$0x15A0] =	vst v15;
	v1 =	vor.u32 $0x80, v15  }
0x204: {  	v17 =	vor.u32 $0x100, v15;
	[tilespmem:$0x17A0] =	vst v1  }
0x205: {  	v18 =	vor.u32 $0x180, v15;
	[tilespmem:$0x19A0] =	vst v17  }
0x206: {  	v19 =	vor.u32 $0x200, v15;
	[tilespmem:$0x1BA0] =	vst v18  }
0x207: {  	v20 =	vor.u32 $0x280, v15;
	[tilespmem:$0x1DA0] =	vst v19  }
0x208: {  	v22 =	vshll.u32 v16, $0x3;
	v21 =	vor.u32 $0x300, v15;
	[tilespmem:$0x1FA0] =	vst v20  }
0x209: {  	v23 =	vand.u32 $0xFFFFFC00, v22;
	v2 =	vand.u32 $0x7F, v16;
	v0 =	vor.u32 $0x380, v15;
	[tilespmem:$0x21A0] =	vst v21  }
0x20a: {  	v24 =	vor.u32 v2, v23;
	[tilespmem:$0x23A0] =	vst v0  }
0x20b: {  	v25 =	vld [tilespmem:$0x3C0];
	[tilespmem:$0x15B0] =	vst v24;
	v1 =	vor.u32 $0x80, v24  }
0x20c: {  	v26 =	vor.u32 $0x100, v24;
	[tilespmem:$0x17B0] =	vst v1  }
0x20d: {  	v27 =	vor.u32 $0x180, v24;
	[tilespmem:$0x19B0] =	vst v26  }
0x20e: {  	v28 =	vor.u32 $0x200, v24;
	[tilespmem:$0x1BB0] =	vst v27  }
0x20f: {  	v29 =	vor.u32 $0x280, v24;
	[tilespmem:$0x1DB0] =	vst v28  }
0x210: {  	v31 =	vshll.u32 v25, $0x3;
	v30 =	vor.u32 $0x300, v24;
	[tilespmem:$0x1FB0] =	vst v29  }
0x211: {  	v32 =	vand.u32 $0xFFFFFC00, v31;
	v2 =	vand.u32 $0x7F, v25;
	v0 =	vor.u32 $0x380, v24;
	[tilespmem:$0x21B0] =	vst v30  }
0x212: {  	v33 =	vor.u32 v2, v32;
	[tilespmem:$0x23B0] =	vst v0  }
0x213: {  	v34 =	vld [tilespmem:$0x3D0];
	[tilespmem:$0x15C0] =	vst v33;
	v2 =	vor.u32 $0x80, v33  }
0x214: {  	v35 =	vor.u32 $0x100, v33;
	[tilespmem:$0x17C0] =	vst v2  }
0x215: {  	v36 =	vor.u32 $0x180, v33;
	[tilespmem:$0x19C0] =	vst v35  }
0x216: {  	v37 =	vor.u32 $0x200, v33;
	[tilespmem:$0x1BC0] =	vst v36  }
0x217: {  	v38 =	vor.u32 $0x280, v33;
	[tilespmem:$0x1DC0] =	vst v37  }
0x218: {  	v39 =	vshll.u32 v34, $0x3;
	v40 =	vor.u32 $0x300, v33;
	[tilespmem:$0x1FC0] =	vst v38  }
0x219: {  	v3 =	vand.u32 $0xFFFFFC00, v39;
	v1 =	vand.u32 $0x7F, v34;
	v0 =	vor.u32 $0x380, v33;
	[tilespmem:$0x21C0] =	vst v40  }
0x21a: {  	v1 =	vor.u32 v1, v3;
	[tilespmem:$0x23C0] =	vst v0  }
0x21b: {  	v42 =	vld [tilespmem:$0x3E0];
	v41 =	vor.u32 $0x80, v1;
	[tilespmem:$0x15D0] =	vst v1  }
0x21c: {  	v43 =	vor.u32 $0x100, v1;
	[tilespmem:$0x17D0] =	vst v41  }
0x21d: {  	v44 =	vor.u32 $0x180, v1;
	[tilespmem:$0x19D0] =	vst v43  }
0x21e: {  	v45 =	vor.u32 $0x200, v1;
	[tilespmem:$0x1BD0] =	vst v44  }
0x21f: {  	v46 =	vor.u32 $0x280, v1;
	[tilespmem:$0x1DD0] =	vst v45  }
0x220: {  	v48 =	vshll.u32 v42, $0x3;
	v47 =	vor.u32 $0x300, v1;
	[tilespmem:$0x1FD0] =	vst v46  }
0x221: {  	v49 =	vand.u32 $0xFFFFFC00, v48;
	v2 =	vand.u32 $0x7F, v42;
	v1 =	vor.u32 $0x380, v1;
	[tilespmem:$0x21D0] =	vst v47  }
0x222: {  	v0 =	vor.u32 v2, v49;
	[tilespmem:$0x23D0] =	vst v1  }
0x223: {  	v52 =	vld [tilespmem:$0x3F0];
	v50 =	vor.u32 $0x80, v0;
	[tilespmem:$0x15E0] =	vst v0  }
0x224: {  	v51 =	vor.u32 $0x100, v0;
	[tilespmem:$0x17E0] =	vst v50  }
0x225: {  	v53 =	vor.u32 $0x180, v0;
	[tilespmem:$0x19E0] =	vst v51  }
0x226: {  	v54 =	vor.u32 $0x200, v0;
	[tilespmem:$0x1BE0] =	vst v53  }
0x227: {  	v55 =	vor.u32 $0x280, v0;
	[tilespmem:$0x1DE0] =	vst v54  }
0x228: {  	v57 =	vshll.u32 v52, $0x3;
	v56 =	vor.u32 $0x300, v0;
	[tilespmem:$0x1FE0] =	vst v55  }
0x229: {  	v2 =	vand.u32 $0x7F, v52;
	v0 =	vor.u32 $0x380, v0;
	v1 =	vand.u32 $0xFFFFFC00, v57;
	[tilespmem:$0x21E0] =	vst v56  }
0x22a: {  	[tilespmem:$0x23E0] =	vst v0;
	v58 =	vor.u32 v2, v1  }
0x22b: {  	[tilespmem:$0x15F0] =	vst v58;
	v1 =	vor.u32 $0x80, v58  }
0x22c: {  	v59 =	vor.u32 $0x100, v58;
	[tilespmem:$0x17F0] =	vst v1  }
0x22d: {  	v60 =	vor.u32 $0x180, v58;
	[tilespmem:$0x19F0] =	vst v59  }
0x22e: {  	v61 =	vor.u32 $0x200, v58;
	[tilespmem:$0x1BF0] =	vst v60  }
0x22f: {  	v62 =	vor.u32 $0x280, v58;
	[tilespmem:$0x1DF0] =	vst v61  }
0x230: {  	v63 =	vor.u32 $0x300, v58;
	[tilespmem:$0x1FF0] =	vst v62  }
0x231: {  	v0 =	vor.u32 $0x380, v58;
	[tilespmem:$0x21F0] =	vst v63  }
0x232: {  	s10 =	rddreg [dreg:$0x5];
	[tilespmem:$0x23F0] =	vst v0  }
0x233: {  	[tilespmem:s16], [sflag:$0x1] =	stream.indirect.gather [hbm4b:s10+s12], $0x1, s15, s12, $0xb8;
	[tilespmem:$0x4400] =	vst v63  }
0x234: {  	_ =	swait.ge [sflag:s11], $0x1000  }
0x235: {  	[sflag:s11] =	ssyncset.done $0x0  }
0x236: {  	[sflag:s11] =	ssyncadd.s32 $0xFFFFF000  }
0x237: {  	_ =	swait.ge [sflag:s11], $0x1000  }
0x238: {  	[sflag:s11] =	ssyncset.done $0x0  }
0x239: {  	s10 =	rddreg [dreg:$0x8];
	[sflag:s11] =	ssyncadd.s32 $0xFFFFF000  }
0x23a: {  	[hbm4b:s10+s2] =	stream.linear.scatter [tilespmem:s14], [sflag:$0x2], $0x200, $0x38;
	[tilespmem:$0x4400] =	vst v63  }
0x23b: {  	_ =	swait.ge [sflag:s17], $0x200  }
0x23c: {  	[sflag:s17] =	ssyncset.done $0x0  }
0x23d: {  	s10 =	rddreg [dreg:$0x9];
	[sflag:s17] =	ssyncadd.s32 $0xFFFFFE00  }
0x23e: {  	[hbm4b:s10+s2] =	stream.linear.scatter [tilespmem:s16], [sflag:$0x2], $0x200, $0x38;
	[tilespmem:$0x4400] =	vst v63  }
0x23f: {  	_ =	swait.ge [sflag:s17], $0x200  }
0x240: {  	[sflag:s17] =	ssyncset.done $0x0  }
0x241: {  	s10 =	rddreg [dreg:$0xa];
	[sflag:s17] =	ssyncadd.s32 $0xFFFFFE00  }
0x242: {  	[hbm4b:s10+s2] =	stream.linear.scatter [tilespmem:s18], [sflag:$0x2], $0x200, $0x38;
	[tilespmem:$0x4400] =	vst v63  }
0x243: {  	_ =	swait.ge [sflag:s17], $0x200  }
0x244: {  	[sflag:s17] =	ssyncset.done $0x0  }
0x245: {  	s10 =	rddreg [dreg:$0xb];
	[sflag:s17] =	ssyncadd.s32 $0xFFFFFE00  }
0x246: {  	[hbm4b:s10+s2] =	stream.linear.scatter [tilespmem:s19], [sflag:$0x2], $0x200, $0x38;
	[tilespmem:$0x4400] =	vst v63  }
0x247: {  	_ =	swait.ge [sflag:s17], $0x200  }
0x248: {  	[sflag:s17] =	ssyncset.done $0x0  }
0x249: {  	s10 =	rddreg [dreg:$0xc];
	[sflag:s17] =	ssyncadd.s32 $0xFFFFFE00  }
0x24a: {  	[hbm4b:s10+s2] =	stream.linear.scatter [tilespmem:s20], [sflag:$0x2], $0x200, $0x38;
	[tilespmem:$0x4400] =	vst v63  }
0x24b: {  	_ =	swait.ge [sflag:s17], $0x200  }
0x24c: {  	[sflag:s17] =	ssyncset.done $0x0  }
0x24d: {  	s10 =	rddreg [dreg:$0xd];
	[sflag:s17] =	ssyncadd.s32 $0xFFFFFE00  }
0x24e: {  	[hbm4b:s10+s2] =	stream.linear.scatter [tilespmem:s21], [sflag:$0x2], $0x200, $0x38;
	[tilespmem:$0x4400] =	vst v63  }
0x24f: {  	_ =	swait.ge [sflag:s17], $0x200  }
0x250: {  	[sflag:s17] =	ssyncset.done $0x0  }
0x251: {  	s10 =	rddreg [dreg:$0xe];
	[sflag:s17] =	ssyncadd.s32 $0xFFFFFE00  }
0x252: {  	[hbm4b:s10+s2] =	stream.linear.scatter [tilespmem:s22], [sflag:$0x2], $0x200, $0x38;
	[tilespmem:$0x4400] =	vst v63  }
0x253: {  	_ =	swait.ge [sflag:s17], $0x200  }
0x254: {  	[sflag:s17] =	ssyncset.done $0x0  }
0x255: {  	s10 =	rddreg [dreg:$0xf];
	[sflag:s17] =	ssyncadd.s32 $0xFFFFFE00  }
0x256: {  	[hbm4b:s10+s2] =	stream.linear.scatter [tilespmem:s23], [sflag:$0x2], $0x200, $0x38;
	[tilespmem:$0x4400] =	vst v63  }
0x257: {  	_ =	swait.ge [sflag:s17], $0x200  }
0x258: {  	[sflag:s17] =	ssyncset.done $0x0  }
0x259: {  	s10 =	rddreg [dreg:$0x10];
	[sflag:s17] =	ssyncadd.s32 $0xFFFFFE00  }
0x25a: {  	[hbm4b:s10+s2] =	stream.linear.scatter [tilespmem:s24], [sflag:$0x2], $0x200, $0x38;
	[tilespmem:$0x4400] =	vst v63  }
0x25b: {  	_ =	swait.ge [sflag:s17], $0x200  }
0x25c: {  	[sflag:s17] =	ssyncset.done $0x0  }
0x25d: {  	s10 =	rddreg [dreg:$0x11];
	[sflag:s17] =	ssyncadd.s32 $0xFFFFFE00  }
0x25e: {  	[hbm4b:s10+s2] =	stream.linear.scatter [tilespmem:s25], [sflag:$0x2], $0x200, $0x38;
	[tilespmem:$0x4400] =	vst v63  }
0x25f: {  	_ =	swait.ge [sflag:s17], $0x200  }
0x260: {  	[sflag:s17] =	ssyncset.done $0x0  }
0x261: {  	[sflag:s17] =	ssyncadd.s32 $0xFFFFFE00  }
0x262: {  	[hbm4b:s3+s2] =	stream.linear.scatter [tilespmem:s26], [sflag:$0x2], $0x200, $0x38;
	[tilespmem:$0x4400] =	vst v63  }
0x263: {  	_ =	swait.ge [sflag:s17], $0x200  }
0x264: {  	[sflag:s17] =	ssyncset.done $0x0  }
0x265: {  	[sflag:s17] =	ssyncadd.s32 $0xFFFFFE00  }
0x266: {  	[hbm4b:s5+s2] =	stream.linear.scatter [tilespmem:s28], [sflag:$0x2], $0x200, $0x38;
	[tilespmem:$0x4400] =	vst v63  }
0x267: {  	_ =	swait.ge [sflag:s17], $0x200  }
0x268: {  	[sflag:s17] =	ssyncset.done $0x0  }
0x269: {  	[sflag:s17] =	ssyncadd.s32 $0xFFFFFE00  }
0x26a: {  	[hbm4b:s4+s2] =	stream.linear.scatter [tilespmem:s29], [sflag:$0x2], $0x200, $0x38;
	[tilespmem:$0x4400] =	vst v63  }
0x26b: {  	_ =	swait.ge [sflag:s17], $0x200  }
0x26c: {  	[sflag:s17] =	ssyncset.done $0x0  }
0x26d: {  	[sflag:s17] =	ssyncadd.s32 $0xFFFFFE00  }
0x26e: {  	[hbm4b:s6+s2] =	stream.linear.scatter [tilespmem:s30], [sflag:$0x2], $0x200, $0x38;
	[tilespmem:$0x4400] =	vst v63  }
0x26f: {  	_ =	swait.ge [sflag:s17], $0x200  }
0x270: {  	[sflag:s17] =	ssyncset.done $0x0  }
0x271: {  	[sflag:s17] =	ssyncadd.s32 $0xFFFFFE00  }
0x272: {  	[hbm4b:s7+s2] =	stream.linear.scatter [tilespmem:s31], [sflag:$0x2], $0x200, $0x38;
	[tilespmem:$0x4400] =	vst v63  }
0x273: {  	_ =	swait.ge [sflag:s17], $0x200  }
0x274: {  	p0 =	sne.s32 s9, $0x1;
	[sflag:s17] =	ssyncset.done $0x0  }
.Ltmp0:
0x275: {  	[sflag:s17] =	ssyncadd.s32 $0xFFFFFE00;
	(pc) =	sbr.rel @p0 .LBB2_1-.Ltmp0, $4  }
0x276: {  	[hbm4b:s8+s2] =	stream.linear.scatter [tilespmem:s0], [sflag:$0x2], $0x200, $0x38;
	[tilespmem:$0x4400] =	vst v63  }
0x277: {  	_ =	swait.ge [sflag:s17], $0x200  }
0x278: {  	[sflag:s17] =	ssyncset.done $0x0  }
0x279: {  	s9 =	sadd.s32 $0xFFFFFFFF, s9;
	[sflag:s17] =	ssyncadd.s32 $0xFFFFFE00  }
0x27a: {  	_ =	sfence.sel $0x180000  }
0x27b: {  	[bflag:$0x0] =	sbarrier.arrive $0xFFFF  }
0x27c: {  	_ =	strace $0x90000047  }
0x27d: {  	s0 =	stileid.u32;
	[bflag:$0x2] =	sbarrier.arrive $0xFFFF  }
0x27e: {  	p0 =	sne.s32 s0, $0x0;
	s0 =	rddreg [dreg:$0x3]  }
0x27f: {  	s0 =	sadd.s32 @!p0 $0x100000, s0  }
0x280: {  	[sflag:s0] =	ssyncadd.tile.s32 @!p0 $0x1;
	_ =	shalt  }
.Lfunc_end2:
_tile_overlayer_lowered:
.L_overlay_start_2:
0x281: {  	(tag) =	ssettag $0x2  }
0x282: {  	s0 =	rddreg [dreg:$0x0];
	s2 =	stileid.u32  }
0x283: {  	s1 =	rddreg [dreg:$0x1];
	p0 =	sne.s32 s2, $0x0  }
0x284: {  	s3 =	rddreg [dreg:$0x2];
	[bflag:$0x3] =	sbarrier.arrive $0xFFFF;
	s2 =	simm.s32 @!p0 $0x1C02  }
0x285: {  	[timem:s3], [sflag:s2] =	dma.local @!p0 [hbm:s0], s1  }
0x286: {  	s0 =	simm.s32 @!p0 $0x2  }
0x287: {  	_ =	swait.ge @!p0 [sflag:s0], s1  }
0x288: {  	s1 =	ssub.s32 @!p0 $0x0, s1;
	[sflag:s0] =	ssyncset.done @!p0 $0x0  }
0x289: {  	[sflag:s0] =	ssyncadd.s32 @!p0 s1  }
0x28a: {  	[bflag:$0x3] =	sbarrier.arrive $0xFFFF  }
0x28b: {  	_ =	shalt  }

</sc_bundles>
